<compile_context>
chip_gen: v7x
topology: tpu7x:2x2x1
jax: 0.10.2.dev20260603
libtpu: 0.0.44.dev20260713+nightly
codegen_flags: <defaults>
</compile_context>

<pallas_src>
import functools

import jax
import jax.numpy as jnp
from jax import lax
from jax.experimental import pallas as pl
from jax.experimental.pallas import tpu as pltpu
from jax.experimental.pallas import tpu_sc as plsc

H_PATCHES = 30
W_PATCHES = 40
P_OUT = 7
PADDING = 0.1
NC = 2
NS = 16
NW = NC * NS
L = 16
D = 768
N_BOX = 100
N_UNIT = N_BOX * P_OUT
UNIT_ROUNDS = (N_UNIT + NW - 1) // NW
D_CHUNKS = D // L


NBUF = 2


def _roi_body(feat_hbm, bb_hbm, iota_hbm, out_hbm,
              bb_v, iota_v, ytaps, xtaps, ywts, xwts, wv,
              idx0, idx1, idx2, idx3,
              rows0, rows1, rows2, rows3, outrow_v,
              sem0, sem1, sem2, sem3):
    cid = lax.axis_index("c")
    sid = lax.axis_index("s")
    wid = sid * NC + cid

    pltpu.sync_copy(bb_hbm, bb_v)
    pltpu.sync_copy(iota_hbm, iota_v)
    lanes = iota_v[...]
    grid = lax.iota(jnp.int32, L).astype(jnp.float32) * 0.5 + 0.25
    a_idx = lax.shift_right_logical(lanes, 2)
    c_idx = lanes & 3
    a_samp = lax.shift_right_logical(a_idx, 1)
    a_tap16 = lax.shift_left(a_idx & 1, 4)
    c_samp = lax.shift_right_logical(c_idx, 1)
    c_tap16 = lax.shift_left(c_idx & 1, 4)
    splats = [jnp.full((L,), l, jnp.int32) for l in range(2 * L)]
    bufs = (rows0, rows1, rows2, rows3)
    sems = (sem0, sem1, sem2, sem3)
    idxs = (idx0, idx1, idx2, idx3)

    box0 = ((wid >= 7).astype(jnp.int32) + (wid >= 14).astype(jnp.int32)
            + (wid >= 21).astype(jnp.int32) + (wid >= 28).astype(jnp.int32))
    p0 = wid - 7 * box0

    def round_body(r, carry):
        box, p = carry
        unit = box * P_OUT + p

        @pl.when(unit < N_UNIT)
        def _():
            b = (box >= 50).astype(jnp.int32)
            bbase = box * 16
            cx = plsc.load_gather(bb_v, [bbase + splats[4]])
            cy = plsc.load_gather(bb_v, [bbase + splats[5]])
            bw = plsc.load_gather(bb_v, [bbase + splats[6]]) \
                * (1.0 + 2.0 * PADDING)
            bh = plsc.load_gather(bb_v, [bbase + splats[7]]) \
                * (1.0 + 2.0 * PADDING)
            x1 = jnp.maximum((cx - bw * 0.5) * W_PATCHES, 0.0)
            y1 = jnp.maximum((cy - bh * 0.5) * H_PATCHES, 0.0)
            x2 = jnp.minimum((cx + bw * 0.5) * W_PATCHES, float(W_PATCHES))
            y2 = jnp.minimum((cy + bh * 0.5) * H_PATCHES, float(H_PATCHES))
            bin_w = (x2 - x1) * (1.0 / P_OUT)
            bin_h = (y2 - y1) * (1.0 / P_OUT)
            xs = (x1 - 0.5) + bin_w * grid
            ys = (y1 - 0.5) + bin_h * grid
            xc = jnp.clip(xs, 0.0, float(W_PATCHES - 1))
            yc = jnp.clip(ys, 0.0, float(H_PATCHES - 1))
            x0 = xc.astype(jnp.int32)
            y0 = yc.astype(jnp.int32)
            lx = xc - x0.astype(jnp.float32)
            ly = yc - y0.astype(jnp.float32)
            xtaps[pl.ds(0, L)] = x0
            xtaps[pl.ds(L, L)] = jnp.minimum(x0 + 1, W_PATCHES - 1)
            xwts[pl.ds(0, L)] = 1.0 - lx
            xwts[pl.ds(L, L)] = lx
            ytaps[pl.ds(0, L)] = y0
            ytaps[pl.ds(L, L)] = jnp.minimum(y0 + 1, H_PATCHES - 1)
            ywts[pl.ds(0, L)] = 1.0 - ly
            ywts[pl.ds(L, L)] = ly

            iy = (2 * p + a_samp) + a_tap16
            yt = plsc.load_gather(ytaps, [iy])
            wy = plsc.load_gather(ywts, [iy])
            rowbase = b * (H_PATCHES * W_PATCHES) + yt * W_PATCHES

            def bin_idx(q):
                ix = (2 * q + c_samp) + c_tap16
                xt = plsc.load_gather(xtaps, [ix])
                wx = plsc.load_gather(xwts, [ix])
                return rowbase + xt, wy * wx * 0.25

            def issue(q):
                ridx, w = bin_idx(q)
                s = q % NBUF
                idxs[s][...] = ridx
                return pltpu.async_copy(feat_hbm.at[idxs[s]],
                                        bufs[s], sems[s]), w

            pend = []
            wlist = []
            for q in range(NBUF - 1):
                d, w = issue(q)
                pend.append(d)
                wlist.append(w)
            for q in range(P_OUT):
                if q + NBUF - 1 < P_OUT:
                    dn, wn = issue(q + NBUF - 1)
                    pend.append(dn)
                    wlist.append(wn)
                wv[pl.ds(L, L)] = wlist[q]
                ws = [plsc.load_gather(wv, [splats[L + l]]) for l in range(L)]
                pend[q].wait()
                buf = bufs[q % NBUF]

                def c_loop(c, _):
                    for u in range(2):
                        sl = pl.ds((2 * c + u) * L, L)
                        acc = ws[0] * buf[0, sl]
                        for l in range(1, L):
                            acc = acc + ws[l] * buf[l, sl]
                        outrow_v[pl.ds(q * D + (2 * c + u) * L, L)] = acc
                    return 0

                lax.fori_loop(0, D_CHUNKS // 2, c_loop, 0)
            pltpu.sync_copy(outrow_v, out_hbm.at[unit])

        p_n = p + 4
        over = (p_n >= P_OUT).astype(jnp.int32)
        return (box + 4 + over, p_n - P_OUT * over)

    lax.fori_loop(0, UNIT_ROUNDS, round_body, (box0, p0))


@jax.jit
def kernel(spatial_features, bboxes):
    B, HW, Dd = spatial_features.shape
    _, N, _ = bboxes.shape
    feat = spatial_features.reshape(B * HW, Dd)
    bb_pad = jnp.zeros((N_BOX, 16), jnp.float32).at[:, 4:8].set(
        bboxes.reshape(N_BOX, 4))

    mesh = plsc.VectorSubcoreMesh(core_axis_name="c", subcore_axis_name="s",
                                  num_cores=NC, num_subcores=NS)
    out = pl.kernel(
        _roi_body,
        out_type=jax.ShapeDtypeStruct((N_UNIT, P_OUT * D), jnp.float32),
        mesh=mesh,
        compiler_params=pltpu.CompilerParams(needs_layout_passes=False),
        scratch_types=[
            pltpu.VMEM((N_BOX * 16,), jnp.float32),
            pltpu.VMEM((L,), jnp.int32),
            pltpu.VMEM((2 * L,), jnp.int32),
            pltpu.VMEM((2 * L,), jnp.int32),
            pltpu.VMEM((2 * L,), jnp.float32),
            pltpu.VMEM((2 * L,), jnp.float32),
            pltpu.VMEM((2 * L,), jnp.float32),
            pltpu.VMEM((L,), jnp.int32),
            pltpu.VMEM((L,), jnp.int32),
            pltpu.VMEM((L,), jnp.int32),
            pltpu.VMEM((L,), jnp.int32),
            pltpu.VMEM((L, D), jnp.float32),
            pltpu.VMEM((L, D), jnp.float32),
            pltpu.VMEM((L, D), jnp.float32),
            pltpu.VMEM((L, D), jnp.float32),
            pltpu.VMEM((P_OUT * D,), jnp.float32),
            pltpu.SemaphoreType.DMA,
            pltpu.SemaphoreType.DMA,
            pltpu.SemaphoreType.DMA,
            pltpu.SemaphoreType.DMA,
        ],
    )(feat, bb_pad.reshape(N_BOX * 16), jnp.arange(L, dtype=jnp.int32))
    return out.reshape(B, N, P_OUT * P_OUT, Dd)

# --- scband reference (transcript-rebuilt; emitter-appended) ---
"""Pipeline reference for scband-sia-pose-simple-dec-roi-best-63934883168867 (READ-ONLY COPY).

The authoritative reference and input builder live on the scoring server;
editing this copy changes nothing except your own understanding.
"""

import jax, jax.numpy as jnp
import numpy as np

H_PATCHES = 30
W_PATCHES = 40
P_OUT = 7
PADDING = 0.1
S = 2  # sampling_ratio (fixed; torchvision default -1 is adaptive, 2 is the standard choice)


def setup_inputs(seed: int = 0) -> dict:
    key = jax.random.key(seed)
    k1, k2 = jax.random.split(key)
    spatial_features = jax.random.normal(k1, (2, H_PATCHES * W_PATCHES, 768), dtype=jnp.float32)
    bboxes = jax.random.uniform(k2, (2, 50, 4), dtype=jnp.float32)
    return {"spatial_features": spatial_features, "bboxes": bboxes}


def _bilinear_grid_sample(feat, ys, xs):
    # feat: [B, H, W, D]; ys, xs: [B, N, PS] sample coordinates (separable grid)
    B, H, W, D = feat.shape
    N = ys.shape[1]
    PS = ys.shape[2]
    Y = ys[:, :, :, None]  # [B,N,PS,1]
    X = xs[:, :, None, :]  # [B,N,1,PS]
    valid = (Y >= -1.0) & (Y <= float(H)) & (X >= -1.0) & (X <= float(W))
    y = jnp.clip(Y, 0.0, float(H - 1))
    x = jnp.clip(X, 0.0, float(W - 1))
    y0 = jnp.floor(y).astype(jnp.int32)
    x0 = jnp.floor(x).astype(jnp.int32)
    y1 = jnp.minimum(y0 + 1, H - 1)
    x1 = jnp.minimum(x0 + 1, W - 1)
    ly = y - y0.astype(y.dtype)
    lx = x - x0.astype(x.dtype)
    hy = 1.0 - ly
    hx = 1.0 - lx
    shape = (B, N, PS, PS)
    y0b = jnp.broadcast_to(y0, shape)
    y1b = jnp.broadcast_to(y1, shape)
    x0b = jnp.broadcast_to(x0, shape)
    x1b = jnp.broadcast_to(x1, shape)
    bidx = jnp.broadcast_to(jnp.arange(B)[:, None, None, None], shape)
    v00 = feat[bidx, y0b, x0b]  # [B,N,PS,PS,D]
    v01 = feat[bidx, y0b, x1b]
    v10 = feat[bidx, y1b, x0b]
    v11 = feat[bidx, y1b, x1b]
    w00 = (hy * hx)[..., None]
    w01 = (hy * lx)[..., None]
    w10 = (ly * hx)[..., None]
    w11 = (ly * lx)[..., None]
    val = v00 * w00 + v01 * w01 + v10 * w10 + v11 * w11
    val = val * valid[..., None].astype(val.dtype)
    return val


def reference(spatial_features, bboxes):
    # Faithful JAX port of extract_roi_features_aligned (roi_align, aligned=True,
    # spatial_scale=1.0, output_size=P_OUT, fixed sampling_ratio=S).
    B, N, _ = bboxes.shape
    D = spatial_features.shape[-1]
    feat = spatial_features.reshape(B, H_PATCHES, W_PATCHES, D)
    cx = bboxes[:, :, 0]
    cy = bboxes[:, :, 1]
    bw = bboxes[:, :, 2] * (1.0 + 2.0 * PADDING)
    bh = bboxes[:, :, 3] * (1.0 + 2.0 * PADDING)
    x1 = jnp.clip((cx - bw / 2.0) * W_PATCHES, 0.0, None)
    y1 = jnp.clip((cy - bh / 2.0) * H_PATCHES, 0.0, None)
    x2 = jnp.minimum((cx + bw / 2.0) * W_PATCHES, float(W_PATCHES))
    y2 = jnp.minimum((cy + bh / 2.0) * H_PATCHES, float(H_PATCHES))
    # aligned=True: shift by -0.5 after spatial_scale (scale = 1.0)
    sx1 = x1 - 0.5
    sy1 = y1 - 0.5
    bin_w = (x2 - x1) / P_OUT
    bin_h = (y2 - y1) / P_OUT
    off = (jnp.arange(S, dtype=jnp.float32) + 0.5) / S  # [S]
    grid = (jnp.arange(P_OUT, dtype=jnp.float32)[:, None] + off[None, :]).reshape(-1)  # [P*S]
    ys = sy1[:, :, None] + bin_h[:, :, None] * grid[None, None, :]  # [B,N,P*S]
    xs = sx1[:, :, None] + bin_w[:, :, None] * grid[None, None, :]
    vals = _bilinear_grid_sample(feat, ys, xs)  # [B,N,P*S,P*S,D]
    vals = vals.reshape(B, N, P_OUT, S, P_OUT, S, D).mean(axis=(3, 5))  # avg pool within bin
    roi_features = vals.reshape(B, N, P_OUT * P_OUT, D)
    return roi_features

if __name__ == "__main__":
    import jax
    _d = setup_inputs()
    print(jax.jit(kernel)(*tuple(_d.values())))

</pallas_src>

<mosaic_0001>
#map = affine_map<(d0, d1) -> (0, 0)>
#map1 = affine_map<(d0, d1) -> (0)>
module attributes {stable_mosaic.version = 14 : i64} {
  func.func @_roi_body(%arg0: i32, %arg1: i32, %arg2: memref<2400x768xf32, #tpu.memory_space<hbm>>, %arg3: memref<1600xf32, #tpu.memory_space<hbm>>, %arg4: memref<16xi32, #tpu.memory_space<hbm>>, %arg5: memref<700x5376xf32, #tpu.memory_space<hbm>>, %arg6: memref<1600xf32, #tpu.memory_space<vmem>>, %arg7: memref<16xi32, #tpu.memory_space<vmem>>, %arg8: memref<32xi32, #tpu.memory_space<vmem>>, %arg9: memref<32xi32, #tpu.memory_space<vmem>>, %arg10: memref<32xf32, #tpu.memory_space<vmem>>, %arg11: memref<32xf32, #tpu.memory_space<vmem>>, %arg12: memref<32xf32, #tpu.memory_space<vmem>>, %arg13: memref<16xi32, #tpu.memory_space<vmem>>, %arg14: memref<16xi32, #tpu.memory_space<vmem>>, %arg15: memref<16xi32, #tpu.memory_space<vmem>>, %arg16: memref<16xi32, #tpu.memory_space<vmem>>, %arg17: memref<16x768xf32, #tpu.memory_space<vmem>>, %arg18: memref<16x768xf32, #tpu.memory_space<vmem>>, %arg19: memref<16x768xf32, #tpu.memory_space<vmem>>, %arg20: memref<16x768xf32, #tpu.memory_space<vmem>>, %arg21: memref<5376xf32, #tpu.memory_space<vmem>>, %arg22: memref<!tpu.dma_semaphore, #tpu.memory_space<semaphore_mem>>, %arg23: memref<!tpu.dma_semaphore, #tpu.memory_space<semaphore_mem>>, %arg24: memref<!tpu.dma_semaphore, #tpu.memory_space<semaphore_mem>>, %arg25: memref<!tpu.dma_semaphore, #tpu.memory_space<semaphore_mem>>) attributes {dimension_semantics = [#tpu.dimension_semantics<core_parallel>, #tpu.dimension_semantics<subcore_parallel>], iteration_bounds = array<i64: 2, 16>, scalar_prefetch = 0 : i64, scratch_operands = 20 : i64, tpu.core_type = #tpu.core_type<sc_vector_subcore>, window_params = [{transform_indices = #map}, {transform_indices = #map1}, {transform_indices = #map1}, {transform_indices = #map}]} {
    %mul3A = arith.constant 2 : i32
    %mul3A_0 = arith.muli %arg1, %mul3A : i32
    %add3A = arith.addi %mul3A_0, %arg0 : i32
    "tpu.region"() ({
      %run_scoped3A = tpu.sem_alloc : memref<!tpu.dma_semaphore, #tpu.memory_space<semaphore_mem>>
      tpu.enqueue_dma source(%arg3 : memref<1600xf32, #tpu.memory_space<hbm>>) target(%arg6 : memref<1600xf32, #tpu.memory_space<vmem>>) target_semaphore(%run_scoped3A : memref<!tpu.dma_semaphore, #tpu.memory_space<semaphore_mem>>)
      tpu.wait_dma2 semaphore(%run_scoped3A : memref<!tpu.dma_semaphore, #tpu.memory_space<semaphore_mem>>) src(%arg3 : memref<1600xf32, #tpu.memory_space<hbm>>) dst(%arg6 : memref<1600xf32, #tpu.memory_space<vmem>>)
      tpu.yield
    }) : () -> ()
    "tpu.region"() ({
      %run_scoped3A = tpu.sem_alloc : memref<!tpu.dma_semaphore, #tpu.memory_space<semaphore_mem>>
      tpu.enqueue_dma source(%arg4 : memref<16xi32, #tpu.memory_space<hbm>>) target(%arg7 : memref<16xi32, #tpu.memory_space<vmem>>) target_semaphore(%run_scoped3A : memref<!tpu.dma_semaphore, #tpu.memory_space<semaphore_mem>>)
      tpu.wait_dma2 semaphore(%run_scoped3A : memref<!tpu.dma_semaphore, #tpu.memory_space<semaphore_mem>>) src(%arg4 : memref<16xi32, #tpu.memory_space<hbm>>) dst(%arg7 : memref<16xi32, #tpu.memory_space<vmem>>)
      tpu.yield
    }) : () -> ()
    %get3A = arith.constant 0 : index
    %get3A_1 = tpu.vector_load %arg7[%get3A] {strides = array<i32>} : memref<16xi32, #tpu.memory_space<vmem>>, vector<16xi32>,
    %iota3A = tpu.iota {dimensions = array<i32: 0>} : vector<16xi32>
    %convert_element_type3A = arith.sitofp %iota3A : vector<16xi32> to vector<16xf32>
    %mul3A_2 = arith.constant 5.000000e-01 : f32
    %mul3A_3 = vector.broadcast %mul3A_2 : f32 to vector<16xf32>
    %mul3A_4 = arith.mulf %convert_element_type3A, %mul3A_3 : vector<16xf32>
    %add3A_5 = arith.constant 2.500000e-01 : f32
    %add3A_6 = vector.broadcast %add3A_5 : f32 to vector<16xf32>
    %add3A_7 = arith.addf %mul3A_4, %add3A_6 : vector<16xf32>
    %shift_right_logical3A = arith.constant 2 : i32
    %shift_right_logical3A_8 = vector.broadcast %shift_right_logical3A : i32 to vector<16xi32>
    %shift_right_logical3A_9 = arith.shrui %get3A_1, %shift_right_logical3A_8 : vector<16xi32>
    %and3A = arith.constant 3 : i32
    %and3A_10 = vector.broadcast %and3A : i32 to vector<16xi32>
    %and3A_11 = arith.andi %get3A_1, %and3A_10 : vector<16xi32>
    %shift_right_logical3A_12 = arith.constant 1 : i32
    %shift_right_logical3A_13 = vector.broadcast %shift_right_logical3A_12 : i32 to vector<16xi32>
    %shift_right_logical3A_14 = arith.shrui %shift_right_logical3A_9, %shift_right_logical3A_13 : vector<16xi32>
    %and3A_15 = arith.constant 1 : i32
    %and3A_16 = vector.broadcast %and3A_15 : i32 to vector<16xi32>
    %and3A_17 = arith.andi %shift_right_logical3A_9, %and3A_16 : vector<16xi32>
    %shift_left3A = arith.constant 4 : i32
    %shift_left3A_18 = vector.broadcast %shift_left3A : i32 to vector<16xi32>
    %shift_left3A_19 = arith.shli %and3A_17, %shift_left3A_18 : vector<16xi32>
    %shift_right_logical3A_20 = arith.constant 1 : i32
    %shift_right_logical3A_21 = vector.broadcast %shift_right_logical3A_20 : i32 to vector<16xi32>
    %shift_right_logical3A_22 = arith.shrui %and3A_11, %shift_right_logical3A_21 : vector<16xi32>
    %and3A_23 = arith.constant 1 : i32
    %and3A_24 = vector.broadcast %and3A_23 : i32 to vector<16xi32>
    %and3A_25 = arith.andi %and3A_11, %and3A_24 : vector<16xi32>
    %shift_left3A_26 = arith.constant 4 : i32
    %shift_left3A_27 = vector.broadcast %shift_left3A_26 : i32 to vector<16xi32>
    %shift_left3A_28 = arith.shli %and3A_25, %shift_left3A_27 : vector<16xi32>
    %broadcast_in_dim3A = arith.constant 0 : i32
    %broadcast_in_dim3A_29 = vector.broadcast %broadcast_in_dim3A : i32 to vector<16xi32>
    %broadcast_in_dim3A_30 = arith.constant 1 : i32
    %broadcast_in_dim3A_31 = vector.broadcast %broadcast_in_dim3A_30 : i32 to vector<16xi32>
    %broadcast_in_dim3A_32 = arith.constant 2 : i32
    %broadcast_in_dim3A_33 = vector.broadcast %broadcast_in_dim3A_32 : i32 to vector<16xi32>
    %broadcast_in_dim3A_34 = arith.constant 3 : i32
    %broadcast_in_dim3A_35 = vector.broadcast %broadcast_in_dim3A_34 : i32 to vector<16xi32>
    %broadcast_in_dim3A_36 = arith.constant 4 : i32
    %broadcast_in_dim3A_37 = vector.broadcast %broadcast_in_dim3A_36 : i32 to vector<16xi32>
    %broadcast_in_dim3A_38 = arith.constant 5 : i32
    %broadcast_in_dim3A_39 = vector.broadcast %broadcast_in_dim3A_38 : i32 to vector<16xi32>
    %broadcast_in_dim3A_40 = arith.constant 6 : i32
    %broadcast_in_dim3A_41 = vector.broadcast %broadcast_in_dim3A_40 : i32 to vector<16xi32>
    %broadcast_in_dim3A_42 = arith.constant 7 : i32
    %broadcast_in_dim3A_43 = vector.broadcast %broadcast_in_dim3A_42 : i32 to vector<16xi32>
    %broadcast_in_dim3A_44 = arith.constant 8 : i32
    %broadcast_in_dim3A_45 = vector.broadcast %broadcast_in_dim3A_44 : i32 to vector<16xi32>
    %broadcast_in_dim3A_46 = arith.constant 9 : i32
    %broadcast_in_dim3A_47 = vector.broadcast %broadcast_in_dim3A_46 : i32 to vector<16xi32>
    %broadcast_in_dim3A_48 = arith.constant 10 : i32
    %broadcast_in_dim3A_49 = vector.broadcast %broadcast_in_dim3A_48 : i32 to vector<16xi32>
    %broadcast_in_dim3A_50 = arith.constant 11 : i32
    %broadcast_in_dim3A_51 = vector.broadcast %broadcast_in_dim3A_50 : i32 to vector<16xi32>
    %broadcast_in_dim3A_52 = arith.constant 12 : i32
    %broadcast_in_dim3A_53 = vector.broadcast %broadcast_in_dim3A_52 : i32 to vector<16xi32>
    %broadcast_in_dim3A_54 = arith.constant 13 : i32
    %broadcast_in_dim3A_55 = vector.broadcast %broadcast_in_dim3A_54 : i32 to vector<16xi32>
    %broadcast_in_dim3A_56 = arith.constant 14 : i32
    %broadcast_in_dim3A_57 = vector.broadcast %broadcast_in_dim3A_56 : i32 to vector<16xi32>
    %broadcast_in_dim3A_58 = arith.constant 15 : i32
    %broadcast_in_dim3A_59 = vector.broadcast %broadcast_in_dim3A_58 : i32 to vector<16xi32>
    %broadcast_in_dim3A_60 = arith.constant 16 : i32
    %broadcast_in_dim3A_61 = vector.broadcast %broadcast_in_dim3A_60 : i32 to vector<16xi32>
    %broadcast_in_dim3A_62 = arith.constant 17 : i32
    %broadcast_in_dim3A_63 = vector.broadcast %broadcast_in_dim3A_62 : i32 to vector<16xi32>
    %broadcast_in_dim3A_64 = arith.constant 18 : i32
    %broadcast_in_dim3A_65 = vector.broadcast %broadcast_in_dim3A_64 : i32 to vector<16xi32>
    %broadcast_in_dim3A_66 = arith.constant 19 : i32
    %broadcast_in_dim3A_67 = vector.broadcast %broadcast_in_dim3A_66 : i32 to vector<16xi32>
    %broadcast_in_dim3A_68 = arith.constant 20 : i32
    %broadcast_in_dim3A_69 = vector.broadcast %broadcast_in_dim3A_68 : i32 to vector<16xi32>
    %broadcast_in_dim3A_70 = arith.constant 21 : i32
    %broadcast_in_dim3A_71 = vector.broadcast %broadcast_in_dim3A_70 : i32 to vector<16xi32>
    %broadcast_in_dim3A_72 = arith.constant 22 : i32
    %broadcast_in_dim3A_73 = vector.broadcast %broadcast_in_dim3A_72 : i32 to vector<16xi32>
    %broadcast_in_dim3A_74 = arith.constant 23 : i32
    %broadcast_in_dim3A_75 = vector.broadcast %broadcast_in_dim3A_74 : i32 to vector<16xi32>
    %broadcast_in_dim3A_76 = arith.constant 24 : i32
    %broadcast_in_dim3A_77 = vector.broadcast %broadcast_in_dim3A_76 : i32 to vector<16xi32>
    %broadcast_in_dim3A_78 = arith.constant 25 : i32
    %broadcast_in_dim3A_79 = vector.broadcast %broadcast_in_dim3A_78 : i32 to vector<16xi32>
    %broadcast_in_dim3A_80 = arith.constant 26 : i32
    %broadcast_in_dim3A_81 = vector.broadcast %broadcast_in_dim3A_80 : i32 to vector<16xi32>
    %broadcast_in_dim3A_82 = arith.constant 27 : i32
    %broadcast_in_dim3A_83 = vector.broadcast %broadcast_in_dim3A_82 : i32 to vector<16xi32>
    %broadcast_in_dim3A_84 = arith.constant 28 : i32
    %broadcast_in_dim3A_85 = vector.broadcast %broadcast_in_dim3A_84 : i32 to vector<16xi32>
    %broadcast_in_dim3A_86 = arith.constant 29 : i32
    %broadcast_in_dim3A_87 = vector.broadcast %broadcast_in_dim3A_86 : i32 to vector<16xi32>
    %broadcast_in_dim3A_88 = arith.constant 30 : i32
    %broadcast_in_dim3A_89 = vector.broadcast %broadcast_in_dim3A_88 : i32 to vector<16xi32>
    %broadcast_in_dim3A_90 = arith.constant 31 : i32
    %broadcast_in_dim3A_91 = vector.broadcast %broadcast_in_dim3A_90 : i32 to vector<16xi32>
    %ge3A = arith.constant 7 : i32
    %ge3A_92 = arith.cmpi sge, %add3A, %ge3A : i32
    %convert_element_type3A_93 = arith.extui %ge3A_92 : i1 to i32
    %ge3A_94 = arith.constant 14 : i32
    %ge3A_95 = arith.cmpi sge, %add3A, %ge3A_94 : i32
    %convert_element_type3A_96 = arith.extui %ge3A_95 : i1 to i32
    %add3A_97 = arith.addi %convert_element_type3A_93, %convert_element_type3A_96 : i32
    %ge3A_98 = arith.constant 21 : i32
    %ge3A_99 = arith.cmpi sge, %add3A, %ge3A_98 : i32
    %convert_element_type3A_100 = arith.extui %ge3A_99 : i1 to i32
    %add3A_101 = arith.addi %add3A_97, %convert_element_type3A_100 : i32
    %ge3A_102 = arith.constant 28 : i32
    %ge3A_103 = arith.cmpi sge, %add3A, %ge3A_102 : i32
    %convert_element_type3A_104 = arith.extui %ge3A_103 : i1 to i32
    %add3A_105 = arith.addi %add3A_101, %convert_element_type3A_104 : i32
    %mul3A_106 = arith.constant 7 : i32
    %mul3A_107 = arith.muli %mul3A_106, %add3A_105 : i32
    %sub3A = arith.subi %add3A, %mul3A_107 : i32
    %scan3A = arith.constant 0 : i32
    %scan3A_108 = arith.constant 22 : i32
    %scan3A_109 = arith.addi %scan3A, %scan3A_108 : i32
    %scan3A_110 = arith.constant 1 : i32
    %scan3A_111:2 = scf.for %scan3A_113 = %scan3A to %scan3A_109 step %scan3A_110 iter_args(%scan3A_114 = %add3A_105, %scan3A_115 = %sub3A) -> (i32, i32)  : i32 {
      %mul3A_116 = arith.constant 7 : i32
      %mul3A_117 = arith.muli %scan3A_114, %mul3A_116 : i32
      %add3A_118 = arith.addi %mul3A_117, %scan3A_115 : i32
      %lt3A = arith.constant 700 : i32
      %lt3A_119 = arith.cmpi slt, %add3A_118, %lt3A : i32
      %convert_element_type3A_120 = arith.extui %lt3A_119 : i1 to i32
      %cond3A = arith.constant 0 : i32
      %cond3A_121 = arith.cmpi ne, %convert_element_type3A_120, %cond3A : i32
      scf.if %cond3A_121 {
        %ge3A_133 = arith.constant 50 : i32
        %ge3A_134 = arith.cmpi sge, %scan3A_114, %ge3A_133 : i32
        %convert_element_type3A_135 = arith.extui %ge3A_134 : i1 to i32
        %mul3A_136 = arith.constant 16 : i32
        %mul3A_137 = arith.muli %scan3A_114, %mul3A_136 : i32
        %add3A_138 = vector.broadcast %mul3A_137 : i32 to vector<16xi32>
        %add3A_139 = arith.addi %add3A_138, %broadcast_in_dim3A_37 : vector<16xi32>
        %gather3A = tpu.vector_load_idx %arg6[%add3A_139] : memref<1600xf32, #tpu.memory_space<vmem>>[vector<16xi32>], vector<16xf32>,
        %add3A_140 = vector.broadcast %mul3A_137 : i32 to vector<16xi32>
        %add3A_141 = arith.addi %add3A_140, %broadcast_in_dim3A_39 : vector<16xi32>
        %gather3A_142 = tpu.vector_load_idx %arg6[%add3A_141] : memref<1600xf32, #tpu.memory_space<vmem>>[vector<16xi32>], vector<16xf32>,
        %add3A_143 = vector.broadcast %mul3A_137 : i32 to vector<16xi32>
        %add3A_144 = arith.addi %add3A_143, %broadcast_in_dim3A_41 : vector<16xi32>
        %gather3A_145 = tpu.vector_load_idx %arg6[%add3A_144] : memref<1600xf32, #tpu.memory_space<vmem>>[vector<16xi32>], vector<16xf32>,
        %mul3A_146 = arith.constant 1.200000e+00 : f32
        %mul3A_147 = vector.broadcast %mul3A_146 : f32 to vector<16xf32>
        %mul3A_148 = arith.mulf %gather3A_145, %mul3A_147 : vector<16xf32>
        %add3A_149 = vector.broadcast %mul3A_137 : i32 to vector<16xi32>
        %add3A_150 = arith.addi %add3A_149, %broadcast_in_dim3A_43 : vector<16xi32>
        %gather3A_151 = tpu.vector_load_idx %arg6[%add3A_150] : memref<1600xf32, #tpu.memory_space<vmem>>[vector<16xi32>], vector<16xf32>,
        %mul3A_152 = arith.constant 1.200000e+00 : f32
        %mul3A_153 = vector.broadcast %mul3A_152 : f32 to vector<16xf32>
        %mul3A_154 = arith.mulf %gather3A_151, %mul3A_153 : vector<16xf32>
        %mul3A_155 = arith.constant 5.000000e-01 : f32
        %mul3A_156 = vector.broadcast %mul3A_155 : f32 to vector<16xf32>
        %mul3A_157 = arith.mulf %mul3A_148, %mul3A_156 : vector<16xf32>
        %sub3A_158 = arith.subf %gather3A, %mul3A_157 : vector<16xf32>
        %mul3A_159 = arith.constant 4.000000e+01 : f32
        %mul3A_160 = vector.broadcast %mul3A_159 : f32 to vector<16xf32>
        %mul3A_161 = arith.mulf %sub3A_158, %mul3A_160 : vector<16xf32>
        %max3A = arith.constant 0.000000e+00 : f32
        %max3A_162 = vector.broadcast %max3A : f32 to vector<16xf32>
        %max3A_163 = arith.maximumf %mul3A_161, %max3A_162 : vector<16xf32>
        %mul3A_164 = arith.constant 5.000000e-01 : f32
        %mul3A_165 = vector.broadcast %mul3A_164 : f32 to vector<16xf32>
        %mul3A_166 = arith.mulf %mul3A_154, %mul3A_165 : vector<16xf32>
        %sub3A_167 = arith.subf %gather3A_142, %mul3A_166 : vector<16xf32>
        %mul3A_168 = arith.constant 3.000000e+01 : f32
        %mul3A_169 = vector.broadcast %mul3A_168 : f32 to vector<16xf32>
        %mul3A_170 = arith.mulf %sub3A_167, %mul3A_169 : vector<16xf32>
        %max3A_171 = arith.constant 0.000000e+00 : f32
        %max3A_172 = vector.broadcast %max3A_171 : f32 to vector<16xf32>
        %max3A_173 = arith.maximumf %mul3A_170, %max3A_172 : vector<16xf32>
        %mul3A_174 = arith.constant 5.000000e-01 : f32
        %mul3A_175 = vector.broadcast %mul3A_174 : f32 to vector<16xf32>
        %mul3A_176 = arith.mulf %mul3A_148, %mul3A_175 : vector<16xf32>
        %add3A_177 = arith.addf %gather3A, %mul3A_176 : vector<16xf32>
        %mul3A_178 = arith.constant 4.000000e+01 : f32
        %mul3A_179 = vector.broadcast %mul3A_178 : f32 to vector<16xf32>
        %mul3A_180 = arith.mulf %add3A_177, %mul3A_179 : vector<16xf32>
        %min3A = arith.constant 4.000000e+01 : f32
        %min3A_181 = vector.broadcast %min3A : f32 to vector<16xf32>
        %min3A_182 = arith.minimumf %mul3A_180, %min3A_181 : vector<16xf32>
        %mul3A_183 = arith.constant 5.000000e-01 : f32
        %mul3A_184 = vector.broadcast %mul3A_183 : f32 to vector<16xf32>
        %mul3A_185 = arith.mulf %mul3A_154, %mul3A_184 : vector<16xf32>
        %add3A_186 = arith.addf %gather3A_142, %mul3A_185 : vector<16xf32>
        %mul3A_187 = arith.constant 3.000000e+01 : f32
        %mul3A_188 = vector.broadcast %mul3A_187 : f32 to vector<16xf32>
        %mul3A_189 = arith.mulf %add3A_186, %mul3A_188 : vector<16xf32>
        %min3A_190 = arith.constant 3.000000e+01 : f32
        %min3A_191 = vector.broadcast %min3A_190 : f32 to vector<16xf32>
        %min3A_192 = arith.minimumf %mul3A_189, %min3A_191 : vector<16xf32>
        %sub3A_193 = arith.subf %min3A_182, %max3A_163 : vector<16xf32>
        %mul3A_194 = arith.constant 0.142857149 : f32
        %mul3A_195 = vector.broadcast %mul3A_194 : f32 to vector<16xf32>
        %mul3A_196 = arith.mulf %sub3A_193, %mul3A_195 : vector<16xf32>
        %sub3A_197 = arith.subf %min3A_192, %max3A_173 : vector<16xf32>
        %mul3A_198 = arith.constant 0.142857149 : f32
        %mul3A_199 = vector.broadcast %mul3A_198 : f32 to vector<16xf32>
        %mul3A_200 = arith.mulf %sub3A_197, %mul3A_199 : vector<16xf32>
        %sub3A_201 = arith.constant 5.000000e-01 : f32
        %sub3A_202 = vector.broadcast %sub3A_201 : f32 to vector<16xf32>
        %sub3A_203 = arith.subf %max3A_163, %sub3A_202 : vector<16xf32>
        %mul3A_204 = arith.mulf %mul3A_196, %add3A_7 : vector<16xf32>
        %add3A_205 = arith.addf %sub3A_203, %mul3A_204 : vector<16xf32>
        %sub3A_206 = arith.constant 5.000000e-01 : f32
        %sub3A_207 = vector.broadcast %sub3A_206 : f32 to vector<16xf32>
        %sub3A_208 = arith.subf %max3A_173, %sub3A_207 : vector<16xf32>
        %mul3A_209 = arith.mulf %mul3A_200, %add3A_7 : vector<16xf32>
        %add3A_210 = arith.addf %sub3A_208, %mul3A_209 : vector<16xf32>
        %jit3A = arith.constant 0.000000e+00 : f32
        %jit3A_211 = arith.constant 3.900000e+01 : f32
        %max3A_212 = vector.broadcast %jit3A : f32 to vector<16xf32>
        %max3A_213 = arith.maximumf %max3A_212, %add3A_205 : vector<16xf32>
        %min3A_214 = vector.broadcast %jit3A_211 : f32 to vector<16xf32>
        %min3A_215 = arith.minimumf %min3A_214, %max3A_213 : vector<16xf32>
        %jit3A_216 = arith.constant 0.000000e+00 : f32
        %jit3A_217 = arith.constant 2.900000e+01 : f32
        %max3A_218 = vector.broadcast %jit3A_216 : f32 to vector<16xf32>
        %max3A_219 = arith.maximumf %max3A_218, %add3A_210 : vector<16xf32>
        %min3A_220 = vector.broadcast %jit3A_217 : f32 to vector<16xf32>
        %min3A_221 = arith.minimumf %min3A_220, %max3A_219 : vector<16xf32>
        %convert_element_type3A_222 = arith.fptosi %min3A_215 : vector<16xf32> to vector<16xi32>
        %convert_element_type3A_223 = arith.fptosi %min3A_221 : vector<16xf32> to vector<16xi32>
        %convert_element_type3A_224 = arith.sitofp %convert_element_type3A_222 : vector<16xi32> to vector<16xf32>
        %sub3A_225 = arith.subf %min3A_215, %convert_element_type3A_224 : vector<16xf32>
        %convert_element_type3A_226 = arith.sitofp %convert_element_type3A_223 : vector<16xi32> to vector<16xf32>
        %sub3A_227 = arith.subf %min3A_221, %convert_element_type3A_226 : vector<16xf32>
        %swap3A = arith.constant 0 : index
        %swap3A_228 = tpu.vector_load %arg9[%swap3A] {strides = array<i32>} : memref<32xi32, #tpu.memory_space<vmem>>, vector<16xi32>,
        tpu.vector_store %arg9[%swap3A], %convert_element_type3A_222 {strides = array<i32>} : memref<32xi32, #tpu.memory_space<vmem>>, vector<16xi32>,
        %add3A_229 = arith.constant 1 : i32
        %add3A_230 = vector.broadcast %add3A_229 : i32 to vector<16xi32>
        %add3A_231 = arith.addi %convert_element_type3A_222, %add3A_230 : vector<16xi32>
        %min3A_232 = arith.constant 39 : i32
        %min3A_233 = vector.broadcast %min3A_232 : i32 to vector<16xi32>
        %min3A_234 = arith.minsi %add3A_231, %min3A_233 : vector<16xi32>
        %swap3A_235 = arith.constant 16 : index
        %swap3A_236 = tpu.vector_load %arg9[%swap3A_235] {strides = array<i32>} : memref<32xi32, #tpu.memory_space<vmem>>, vector<16xi32>,
        tpu.vector_store %arg9[%swap3A_235], %min3A_234 {strides = array<i32>} : memref<32xi32, #tpu.memory_space<vmem>>, vector<16xi32>,
        %sub3A_237 = arith.constant 1.000000e+00 : f32
        %sub3A_238 = vector.broadcast %sub3A_237 : f32 to vector<16xf32>
        %sub3A_239 = arith.subf %sub3A_238, %sub3A_225 : vector<16xf32>
        %swap3A_240 = arith.constant 0 : index
        %swap3A_241 = tpu.vector_load %arg11[%swap3A_240] {strides = array<i32>} : memref<32xf32, #tpu.memory_space<vmem>>, vector<16xf32>,
        tpu.vector_store %arg11[%swap3A_240], %sub3A_239 {strides = array<i32>} : memref<32xf32, #tpu.memory_space<vmem>>, vector<16xf32>,
        %swap3A_242 = arith.constant 16 : index
        %swap3A_243 = tpu.vector_load %arg11[%swap3A_242] {strides = array<i32>} : memref<32xf32, #tpu.memory_space<vmem>>, vector<16xf32>,
        tpu.vector_store %arg11[%swap3A_242], %sub3A_225 {strides = array<i32>} : memref<32xf32, #tpu.memory_space<vmem>>, vector<16xf32>,
        %swap3A_244 = arith.constant 0 : index
        %swap3A_245 = tpu.vector_load %arg8[%swap3A_244] {strides = array<i32>} : memref<32xi32, #tpu.memory_space<vmem>>, vector<16xi32>,
        tpu.vector_store %arg8[%swap3A_244], %convert_element_type3A_223 {strides = array<i32>} : memref<32xi32, #tpu.memory_space<vmem>>, vector<16xi32>,
        %add3A_246 = arith.constant 1 : i32
        %add3A_247 = vector.broadcast %add3A_246 : i32 to vector<16xi32>
        %add3A_248 = arith.addi %convert_element_type3A_223, %add3A_247 : vector<16xi32>
        %min3A_249 = arith.constant 29 : i32
        %min3A_250 = vector.broadcast %min3A_249 : i32 to vector<16xi32>
        %min3A_251 = arith.minsi %add3A_248, %min3A_250 : vector<16xi32>
        %swap3A_252 = arith.constant 16 : index
        %swap3A_253 = tpu.vector_load %arg8[%swap3A_252] {strides = array<i32>} : memref<32xi32, #tpu.memory_space<vmem>>, vector<16xi32>,
        tpu.vector_store %arg8[%swap3A_252], %min3A_251 {strides = array<i32>} : memref<32xi32, #tpu.memory_space<vmem>>, vector<16xi32>,
        %sub3A_254 = arith.constant 1.000000e+00 : f32
        %sub3A_255 = vector.broadcast %sub3A_254 : f32 to vector<16xf32>
        %sub3A_256 = arith.subf %sub3A_255, %sub3A_227 : vector<16xf32>
        %swap3A_257 = arith.constant 0 : index
        %swap3A_258 = tpu.vector_load %arg10[%swap3A_257] {strides = array<i32>} : memref<32xf32, #tpu.memory_space<vmem>>, vector<16xf32>,
        tpu.vector_store %arg10[%swap3A_257], %sub3A_256 {strides = array<i32>} : memref<32xf32, #tpu.memory_space<vmem>>, vector<16xf32>,
        %swap3A_259 = arith.constant 16 : index
        %swap3A_260 = tpu.vector_load %arg10[%swap3A_259] {strides = array<i32>} : memref<32xf32, #tpu.memory_space<vmem>>, vector<16xf32>,
        tpu.vector_store %arg10[%swap3A_259], %sub3A_227 {strides = array<i32>} : memref<32xf32, #tpu.memory_space<vmem>>, vector<16xf32>,
        %mul3A_261 = arith.constant 2 : i32
        %mul3A_262 = arith.muli %mul3A_261, %scan3A_115 : i32
        %add3A_263 = vector.broadcast %mul3A_262 : i32 to vector<16xi32>
        %add3A_264 = arith.addi %add3A_263, %shift_right_logical3A_14 : vector<16xi32>
        %add3A_265 = arith.addi %add3A_264, %shift_left3A_19 : vector<16xi32>
        %gather3A_266 = tpu.vector_load_idx %arg8[%add3A_265] : memref<32xi32, #tpu.memory_space<vmem>>[vector<16xi32>], vector<16xi32>,
        %gather3A_267 = tpu.vector_load_idx %arg10[%add3A_265] : memref<32xf32, #tpu.memory_space<vmem>>[vector<16xi32>], vector<16xf32>,
        %mul3A_268 = arith.constant 1200 : i32
        %mul3A_269 = arith.muli %convert_element_type3A_135, %mul3A_268 : i32
        %mul3A_270 = arith.constant 40 : i32
        %mul3A_271 = vector.broadcast %mul3A_270 : i32 to vector<16xi32>
        %mul3A_272 = arith.muli %gather3A_266, %mul3A_271 : vector<16xi32>
        %add3A_273 = vector.broadcast %mul3A_269 : i32 to vector<16xi32>
        %add3A_274 = arith.addi %add3A_273, %mul3A_272 : vector<16xi32>
        %add3A_275 = arith.constant 0 : i32
        %add3A_276 = vector.broadcast %add3A_275 : i32 to vector<16xi32>
        %add3A_277 = arith.addi %add3A_276, %shift_right_logical3A_22 : vector<16xi32>
        %add3A_278 = arith.addi %add3A_277, %shift_left3A_28 : vector<16xi32>
        %gather3A_279 = tpu.vector_load_idx %arg9[%add3A_278] : memref<32xi32, #tpu.memory_space<vmem>>[vector<16xi32>], vector<16xi32>,
        %gather3A_280 = tpu.vector_load_idx %arg11[%add3A_278] : memref<32xf32, #tpu.memory_space<vmem>>[vector<16xi32>], vector<16xf32>,
        %add3A_281 = arith.addi %add3A_274, %gather3A_279 : vector<16xi32>
        %mul3A_282 = arith.mulf %gather3A_267, %gather3A_280 : vector<16xf32>
        %mul3A_283 = arith.constant 2.500000e-01 : f32
        %mul3A_284 = vector.broadcast %mul3A_283 : f32 to vector<16xf32>
        %mul3A_285 = arith.mulf %mul3A_282, %mul3A_284 : vector<16xf32>
        %swap3A_286 = arith.constant 0 : index
        %swap3A_287 = tpu.vector_load %arg13[%swap3A_286] {strides = array<i32>} : memref<16xi32, #tpu.memory_space<vmem>>, vector<16xi32>,
        tpu.vector_store %arg13[%swap3A_286], %add3A_281 {strides = array<i32>} : memref<16xi32, #tpu.memory_space<vmem>>, vector<16xi32>,
        %dma_start3A = arith.constant 0 : i32
        %dma_start3A_288 = arith.constant 0 : i32
        %dma_start3A_289 = tpu.memref_slice %arg2[%dma_start3A, %dma_start3A_288] : memref<2400x768xf32, #tpu.memory_space<hbm>> -> memref<2400x768xf32, #tpu.memory_space<hbm>>
        tpu.enqueue_indirect_dma source(%dma_start3A_289 : memref<2400x768xf32, #tpu.memory_space<hbm>>) target(%arg17 : memref<16x768xf32, #tpu.memory_space<vmem>>) offsets(%arg13 : memref<16xi32, #tpu.memory_space<vmem>>) semaphore(%arg22 : memref<!tpu.dma_semaphore, #tpu.memory_space<semaphore_mem>>)
        %add3A_290 = arith.constant 2 : i32
        %add3A_291 = vector.broadcast %add3A_290 : i32 to vector<16xi32>
        %add3A_292 = arith.addi %add3A_291, %shift_right_logical3A_22 : vector<16xi32>
        %add3A_293 = arith.addi %add3A_292, %shift_left3A_28 : vector<16xi32>
        %gather3A_294 = tpu.vector_load_idx %arg9[%add3A_293] : memref<32xi32, #tpu.memory_space<vmem>>[vector<16xi32>], vector<16xi32>,
        %gather3A_295 = tpu.vector_load_idx %arg11[%add3A_293] : memref<32xf32, #tpu.memory_space<vmem>>[vector<16xi32>], vector<16xf32>,
        %add3A_296 = arith.addi %add3A_274, %gather3A_294 : vector<16xi32>
        %mul3A_297 = arith.mulf %gather3A_267, %gather3A_295 : vector<16xf32>
        %mul3A_298 = arith.constant 2.500000e-01 : f32
        %mul3A_299 = vector.broadcast %mul3A_298 : f32 to vector<16xf32>
        %mul3A_300 = arith.mulf %mul3A_297, %mul3A_299 : vector<16xf32>
        %swap3A_301 = arith.constant 0 : index
        %swap3A_302 = tpu.vector_load %arg14[%swap3A_301] {strides = array<i32>} : memref<16xi32, #tpu.memory_space<vmem>>, vector<16xi32>,
        tpu.vector_store %arg14[%swap3A_301], %add3A_296 {strides = array<i32>} : memref<16xi32, #tpu.memory_space<vmem>>, vector<16xi32>,
        %dma_start3A_303 = arith.constant 0 : i32
        %dma_start3A_304 = arith.constant 0 : i32
        %dma_start3A_305 = tpu.memref_slice %arg2[%dma_start3A_303, %dma_start3A_304] : memref<2400x768xf32, #tpu.memory_space<hbm>> -> memref<2400x768xf32, #tpu.memory_space<hbm>>
        tpu.enqueue_indirect_dma source(%dma_start3A_305 : memref<2400x768xf32, #tpu.memory_space<hbm>>) target(%arg18 : memref<16x768xf32, #tpu.memory_space<vmem>>) offsets(%arg14 : memref<16xi32, #tpu.memory_space<vmem>>) semaphore(%arg23 : memref<!tpu.dma_semaphore, #tpu.memory_space<semaphore_mem>>)
        %swap3A_306 = arith.constant 16 : index
        %swap3A_307 = tpu.vector_load %arg12[%swap3A_306] {strides = array<i32>} : memref<32xf32, #tpu.memory_space<vmem>>, vector<16xf32>,
        tpu.vector_store %arg12[%swap3A_306], %mul3A_285 {strides = array<i32>} : memref<32xf32, #tpu.memory_space<vmem>>, vector<16xf32>,
        %gather3A_308 = tpu.vector_load_idx %arg12[%broadcast_in_dim3A_61] : memref<32xf32, #tpu.memory_space<vmem>>[vector<16xi32>], vector<16xf32>,
        %gather3A_309 = tpu.vector_load_idx %arg12[%broadcast_in_dim3A_63] : memref<32xf32, #tpu.memory_space<vmem>>[vector<16xi32>], vector<16xf32>,
        %gather3A_310 = tpu.vector_load_idx %arg12[%broadcast_in_dim3A_65] : memref<32xf32, #tpu.memory_space<vmem>>[vector<16xi32>], vector<16xf32>,
        %gather3A_311 = tpu.vector_load_idx %arg12[%broadcast_in_dim3A_67] : memref<32xf32, #tpu.memory_space<vmem>>[vector<16xi32>], vector<16xf32>,
        %gather3A_312 = tpu.vector_load_idx %arg12[%broadcast_in_dim3A_69] : memref<32xf32, #tpu.memory_space<vmem>>[vector<16xi32>], vector<16xf32>,
        %gather3A_313 = tpu.vector_load_idx %arg12[%broadcast_in_dim3A_71] : memref<32xf32, #tpu.memory_space<vmem>>[vector<16xi32>], vector<16xf32>,
        %gather3A_314 = tpu.vector_load_idx %arg12[%broadcast_in_dim3A_73] : memref<32xf32, #tpu.memory_space<vmem>>[vector<16xi32>], vector<16xf32>,
        %gather3A_315 = tpu.vector_load_idx %arg12[%broadcast_in_dim3A_75] : memref<32xf32, #tpu.memory_space<vmem>>[vector<16xi32>], vector<16xf32>,
        %gather3A_316 = tpu.vector_load_idx %arg12[%broadcast_in_dim3A_77] : memref<32xf32, #tpu.memory_space<vmem>>[vector<16xi32>], vector<16xf32>,
        %gather3A_317 = tpu.vector_load_idx %arg12[%broadcast_in_dim3A_79] : memref<32xf32, #tpu.memory_space<vmem>>[vector<16xi32>], vector<16xf32>,
        %gather3A_318 = tpu.vector_load_idx %arg12[%broadcast_in_dim3A_81] : memref<32xf32, #tpu.memory_space<vmem>>[vector<16xi32>], vector<16xf32>,
        %gather3A_319 = tpu.vector_load_idx %arg12[%broadcast_in_dim3A_83] : memref<32xf32, #tpu.memory_space<vmem>>[vector<16xi32>], vector<16xf32>,
        %gather3A_320 = tpu.vector_load_idx %arg12[%broadcast_in_dim3A_85] : memref<32xf32, #tpu.memory_space<vmem>>[vector<16xi32>], vector<16xf32>,
        %gather3A_321 = tpu.vector_load_idx %arg12[%broadcast_in_dim3A_87] : memref<32xf32, #tpu.memory_space<vmem>>[vector<16xi32>], vector<16xf32>,
        %gather3A_322 = tpu.vector_load_idx %arg12[%broadcast_in_dim3A_89] : memref<32xf32, #tpu.memory_space<vmem>>[vector<16xi32>], vector<16xf32>,
        %gather3A_323 = tpu.vector_load_idx %arg12[%broadcast_in_dim3A_91] : memref<32xf32, #tpu.memory_space<vmem>>[vector<16xi32>], vector<16xf32>,
        %dma_wait3A = arith.constant 0 : i32
        %dma_wait3A_324 = arith.constant 0 : i32
        %dma_wait3A_325 = tpu.memref_slice %arg2[%dma_wait3A, %dma_wait3A_324] : memref<2400x768xf32, #tpu.memory_space<hbm>> -> memref<2400x768xf32, #tpu.memory_space<hbm>>
        tpu.wait_indirect_dma semaphore(%arg22 : memref<!tpu.dma_semaphore, #tpu.memory_space<semaphore_mem>>) src(%dma_wait3A_325 : memref<2400x768xf32, #tpu.memory_space<hbm>>) dst(%arg17 : memref<16x768xf32, #tpu.memory_space<vmem>>)
        %scan3A_326 = arith.constant 0 : i32
        %scan3A_327 = arith.constant 0 : i32
        %scan3A_328 = arith.constant 24 : i32
        %scan3A_329 = arith.addi %scan3A_327, %scan3A_328 : i32
        %scan3A_330 = arith.constant 1 : i32
        %scan3A_331 = scf.for %scan3A_581 = %scan3A_327 to %scan3A_329 step %scan3A_330 iter_args(%scan3A_582 = %scan3A_326) -> (i32)  : i32 {
          %mul3A_583 = arith.constant 2 : i32
          %mul3A_584 = arith.muli %mul3A_583, %scan3A_581 : i32
          %add3A_585 = arith.constant 0 : i32
          %add3A_586 = arith.addi %mul3A_584, %add3A_585 : i32
          %mul3A_587 = arith.constant 16 : i32
          %mul3A_588 = arith.muli %add3A_586, %mul3A_587 : i32
          %get3A_589 = arith.constant 0 : i32
          %get3A_590 = arith.index_cast %get3A_589 : i32 to index
          %get3A_591 = arith.index_cast %mul3A_588 : i32 to index
          %get3A_592 = tpu.vector_load %arg17[%get3A_590, %get3A_591] {strides = array<i32>} : memref<16x768xf32, #tpu.memory_space<vmem>>, vector<16xf32>,
          %mul3A_593 = arith.mulf %gather3A_308, %get3A_592 : vector<16xf32>
          %get3A_594 = arith.constant 1 : i32
          %get3A_595 = arith.index_cast %get3A_594 : i32 to index
          %get3A_596 = arith.index_cast %mul3A_588 : i32 to index
          %get3A_597 = tpu.vector_load %arg17[%get3A_595, %get3A_596] {strides = array<i32>} : memref<16x768xf32, #tpu.memory_space<vmem>>, vector<16xf32>,
          %mul3A_598 = arith.mulf %gather3A_309, %get3A_597 : vector<16xf32>
          %add3A_599 = arith.addf %mul3A_593, %mul3A_598 : vector<16xf32>
          %get3A_600 = arith.constant 2 : i32
          %get3A_601 = arith.index_cast %get3A_600 : i32 to index
          %get3A_602 = arith.index_cast %mul3A_588 : i32 to index
          %get3A_603 = tpu.vector_load %arg17[%get3A_601, %get3A_602] {strides = array<i32>} : memref<16x768xf32, #tpu.memory_space<vmem>>, vector<16xf32>,
          %mul3A_604 = arith.mulf %gather3A_310, %get3A_603 : vector<16xf32>
          %add3A_605 = arith.addf %add3A_599, %mul3A_604 : vector<16xf32>
          %get3A_606 = arith.constant 3 : i32
          %get3A_607 = arith.index_cast %get3A_606 : i32 to index
          %get3A_608 = arith.index_cast %mul3A_588 : i32 to index
          %get3A_609 = tpu.vector_load %arg17[%get3A_607, %get3A_608] {strides = array<i32>} : memref<16x768xf32, #tpu.memory_space<vmem>>, vector<16xf32>,
          %mul3A_610 = arith.mulf %gather3A_311, %get3A_609 : vector<16xf32>
          %add3A_611 = arith.addf %add3A_605, %mul3A_610 : vector<16xf32>
          %get3A_612 = arith.constant 4 : i32
          %get3A_613 = arith.index_cast %get3A_612 : i32 to index
          %get3A_614 = arith.index_cast %mul3A_588 : i32 to index
          %get3A_615 = tpu.vector_load %arg17[%get3A_613, %get3A_614] {strides = array<i32>} : memref<16x768xf32, #tpu.memory_space<vmem>>, vector<16xf32>,
          %mul3A_616 = arith.mulf %gather3A_312, %get3A_615 : vector<16xf32>
          %add3A_617 = arith.addf %add3A_611, %mul3A_616 : vector<16xf32>
          %get3A_618 = arith.constant 5 : i32
          %get3A_619 = arith.index_cast %get3A_618 : i32 to index
          %get3A_620 = arith.index_cast %mul3A_588 : i32 to index
          %get3A_621 = tpu.vector_load %arg17[%get3A_619, %get3A_620] {strides = array<i32>} : memref<16x768xf32, #tpu.memory_space<vmem>>, vector<16xf32>,
          %mul3A_622 = arith.mulf %gather3A_313, %get3A_621 : vector<16xf32>
          %add3A_623 = arith.addf %add3A_617, %mul3A_622 : vector<16xf32>
          %get3A_624 = arith.constant 6 : i32
          %get3A_625 = arith.index_cast %get3A_624 : i32 to index
          %get3A_626 = arith.index_cast %mul3A_588 : i32 to index
          %get3A_627 = tpu.vector_load %arg17[%get3A_625, %get3A_626] {strides = array<i32>} : memref<16x768xf32, #tpu.memory_space<vmem>>, vector<16xf32>,
          %mul3A_628 = arith.mulf %gather3A_314, %get3A_627 : vector<16xf32>
          %add3A_629 = arith.addf %add3A_623, %mul3A_628 : vector<16xf32>
          %get3A_630 = arith.constant 7 : i32
          %get3A_631 = arith.index_cast %get3A_630 : i32 to index
          %get3A_632 = arith.index_cast %mul3A_588 : i32 to index
          %get3A_633 = tpu.vector_load %arg17[%get3A_631, %get3A_632] {strides = array<i32>} : memref<16x768xf32, #tpu.memory_space<vmem>>, vector<16xf32>,
          %mul3A_634 = arith.mulf %gather3A_315, %get3A_633 : vector<16xf32>
          %add3A_635 = arith.addf %add3A_629, %mul3A_634 : vector<16xf32>
          %get3A_636 = arith.constant 8 : i32
          %get3A_637 = arith.index_cast %get3A_636 : i32 to index
          %get3A_638 = arith.index_cast %mul3A_588 : i32 to index
          %get3A_639 = tpu.vector_load %arg17[%get3A_637, %get3A_638] {strides = array<i32>} : memref<16x768xf32, #tpu.memory_space<vmem>>, vector<16xf32>,
          %mul3A_640 = arith.mulf %gather3A_316, %get3A_639 : vector<16xf32>
          %add3A_641 = arith.addf %add3A_635, %mul3A_640 : vector<16xf32>
          %get3A_642 = arith.constant 9 : i32
          %get3A_643 = arith.index_cast %get3A_642 : i32 to index
          %get3A_644 = arith.index_cast %mul3A_588 : i32 to index
          %get3A_645 = tpu.vector_load %arg17[%get3A_643, %get3A_644] {strides = array<i32>} : memref<16x768xf32, #tpu.memory_space<vmem>>, vector<16xf32>,
          %mul3A_646 = arith.mulf %gather3A_317, %get3A_645 : vector<16xf32>
          %add3A_647 = arith.addf %add3A_641, %mul3A_646 : vector<16xf32>
          %get3A_648 = arith.constant 10 : i32
          %get3A_649 = arith.index_cast %get3A_648 : i32 to index
          %get3A_650 = arith.index_cast %mul3A_588 : i32 to index
          %get3A_651 = tpu.vector_load %arg17[%get3A_649, %get3A_650] {strides = array<i32>} : memref<16x768xf32, #tpu.memory_space<vmem>>, vector<16xf32>,
          %mul3A_652 = arith.mulf %gather3A_318, %get3A_651 : vector<16xf32>
          %add3A_653 = arith.addf %add3A_647, %mul3A_652 : vector<16xf32>
          %get3A_654 = arith.constant 11 : i32
          %get3A_655 = arith.index_cast %get3A_654 : i32 to index
          %get3A_656 = arith.index_cast %mul3A_588 : i32 to index
          %get3A_657 = tpu.vector_load %arg17[%get3A_655, %get3A_656] {strides = array<i32>} : memref<16x768xf32, #tpu.memory_space<vmem>>, vector<16xf32>,
          %mul3A_658 = arith.mulf %gather3A_319, %get3A_657 : vector<16xf32>
          %add3A_659 = arith.addf %add3A_653, %mul3A_658 : vector<16xf32>
          %get3A_660 = arith.constant 12 : i32
          %get3A_661 = arith.index_cast %get3A_660 : i32 to index
          %get3A_662 = arith.index_cast %mul3A_588 : i32 to index
          %get3A_663 = tpu.vector_load %arg17[%get3A_661, %get3A_662] {strides = array<i32>} : memref<16x768xf32, #tpu.memory_space<vmem>>, vector<16xf32>,
          %mul3A_664 = arith.mulf %gather3A_320, %get3A_663 : vector<16xf32>
          %add3A_665 = arith.addf %add3A_659, %mul3A_664 : vector<16xf32>
          %get3A_666 = arith.constant 13 : i32
          %get3A_667 = arith.index_cast %get3A_666 : i32 to index
          %get3A_668 = arith.index_cast %mul3A_588 : i32 to index
          %get3A_669 = tpu.vector_load %arg17[%get3A_667, %get3A_668] {strides = array<i32>} : memref<16x768xf32, #tpu.memory_space<vmem>>, vector<16xf32>,
          %mul3A_670 = arith.mulf %gather3A_321, %get3A_669 : vector<16xf32>
          %add3A_671 = arith.addf %add3A_665, %mul3A_670 : vector<16xf32>
          %get3A_672 = arith.constant 14 : i32
          %get3A_673 = arith.index_cast %get3A_672 : i32 to index
          %get3A_674 = arith.index_cast %mul3A_588 : i32 to index
          %get3A_675 = tpu.vector_load %arg17[%get3A_673, %get3A_674] {strides = array<i32>} : memref<16x768xf32, #tpu.memory_space<vmem>>, vector<16xf32>,
          %mul3A_676 = arith.mulf %gather3A_322, %get3A_675 : vector<16xf32>
          %add3A_677 = arith.addf %add3A_671, %mul3A_676 : vector<16xf32>
          %get3A_678 = arith.constant 15 : i32
          %get3A_679 = arith.index_cast %get3A_678 : i32 to index
          %get3A_680 = arith.index_cast %mul3A_588 : i32 to index
          %get3A_681 = tpu.vector_load %arg17[%get3A_679, %get3A_680] {strides = array<i32>} : memref<16x768xf32, #tpu.memory_space<vmem>>, vector<16xf32>,
          %mul3A_682 = arith.mulf %gather3A_323, %get3A_681 : vector<16xf32>
          %add3A_683 = arith.addf %add3A_677, %mul3A_682 : vector<16xf32>
          %mul3A_684 = arith.constant 2 : i32
          %mul3A_685 = arith.muli %mul3A_684, %scan3A_581 : i32
          %add3A_686 = arith.constant 0 : i32
          %add3A_687 = arith.addi %mul3A_685, %add3A_686 : i32
          %mul3A_688 = arith.constant 16 : i32
          %mul3A_689 = arith.muli %add3A_687, %mul3A_688 : i32
          %add3A_690 = arith.constant 0 : i32
          %add3A_691 = arith.addi %add3A_690, %mul3A_689 : i32
          %swap3A_692 = arith.index_cast %add3A_691 : i32 to index
          %swap3A_693 = tpu.vector_load %arg21[%swap3A_692] {strides = array<i32>} : memref<5376xf32, #tpu.memory_space<vmem>>, vector<16xf32>,
          tpu.vector_store %arg21[%swap3A_692], %add3A_683 {strides = array<i32>} : memref<5376xf32, #tpu.memory_space<vmem>>, vector<16xf32>,
          %mul3A_694 = arith.constant 2 : i32
          %mul3A_695 = arith.muli %mul3A_694, %scan3A_581 : i32
          %add3A_696 = arith.constant 1 : i32
          %add3A_697 = arith.addi %mul3A_695, %add3A_696 : i32
          %mul3A_698 = arith.constant 16 : i32
          %mul3A_699 = arith.muli %add3A_697, %mul3A_698 : i32
          %get3A_700 = arith.constant 0 : i32
          %get3A_701 = arith.index_cast %get3A_700 : i32 to index
          %get3A_702 = arith.index_cast %mul3A_699 : i32 to index
          %get3A_703 = tpu.vector_load %arg17[%get3A_701, %get3A_702] {strides = array<i32>} : memref<16x768xf32, #tpu.memory_space<vmem>>, vector<16xf32>,
          %mul3A_704 = arith.mulf %gather3A_308, %get3A_703 : vector<16xf32>
          %get3A_705 = arith.constant 1 : i32
          %get3A_706 = arith.index_cast %get3A_705 : i32 to index
          %get3A_707 = arith.index_cast %mul3A_699 : i32 to index
          %get3A_708 = tpu.vector_load %arg17[%get3A_706, %get3A_707] {strides = array<i32>} : memref<16x768xf32, #tpu.memory_space<vmem>>, vector<16xf32>,
          %mul3A_709 = arith.mulf %gather3A_309, %get3A_708 : vector<16xf32>
          %add3A_710 = arith.addf %mul3A_704, %mul3A_709 : vector<16xf32>
          %get3A_711 = arith.constant 2 : i32
          %get3A_712 = arith.index_cast %get3A_711 : i32 to index
          %get3A_713 = arith.index_cast %mul3A_699 : i32 to index
          %get3A_714 = tpu.vector_load %arg17[%get3A_712, %get3A_713] {strides = array<i32>} : memref<16x768xf32, #tpu.memory_space<vmem>>, vector<16xf32>,
          %mul3A_715 = arith.mulf %gather3A_310, %get3A_714 : vector<16xf32>
          %add3A_716 = arith.addf %add3A_710, %mul3A_715 : vector<16xf32>
          %get3A_717 = arith.constant 3 : i32
          %get3A_718 = arith.index_cast %get3A_717 : i32 to index
          %get3A_719 = arith.index_cast %mul3A_699 : i32 to index
          %get3A_720 = tpu.vector_load %arg17[%get3A_718, %get3A_719] {strides = array<i32>} : memref<16x768xf32, #tpu.memory_space<vmem>>, vector<16xf32>,
          %mul3A_721 = arith.mulf %gather3A_311, %get3A_720 : vector<16xf32>
          %add3A_722 = arith.addf %add3A_716, %mul3A_721 : vector<16xf32>
          %get3A_723 = arith.constant 4 : i32
          %get3A_724 = arith.index_cast %get3A_723 : i32 to index
          %get3A_725 = arith.index_cast %mul3A_699 : i32 to index
          %get3A_726 = tpu.vector_load %arg17[%get3A_724, %get3A_725] {strides = array<i32>} : memref<16x768xf32, #tpu.memory_space<vmem>>, vector<16xf32>,
          %mul3A_727 = arith.mulf %gather3A_312, %get3A_726 : vector<16xf32>
          %add3A_728 = arith.addf %add3A_722, %mul3A_727 : vector<16xf32>
          %get3A_729 = arith.constant 5 : i32
          %get3A_730 = arith.index_cast %get3A_729 : i32 to index
          %get3A_731 = arith.index_cast %mul3A_699 : i32 to index
          %get3A_732 = tpu.vector_load %arg17[%get3A_730, %get3A_731] {strides = array<i32>} : memref<16x768xf32, #tpu.memory_space<vmem>>, vector<16xf32>,
          %mul3A_733 = arith.mulf %gather3A_313, %get3A_732 : vector<16xf32>
          %add3A_734 = arith.addf %add3A_728, %mul3A_733 : vector<16xf32>
          %get3A_735 = arith.constant 6 : i32
          %get3A_736 = arith.index_cast %get3A_735 : i32 to index
          %get3A_737 = arith.index_cast %mul3A_699 : i32 to index
          %get3A_738 = tpu.vector_load %arg17[%get3A_736, %get3A_737] {strides = array<i32>} : memref<16x768xf32, #tpu.memory_space<vmem>>, vector<16xf32>,
          %mul3A_739 = arith.mulf %gather3A_314, %get3A_738 : vector<16xf32>
          %add3A_740 = arith.addf %add3A_734, %mul3A_739 : vector<16xf32>
          %get3A_741 = arith.constant 7 : i32
          %get3A_742 = arith.index_cast %get3A_741 : i32 to index
          %get3A_743 = arith.index_cast %mul3A_699 : i32 to index
          %get3A_744 = tpu.vector_load %arg17[%get3A_742, %get3A_743] {strides = array<i32>} : memref<16x768xf32, #tpu.memory_space<vmem>>, vector<16xf32>,
          %mul3A_745 = arith.mulf %gather3A_315, %get3A_744 : vector<16xf32>
          %add3A_746 = arith.addf %add3A_740, %mul3A_745 : vector<16xf32>
          %get3A_747 = arith.constant 8 : i32
          %get3A_748 = arith.index_cast %get3A_747 : i32 to index
          %get3A_749 = arith.index_cast %mul3A_699 : i32 to index
          %get3A_750 = tpu.vector_load %arg17[%get3A_748, %get3A_749] {strides = array<i32>} : memref<16x768xf32, #tpu.memory_space<vmem>>, vector<16xf32>,
          %mul3A_751 = arith.mulf %gather3A_316, %get3A_750 : vector<16xf32>
          %add3A_752 = arith.addf %add3A_746, %mul3A_751 : vector<16xf32>
          %get3A_753 = arith.constant 9 : i32
          %get3A_754 = arith.index_cast %get3A_753 : i32 to index
          %get3A_755 = arith.index_cast %mul3A_699 : i32 to index
          %get3A_756 = tpu.vector_load %arg17[%get3A_754, %get3A_755] {strides = array<i32>} : memref<16x768xf32, #tpu.memory_space<vmem>>, vector<16xf32>,
          %mul3A_757 = arith.mulf %gather3A_317, %get3A_756 : vector<16xf32>
          %add3A_758 = arith.addf %add3A_752, %mul3A_757 : vector<16xf32>
          %get3A_759 = arith.constant 10 : i32
          %get3A_760 = arith.index_cast %get3A_759 : i32 to index
          %get3A_761 = arith.index_cast %mul3A_699 : i32 to index
          %get3A_762 = tpu.vector_load %arg17[%get3A_760, %get3A_761] {strides = array<i32>} : memref<16x768xf32, #tpu.memory_space<vmem>>, vector<16xf32>,
          %mul3A_763 = arith.mulf %gather3A_318, %get3A_762 : vector<16xf32>
          %add3A_764 = arith.addf %add3A_758, %mul3A_763 : vector<16xf32>
          %get3A_765 = arith.constant 11 : i32
          %get3A_766 = arith.index_cast %get3A_765 : i32 to index
          %get3A_767 = arith.index_cast %mul3A_699 : i32 to index
          %get3A_768 = tpu.vector_load %arg17[%get3A_766, %get3A_767] {strides = array<i32>} : memref<16x768xf32, #tpu.memory_space<vmem>>, vector<16xf32>,
          %mul3A_769 = arith.mulf %gather3A_319, %get3A_768 : vector<16xf32>
          %add3A_770 = arith.addf %add3A_764, %mul3A_769 : vector<16xf32>
          %get3A_771 = arith.constant 12 : i32
          %get3A_772 = arith.index_cast %get3A_771 : i32 to index
          %get3A_773 = arith.index_cast %mul3A_699 : i32 to index
          %get3A_774 = tpu.vector_load %arg17[%get3A_772, %get3A_773] {strides = array<i32>} : memref<16x768xf32, #tpu.memory_space<vmem>>, vector<16xf32>,
          %mul3A_775 = arith.mulf %gather3A_320, %get3A_774 : vector<16xf32>
          %add3A_776 = arith.addf %add3A_770, %mul3A_775 : vector<16xf32>
          %get3A_777 = arith.constant 13 : i32
          %get3A_778 = arith.index_cast %get3A_777 : i32 to index
          %get3A_779 = arith.index_cast %mul3A_699 : i32 to index
          %get3A_780 = tpu.vector_load %arg17[%get3A_778, %get3A_779] {strides = array<i32>} : memref<16x768xf32, #tpu.memory_space<vmem>>, vector<16xf32>,
          %mul3A_781 = arith.mulf %gather3A_321, %get3A_780 : vector<16xf32>
          %add3A_782 = arith.addf %add3A_776, %mul3A_781 : vector<16xf32>
          %get3A_783 = arith.constant 14 : i32
          %get3A_784 = arith.index_cast %get3A_783 : i32 to index
          %get3A_785 = arith.index_cast %mul3A_699 : i32 to index
          %get3A_786 = tpu.vector_load %arg17[%get3A_784, %get3A_785] {strides = array<i32>} : memref<16x768xf32, #tpu.memory_space<vmem>>, vector<16xf32>,
          %mul3A_787 = arith.mulf %gather3A_322, %get3A_786 : vector<16xf32>
          %add3A_788 = arith.addf %add3A_782, %mul3A_787 : vector<16xf32>
          %get3A_789 = arith.constant 15 : i32
          %get3A_790 = arith.index_cast %get3A_789 : i32 to index
          %get3A_791 = arith.index_cast %mul3A_699 : i32 to index
          %get3A_792 = tpu.vector_load %arg17[%get3A_790, %get3A_791] {strides = array<i32>} : memref<16x768xf32, #tpu.memory_space<vmem>>, vector<16xf32>,
          %mul3A_793 = arith.mulf %gather3A_323, %get3A_792 : vector<16xf32>
          %add3A_794 = arith.addf %add3A_788, %mul3A_793 : vector<16xf32>
          %mul3A_795 = arith.constant 2 : i32
          %mul3A_796 = arith.muli %mul3A_795, %scan3A_581 : i32
          %add3A_797 = arith.constant 1 : i32
          %add3A_798 = arith.addi %mul3A_796, %add3A_797 : i32
          %mul3A_799 = arith.constant 16 : i32
          %mul3A_800 = arith.muli %add3A_798, %mul3A_799 : i32
          %add3A_801 = arith.constant 0 : i32
          %add3A_802 = arith.addi %add3A_801, %mul3A_800 : i32
          %swap3A_803 = arith.index_cast %add3A_802 : i32 to index
          %swap3A_804 = tpu.vector_load %arg21[%swap3A_803] {strides = array<i32>} : memref<5376xf32, #tpu.memory_space<vmem>>, vector<16xf32>,
          tpu.vector_store %arg21[%swap3A_803], %add3A_794 {strides = array<i32>} : memref<5376xf32, #tpu.memory_space<vmem>>, vector<16xf32>,
          %scan3A_805 = arith.constant 0 : i32
          scf.yield %scan3A_805 : i32
        }
        %scan3A_332 = arith.constant 24 : i32
        %add3A_333 = arith.constant 4 : i32
        %add3A_334 = vector.broadcast %add3A_333 : i32 to vector<16xi32>
        %add3A_335 = arith.addi %add3A_334, %shift_right_logical3A_22 : vector<16xi32>
        %add3A_336 = arith.addi %add3A_335, %shift_left3A_28 : vector<16xi32>
        %gather3A_337 = tpu.vector_load_idx %arg9[%add3A_336] : memref<32xi32, #tpu.memory_space<vmem>>[vector<16xi32>], vector<16xi32>,
        %gather3A_338 = tpu.vector_load_idx %arg11[%add3A_336] : memref<32xf32, #tpu.memory_space<vmem>>[vector<16xi32>], vector<16xf32>,
        %add3A_339 = arith.addi %add3A_274, %gather3A_337 : vector<16xi32>
        %mul3A_340 = arith.mulf %gather3A_267, %gather3A_338 : vector<16xf32>
        %mul3A_341 = arith.constant 2.500000e-01 : f32
        %mul3A_342 = vector.broadcast %mul3A_341 : f32 to vector<16xf32>
        %mul3A_343 = arith.mulf %mul3A_340, %mul3A_342 : vector<16xf32>
        %swap3A_344 = arith.constant 0 : index
        %swap3A_345 = tpu.vector_load %arg13[%swap3A_344] {strides = array<i32>} : memref<16xi32, #tpu.memory_space<vmem>>, vector<16xi32>,
        tpu.vector_store %arg13[%swap3A_344], %add3A_339 {strides = array<i32>} : memref<16xi32, #tpu.memory_space<vmem>>, vector<16xi32>,
        %dma_start3A_346 = arith.constant 0 : i32
        %dma_start3A_347 = arith.constant 0 : i32
        %dma_start3A_348 = tpu.memref_slice %arg2[%dma_start3A_346, %dma_start3A_347] : memref<2400x768xf32, #tpu.memory_space<hbm>> -> memref<2400x768xf32, #tpu.memory_space<hbm>>
        tpu.enqueue_indirect_dma source(%dma_start3A_348 : memref<2400x768xf32, #tpu.memory_space<hbm>>) target(%arg17 : memref<16x768xf32, #tpu.memory_space<vmem>>) offsets(%arg13 : memref<16xi32, #tpu.memory_space<vmem>>) semaphore(%arg22 : memref<!tpu.dma_semaphore, #tpu.memory_space<semaphore_mem>>)
        %swap3A_349 = arith.constant 16 : index
        %swap3A_350 = tpu.vector_load %arg12[%swap3A_349] {strides = array<i32>} : memref<32xf32, #tpu.memory_space<vmem>>, vector<16xf32>,
        tpu.vector_store %arg12[%swap3A_349], %mul3A_300 {strides = array<i32>} : memref<32xf32, #tpu.memory_space<vmem>>, vector<16xf32>,
        %gather3A_351 = tpu.vector_load_idx %arg12[%broadcast_in_dim3A_61] : memref<32xf32, #tpu.memory_space<vmem>>[vector<16xi32>], vector<16xf32>,
        %gather3A_352 = tpu.vector_load_idx %arg12[%broadcast_in_dim3A_63] : memref<32xf32, #tpu.memory_space<vmem>>[vector<16xi32>], vector<16xf32>,
        %gather3A_353 = tpu.vector_load_idx %arg12[%broadcast_in_dim3A_65] : memref<32xf32, #tpu.memory_space<vmem>>[vector<16xi32>], vector<16xf32>,
        %gather3A_354 = tpu.vector_load_idx %arg12[%broadcast_in_dim3A_67] : memref<32xf32, #tpu.memory_space<vmem>>[vector<16xi32>], vector<16xf32>,
        %gather3A_355 = tpu.vector_load_idx %arg12[%broadcast_in_dim3A_69] : memref<32xf32, #tpu.memory_space<vmem>>[vector<16xi32>], vector<16xf32>,
        %gather3A_356 = tpu.vector_load_idx %arg12[%broadcast_in_dim3A_71] : memref<32xf32, #tpu.memory_space<vmem>>[vector<16xi32>], vector<16xf32>,
        %gather3A_357 = tpu.vector_load_idx %arg12[%broadcast_in_dim3A_73] : memref<32xf32, #tpu.memory_space<vmem>>[vector<16xi32>], vector<16xf32>,
        %gather3A_358 = tpu.vector_load_idx %arg12[%broadcast_in_dim3A_75] : memref<32xf32, #tpu.memory_space<vmem>>[vector<16xi32>], vector<16xf32>,
        %gather3A_359 = tpu.vector_load_idx %arg12[%broadcast_in_dim3A_77] : memref<32xf32, #tpu.memory_space<vmem>>[vector<16xi32>], vector<16xf32>,
        %gather3A_360 = tpu.vector_load_idx %arg12[%broadcast_in_dim3A_79] : memref<32xf32, #tpu.memory_space<vmem>>[vector<16xi32>], vector<16xf32>,
        %gather3A_361 = tpu.vector_load_idx %arg12[%broadcast_in_dim3A_81] : memref<32xf32, #tpu.memory_space<vmem>>[vector<16xi32>], vector<16xf32>,
        %gather3A_362 = tpu.vector_load_idx %arg12[%broadcast_in_dim3A_83] : memref<32xf32, #tpu.memory_space<vmem>>[vector<16xi32>], vector<16xf32>,
        %gather3A_363 = tpu.vector_load_idx %arg12[%broadcast_in_dim3A_85] : memref<32xf32, #tpu.memory_space<vmem>>[vector<16xi32>], vector<16xf32>,
        %gather3A_364 = tpu.vector_load_idx %arg12[%broadcast_in_dim3A_87] : memref<32xf32, #tpu.memory_space<vmem>>[vector<16xi32>], vector<16xf32>,
        %gather3A_365 = tpu.vector_load_idx %arg12[%broadcast_in_dim3A_89] : memref<32xf32, #tpu.memory_space<vmem>>[vector<16xi32>], vector<16xf32>,
        %gather3A_366 = tpu.vector_load_idx %arg12[%broadcast_in_dim3A_91] : memref<32xf32, #tpu.memory_space<vmem>>[vector<16xi32>], vector<16xf32>,
        %dma_wait3A_367 = arith.constant 0 : i32
        %dma_wait3A_368 = arith.constant 0 : i32
        %dma_wait3A_369 = tpu.memref_slice %arg2[%dma_wait3A_367, %dma_wait3A_368] : memref<2400x768xf32, #tpu.memory_space<hbm>> -> memref<2400x768xf32, #tpu.memory_space<hbm>>
        tpu.wait_indirect_dma semaphore(%arg23 : memref<!tpu.dma_semaphore, #tpu.memory_space<semaphore_mem>>) src(%dma_wait3A_369 : memref<2400x768xf32, #tpu.memory_space<hbm>>) dst(%arg18 : memref<16x768xf32, #tpu.memory_space<vmem>>)
        %scan3A_370 = arith.constant 0 : i32
        %scan3A_371 = arith.constant 0 : i32
        %scan3A_372 = arith.constant 24 : i32
        %scan3A_373 = arith.addi %scan3A_371, %scan3A_372 : i32
        %scan3A_374 = arith.constant 1 : i32
        %scan3A_375 = scf.for %scan3A_581 = %scan3A_371 to %scan3A_373 step %scan3A_374 iter_args(%scan3A_582 = %scan3A_370) -> (i32)  : i32 {
          %mul3A_583 = arith.constant 2 : i32
          %mul3A_584 = arith.muli %mul3A_583, %scan3A_581 : i32
          %add3A_585 = arith.constant 0 : i32
          %add3A_586 = arith.addi %mul3A_584, %add3A_585 : i32
          %mul3A_587 = arith.constant 16 : i32
          %mul3A_588 = arith.muli %add3A_586, %mul3A_587 : i32
          %get3A_589 = arith.constant 0 : i32
          %get3A_590 = arith.index_cast %get3A_589 : i32 to index
          %get3A_591 = arith.index_cast %mul3A_588 : i32 to index
          %get3A_592 = tpu.vector_load %arg18[%get3A_590, %get3A_591] {strides = array<i32>} : memref<16x768xf32, #tpu.memory_space<vmem>>, vector<16xf32>,
          %mul3A_593 = arith.mulf %gather3A_351, %get3A_592 : vector<16xf32>
          %get3A_594 = arith.constant 1 : i32
          %get3A_595 = arith.index_cast %get3A_594 : i32 to index
          %get3A_596 = arith.index_cast %mul3A_588 : i32 to index
          %get3A_597 = tpu.vector_load %arg18[%get3A_595, %get3A_596] {strides = array<i32>} : memref<16x768xf32, #tpu.memory_space<vmem>>, vector<16xf32>,
          %mul3A_598 = arith.mulf %gather3A_352, %get3A_597 : vector<16xf32>
          %add3A_599 = arith.addf %mul3A_593, %mul3A_598 : vector<16xf32>
          %get3A_600 = arith.constant 2 : i32
          %get3A_601 = arith.index_cast %get3A_600 : i32 to index
          %get3A_602 = arith.index_cast %mul3A_588 : i32 to index
          %get3A_603 = tpu.vector_load %arg18[%get3A_601, %get3A_602] {strides = array<i32>} : memref<16x768xf32, #tpu.memory_space<vmem>>, vector<16xf32>,
          %mul3A_604 = arith.mulf %gather3A_353, %get3A_603 : vector<16xf32>
          %add3A_605 = arith.addf %add3A_599, %mul3A_604 : vector<16xf32>
          %get3A_606 = arith.constant 3 : i32
          %get3A_607 = arith.index_cast %get3A_606 : i32 to index
          %get3A_608 = arith.index_cast %mul3A_588 : i32 to index
          %get3A_609 = tpu.vector_load %arg18[%get3A_607, %get3A_608] {strides = array<i32>} : memref<16x768xf32, #tpu.memory_space<vmem>>, vector<16xf32>,
          %mul3A_610 = arith.mulf %gather3A_354, %get3A_609 : vector<16xf32>
          %add3A_611 = arith.addf %add3A_605, %mul3A_610 : vector<16xf32>
          %get3A_612 = arith.constant 4 : i32
          %get3A_613 = arith.index_cast %get3A_612 : i32 to index
          %get3A_614 = arith.index_cast %mul3A_588 : i32 to index
          %get3A_615 = tpu.vector_load %arg18[%get3A_613, %get3A_614] {strides = array<i32>} : memref<16x768xf32, #tpu.memory_space<vmem>>, vector<16xf32>,
          %mul3A_616 = arith.mulf %gather3A_355, %get3A_615 : vector<16xf32>
          %add3A_617 = arith.addf %add3A_611, %mul3A_616 : vector<16xf32>
          %get3A_618 = arith.constant 5 : i32
          %get3A_619 = arith.index_cast %get3A_618 : i32 to index
          %get3A_620 = arith.index_cast %mul3A_588 : i32 to index
          %get3A_621 = tpu.vector_load %arg18[%get3A_619, %get3A_620] {strides = array<i32>} : memref<16x768xf32, #tpu.memory_space<vmem>>, vector<16xf32>,
          %mul3A_622 = arith.mulf %gather3A_356, %get3A_621 : vector<16xf32>
          %add3A_623 = arith.addf %add3A_617, %mul3A_622 : vector<16xf32>
          %get3A_624 = arith.constant 6 : i32
          %get3A_625 = arith.index_cast %get3A_624 : i32 to index
          %get3A_626 = arith.index_cast %mul3A_588 : i32 to index
          %get3A_627 = tpu.vector_load %arg18[%get3A_625, %get3A_626] {strides = array<i32>} : memref<16x768xf32, #tpu.memory_space<vmem>>, vector<16xf32>,
          %mul3A_628 = arith.mulf %gather3A_357, %get3A_627 : vector<16xf32>
          %add3A_629 = arith.addf %add3A_623, %mul3A_628 : vector<16xf32>
          %get3A_630 = arith.constant 7 : i32
          %get3A_631 = arith.index_cast %get3A_630 : i32 to index
          %get3A_632 = arith.index_cast %mul3A_588 : i32 to index
          %get3A_633 = tpu.vector_load %arg18[%get3A_631, %get3A_632] {strides = array<i32>} : memref<16x768xf32, #tpu.memory_space<vmem>>, vector<16xf32>,
          %mul3A_634 = arith.mulf %gather3A_358, %get3A_633 : vector<16xf32>
          %add3A_635 = arith.addf %add3A_629, %mul3A_634 : vector<16xf32>
          %get3A_636 = arith.constant 8 : i32
          %get3A_637 = arith.index_cast %get3A_636 : i32 to index
          %get3A_638 = arith.index_cast %mul3A_588 : i32 to index
          %get3A_639 = tpu.vector_load %arg18[%get3A_637, %get3A_638] {strides = array<i32>} : memref<16x768xf32, #tpu.memory_space<vmem>>, vector<16xf32>,
          %mul3A_640 = arith.mulf %gather3A_359, %get3A_639 : vector<16xf32>
          %add3A_641 = arith.addf %add3A_635, %mul3A_640 : vector<16xf32>
          %get3A_642 = arith.constant 9 : i32
          %get3A_643 = arith.index_cast %get3A_642 : i32 to index
          %get3A_644 = arith.index_cast %mul3A_588 : i32 to index
          %get3A_645 = tpu.vector_load %arg18[%get3A_643, %get3A_644] {strides = array<i32>} : memref<16x768xf32, #tpu.memory_space<vmem>>, vector<16xf32>,
          %mul3A_646 = arith.mulf %gather3A_360, %get3A_645 : vector<16xf32>
          %add3A_647 = arith.addf %add3A_641, %mul3A_646 : vector<16xf32>
          %get3A_648 = arith.constant 10 : i32
          %get3A_649 = arith.index_cast %get3A_648 : i32 to index
          %get3A_650 = arith.index_cast %mul3A_588 : i32 to index
          %get3A_651 = tpu.vector_load %arg18[%get3A_649, %get3A_650] {strides = array<i32>} : memref<16x768xf32, #tpu.memory_space<vmem>>, vector<16xf32>,
          %mul3A_652 = arith.mulf %gather3A_361, %get3A_651 : vector<16xf32>
          %add3A_653 = arith.addf %add3A_647, %mul3A_652 : vector<16xf32>
          %get3A_654 = arith.constant 11 : i32
          %get3A_655 = arith.index_cast %get3A_654 : i32 to index
          %get3A_656 = arith.index_cast %mul3A_588 : i32 to index
          %get3A_657 = tpu.vector_load %arg18[%get3A_655, %get3A_656] {strides = array<i32>} : memref<16x768xf32, #tpu.memory_space<vmem>>, vector<16xf32>,
          %mul3A_658 = arith.mulf %gather3A_362, %get3A_657 : vector<16xf32>
          %add3A_659 = arith.addf %add3A_653, %mul3A_658 : vector<16xf32>
          %get3A_660 = arith.constant 12 : i32
          %get3A_661 = arith.index_cast %get3A_660 : i32 to index
          %get3A_662 = arith.index_cast %mul3A_588 : i32 to index
          %get3A_663 = tpu.vector_load %arg18[%get3A_661, %get3A_662] {strides = array<i32>} : memref<16x768xf32, #tpu.memory_space<vmem>>, vector<16xf32>,
          %mul3A_664 = arith.mulf %gather3A_363, %get3A_663 : vector<16xf32>
          %add3A_665 = arith.addf %add3A_659, %mul3A_664 : vector<16xf32>
          %get3A_666 = arith.constant 13 : i32
          %get3A_667 = arith.index_cast %get3A_666 : i32 to index
          %get3A_668 = arith.index_cast %mul3A_588 : i32 to index
          %get3A_669 = tpu.vector_load %arg18[%get3A_667, %get3A_668] {strides = array<i32>} : memref<16x768xf32, #tpu.memory_space<vmem>>, vector<16xf32>,
          %mul3A_670 = arith.mulf %gather3A_364, %get3A_669 : vector<16xf32>
          %add3A_671 = arith.addf %add3A_665, %mul3A_670 : vector<16xf32>
          %get3A_672 = arith.constant 14 : i32
          %get3A_673 = arith.index_cast %get3A_672 : i32 to index
          %get3A_674 = arith.index_cast %mul3A_588 : i32 to index
          %get3A_675 = tpu.vector_load %arg18[%get3A_673, %get3A_674] {strides = array<i32>} : memref<16x768xf32, #tpu.memory_space<vmem>>, vector<16xf32>,
          %mul3A_676 = arith.mulf %gather3A_365, %get3A_675 : vector<16xf32>
          %add3A_677 = arith.addf %add3A_671, %mul3A_676 : vector<16xf32>
          %get3A_678 = arith.constant 15 : i32
          %get3A_679 = arith.index_cast %get3A_678 : i32 to index
          %get3A_680 = arith.index_cast %mul3A_588 : i32 to index
          %get3A_681 = tpu.vector_load %arg18[%get3A_679, %get3A_680] {strides = array<i32>} : memref<16x768xf32, #tpu.memory_space<vmem>>, vector<16xf32>,
          %mul3A_682 = arith.mulf %gather3A_366, %get3A_681 : vector<16xf32>
          %add3A_683 = arith.addf %add3A_677, %mul3A_682 : vector<16xf32>
          %mul3A_684 = arith.constant 2 : i32
          %mul3A_685 = arith.muli %mul3A_684, %scan3A_581 : i32
          %add3A_686 = arith.constant 0 : i32
          %add3A_687 = arith.addi %mul3A_685, %add3A_686 : i32
          %mul3A_688 = arith.constant 16 : i32
          %mul3A_689 = arith.muli %add3A_687, %mul3A_688 : i32
          %add3A_690 = arith.constant 768 : i32
          %add3A_691 = arith.addi %add3A_690, %mul3A_689 : i32
          %swap3A_692 = arith.index_cast %add3A_691 : i32 to index
          %swap3A_693 = tpu.vector_load %arg21[%swap3A_692] {strides = array<i32>} : memref<5376xf32, #tpu.memory_space<vmem>>, vector<16xf32>,
          tpu.vector_store %arg21[%swap3A_692], %add3A_683 {strides = array<i32>} : memref<5376xf32, #tpu.memory_space<vmem>>, vector<16xf32>,
          %mul3A_694 = arith.constant 2 : i32
          %mul3A_695 = arith.muli %mul3A_694, %scan3A_581 : i32
          %add3A_696 = arith.constant 1 : i32
          %add3A_697 = arith.addi %mul3A_695, %add3A_696 : i32
          %mul3A_698 = arith.constant 16 : i32
          %mul3A_699 = arith.muli %add3A_697, %mul3A_698 : i32
          %get3A_700 = arith.constant 0 : i32
          %get3A_701 = arith.index_cast %get3A_700 : i32 to index
          %get3A_702 = arith.index_cast %mul3A_699 : i32 to index
          %get3A_703 = tpu.vector_load %arg18[%get3A_701, %get3A_702] {strides = array<i32>} : memref<16x768xf32, #tpu.memory_space<vmem>>, vector<16xf32>,
          %mul3A_704 = arith.mulf %gather3A_351, %get3A_703 : vector<16xf32>
          %get3A_705 = arith.constant 1 : i32
          %get3A_706 = arith.index_cast %get3A_705 : i32 to index
          %get3A_707 = arith.index_cast %mul3A_699 : i32 to index
          %get3A_708 = tpu.vector_load %arg18[%get3A_706, %get3A_707] {strides = array<i32>} : memref<16x768xf32, #tpu.memory_space<vmem>>, vector<16xf32>,
          %mul3A_709 = arith.mulf %gather3A_352, %get3A_708 : vector<16xf32>
          %add3A_710 = arith.addf %mul3A_704, %mul3A_709 : vector<16xf32>
          %get3A_711 = arith.constant 2 : i32
          %get3A_712 = arith.index_cast %get3A_711 : i32 to index
          %get3A_713 = arith.index_cast %mul3A_699 : i32 to index
          %get3A_714 = tpu.vector_load %arg18[%get3A_712, %get3A_713] {strides = array<i32>} : memref<16x768xf32, #tpu.memory_space<vmem>>, vector<16xf32>,
          %mul3A_715 = arith.mulf %gather3A_353, %get3A_714 : vector<16xf32>
          %add3A_716 = arith.addf %add3A_710, %mul3A_715 : vector<16xf32>
          %get3A_717 = arith.constant 3 : i32
          %get3A_718 = arith.index_cast %get3A_717 : i32 to index
          %get3A_719 = arith.index_cast %mul3A_699 : i32 to index
          %get3A_720 = tpu.vector_load %arg18[%get3A_718, %get3A_719] {strides = array<i32>} : memref<16x768xf32, #tpu.memory_space<vmem>>, vector<16xf32>,
          %mul3A_721 = arith.mulf %gather3A_354, %get3A_720 : vector<16xf32>
          %add3A_722 = arith.addf %add3A_716, %mul3A_721 : vector<16xf32>
          %get3A_723 = arith.constant 4 : i32
          %get3A_724 = arith.index_cast %get3A_723 : i32 to index
          %get3A_725 = arith.index_cast %mul3A_699 : i32 to index
          %get3A_726 = tpu.vector_load %arg18[%get3A_724, %get3A_725] {strides = array<i32>} : memref<16x768xf32, #tpu.memory_space<vmem>>, vector<16xf32>,
          %mul3A_727 = arith.mulf %gather3A_355, %get3A_726 : vector<16xf32>
          %add3A_728 = arith.addf %add3A_722, %mul3A_727 : vector<16xf32>
          %get3A_729 = arith.constant 5 : i32
          %get3A_730 = arith.index_cast %get3A_729 : i32 to index
          %get3A_731 = arith.index_cast %mul3A_699 : i32 to index
          %get3A_732 = tpu.vector_load %arg18[%get3A_730, %get3A_731] {strides = array<i32>} : memref<16x768xf32, #tpu.memory_space<vmem>>, vector<16xf32>,
          %mul3A_733 = arith.mulf %gather3A_356, %get3A_732 : vector<16xf32>
          %add3A_734 = arith.addf %add3A_728, %mul3A_733 : vector<16xf32>
          %get3A_735 = arith.constant 6 : i32
          %get3A_736 = arith.index_cast %get3A_735 : i32 to index
          %get3A_737 = arith.index_cast %mul3A_699 : i32 to index
          %get3A_738 = tpu.vector_load %arg18[%get3A_736, %get3A_737] {strides = array<i32>} : memref<16x768xf32, #tpu.memory_space<vmem>>, vector<16xf32>,
          %mul3A_739 = arith.mulf %gather3A_357, %get3A_738 : vector<16xf32>
          %add3A_740 = arith.addf %add3A_734, %mul3A_739 : vector<16xf32>
          %get3A_741 = arith.constant 7 : i32
          %get3A_742 = arith.index_cast %get3A_741 : i32 to index
          %get3A_743 = arith.index_cast %mul3A_699 : i32 to index
          %get3A_744 = tpu.vector_load %arg18[%get3A_742, %get3A_743] {strides = array<i32>} : memref<16x768xf32, #tpu.memory_space<vmem>>, vector<16xf32>,
          %mul3A_745 = arith.mulf %gather3A_358, %get3A_744 : vector<16xf32>
          %add3A_746 = arith.addf %add3A_740, %mul3A_745 : vector<16xf32>
          %get3A_747 = arith.constant 8 : i32
          %get3A_748 = arith.index_cast %get3A_747 : i32 to index
          %get3A_749 = arith.index_cast %mul3A_699 : i32 to index
          %get3A_750 = tpu.vector_load %arg18[%get3A_748, %get3A_749] {strides = array<i32>} : memref<16x768xf32, #tpu.memory_space<vmem>>, vector<16xf32>,
          %mul3A_751 = arith.mulf %gather3A_359, %get3A_750 : vector<16xf32>
          %add3A_752 = arith.addf %add3A_746, %mul3A_751 : vector<16xf32>
          %get3A_753 = arith.constant 9 : i32
          %get3A_754 = arith.index_cast %get3A_753 : i32 to index
          %get3A_755 = arith.index_cast %mul3A_699 : i32 to index
          %get3A_756 = tpu.vector_load %arg18[%get3A_754, %get3A_755] {strides = array<i32>} : memref<16x768xf32, #tpu.memory_space<vmem>>, vector<16xf32>,
          %mul3A_757 = arith.mulf %gather3A_360, %get3A_756 : vector<16xf32>
          %add3A_758 = arith.addf %add3A_752, %mul3A_757 : vector<16xf32>
          %get3A_759 = arith.constant 10 : i32
          %get3A_760 = arith.index_cast %get3A_759 : i32 to index
          %get3A_761 = arith.index_cast %mul3A_699 : i32 to index
          %get3A_762 = tpu.vector_load %arg18[%get3A_760, %get3A_761] {strides = array<i32>} : memref<16x768xf32, #tpu.memory_space<vmem>>, vector<16xf32>,
          %mul3A_763 = arith.mulf %gather3A_361, %get3A_762 : vector<16xf32>
          %add3A_764 = arith.addf %add3A_758, %mul3A_763 : vector<16xf32>
          %get3A_765 = arith.constant 11 : i32
          %get3A_766 = arith.index_cast %get3A_765 : i32 to index
          %get3A_767 = arith.index_cast %mul3A_699 : i32 to index
          %get3A_768 = tpu.vector_load %arg18[%get3A_766, %get3A_767] {strides = array<i32>} : memref<16x768xf32, #tpu.memory_space<vmem>>, vector<16xf32>,
          %mul3A_769 = arith.mulf %gather3A_362, %get3A_768 : vector<16xf32>
          %add3A_770 = arith.addf %add3A_764, %mul3A_769 : vector<16xf32>
          %get3A_771 = arith.constant 12 : i32
          %get3A_772 = arith.index_cast %get3A_771 : i32 to index
          %get3A_773 = arith.index_cast %mul3A_699 : i32 to index
          %get3A_774 = tpu.vector_load %arg18[%get3A_772, %get3A_773] {strides = array<i32>} : memref<16x768xf32, #tpu.memory_space<vmem>>, vector<16xf32>,
          %mul3A_775 = arith.mulf %gather3A_363, %get3A_774 : vector<16xf32>
          %add3A_776 = arith.addf %add3A_770, %mul3A_775 : vector<16xf32>
          %get3A_777 = arith.constant 13 : i32
          %get3A_778 = arith.index_cast %get3A_777 : i32 to index
          %get3A_779 = arith.index_cast %mul3A_699 : i32 to index
          %get3A_780 = tpu.vector_load %arg18[%get3A_778, %get3A_779] {strides = array<i32>} : memref<16x768xf32, #tpu.memory_space<vmem>>, vector<16xf32>,
          %mul3A_781 = arith.mulf %gather3A_364, %get3A_780 : vector<16xf32>
          %add3A_782 = arith.addf %add3A_776, %mul3A_781 : vector<16xf32>
          %get3A_783 = arith.constant 14 : i32
          %get3A_784 = arith.index_cast %get3A_783 : i32 to index
          %get3A_785 = arith.index_cast %mul3A_699 : i32 to index
          %get3A_786 = tpu.vector_load %arg18[%get3A_784, %get3A_785] {strides = array<i32>} : memref<16x768xf32, #tpu.memory_space<vmem>>, vector<16xf32>,
          %mul3A_787 = arith.mulf %gather3A_365, %get3A_786 : vector<16xf32>
          %add3A_788 = arith.addf %add3A_782, %mul3A_787 : vector<16xf32>
          %get3A_789 = arith.constant 15 : i32
          %get3A_790 = arith.index_cast %get3A_789 : i32 to index
          %get3A_791 = arith.index_cast %mul3A_699 : i32 to index
          %get3A_792 = tpu.vector_load %arg18[%get3A_790, %get3A_791] {strides = array<i32>} : memref<16x768xf32, #tpu.memory_space<vmem>>, vector<16xf32>,
          %mul3A_793 = arith.mulf %gather3A_366, %get3A_792 : vector<16xf32>
          %add3A_794 = arith.addf %add3A_788, %mul3A_793 : vector<16xf32>
          %mul3A_795 = arith.constant 2 : i32
          %mul3A_796 = arith.muli %mul3A_795, %scan3A_581 : i32
          %add3A_797 = arith.constant 1 : i32
          %add3A_798 = arith.addi %mul3A_796, %add3A_797 : i32
          %mul3A_799 = arith.constant 16 : i32
          %mul3A_800 = arith.muli %add3A_798, %mul3A_799 : i32
          %add3A_801 = arith.constant 768 : i32
          %add3A_802 = arith.addi %add3A_801, %mul3A_800 : i32
          %swap3A_803 = arith.index_cast %add3A_802 : i32 to index
          %swap3A_804 = tpu.vector_load %arg21[%swap3A_803] {strides = array<i32>} : memref<5376xf32, #tpu.memory_space<vmem>>, vector<16xf32>,
          tpu.vector_store %arg21[%swap3A_803], %add3A_794 {strides = array<i32>} : memref<5376xf32, #tpu.memory_space<vmem>>, vector<16xf32>,
          %scan3A_805 = arith.constant 0 : i32
          scf.yield %scan3A_805 : i32
        }
        %scan3A_376 = arith.constant 24 : i32
        %add3A_377 = arith.constant 6 : i32
        %add3A_378 = vector.broadcast %add3A_377 : i32 to vector<16xi32>
        %add3A_379 = arith.addi %add3A_378, %shift_right_logical3A_22 : vector<16xi32>
        %add3A_380 = arith.addi %add3A_379, %shift_left3A_28 : vector<16xi32>
        %gather3A_381 = tpu.vector_load_idx %arg9[%add3A_380] : memref<32xi32, #tpu.memory_space<vmem>>[vector<16xi32>], vector<16xi32>,
        %gather3A_382 = tpu.vector_load_idx %arg11[%add3A_380] : memref<32xf32, #tpu.memory_space<vmem>>[vector<16xi32>], vector<16xf32>,
        %add3A_383 = arith.addi %add3A_274, %gather3A_381 : vector<16xi32>
        %mul3A_384 = arith.mulf %gather3A_267, %gather3A_382 : vector<16xf32>
        %mul3A_385 = arith.constant 2.500000e-01 : f32
        %mul3A_386 = vector.broadcast %mul3A_385 : f32 to vector<16xf32>
        %mul3A_387 = arith.mulf %mul3A_384, %mul3A_386 : vector<16xf32>
        %swap3A_388 = arith.constant 0 : index
        %swap3A_389 = tpu.vector_load %arg14[%swap3A_388] {strides = array<i32>} : memref<16xi32, #tpu.memory_space<vmem>>, vector<16xi32>,
        tpu.vector_store %arg14[%swap3A_388], %add3A_383 {strides = array<i32>} : memref<16xi32, #tpu.memory_space<vmem>>, vector<16xi32>,
        %dma_start3A_390 = arith.constant 0 : i32
        %dma_start3A_391 = arith.constant 0 : i32
        %dma_start3A_392 = tpu.memref_slice %arg2[%dma_start3A_390, %dma_start3A_391] : memref<2400x768xf32, #tpu.memory_space<hbm>> -> memref<2400x768xf32, #tpu.memory_space<hbm>>
        tpu.enqueue_indirect_dma source(%dma_start3A_392 : memref<2400x768xf32, #tpu.memory_space<hbm>>) target(%arg18 : memref<16x768xf32, #tpu.memory_space<vmem>>) offsets(%arg14 : memref<16xi32, #tpu.memory_space<vmem>>) semaphore(%arg23 : memref<!tpu.dma_semaphore, #tpu.memory_space<semaphore_mem>>)
        %swap3A_393 = arith.constant 16 : index
        %swap3A_394 = tpu.vector_load %arg12[%swap3A_393] {strides = array<i32>} : memref<32xf32, #tpu.memory_space<vmem>>, vector<16xf32>,
        tpu.vector_store %arg12[%swap3A_393], %mul3A_343 {strides = array<i32>} : memref<32xf32, #tpu.memory_space<vmem>>, vector<16xf32>,
        %gather3A_395 = tpu.vector_load_idx %arg12[%broadcast_in_dim3A_61] : memref<32xf32, #tpu.memory_space<vmem>>[vector<16xi32>], vector<16xf32>,
        %gather3A_396 = tpu.vector_load_idx %arg12[%broadcast_in_dim3A_63] : memref<32xf32, #tpu.memory_space<vmem>>[vector<16xi32>], vector<16xf32>,
        %gather3A_397 = tpu.vector_load_idx %arg12[%broadcast_in_dim3A_65] : memref<32xf32, #tpu.memory_space<vmem>>[vector<16xi32>], vector<16xf32>,
        %gather3A_398 = tpu.vector_load_idx %arg12[%broadcast_in_dim3A_67] : memref<32xf32, #tpu.memory_space<vmem>>[vector<16xi32>], vector<16xf32>,
        %gather3A_399 = tpu.vector_load_idx %arg12[%broadcast_in_dim3A_69] : memref<32xf32, #tpu.memory_space<vmem>>[vector<16xi32>], vector<16xf32>,
        %gather3A_400 = tpu.vector_load_idx %arg12[%broadcast_in_dim3A_71] : memref<32xf32, #tpu.memory_space<vmem>>[vector<16xi32>], vector<16xf32>,
        %gather3A_401 = tpu.vector_load_idx %arg12[%broadcast_in_dim3A_73] : memref<32xf32, #tpu.memory_space<vmem>>[vector<16xi32>], vector<16xf32>,
        %gather3A_402 = tpu.vector_load_idx %arg12[%broadcast_in_dim3A_75] : memref<32xf32, #tpu.memory_space<vmem>>[vector<16xi32>], vector<16xf32>,
        %gather3A_403 = tpu.vector_load_idx %arg12[%broadcast_in_dim3A_77] : memref<32xf32, #tpu.memory_space<vmem>>[vector<16xi32>], vector<16xf32>,
        %gather3A_404 = tpu.vector_load_idx %arg12[%broadcast_in_dim3A_79] : memref<32xf32, #tpu.memory_space<vmem>>[vector<16xi32>], vector<16xf32>,
        %gather3A_405 = tpu.vector_load_idx %arg12[%broadcast_in_dim3A_81] : memref<32xf32, #tpu.memory_space<vmem>>[vector<16xi32>], vector<16xf32>,
        %gather3A_406 = tpu.vector_load_idx %arg12[%broadcast_in_dim3A_83] : memref<32xf32, #tpu.memory_space<vmem>>[vector<16xi32>], vector<16xf32>,
        %gather3A_407 = tpu.vector_load_idx %arg12[%broadcast_in_dim3A_85] : memref<32xf32, #tpu.memory_space<vmem>>[vector<16xi32>], vector<16xf32>,
        %gather3A_408 = tpu.vector_load_idx %arg12[%broadcast_in_dim3A_87] : memref<32xf32, #tpu.memory_space<vmem>>[vector<16xi32>], vector<16xf32>,
        %gather3A_409 = tpu.vector_load_idx %arg12[%broadcast_in_dim3A_89] : memref<32xf32, #tpu.memory_space<vmem>>[vector<16xi32>], vector<16xf32>,
        %gather3A_410 = tpu.vector_load_idx %arg12[%broadcast_in_dim3A_91] : memref<32xf32, #tpu.memory_space<vmem>>[vector<16xi32>], vector<16xf32>,
        %dma_wait3A_411 = arith.constant 0 : i32
        %dma_wait3A_412 = arith.constant 0 : i32
        %dma_wait3A_413 = tpu.memref_slice %arg2[%dma_wait3A_411, %dma_wait3A_412] : memref<2400x768xf32, #tpu.memory_space<hbm>> -> memref<2400x768xf32, #tpu.memory_space<hbm>>
        tpu.wait_indirect_dma semaphore(%arg22 : memref<!tpu.dma_semaphore, #tpu.memory_space<semaphore_mem>>) src(%dma_wait3A_413 : memref<2400x768xf32, #tpu.memory_space<hbm>>) dst(%arg17 : memref<16x768xf32, #tpu.memory_space<vmem>>)
        %scan3A_414 = arith.constant 0 : i32
        %scan3A_415 = arith.constant 0 : i32
        %scan3A_416 = arith.constant 24 : i32
        %scan3A_417 = arith.addi %scan3A_415, %scan3A_416 : i32
        %scan3A_418 = arith.constant 1 : i32
        %scan3A_419 = scf.for %scan3A_581 = %scan3A_415 to %scan3A_417 step %scan3A_418 iter_args(%scan3A_582 = %scan3A_414) -> (i32)  : i32 {
          %mul3A_583 = arith.constant 2 : i32
          %mul3A_584 = arith.muli %mul3A_583, %scan3A_581 : i32
          %add3A_585 = arith.constant 0 : i32
          %add3A_586 = arith.addi %mul3A_584, %add3A_585 : i32
          %mul3A_587 = arith.constant 16 : i32
          %mul3A_588 = arith.muli %add3A_586, %mul3A_587 : i32
          %get3A_589 = arith.constant 0 : i32
          %get3A_590 = arith.index_cast %get3A_589 : i32 to index
          %get3A_591 = arith.index_cast %mul3A_588 : i32 to index
          %get3A_592 = tpu.vector_load %arg17[%get3A_590, %get3A_591] {strides = array<i32>} : memref<16x768xf32, #tpu.memory_space<vmem>>, vector<16xf32>,
          %mul3A_593 = arith.mulf %gather3A_395, %get3A_592 : vector<16xf32>
          %get3A_594 = arith.constant 1 : i32
          %get3A_595 = arith.index_cast %get3A_594 : i32 to index
          %get3A_596 = arith.index_cast %mul3A_588 : i32 to index
          %get3A_597 = tpu.vector_load %arg17[%get3A_595, %get3A_596] {strides = array<i32>} : memref<16x768xf32, #tpu.memory_space<vmem>>, vector<16xf32>,
          %mul3A_598 = arith.mulf %gather3A_396, %get3A_597 : vector<16xf32>
          %add3A_599 = arith.addf %mul3A_593, %mul3A_598 : vector<16xf32>
          %get3A_600 = arith.constant 2 : i32
          %get3A_601 = arith.index_cast %get3A_600 : i32 to index
          %get3A_602 = arith.index_cast %mul3A_588 : i32 to index
          %get3A_603 = tpu.vector_load %arg17[%get3A_601, %get3A_602] {strides = array<i32>} : memref<16x768xf32, #tpu.memory_space<vmem>>, vector<16xf32>,
          %mul3A_604 = arith.mulf %gather3A_397, %get3A_603 : vector<16xf32>
          %add3A_605 = arith.addf %add3A_599, %mul3A_604 : vector<16xf32>
          %get3A_606 = arith.constant 3 : i32
          %get3A_607 = arith.index_cast %get3A_606 : i32 to index
          %get3A_608 = arith.index_cast %mul3A_588 : i32 to index
          %get3A_609 = tpu.vector_load %arg17[%get3A_607, %get3A_608] {strides = array<i32>} : memref<16x768xf32, #tpu.memory_space<vmem>>, vector<16xf32>,
          %mul3A_610 = arith.mulf %gather3A_398, %get3A_609 : vector<16xf32>
          %add3A_611 = arith.addf %add3A_605, %mul3A_610 : vector<16xf32>
          %get3A_612 = arith.constant 4 : i32
          %get3A_613 = arith.index_cast %get3A_612 : i32 to index
          %get3A_614 = arith.index_cast %mul3A_588 : i32 to index
          %get3A_615 = tpu.vector_load %arg17[%get3A_613, %get3A_614] {strides = array<i32>} : memref<16x768xf32, #tpu.memory_space<vmem>>, vector<16xf32>,
          %mul3A_616 = arith.mulf %gather3A_399, %get3A_615 : vector<16xf32>
          %add3A_617 = arith.addf %add3A_611, %mul3A_616 : vector<16xf32>
          %get3A_618 = arith.constant 5 : i32
          %get3A_619 = arith.index_cast %get3A_618 : i32 to index
          %get3A_620 = arith.index_cast %mul3A_588 : i32 to index
          %get3A_621 = tpu.vector_load %arg17[%get3A_619, %get3A_620] {strides = array<i32>} : memref<16x768xf32, #tpu.memory_space<vmem>>, vector<16xf32>,
          %mul3A_622 = arith.mulf %gather3A_400, %get3A_621 : vector<16xf32>
          %add3A_623 = arith.addf %add3A_617, %mul3A_622 : vector<16xf32>
          %get3A_624 = arith.constant 6 : i32
          %get3A_625 = arith.index_cast %get3A_624 : i32 to index
          %get3A_626 = arith.index_cast %mul3A_588 : i32 to index
          %get3A_627 = tpu.vector_load %arg17[%get3A_625, %get3A_626] {strides = array<i32>} : memref<16x768xf32, #tpu.memory_space<vmem>>, vector<16xf32>,
          %mul3A_628 = arith.mulf %gather3A_401, %get3A_627 : vector<16xf32>
          %add3A_629 = arith.addf %add3A_623, %mul3A_628 : vector<16xf32>
          %get3A_630 = arith.constant 7 : i32
          %get3A_631 = arith.index_cast %get3A_630 : i32 to index
          %get3A_632 = arith.index_cast %mul3A_588 : i32 to index
          %get3A_633 = tpu.vector_load %arg17[%get3A_631, %get3A_632] {strides = array<i32>} : memref<16x768xf32, #tpu.memory_space<vmem>>, vector<16xf32>,
          %mul3A_634 = arith.mulf %gather3A_402, %get3A_633 : vector<16xf32>
          %add3A_635 = arith.addf %add3A_629, %mul3A_634 : vector<16xf32>
          %get3A_636 = arith.constant 8 : i32
          %get3A_637 = arith.index_cast %get3A_636 : i32 to index
          %get3A_638 = arith.index_cast %mul3A_588 : i32 to index
          %get3A_639 = tpu.vector_load %arg17[%get3A_637, %get3A_638] {strides = array<i32>} : memref<16x768xf32, #tpu.memory_space<vmem>>, vector<16xf32>,
          %mul3A_640 = arith.mulf %gather3A_403, %get3A_639 : vector<16xf32>
          %add3A_641 = arith.addf %add3A_635, %mul3A_640 : vector<16xf32>
          %get3A_642 = arith.constant 9 : i32
          %get3A_643 = arith.index_cast %get3A_642 : i32 to index
          %get3A_644 = arith.index_cast %mul3A_588 : i32 to index
          %get3A_645 = tpu.vector_load %arg17[%get3A_643, %get3A_644] {strides = array<i32>} : memref<16x768xf32, #tpu.memory_space<vmem>>, vector<16xf32>,
          %mul3A_646 = arith.mulf %gather3A_404, %get3A_645 : vector<16xf32>
          %add3A_647 = arith.addf %add3A_641, %mul3A_646 : vector<16xf32>
          %get3A_648 = arith.constant 10 : i32
          %get3A_649 = arith.index_cast %get3A_648 : i32 to index
          %get3A_650 = arith.index_cast %mul3A_588 : i32 to index
          %get3A_651 = tpu.vector_load %arg17[%get3A_649, %get3A_650] {strides = array<i32>} : memref<16x768xf32, #tpu.memory_space<vmem>>, vector<16xf32>,
          %mul3A_652 = arith.mulf %gather3A_405, %get3A_651 : vector<16xf32>
          %add3A_653 = arith.addf %add3A_647, %mul3A_652 : vector<16xf32>
          %get3A_654 = arith.constant 11 : i32
          %get3A_655 = arith.index_cast %get3A_654 : i32 to index
          %get3A_656 = arith.index_cast %mul3A_588 : i32 to index
          %get3A_657 = tpu.vector_load %arg17[%get3A_655, %get3A_656] {strides = array<i32>} : memref<16x768xf32, #tpu.memory_space<vmem>>, vector<16xf32>,
          %mul3A_658 = arith.mulf %gather3A_406, %get3A_657 : vector<16xf32>
          %add3A_659 = arith.addf %add3A_653, %mul3A_658 : vector<16xf32>
          %get3A_660 = arith.constant 12 : i32
          %get3A_661 = arith.index_cast %get3A_660 : i32 to index
          %get3A_662 = arith.index_cast %mul3A_588 : i32 to index
          %get3A_663 = tpu.vector_load %arg17[%get3A_661, %get3A_662] {strides = array<i32>} : memref<16x768xf32, #tpu.memory_space<vmem>>, vector<16xf32>,
          %mul3A_664 = arith.mulf %gather3A_407, %get3A_663 : vector<16xf32>
          %add3A_665 = arith.addf %add3A_659, %mul3A_664 : vector<16xf32>
          %get3A_666 = arith.constant 13 : i32
          %get3A_667 = arith.index_cast %get3A_666 : i32 to index
          %get3A_668 = arith.index_cast %mul3A_588 : i32 to index
          %get3A_669 = tpu.vector_load %arg17[%get3A_667, %get3A_668] {strides = array<i32>} : memref<16x768xf32, #tpu.memory_space<vmem>>, vector<16xf32>,
          %mul3A_670 = arith.mulf %gather3A_408, %get3A_669 : vector<16xf32>
          %add3A_671 = arith.addf %add3A_665, %mul3A_670 : vector<16xf32>
          %get3A_672 = arith.constant 14 : i32
          %get3A_673 = arith.index_cast %get3A_672 : i32 to index
          %get3A_674 = arith.index_cast %mul3A_588 : i32 to index
          %get3A_675 = tpu.vector_load %arg17[%get3A_673, %get3A_674] {strides = array<i32>} : memref<16x768xf32, #tpu.memory_space<vmem>>, vector<16xf32>,
          %mul3A_676 = arith.mulf %gather3A_409, %get3A_675 : vector<16xf32>
          %add3A_677 = arith.addf %add3A_671, %mul3A_676 : vector<16xf32>
          %get3A_678 = arith.constant 15 : i32
          %get3A_679 = arith.index_cast %get3A_678 : i32 to index
          %get3A_680 = arith.index_cast %mul3A_588 : i32 to index
          %get3A_681 = tpu.vector_load %arg17[%get3A_679, %get3A_680] {strides = array<i32>} : memref<16x768xf32, #tpu.memory_space<vmem>>, vector<16xf32>,
          %mul3A_682 = arith.mulf %gather3A_410, %get3A_681 : vector<16xf32>
          %add3A_683 = arith.addf %add3A_677, %mul3A_682 : vector<16xf32>
          %mul3A_684 = arith.constant 2 : i32
          %mul3A_685 = arith.muli %mul3A_684, %scan3A_581 : i32
          %add3A_686 = arith.constant 0 : i32
          %add3A_687 = arith.addi %mul3A_685, %add3A_686 : i32
          %mul3A_688 = arith.constant 16 : i32
          %mul3A_689 = arith.muli %add3A_687, %mul3A_688 : i32
          %add3A_690 = arith.constant 1536 : i32
          %add3A_691 = arith.addi %add3A_690, %mul3A_689 : i32
          %swap3A_692 = arith.index_cast %add3A_691 : i32 to index
          %swap3A_693 = tpu.vector_load %arg21[%swap3A_692] {strides = array<i32>} : memref<5376xf32, #tpu.memory_space<vmem>>, vector<16xf32>,
          tpu.vector_store %arg21[%swap3A_692], %add3A_683 {strides = array<i32>} : memref<5376xf32, #tpu.memory_space<vmem>>, vector<16xf32>,
          %mul3A_694 = arith.constant 2 : i32
          %mul3A_695 = arith.muli %mul3A_694, %scan3A_581 : i32
          %add3A_696 = arith.constant 1 : i32
          %add3A_697 = arith.addi %mul3A_695, %add3A_696 : i32
          %mul3A_698 = arith.constant 16 : i32
          %mul3A_699 = arith.muli %add3A_697, %mul3A_698 : i32
          %get3A_700 = arith.constant 0 : i32
          %get3A_701 = arith.index_cast %get3A_700 : i32 to index
          %get3A_702 = arith.index_cast %mul3A_699 : i32 to index
          %get3A_703 = tpu.vector_load %arg17[%get3A_701, %get3A_702] {strides = array<i32>} : memref<16x768xf32, #tpu.memory_space<vmem>>, vector<16xf32>,
          %mul3A_704 = arith.mulf %gather3A_395, %get3A_703 : vector<16xf32>
          %get3A_705 = arith.constant 1 : i32
          %get3A_706 = arith.index_cast %get3A_705 : i32 to index
          %get3A_707 = arith.index_cast %mul3A_699 : i32 to index
          %get3A_708 = tpu.vector_load %arg17[%get3A_706, %get3A_707] {strides = array<i32>} : memref<16x768xf32, #tpu.memory_space<vmem>>, vector<16xf32>,
          %mul3A_709 = arith.mulf %gather3A_396, %get3A_708 : vector<16xf32>
          %add3A_710 = arith.addf %mul3A_704, %mul3A_709 : vector<16xf32>
          %get3A_711 = arith.constant 2 : i32
          %get3A_712 = arith.index_cast %get3A_711 : i32 to index
          %get3A_713 = arith.index_cast %mul3A_699 : i32 to index
          %get3A_714 = tpu.vector_load %arg17[%get3A_712, %get3A_713] {strides = array<i32>} : memref<16x768xf32, #tpu.memory_space<vmem>>, vector<16xf32>,
          %mul3A_715 = arith.mulf %gather3A_397, %get3A_714 : vector<16xf32>
          %add3A_716 = arith.addf %add3A_710, %mul3A_715 : vector<16xf32>
          %get3A_717 = arith.constant 3 : i32
          %get3A_718 = arith.index_cast %get3A_717 : i32 to index
          %get3A_719 = arith.index_cast %mul3A_699 : i32 to index
          %get3A_720 = tpu.vector_load %arg17[%get3A_718, %get3A_719] {strides = array<i32>} : memref<16x768xf32, #tpu.memory_space<vmem>>, vector<16xf32>,
          %mul3A_721 = arith.mulf %gather3A_398, %get3A_720 : vector<16xf32>
          %add3A_722 = arith.addf %add3A_716, %mul3A_721 : vector<16xf32>
          %get3A_723 = arith.constant 4 : i32
          %get3A_724 = arith.index_cast %get3A_723 : i32 to index
          %get3A_725 = arith.index_cast %mul3A_699 : i32 to index
          %get3A_726 = tpu.vector_load %arg17[%get3A_724, %get3A_725] {strides = array<i32>} : memref<16x768xf32, #tpu.memory_space<vmem>>, vector<16xf32>,
          %mul3A_727 = arith.mulf %gather3A_399, %get3A_726 : vector<16xf32>
          %add3A_728 = arith.addf %add3A_722, %mul3A_727 : vector<16xf32>
          %get3A_729 = arith.constant 5 : i32
          %get3A_730 = arith.index_cast %get3A_729 : i32 to index
          %get3A_731 = arith.index_cast %mul3A_699 : i32 to index
          %get3A_732 = tpu.vector_load %arg17[%get3A_730, %get3A_731] {strides = array<i32>} : memref<16x768xf32, #tpu.memory_space<vmem>>, vector<16xf32>,
          %mul3A_733 = arith.mulf %gather3A_400, %get3A_732 : vector<16xf32>
          %add3A_734 = arith.addf %add3A_728, %mul3A_733 : vector<16xf32>
          %get3A_735 = arith.constant 6 : i32
          %get3A_736 = arith.index_cast %get3A_735 : i32 to index
          %get3A_737 = arith.index_cast %mul3A_699 : i32 to index
          %get3A_738 = tpu.vector_load %arg17[%get3A_736, %get3A_737] {strides = array<i32>} : memref<16x768xf32, #tpu.memory_space<vmem>>, vector<16xf32>,
          %mul3A_739 = arith.mulf %gather3A_401, %get3A_738 : vector<16xf32>
          %add3A_740 = arith.addf %add3A_734, %mul3A_739 : vector<16xf32>
          %get3A_741 = arith.constant 7 : i32
          %get3A_742 = arith.index_cast %get3A_741 : i32 to index
          %get3A_743 = arith.index_cast %mul3A_699 : i32 to index
          %get3A_744 = tpu.vector_load %arg17[%get3A_742, %get3A_743] {strides = array<i32>} : memref<16x768xf32, #tpu.memory_space<vmem>>, vector<16xf32>,
          %mul3A_745 = arith.mulf %gather3A_402, %get3A_744 : vector<16xf32>
          %add3A_746 = arith.addf %add3A_740, %mul3A_745 : vector<16xf32>
          %get3A_747 = arith.constant 8 : i32
          %get3A_748 = arith.index_cast %get3A_747 : i32 to index
          %get3A_749 = arith.index_cast %mul3A_699 : i32 to index
          %get3A_750 = tpu.vector_load %arg17[%get3A_748, %get3A_749] {strides = array<i32>} : memref<16x768xf32, #tpu.memory_space<vmem>>, vector<16xf32>,
          %mul3A_751 = arith.mulf %gather3A_403, %get3A_750 : vector<16xf32>
          %add3A_752 = arith.addf %add3A_746, %mul3A_751 : vector<16xf32>
          %get3A_753 = arith.constant 9 : i32
          %get3A_754 = arith.index_cast %get3A_753 : i32 to index
          %get3A_755 = arith.index_cast %mul3A_699 : i32 to index
          %get3A_756 = tpu.vector_load %arg17[%get3A_754, %get3A_755] {strides = array<i32>} : memref<16x768xf32, #tpu.memory_space<vmem>>, vector<16xf32>,
          %mul3A_757 = arith.mulf %gather3A_404, %get3A_756 : vector<16xf32>
          %add3A_758 = arith.addf %add3A_752, %mul3A_757 : vector<16xf32>
          %get3A_759 = arith.constant 10 : i32
          %get3A_760 = arith.index_cast %get3A_759 : i32 to index
          %get3A_761 = arith.index_cast %mul3A_699 : i32 to index
          %get3A_762 = tpu.vector_load %arg17[%get3A_760, %get3A_761] {strides = array<i32>} : memref<16x768xf32, #tpu.memory_space<vmem>>, vector<16xf32>,
          %mul3A_763 = arith.mulf %gather3A_405, %get3A_762 : vector<16xf32>
          %add3A_764 = arith.addf %add3A_758, %mul3A_763 : vector<16xf32>
          %get3A_765 = arith.constant 11 : i32
          %get3A_766 = arith.index_cast %get3A_765 : i32 to index
          %get3A_767 = arith.index_cast %mul3A_699 : i32 to index
          %get3A_768 = tpu.vector_load %arg17[%get3A_766, %get3A_767] {strides = array<i32>} : memref<16x768xf32, #tpu.memory_space<vmem>>, vector<16xf32>,
          %mul3A_769 = arith.mulf %gather3A_406, %get3A_768 : vector<16xf32>
          %add3A_770 = arith.addf %add3A_764, %mul3A_769 : vector<16xf32>
          %get3A_771 = arith.constant 12 : i32
          %get3A_772 = arith.index_cast %get3A_771 : i32 to index
          %get3A_773 = arith.index_cast %mul3A_699 : i32 to index
          %get3A_774 = tpu.vector_load %arg17[%get3A_772, %get3A_773] {strides = array<i32>} : memref<16x768xf32, #tpu.memory_space<vmem>>, vector<16xf32>,
          %mul3A_775 = arith.mulf %gather3A_407, %get3A_774 : vector<16xf32>
          %add3A_776 = arith.addf %add3A_770, %mul3A_775 : vector<16xf32>
          %get3A_777 = arith.constant 13 : i32
          %get3A_778 = arith.index_cast %get3A_777 : i32 to index
          %get3A_779 = arith.index_cast %mul3A_699 : i32 to index
          %get3A_780 = tpu.vector_load %arg17[%get3A_778, %get3A_779] {strides = array<i32>} : memref<16x768xf32, #tpu.memory_space<vmem>>, vector<16xf32>,
          %mul3A_781 = arith.mulf %gather3A_408, %get3A_780 : vector<16xf32>
          %add3A_782 = arith.addf %add3A_776, %mul3A_781 : vector<16xf32>
          %get3A_783 = arith.constant 14 : i32
          %get3A_784 = arith.index_cast %get3A_783 : i32 to index
          %get3A_785 = arith.index_cast %mul3A_699 : i32 to index
          %get3A_786 = tpu.vector_load %arg17[%get3A_784, %get3A_785] {strides = array<i32>} : memref<16x768xf32, #tpu.memory_space<vmem>>, vector<16xf32>,
          %mul3A_787 = arith.mulf %gather3A_409, %get3A_786 : vector<16xf32>
          %add3A_788 = arith.addf %add3A_782, %mul3A_787 : vector<16xf32>
          %get3A_789 = arith.constant 15 : i32
          %get3A_790 = arith.index_cast %get3A_789 : i32 to index
          %get3A_791 = arith.index_cast %mul3A_699 : i32 to index
          %get3A_792 = tpu.vector_load %arg17[%get3A_790, %get3A_791] {strides = array<i32>} : memref<16x768xf32, #tpu.memory_space<vmem>>, vector<16xf32>,
          %mul3A_793 = arith.mulf %gather3A_410, %get3A_792 : vector<16xf32>
          %add3A_794 = arith.addf %add3A_788, %mul3A_793 : vector<16xf32>
          %mul3A_795 = arith.constant 2 : i32
          %mul3A_796 = arith.muli %mul3A_795, %scan3A_581 : i32
          %add3A_797 = arith.constant 1 : i32
          %add3A_798 = arith.addi %mul3A_796, %add3A_797 : i32
          %mul3A_799 = arith.constant 16 : i32
          %mul3A_800 = arith.muli %add3A_798, %mul3A_799 : i32
          %add3A_801 = arith.constant 1536 : i32
          %add3A_802 = arith.addi %add3A_801, %mul3A_800 : i32
          %swap3A_803 = arith.index_cast %add3A_802 : i32 to index
          %swap3A_804 = tpu.vector_load %arg21[%swap3A_803] {strides = array<i32>} : memref<5376xf32, #tpu.memory_space<vmem>>, vector<16xf32>,
          tpu.vector_store %arg21[%swap3A_803], %add3A_794 {strides = array<i32>} : memref<5376xf32, #tpu.memory_space<vmem>>, vector<16xf32>,
          %scan3A_805 = arith.constant 0 : i32
          scf.yield %scan3A_805 : i32
        }
        %scan3A_420 = arith.constant 24 : i32
        %add3A_421 = arith.constant 8 : i32
        %add3A_422 = vector.broadcast %add3A_421 : i32 to vector<16xi32>
        %add3A_423 = arith.addi %add3A_422, %shift_right_logical3A_22 : vector<16xi32>
        %add3A_424 = arith.addi %add3A_423, %shift_left3A_28 : vector<16xi32>
        %gather3A_425 = tpu.vector_load_idx %arg9[%add3A_424] : memref<32xi32, #tpu.memory_space<vmem>>[vector<16xi32>], vector<16xi32>,
        %gather3A_426 = tpu.vector_load_idx %arg11[%add3A_424] : memref<32xf32, #tpu.memory_space<vmem>>[vector<16xi32>], vector<16xf32>,
        %add3A_427 = arith.addi %add3A_274, %gather3A_425 : vector<16xi32>
        %mul3A_428 = arith.mulf %gather3A_267, %gather3A_426 : vector<16xf32>
        %mul3A_429 = arith.constant 2.500000e-01 : f32
        %mul3A_430 = vector.broadcast %mul3A_429 : f32 to vector<16xf32>
        %mul3A_431 = arith.mulf %mul3A_428, %mul3A_430 : vector<16xf32>
        %swap3A_432 = arith.constant 0 : index
        %swap3A_433 = tpu.vector_load %arg13[%swap3A_432] {strides = array<i32>} : memref<16xi32, #tpu.memory_space<vmem>>, vector<16xi32>,
        tpu.vector_store %arg13[%swap3A_432], %add3A_427 {strides = array<i32>} : memref<16xi32, #tpu.memory_space<vmem>>, vector<16xi32>,
        %dma_start3A_434 = arith.constant 0 : i32
        %dma_start3A_435 = arith.constant 0 : i32
        %dma_start3A_436 = tpu.memref_slice %arg2[%dma_start3A_434, %dma_start3A_435] : memref<2400x768xf32, #tpu.memory_space<hbm>> -> memref<2400x768xf32, #tpu.memory_space<hbm>>
        tpu.enqueue_indirect_dma source(%dma_start3A_436 : memref<2400x768xf32, #tpu.memory_space<hbm>>) target(%arg17 : memref<16x768xf32, #tpu.memory_space<vmem>>) offsets(%arg13 : memref<16xi32, #tpu.memory_space<vmem>>) semaphore(%arg22 : memref<!tpu.dma_semaphore, #tpu.memory_space<semaphore_mem>>)
        %swap3A_437 = arith.constant 16 : index
        %swap3A_438 = tpu.vector_load %arg12[%swap3A_437] {strides = array<i32>} : memref<32xf32, #tpu.memory_space<vmem>>, vector<16xf32>,
        tpu.vector_store %arg12[%swap3A_437], %mul3A_387 {strides = array<i32>} : memref<32xf32, #tpu.memory_space<vmem>>, vector<16xf32>,
        %gather3A_439 = tpu.vector_load_idx %arg12[%broadcast_in_dim3A_61] : memref<32xf32, #tpu.memory_space<vmem>>[vector<16xi32>], vector<16xf32>,
        %gather3A_440 = tpu.vector_load_idx %arg12[%broadcast_in_dim3A_63] : memref<32xf32, #tpu.memory_space<vmem>>[vector<16xi32>], vector<16xf32>,
        %gather3A_441 = tpu.vector_load_idx %arg12[%broadcast_in_dim3A_65] : memref<32xf32, #tpu.memory_space<vmem>>[vector<16xi32>], vector<16xf32>,
        %gather3A_442 = tpu.vector_load_idx %arg12[%broadcast_in_dim3A_67] : memref<32xf32, #tpu.memory_space<vmem>>[vector<16xi32>], vector<16xf32>,
        %gather3A_443 = tpu.vector_load_idx %arg12[%broadcast_in_dim3A_69] : memref<32xf32, #tpu.memory_space<vmem>>[vector<16xi32>], vector<16xf32>,
        %gather3A_444 = tpu.vector_load_idx %arg12[%broadcast_in_dim3A_71] : memref<32xf32, #tpu.memory_space<vmem>>[vector<16xi32>], vector<16xf32>,
        %gather3A_445 = tpu.vector_load_idx %arg12[%broadcast_in_dim3A_73] : memref<32xf32, #tpu.memory_space<vmem>>[vector<16xi32>], vector<16xf32>,
        %gather3A_446 = tpu.vector_load_idx %arg12[%broadcast_in_dim3A_75] : memref<32xf32, #tpu.memory_space<vmem>>[vector<16xi32>], vector<16xf32>,
        %gather3A_447 = tpu.vector_load_idx %arg12[%broadcast_in_dim3A_77] : memref<32xf32, #tpu.memory_space<vmem>>[vector<16xi32>], vector<16xf32>,
        %gather3A_448 = tpu.vector_load_idx %arg12[%broadcast_in_dim3A_79] : memref<32xf32, #tpu.memory_space<vmem>>[vector<16xi32>], vector<16xf32>,
        %gather3A_449 = tpu.vector_load_idx %arg12[%broadcast_in_dim3A_81] : memref<32xf32, #tpu.memory_space<vmem>>[vector<16xi32>], vector<16xf32>,
        %gather3A_450 = tpu.vector_load_idx %arg12[%broadcast_in_dim3A_83] : memref<32xf32, #tpu.memory_space<vmem>>[vector<16xi32>], vector<16xf32>,
        %gather3A_451 = tpu.vector_load_idx %arg12[%broadcast_in_dim3A_85] : memref<32xf32, #tpu.memory_space<vmem>>[vector<16xi32>], vector<16xf32>,
        %gather3A_452 = tpu.vector_load_idx %arg12[%broadcast_in_dim3A_87] : memref<32xf32, #tpu.memory_space<vmem>>[vector<16xi32>], vector<16xf32>,
        %gather3A_453 = tpu.vector_load_idx %arg12[%broadcast_in_dim3A_89] : memref<32xf32, #tpu.memory_space<vmem>>[vector<16xi32>], vector<16xf32>,
        %gather3A_454 = tpu.vector_load_idx %arg12[%broadcast_in_dim3A_91] : memref<32xf32, #tpu.memory_space<vmem>>[vector<16xi32>], vector<16xf32>,
        %dma_wait3A_455 = arith.constant 0 : i32
        %dma_wait3A_456 = arith.constant 0 : i32
        %dma_wait3A_457 = tpu.memref_slice %arg2[%dma_wait3A_455, %dma_wait3A_456] : memref<2400x768xf32, #tpu.memory_space<hbm>> -> memref<2400x768xf32, #tpu.memory_space<hbm>>
        tpu.wait_indirect_dma semaphore(%arg23 : memref<!tpu.dma_semaphore, #tpu.memory_space<semaphore_mem>>) src(%dma_wait3A_457 : memref<2400x768xf32, #tpu.memory_space<hbm>>) dst(%arg18 : memref<16x768xf32, #tpu.memory_space<vmem>>)
        %scan3A_458 = arith.constant 0 : i32
        %scan3A_459 = arith.constant 0 : i32
        %scan3A_460 = arith.constant 24 : i32
        %scan3A_461 = arith.addi %scan3A_459, %scan3A_460 : i32
        %scan3A_462 = arith.constant 1 : i32
        %scan3A_463 = scf.for %scan3A_581 = %scan3A_459 to %scan3A_461 step %scan3A_462 iter_args(%scan3A_582 = %scan3A_458) -> (i32)  : i32 {
          %mul3A_583 = arith.constant 2 : i32
          %mul3A_584 = arith.muli %mul3A_583, %scan3A_581 : i32
          %add3A_585 = arith.constant 0 : i32
          %add3A_586 = arith.addi %mul3A_584, %add3A_585 : i32
          %mul3A_587 = arith.constant 16 : i32
          %mul3A_588 = arith.muli %add3A_586, %mul3A_587 : i32
          %get3A_589 = arith.constant 0 : i32
          %get3A_590 = arith.index_cast %get3A_589 : i32 to index
          %get3A_591 = arith.index_cast %mul3A_588 : i32 to index
          %get3A_592 = tpu.vector_load %arg18[%get3A_590, %get3A_591] {strides = array<i32>} : memref<16x768xf32, #tpu.memory_space<vmem>>, vector<16xf32>,
          %mul3A_593 = arith.mulf %gather3A_439, %get3A_592 : vector<16xf32>
          %get3A_594 = arith.constant 1 : i32
          %get3A_595 = arith.index_cast %get3A_594 : i32 to index
          %get3A_596 = arith.index_cast %mul3A_588 : i32 to index
          %get3A_597 = tpu.vector_load %arg18[%get3A_595, %get3A_596] {strides = array<i32>} : memref<16x768xf32, #tpu.memory_space<vmem>>, vector<16xf32>,
          %mul3A_598 = arith.mulf %gather3A_440, %get3A_597 : vector<16xf32>
          %add3A_599 = arith.addf %mul3A_593, %mul3A_598 : vector<16xf32>
          %get3A_600 = arith.constant 2 : i32
          %get3A_601 = arith.index_cast %get3A_600 : i32 to index
          %get3A_602 = arith.index_cast %mul3A_588 : i32 to index
          %get3A_603 = tpu.vector_load %arg18[%get3A_601, %get3A_602] {strides = array<i32>} : memref<16x768xf32, #tpu.memory_space<vmem>>, vector<16xf32>,
          %mul3A_604 = arith.mulf %gather3A_441, %get3A_603 : vector<16xf32>
          %add3A_605 = arith.addf %add3A_599, %mul3A_604 : vector<16xf32>
          %get3A_606 = arith.constant 3 : i32
          %get3A_607 = arith.index_cast %get3A_606 : i32 to index
          %get3A_608 = arith.index_cast %mul3A_588 : i32 to index
          %get3A_609 = tpu.vector_load %arg18[%get3A_607, %get3A_608] {strides = array<i32>} : memref<16x768xf32, #tpu.memory_space<vmem>>, vector<16xf32>,
          %mul3A_610 = arith.mulf %gather3A_442, %get3A_609 : vector<16xf32>
          %add3A_611 = arith.addf %add3A_605, %mul3A_610 : vector<16xf32>
          %get3A_612 = arith.constant 4 : i32
          %get3A_613 = arith.index_cast %get3A_612 : i32 to index
          %get3A_614 = arith.index_cast %mul3A_588 : i32 to index
          %get3A_615 = tpu.vector_load %arg18[%get3A_613, %get3A_614] {strides = array<i32>} : memref<16x768xf32, #tpu.memory_space<vmem>>, vector<16xf32>,
          %mul3A_616 = arith.mulf %gather3A_443, %get3A_615 : vector<16xf32>
          %add3A_617 = arith.addf %add3A_611, %mul3A_616 : vector<16xf32>
          %get3A_618 = arith.constant 5 : i32
          %get3A_619 = arith.index_cast %get3A_618 : i32 to index
          %get3A_620 = arith.index_cast %mul3A_588 : i32 to index
          %get3A_621 = tpu.vector_load %arg18[%get3A_619, %get3A_620] {strides = array<i32>} : memref<16x768xf32, #tpu.memory_space<vmem>>, vector<16xf32>,
          %mul3A_622 = arith.mulf %gather3A_444, %get3A_621 : vector<16xf32>
          %add3A_623 = arith.addf %add3A_617, %mul3A_622 : vector<16xf32>
          %get3A_624 = arith.constant 6 : i32
          %get3A_625 = arith.index_cast %get3A_624 : i32 to index
          %get3A_626 = arith.index_cast %mul3A_588 : i32 to index
          %get3A_627 = tpu.vector_load %arg18[%get3A_625, %get3A_626] {strides = array<i32>} : memref<16x768xf32, #tpu.memory_space<vmem>>, vector<16xf32>,
          %mul3A_628 = arith.mulf %gather3A_445, %get3A_627 : vector<16xf32>
          %add3A_629 = arith.addf %add3A_623, %mul3A_628 : vector<16xf32>
          %get3A_630 = arith.constant 7 : i32
          %get3A_631 = arith.index_cast %get3A_630 : i32 to index
          %get3A_632 = arith.index_cast %mul3A_588 : i32 to index
          %get3A_633 = tpu.vector_load %arg18[%get3A_631, %get3A_632] {strides = array<i32>} : memref<16x768xf32, #tpu.memory_space<vmem>>, vector<16xf32>,
          %mul3A_634 = arith.mulf %gather3A_446, %get3A_633 : vector<16xf32>
          %add3A_635 = arith.addf %add3A_629, %mul3A_634 : vector<16xf32>
          %get3A_636 = arith.constant 8 : i32
          %get3A_637 = arith.index_cast %get3A_636 : i32 to index
          %get3A_638 = arith.index_cast %mul3A_588 : i32 to index
          %get3A_639 = tpu.vector_load %arg18[%get3A_637, %get3A_638] {strides = array<i32>} : memref<16x768xf32, #tpu.memory_space<vmem>>, vector<16xf32>,
          %mul3A_640 = arith.mulf %gather3A_447, %get3A_639 : vector<16xf32>
          %add3A_641 = arith.addf %add3A_635, %mul3A_640 : vector<16xf32>
          %get3A_642 = arith.constant 9 : i32
          %get3A_643 = arith.index_cast %get3A_642 : i32 to index
          %get3A_644 = arith.index_cast %mul3A_588 : i32 to index
          %get3A_645 = tpu.vector_load %arg18[%get3A_643, %get3A_644] {strides = array<i32>} : memref<16x768xf32, #tpu.memory_space<vmem>>, vector<16xf32>,
          %mul3A_646 = arith.mulf %gather3A_448, %get3A_645 : vector<16xf32>
          %add3A_647 = arith.addf %add3A_641, %mul3A_646 : vector<16xf32>
          %get3A_648 = arith.constant 10 : i32
          %get3A_649 = arith.index_cast %get3A_648 : i32 to index
          %get3A_650 = arith.index_cast %mul3A_588 : i32 to index
          %get3A_651 = tpu.vector_load %arg18[%get3A_649, %get3A_650] {strides = array<i32>} : memref<16x768xf32, #tpu.memory_space<vmem>>, vector<16xf32>,
          %mul3A_652 = arith.mulf %gather3A_449, %get3A_651 : vector<16xf32>
          %add3A_653 = arith.addf %add3A_647, %mul3A_652 : vector<16xf32>
          %get3A_654 = arith.constant 11 : i32
          %get3A_655 = arith.index_cast %get3A_654 : i32 to index
          %get3A_656 = arith.index_cast %mul3A_588 : i32 to index
          %get3A_657 = tpu.vector_load %arg18[%get3A_655, %get3A_656] {strides = array<i32>} : memref<16x768xf32, #tpu.memory_space<vmem>>, vector<16xf32>,
          %mul3A_658 = arith.mulf %gather3A_450, %get3A_657 : vector<16xf32>
          %add3A_659 = arith.addf %add3A_653, %mul3A_658 : vector<16xf32>
          %get3A_660 = arith.constant 12 : i32
          %get3A_661 = arith.index_cast %get3A_660 : i32 to index
          %get3A_662 = arith.index_cast %mul3A_588 : i32 to index
          %get3A_663 = tpu.vector_load %arg18[%get3A_661, %get3A_662] {strides = array<i32>} : memref<16x768xf32, #tpu.memory_space<vmem>>, vector<16xf32>,
          %mul3A_664 = arith.mulf %gather3A_451, %get3A_663 : vector<16xf32>
          %add3A_665 = arith.addf %add3A_659, %mul3A_664 : vector<16xf32>
          %get3A_666 = arith.constant 13 : i32
          %get3A_667 = arith.index_cast %get3A_666 : i32 to index
          %get3A_668 = arith.index_cast %mul3A_588 : i32 to index
          %get3A_669 = tpu.vector_load %arg18[%get3A_667, %get3A_668] {strides = array<i32>} : memref<16x768xf32, #tpu.memory_space<vmem>>, vector<16xf32>,
          %mul3A_670 = arith.mulf %gather3A_452, %get3A_669 : vector<16xf32>
          %add3A_671 = arith.addf %add3A_665, %mul3A_670 : vector<16xf32>
          %get3A_672 = arith.constant 14 : i32
          %get3A_673 = arith.index_cast %get3A_672 : i32 to index
          %get3A_674 = arith.index_cast %mul3A_588 : i32 to index
          %get3A_675 = tpu.vector_load %arg18[%get3A_673, %get3A_674] {strides = array<i32>} : memref<16x768xf32, #tpu.memory_space<vmem>>, vector<16xf32>,
          %mul3A_676 = arith.mulf %gather3A_453, %get3A_675 : vector<16xf32>
          %add3A_677 = arith.addf %add3A_671, %mul3A_676 : vector<16xf32>
          %get3A_678 = arith.constant 15 : i32
          %get3A_679 = arith.index_cast %get3A_678 : i32 to index
          %get3A_680 = arith.index_cast %mul3A_588 : i32 to index
          %get3A_681 = tpu.vector_load %arg18[%get3A_679, %get3A_680] {strides = array<i32>} : memref<16x768xf32, #tpu.memory_space<vmem>>, vector<16xf32>,
          %mul3A_682 = arith.mulf %gather3A_454, %get3A_681 : vector<16xf32>
          %add3A_683 = arith.addf %add3A_677, %mul3A_682 : vector<16xf32>
          %mul3A_684 = arith.constant 2 : i32
          %mul3A_685 = arith.muli %mul3A_684, %scan3A_581 : i32
          %add3A_686 = arith.constant 0 : i32
          %add3A_687 = arith.addi %mul3A_685, %add3A_686 : i32
          %mul3A_688 = arith.constant 16 : i32
          %mul3A_689 = arith.muli %add3A_687, %mul3A_688 : i32
          %add3A_690 = arith.constant 2304 : i32
          %add3A_691 = arith.addi %add3A_690, %mul3A_689 : i32
          %swap3A_692 = arith.index_cast %add3A_691 : i32 to index
          %swap3A_693 = tpu.vector_load %arg21[%swap3A_692] {strides = array<i32>} : memref<5376xf32, #tpu.memory_space<vmem>>, vector<16xf32>,
          tpu.vector_store %arg21[%swap3A_692], %add3A_683 {strides = array<i32>} : memref<5376xf32, #tpu.memory_space<vmem>>, vector<16xf32>,
          %mul3A_694 = arith.constant 2 : i32
          %mul3A_695 = arith.muli %mul3A_694, %scan3A_581 : i32
          %add3A_696 = arith.constant 1 : i32
          %add3A_697 = arith.addi %mul3A_695, %add3A_696 : i32
          %mul3A_698 = arith.constant 16 : i32
          %mul3A_699 = arith.muli %add3A_697, %mul3A_698 : i32
          %get3A_700 = arith.constant 0 : i32
          %get3A_701 = arith.index_cast %get3A_700 : i32 to index
          %get3A_702 = arith.index_cast %mul3A_699 : i32 to index
          %get3A_703 = tpu.vector_load %arg18[%get3A_701, %get3A_702] {strides = array<i32>} : memref<16x768xf32, #tpu.memory_space<vmem>>, vector<16xf32>,
          %mul3A_704 = arith.mulf %gather3A_439, %get3A_703 : vector<16xf32>
          %get3A_705 = arith.constant 1 : i32
          %get3A_706 = arith.index_cast %get3A_705 : i32 to index
          %get3A_707 = arith.index_cast %mul3A_699 : i32 to index
          %get3A_708 = tpu.vector_load %arg18[%get3A_706, %get3A_707] {strides = array<i32>} : memref<16x768xf32, #tpu.memory_space<vmem>>, vector<16xf32>,
          %mul3A_709 = arith.mulf %gather3A_440, %get3A_708 : vector<16xf32>
          %add3A_710 = arith.addf %mul3A_704, %mul3A_709 : vector<16xf32>
          %get3A_711 = arith.constant 2 : i32
          %get3A_712 = arith.index_cast %get3A_711 : i32 to index
          %get3A_713 = arith.index_cast %mul3A_699 : i32 to index
          %get3A_714 = tpu.vector_load %arg18[%get3A_712, %get3A_713] {strides = array<i32>} : memref<16x768xf32, #tpu.memory_space<vmem>>, vector<16xf32>,
          %mul3A_715 = arith.mulf %gather3A_441, %get3A_714 : vector<16xf32>
          %add3A_716 = arith.addf %add3A_710, %mul3A_715 : vector<16xf32>
          %get3A_717 = arith.constant 3 : i32
          %get3A_718 = arith.index_cast %get3A_717 : i32 to index
          %get3A_719 = arith.index_cast %mul3A_699 : i32 to index
          %get3A_720 = tpu.vector_load %arg18[%get3A_718, %get3A_719] {strides = array<i32>} : memref<16x768xf32, #tpu.memory_space<vmem>>, vector<16xf32>,
          %mul3A_721 = arith.mulf %gather3A_442, %get3A_720 : vector<16xf32>
          %add3A_722 = arith.addf %add3A_716, %mul3A_721 : vector<16xf32>
          %get3A_723 = arith.constant 4 : i32
          %get3A_724 = arith.index_cast %get3A_723 : i32 to index
          %get3A_725 = arith.index_cast %mul3A_699 : i32 to index
          %get3A_726 = tpu.vector_load %arg18[%get3A_724, %get3A_725] {strides = array<i32>} : memref<16x768xf32, #tpu.memory_space<vmem>>, vector<16xf32>,
          %mul3A_727 = arith.mulf %gather3A_443, %get3A_726 : vector<16xf32>
          %add3A_728 = arith.addf %add3A_722, %mul3A_727 : vector<16xf32>
          %get3A_729 = arith.constant 5 : i32
          %get3A_730 = arith.index_cast %get3A_729 : i32 to index
          %get3A_731 = arith.index_cast %mul3A_699 : i32 to index
          %get3A_732 = tpu.vector_load %arg18[%get3A_730, %get3A_731] {strides = array<i32>} : memref<16x768xf32, #tpu.memory_space<vmem>>, vector<16xf32>,
          %mul3A_733 = arith.mulf %gather3A_444, %get3A_732 : vector<16xf32>
          %add3A_734 = arith.addf %add3A_728, %mul3A_733 : vector<16xf32>
          %get3A_735 = arith.constant 6 : i32
          %get3A_736 = arith.index_cast %get3A_735 : i32 to index
          %get3A_737 = arith.index_cast %mul3A_699 : i32 to index
          %get3A_738 = tpu.vector_load %arg18[%get3A_736, %get3A_737] {strides = array<i32>} : memref<16x768xf32, #tpu.memory_space<vmem>>, vector<16xf32>,
          %mul3A_739 = arith.mulf %gather3A_445, %get3A_738 : vector<16xf32>
          %add3A_740 = arith.addf %add3A_734, %mul3A_739 : vector<16xf32>
          %get3A_741 = arith.constant 7 : i32
          %get3A_742 = arith.index_cast %get3A_741 : i32 to index
          %get3A_743 = arith.index_cast %mul3A_699 : i32 to index
          %get3A_744 = tpu.vector_load %arg18[%get3A_742, %get3A_743] {strides = array<i32>} : memref<16x768xf32, #tpu.memory_space<vmem>>, vector<16xf32>,
          %mul3A_745 = arith.mulf %gather3A_446, %get3A_744 : vector<16xf32>
          %add3A_746 = arith.addf %add3A_740, %mul3A_745 : vector<16xf32>
          %get3A_747 = arith.constant 8 : i32
          %get3A_748 = arith.index_cast %get3A_747 : i32 to index
          %get3A_749 = arith.index_cast %mul3A_699 : i32 to index
          %get3A_750 = tpu.vector_load %arg18[%get3A_748, %get3A_749] {strides = array<i32>} : memref<16x768xf32, #tpu.memory_space<vmem>>, vector<16xf32>,
          %mul3A_751 = arith.mulf %gather3A_447, %get3A_750 : vector<16xf32>
          %add3A_752 = arith.addf %add3A_746, %mul3A_751 : vector<16xf32>
          %get3A_753 = arith.constant 9 : i32
          %get3A_754 = arith.index_cast %get3A_753 : i32 to index
          %get3A_755 = arith.index_cast %mul3A_699 : i32 to index
          %get3A_756 = tpu.vector_load %arg18[%get3A_754, %get3A_755] {strides = array<i32>} : memref<16x768xf32, #tpu.memory_space<vmem>>, vector<16xf32>,
          %mul3A_757 = arith.mulf %gather3A_448, %get3A_756 : vector<16xf32>
          %add3A_758 = arith.addf %add3A_752, %mul3A_757 : vector<16xf32>
          %get3A_759 = arith.constant 10 : i32
          %get3A_760 = arith.index_cast %get3A_759 : i32 to index
          %get3A_761 = arith.index_cast %mul3A_699 : i32 to index
          %get3A_762 = tpu.vector_load %arg18[%get3A_760, %get3A_761] {strides = array<i32>} : memref<16x768xf32, #tpu.memory_space<vmem>>, vector<16xf32>,
          %mul3A_763 = arith.mulf %gather3A_449, %get3A_762 : vector<16xf32>
          %add3A_764 = arith.addf %add3A_758, %mul3A_763 : vector<16xf32>
          %get3A_765 = arith.constant 11 : i32
          %get3A_766 = arith.index_cast %get3A_765 : i32 to index
          %get3A_767 = arith.index_cast %mul3A_699 : i32 to index
          %get3A_768 = tpu.vector_load %arg18[%get3A_766, %get3A_767] {strides = array<i32>} : memref<16x768xf32, #tpu.memory_space<vmem>>, vector<16xf32>,
          %mul3A_769 = arith.mulf %gather3A_450, %get3A_768 : vector<16xf32>
          %add3A_770 = arith.addf %add3A_764, %mul3A_769 : vector<16xf32>
          %get3A_771 = arith.constant 12 : i32
          %get3A_772 = arith.index_cast %get3A_771 : i32 to index
          %get3A_773 = arith.index_cast %mul3A_699 : i32 to index
          %get3A_774 = tpu.vector_load %arg18[%get3A_772, %get3A_773] {strides = array<i32>} : memref<16x768xf32, #tpu.memory_space<vmem>>, vector<16xf32>,
          %mul3A_775 = arith.mulf %gather3A_451, %get3A_774 : vector<16xf32>
          %add3A_776 = arith.addf %add3A_770, %mul3A_775 : vector<16xf32>
          %get3A_777 = arith.constant 13 : i32
          %get3A_778 = arith.index_cast %get3A_777 : i32 to index
          %get3A_779 = arith.index_cast %mul3A_699 : i32 to index
          %get3A_780 = tpu.vector_load %arg18[%get3A_778, %get3A_779] {strides = array<i32>} : memref<16x768xf32, #tpu.memory_space<vmem>>, vector<16xf32>,
          %mul3A_781 = arith.mulf %gather3A_452, %get3A_780 : vector<16xf32>
          %add3A_782 = arith.addf %add3A_776, %mul3A_781 : vector<16xf32>
          %get3A_783 = arith.constant 14 : i32
          %get3A_784 = arith.index_cast %get3A_783 : i32 to index
          %get3A_785 = arith.index_cast %mul3A_699 : i32 to index
          %get3A_786 = tpu.vector_load %arg18[%get3A_784, %get3A_785] {strides = array<i32>} : memref<16x768xf32, #tpu.memory_space<vmem>>, vector<16xf32>,
          %mul3A_787 = arith.mulf %gather3A_453, %get3A_786 : vector<16xf32>
          %add3A_788 = arith.addf %add3A_782, %mul3A_787 : vector<16xf32>
          %get3A_789 = arith.constant 15 : i32
          %get3A_790 = arith.index_cast %get3A_789 : i32 to index
          %get3A_791 = arith.index_cast %mul3A_699 : i32 to index
          %get3A_792 = tpu.vector_load %arg18[%get3A_790, %get3A_791] {strides = array<i32>} : memref<16x768xf32, #tpu.memory_space<vmem>>, vector<16xf32>,
          %mul3A_793 = arith.mulf %gather3A_454, %get3A_792 : vector<16xf32>
          %add3A_794 = arith.addf %add3A_788, %mul3A_793 : vector<16xf32>
          %mul3A_795 = arith.constant 2 : i32
          %mul3A_796 = arith.muli %mul3A_795, %scan3A_581 : i32
          %add3A_797 = arith.constant 1 : i32
          %add3A_798 = arith.addi %mul3A_796, %add3A_797 : i32
          %mul3A_799 = arith.constant 16 : i32
          %mul3A_800 = arith.muli %add3A_798, %mul3A_799 : i32
          %add3A_801 = arith.constant 2304 : i32
          %add3A_802 = arith.addi %add3A_801, %mul3A_800 : i32
          %swap3A_803 = arith.index_cast %add3A_802 : i32 to index
          %swap3A_804 = tpu.vector_load %arg21[%swap3A_803] {strides = array<i32>} : memref<5376xf32, #tpu.memory_space<vmem>>, vector<16xf32>,
          tpu.vector_store %arg21[%swap3A_803], %add3A_794 {strides = array<i32>} : memref<5376xf32, #tpu.memory_space<vmem>>, vector<16xf32>,
          %scan3A_805 = arith.constant 0 : i32
          scf.yield %scan3A_805 : i32
        }
        %scan3A_464 = arith.constant 24 : i32
        %add3A_465 = arith.constant 10 : i32
        %add3A_466 = vector.broadcast %add3A_465 : i32 to vector<16xi32>
        %add3A_467 = arith.addi %add3A_466, %shift_right_logical3A_22 : vector<16xi32>
        %add3A_468 = arith.addi %add3A_467, %shift_left3A_28 : vector<16xi32>
        %gather3A_469 = tpu.vector_load_idx %arg9[%add3A_468] : memref<32xi32, #tpu.memory_space<vmem>>[vector<16xi32>], vector<16xi32>,
        %gather3A_470 = tpu.vector_load_idx %arg11[%add3A_468] : memref<32xf32, #tpu.memory_space<vmem>>[vector<16xi32>], vector<16xf32>,
        %add3A_471 = arith.addi %add3A_274, %gather3A_469 : vector<16xi32>
        %mul3A_472 = arith.mulf %gather3A_267, %gather3A_470 : vector<16xf32>
        %mul3A_473 = arith.constant 2.500000e-01 : f32
        %mul3A_474 = vector.broadcast %mul3A_473 : f32 to vector<16xf32>
        %mul3A_475 = arith.mulf %mul3A_472, %mul3A_474 : vector<16xf32>
        %swap3A_476 = arith.constant 0 : index
        %swap3A_477 = tpu.vector_load %arg14[%swap3A_476] {strides = array<i32>} : memref<16xi32, #tpu.memory_space<vmem>>, vector<16xi32>,
        tpu.vector_store %arg14[%swap3A_476], %add3A_471 {strides = array<i32>} : memref<16xi32, #tpu.memory_space<vmem>>, vector<16xi32>,
        %dma_start3A_478 = arith.constant 0 : i32
        %dma_start3A_479 = arith.constant 0 : i32
        %dma_start3A_480 = tpu.memref_slice %arg2[%dma_start3A_478, %dma_start3A_479] : memref<2400x768xf32, #tpu.memory_space<hbm>> -> memref<2400x768xf32, #tpu.memory_space<hbm>>
        tpu.enqueue_indirect_dma source(%dma_start3A_480 : memref<2400x768xf32, #tpu.memory_space<hbm>>) target(%arg18 : memref<16x768xf32, #tpu.memory_space<vmem>>) offsets(%arg14 : memref<16xi32, #tpu.memory_space<vmem>>) semaphore(%arg23 : memref<!tpu.dma_semaphore, #tpu.memory_space<semaphore_mem>>)
        %swap3A_481 = arith.constant 16 : index
        %swap3A_482 = tpu.vector_load %arg12[%swap3A_481] {strides = array<i32>} : memref<32xf32, #tpu.memory_space<vmem>>, vector<16xf32>,
        tpu.vector_store %arg12[%swap3A_481], %mul3A_431 {strides = array<i32>} : memref<32xf32, #tpu.memory_space<vmem>>, vector<16xf32>,
        %gather3A_483 = tpu.vector_load_idx %arg12[%broadcast_in_dim3A_61] : memref<32xf32, #tpu.memory_space<vmem>>[vector<16xi32>], vector<16xf32>,
        %gather3A_484 = tpu.vector_load_idx %arg12[%broadcast_in_dim3A_63] : memref<32xf32, #tpu.memory_space<vmem>>[vector<16xi32>], vector<16xf32>,
        %gather3A_485 = tpu.vector_load_idx %arg12[%broadcast_in_dim3A_65] : memref<32xf32, #tpu.memory_space<vmem>>[vector<16xi32>], vector<16xf32>,
        %gather3A_486 = tpu.vector_load_idx %arg12[%broadcast_in_dim3A_67] : memref<32xf32, #tpu.memory_space<vmem>>[vector<16xi32>], vector<16xf32>,
        %gather3A_487 = tpu.vector_load_idx %arg12[%broadcast_in_dim3A_69] : memref<32xf32, #tpu.memory_space<vmem>>[vector<16xi32>], vector<16xf32>,
        %gather3A_488 = tpu.vector_load_idx %arg12[%broadcast_in_dim3A_71] : memref<32xf32, #tpu.memory_space<vmem>>[vector<16xi32>], vector<16xf32>,
        %gather3A_489 = tpu.vector_load_idx %arg12[%broadcast_in_dim3A_73] : memref<32xf32, #tpu.memory_space<vmem>>[vector<16xi32>], vector<16xf32>,
        %gather3A_490 = tpu.vector_load_idx %arg12[%broadcast_in_dim3A_75] : memref<32xf32, #tpu.memory_space<vmem>>[vector<16xi32>], vector<16xf32>,
        %gather3A_491 = tpu.vector_load_idx %arg12[%broadcast_in_dim3A_77] : memref<32xf32, #tpu.memory_space<vmem>>[vector<16xi32>], vector<16xf32>,
        %gather3A_492 = tpu.vector_load_idx %arg12[%broadcast_in_dim3A_79] : memref<32xf32, #tpu.memory_space<vmem>>[vector<16xi32>], vector<16xf32>,
        %gather3A_493 = tpu.vector_load_idx %arg12[%broadcast_in_dim3A_81] : memref<32xf32, #tpu.memory_space<vmem>>[vector<16xi32>], vector<16xf32>,
        %gather3A_494 = tpu.vector_load_idx %arg12[%broadcast_in_dim3A_83] : memref<32xf32, #tpu.memory_space<vmem>>[vector<16xi32>], vector<16xf32>,
        %gather3A_495 = tpu.vector_load_idx %arg12[%broadcast_in_dim3A_85] : memref<32xf32, #tpu.memory_space<vmem>>[vector<16xi32>], vector<16xf32>,
        %gather3A_496 = tpu.vector_load_idx %arg12[%broadcast_in_dim3A_87] : memref<32xf32, #tpu.memory_space<vmem>>[vector<16xi32>], vector<16xf32>,
        %gather3A_497 = tpu.vector_load_idx %arg12[%broadcast_in_dim3A_89] : memref<32xf32, #tpu.memory_space<vmem>>[vector<16xi32>], vector<16xf32>,
        %gather3A_498 = tpu.vector_load_idx %arg12[%broadcast_in_dim3A_91] : memref<32xf32, #tpu.memory_space<vmem>>[vector<16xi32>], vector<16xf32>,
        %dma_wait3A_499 = arith.constant 0 : i32
        %dma_wait3A_500 = arith.constant 0 : i32
        %dma_wait3A_501 = tpu.memref_slice %arg2[%dma_wait3A_499, %dma_wait3A_500] : memref<2400x768xf32, #tpu.memory_space<hbm>> -> memref<2400x768xf32, #tpu.memory_space<hbm>>
        tpu.wait_indirect_dma semaphore(%arg22 : memref<!tpu.dma_semaphore, #tpu.memory_space<semaphore_mem>>) src(%dma_wait3A_501 : memref<2400x768xf32, #tpu.memory_space<hbm>>) dst(%arg17 : memref<16x768xf32, #tpu.memory_space<vmem>>)
        %scan3A_502 = arith.constant 0 : i32
        %scan3A_503 = arith.constant 0 : i32
        %scan3A_504 = arith.constant 24 : i32
        %scan3A_505 = arith.addi %scan3A_503, %scan3A_504 : i32
        %scan3A_506 = arith.constant 1 : i32
        %scan3A_507 = scf.for %scan3A_581 = %scan3A_503 to %scan3A_505 step %scan3A_506 iter_args(%scan3A_582 = %scan3A_502) -> (i32)  : i32 {
          %mul3A_583 = arith.constant 2 : i32
          %mul3A_584 = arith.muli %mul3A_583, %scan3A_581 : i32
          %add3A_585 = arith.constant 0 : i32
          %add3A_586 = arith.addi %mul3A_584, %add3A_585 : i32
          %mul3A_587 = arith.constant 16 : i32
          %mul3A_588 = arith.muli %add3A_586, %mul3A_587 : i32
          %get3A_589 = arith.constant 0 : i32
          %get3A_590 = arith.index_cast %get3A_589 : i32 to index
          %get3A_591 = arith.index_cast %mul3A_588 : i32 to index
          %get3A_592 = tpu.vector_load %arg17[%get3A_590, %get3A_591] {strides = array<i32>} : memref<16x768xf32, #tpu.memory_space<vmem>>, vector<16xf32>,
          %mul3A_593 = arith.mulf %gather3A_483, %get3A_592 : vector<16xf32>
          %get3A_594 = arith.constant 1 : i32
          %get3A_595 = arith.index_cast %get3A_594 : i32 to index
          %get3A_596 = arith.index_cast %mul3A_588 : i32 to index
          %get3A_597 = tpu.vector_load %arg17[%get3A_595, %get3A_596] {strides = array<i32>} : memref<16x768xf32, #tpu.memory_space<vmem>>, vector<16xf32>,
          %mul3A_598 = arith.mulf %gather3A_484, %get3A_597 : vector<16xf32>
          %add3A_599 = arith.addf %mul3A_593, %mul3A_598 : vector<16xf32>
          %get3A_600 = arith.constant 2 : i32
          %get3A_601 = arith.index_cast %get3A_600 : i32 to index
          %get3A_602 = arith.index_cast %mul3A_588 : i32 to index
          %get3A_603 = tpu.vector_load %arg17[%get3A_601, %get3A_602] {strides = array<i32>} : memref<16x768xf32, #tpu.memory_space<vmem>>, vector<16xf32>,
          %mul3A_604 = arith.mulf %gather3A_485, %get3A_603 : vector<16xf32>
          %add3A_605 = arith.addf %add3A_599, %mul3A_604 : vector<16xf32>
          %get3A_606 = arith.constant 3 : i32
          %get3A_607 = arith.index_cast %get3A_606 : i32 to index
          %get3A_608 = arith.index_cast %mul3A_588 : i32 to index
          %get3A_609 = tpu.vector_load %arg17[%get3A_607, %get3A_608] {strides = array<i32>} : memref<16x768xf32, #tpu.memory_space<vmem>>, vector<16xf32>,
          %mul3A_610 = arith.mulf %gather3A_486, %get3A_609 : vector<16xf32>
          %add3A_611 = arith.addf %add3A_605, %mul3A_610 : vector<16xf32>
          %get3A_612 = arith.constant 4 : i32
          %get3A_613 = arith.index_cast %get3A_612 : i32 to index
          %get3A_614 = arith.index_cast %mul3A_588 : i32 to index
          %get3A_615 = tpu.vector_load %arg17[%get3A_613, %get3A_614] {strides = array<i32>} : memref<16x768xf32, #tpu.memory_space<vmem>>, vector<16xf32>,
          %mul3A_616 = arith.mulf %gather3A_487, %get3A_615 : vector<16xf32>
          %add3A_617 = arith.addf %add3A_611, %mul3A_616 : vector<16xf32>
          %get3A_618 = arith.constant 5 : i32
          %get3A_619 = arith.index_cast %get3A_618 : i32 to index
          %get3A_620 = arith.index_cast %mul3A_588 : i32 to index
          %get3A_621 = tpu.vector_load %arg17[%get3A_619, %get3A_620] {strides = array<i32>} : memref<16x768xf32, #tpu.memory_space<vmem>>, vector<16xf32>,
          %mul3A_622 = arith.mulf %gather3A_488, %get3A_621 : vector<16xf32>
          %add3A_623 = arith.addf %add3A_617, %mul3A_622 : vector<16xf32>
          %get3A_624 = arith.constant 6 : i32
          %get3A_625 = arith.index_cast %get3A_624 : i32 to index
          %get3A_626 = arith.index_cast %mul3A_588 : i32 to index
          %get3A_627 = tpu.vector_load %arg17[%get3A_625, %get3A_626] {strides = array<i32>} : memref<16x768xf32, #tpu.memory_space<vmem>>, vector<16xf32>,
          %mul3A_628 = arith.mulf %gather3A_489, %get3A_627 : vector<16xf32>
          %add3A_629 = arith.addf %add3A_623, %mul3A_628 : vector<16xf32>
          %get3A_630 = arith.constant 7 : i32
          %get3A_631 = arith.index_cast %get3A_630 : i32 to index
          %get3A_632 = arith.index_cast %mul3A_588 : i32 to index
          %get3A_633 = tpu.vector_load %arg17[%get3A_631, %get3A_632] {strides = array<i32>} : memref<16x768xf32, #tpu.memory_space<vmem>>, vector<16xf32>,
          %mul3A_634 = arith.mulf %gather3A_490, %get3A_633 : vector<16xf32>
          %add3A_635 = arith.addf %add3A_629, %mul3A_634 : vector<16xf32>
          %get3A_636 = arith.constant 8 : i32
          %get3A_637 = arith.index_cast %get3A_636 : i32 to index
          %get3A_638 = arith.index_cast %mul3A_588 : i32 to index
          %get3A_639 = tpu.vector_load %arg17[%get3A_637, %get3A_638] {strides = array<i32>} : memref<16x768xf32, #tpu.memory_space<vmem>>, vector<16xf32>,
          %mul3A_640 = arith.mulf %gather3A_491, %get3A_639 : vector<16xf32>
          %add3A_641 = arith.addf %add3A_635, %mul3A_640 : vector<16xf32>
          %get3A_642 = arith.constant 9 : i32
          %get3A_643 = arith.index_cast %get3A_642 : i32 to index
          %get3A_644 = arith.index_cast %mul3A_588 : i32 to index
          %get3A_645 = tpu.vector_load %arg17[%get3A_643, %get3A_644] {strides = array<i32>} : memref<16x768xf32, #tpu.memory_space<vmem>>, vector<16xf32>,
          %mul3A_646 = arith.mulf %gather3A_492, %get3A_645 : vector<16xf32>
          %add3A_647 = arith.addf %add3A_641, %mul3A_646 : vector<16xf32>
          %get3A_648 = arith.constant 10 : i32
          %get3A_649 = arith.index_cast %get3A_648 : i32 to index
          %get3A_650 = arith.index_cast %mul3A_588 : i32 to index
          %get3A_651 = tpu.vector_load %arg17[%get3A_649, %get3A_650] {strides = array<i32>} : memref<16x768xf32, #tpu.memory_space<vmem>>, vector<16xf32>,
          %mul3A_652 = arith.mulf %gather3A_493, %get3A_651 : vector<16xf32>
          %add3A_653 = arith.addf %add3A_647, %mul3A_652 : vector<16xf32>
          %get3A_654 = arith.constant 11 : i32
          %get3A_655 = arith.index_cast %get3A_654 : i32 to index
          %get3A_656 = arith.index_cast %mul3A_588 : i32 to index
          %get3A_657 = tpu.vector_load %arg17[%get3A_655, %get3A_656] {strides = array<i32>} : memref<16x768xf32, #tpu.memory_space<vmem>>, vector<16xf32>,
          %mul3A_658 = arith.mulf %gather3A_494, %get3A_657 : vector<16xf32>
          %add3A_659 = arith.addf %add3A_653, %mul3A_658 : vector<16xf32>
          %get3A_660 = arith.constant 12 : i32
          %get3A_661 = arith.index_cast %get3A_660 : i32 to index
          %get3A_662 = arith.index_cast %mul3A_588 : i32 to index
          %get3A_663 = tpu.vector_load %arg17[%get3A_661, %get3A_662] {strides = array<i32>} : memref<16x768xf32, #tpu.memory_space<vmem>>, vector<16xf32>,
          %mul3A_664 = arith.mulf %gather3A_495, %get3A_663 : vector<16xf32>
          %add3A_665 = arith.addf %add3A_659, %mul3A_664 : vector<16xf32>
          %get3A_666 = arith.constant 13 : i32
          %get3A_667 = arith.index_cast %get3A_666 : i32 to index
          %get3A_668 = arith.index_cast %mul3A_588 : i32 to index
          %get3A_669 = tpu.vector_load %arg17[%get3A_667, %get3A_668] {strides = array<i32>} : memref<16x768xf32, #tpu.memory_space<vmem>>, vector<16xf32>,
          %mul3A_670 = arith.mulf %gather3A_496, %get3A_669 : vector<16xf32>
          %add3A_671 = arith.addf %add3A_665, %mul3A_670 : vector<16xf32>
          %get3A_672 = arith.constant 14 : i32
          %get3A_673 = arith.index_cast %get3A_672 : i32 to index
          %get3A_674 = arith.index_cast %mul3A_588 : i32 to index
          %get3A_675 = tpu.vector_load %arg17[%get3A_673, %get3A_674] {strides = array<i32>} : memref<16x768xf32, #tpu.memory_space<vmem>>, vector<16xf32>,
          %mul3A_676 = arith.mulf %gather3A_497, %get3A_675 : vector<16xf32>
          %add3A_677 = arith.addf %add3A_671, %mul3A_676 : vector<16xf32>
          %get3A_678 = arith.constant 15 : i32
          %get3A_679 = arith.index_cast %get3A_678 : i32 to index
          %get3A_680 = arith.index_cast %mul3A_588 : i32 to index
          %get3A_681 = tpu.vector_load %arg17[%get3A_679, %get3A_680] {strides = array<i32>} : memref<16x768xf32, #tpu.memory_space<vmem>>, vector<16xf32>,
          %mul3A_682 = arith.mulf %gather3A_498, %get3A_681 : vector<16xf32>
          %add3A_683 = arith.addf %add3A_677, %mul3A_682 : vector<16xf32>
          %mul3A_684 = arith.constant 2 : i32
          %mul3A_685 = arith.muli %mul3A_684, %scan3A_581 : i32
          %add3A_686 = arith.constant 0 : i32
          %add3A_687 = arith.addi %mul3A_685, %add3A_686 : i32
          %mul3A_688 = arith.constant 16 : i32
          %mul3A_689 = arith.muli %add3A_687, %mul3A_688 : i32
          %add3A_690 = arith.constant 3072 : i32
          %add3A_691 = arith.addi %add3A_690, %mul3A_689 : i32
          %swap3A_692 = arith.index_cast %add3A_691 : i32 to index
          %swap3A_693 = tpu.vector_load %arg21[%swap3A_692] {strides = array<i32>} : memref<5376xf32, #tpu.memory_space<vmem>>, vector<16xf32>,
          tpu.vector_store %arg21[%swap3A_692], %add3A_683 {strides = array<i32>} : memref<5376xf32, #tpu.memory_space<vmem>>, vector<16xf32>,
          %mul3A_694 = arith.constant 2 : i32
          %mul3A_695 = arith.muli %mul3A_694, %scan3A_581 : i32
          %add3A_696 = arith.constant 1 : i32
          %add3A_697 = arith.addi %mul3A_695, %add3A_696 : i32
          %mul3A_698 = arith.constant 16 : i32
          %mul3A_699 = arith.muli %add3A_697, %mul3A_698 : i32
          %get3A_700 = arith.constant 0 : i32
          %get3A_701 = arith.index_cast %get3A_700 : i32 to index
          %get3A_702 = arith.index_cast %mul3A_699 : i32 to index
          %get3A_703 = tpu.vector_load %arg17[%get3A_701, %get3A_702] {strides = array<i32>} : memref<16x768xf32, #tpu.memory_space<vmem>>, vector<16xf32>,
          %mul3A_704 = arith.mulf %gather3A_483, %get3A_703 : vector<16xf32>
          %get3A_705 = arith.constant 1 : i32
          %get3A_706 = arith.index_cast %get3A_705 : i32 to index
          %get3A_707 = arith.index_cast %mul3A_699 : i32 to index
          %get3A_708 = tpu.vector_load %arg17[%get3A_706, %get3A_707] {strides = array<i32>} : memref<16x768xf32, #tpu.memory_space<vmem>>, vector<16xf32>,
          %mul3A_709 = arith.mulf %gather3A_484, %get3A_708 : vector<16xf32>
          %add3A_710 = arith.addf %mul3A_704, %mul3A_709 : vector<16xf32>
          %get3A_711 = arith.constant 2 : i32
          %get3A_712 = arith.index_cast %get3A_711 : i32 to index
          %get3A_713 = arith.index_cast %mul3A_699 : i32 to index
          %get3A_714 = tpu.vector_load %arg17[%get3A_712, %get3A_713] {strides = array<i32>} : memref<16x768xf32, #tpu.memory_space<vmem>>, vector<16xf32>,
          %mul3A_715 = arith.mulf %gather3A_485, %get3A_714 : vector<16xf32>
          %add3A_716 = arith.addf %add3A_710, %mul3A_715 : vector<16xf32>
          %get3A_717 = arith.constant 3 : i32
          %get3A_718 = arith.index_cast %get3A_717 : i32 to index
          %get3A_719 = arith.index_cast %mul3A_699 : i32 to index
          %get3A_720 = tpu.vector_load %arg17[%get3A_718, %get3A_719] {strides = array<i32>} : memref<16x768xf32, #tpu.memory_space<vmem>>, vector<16xf32>,
          %mul3A_721 = arith.mulf %gather3A_486, %get3A_720 : vector<16xf32>
          %add3A_722 = arith.addf %add3A_716, %mul3A_721 : vector<16xf32>
          %get3A_723 = arith.constant 4 : i32
          %get3A_724 = arith.index_cast %get3A_723 : i32 to index
          %get3A_725 = arith.index_cast %mul3A_699 : i32 to index
          %get3A_726 = tpu.vector_load %arg17[%get3A_724, %get3A_725] {strides = array<i32>} : memref<16x768xf32, #tpu.memory_space<vmem>>, vector<16xf32>,
          %mul3A_727 = arith.mulf %gather3A_487, %get3A_726 : vector<16xf32>
          %add3A_728 = arith.addf %add3A_722, %mul3A_727 : vector<16xf32>
          %get3A_729 = arith.constant 5 : i32
          %get3A_730 = arith.index_cast %get3A_729 : i32 to index
          %get3A_731 = arith.index_cast %mul3A_699 : i32 to index
          %get3A_732 = tpu.vector_load %arg17[%get3A_730, %get3A_731] {strides = array<i32>} : memref<16x768xf32, #tpu.memory_space<vmem>>, vector<16xf32>,
          %mul3A_733 = arith.mulf %gather3A_488, %get3A_732 : vector<16xf32>
          %add3A_734 = arith.addf %add3A_728, %mul3A_733 : vector<16xf32>
          %get3A_735 = arith.constant 6 : i32
          %get3A_736 = arith.index_cast %get3A_735 : i32 to index
          %get3A_737 = arith.index_cast %mul3A_699 : i32 to index
          %get3A_738 = tpu.vector_load %arg17[%get3A_736, %get3A_737] {strides = array<i32>} : memref<16x768xf32, #tpu.memory_space<vmem>>, vector<16xf32>,
          %mul3A_739 = arith.mulf %gather3A_489, %get3A_738 : vector<16xf32>
          %add3A_740 = arith.addf %add3A_734, %mul3A_739 : vector<16xf32>
          %get3A_741 = arith.constant 7 : i32
          %get3A_742 = arith.index_cast %get3A_741 : i32 to index
          %get3A_743 = arith.index_cast %mul3A_699 : i32 to index
          %get3A_744 = tpu.vector_load %arg17[%get3A_742, %get3A_743] {strides = array<i32>} : memref<16x768xf32, #tpu.memory_space<vmem>>, vector<16xf32>,
          %mul3A_745 = arith.mulf %gather3A_490, %get3A_744 : vector<16xf32>
          %add3A_746 = arith.addf %add3A_740, %mul3A_745 : vector<16xf32>
          %get3A_747 = arith.constant 8 : i32
          %get3A_748 = arith.index_cast %get3A_747 : i32 to index
          %get3A_749 = arith.index_cast %mul3A_699 : i32 to index
          %get3A_750 = tpu.vector_load %arg17[%get3A_748, %get3A_749] {strides = array<i32>} : memref<16x768xf32, #tpu.memory_space<vmem>>, vector<16xf32>,
          %mul3A_751 = arith.mulf %gather3A_491, %get3A_750 : vector<16xf32>
          %add3A_752 = arith.addf %add3A_746, %mul3A_751 : vector<16xf32>
          %get3A_753 = arith.constant 9 : i32
          %get3A_754 = arith.index_cast %get3A_753 : i32 to index
          %get3A_755 = arith.index_cast %mul3A_699 : i32 to index
          %get3A_756 = tpu.vector_load %arg17[%get3A_754, %get3A_755] {strides = array<i32>} : memref<16x768xf32, #tpu.memory_space<vmem>>, vector<16xf32>,
          %mul3A_757 = arith.mulf %gather3A_492, %get3A_756 : vector<16xf32>
          %add3A_758 = arith.addf %add3A_752, %mul3A_757 : vector<16xf32>
          %get3A_759 = arith.constant 10 : i32
          %get3A_760 = arith.index_cast %get3A_759 : i32 to index
          %get3A_761 = arith.index_cast %mul3A_699 : i32 to index
          %get3A_762 = tpu.vector_load %arg17[%get3A_760, %get3A_761] {strides = array<i32>} : memref<16x768xf32, #tpu.memory_space<vmem>>, vector<16xf32>,
          %mul3A_763 = arith.mulf %gather3A_493, %get3A_762 : vector<16xf32>
          %add3A_764 = arith.addf %add3A_758, %mul3A_763 : vector<16xf32>
          %get3A_765 = arith.constant 11 : i32
          %get3A_766 = arith.index_cast %get3A_765 : i32 to index
          %get3A_767 = arith.index_cast %mul3A_699 : i32 to index
          %get3A_768 = tpu.vector_load %arg17[%get3A_766, %get3A_767] {strides = array<i32>} : memref<16x768xf32, #tpu.memory_space<vmem>>, vector<16xf32>,
          %mul3A_769 = arith.mulf %gather3A_494, %get3A_768 : vector<16xf32>
          %add3A_770 = arith.addf %add3A_764, %mul3A_769 : vector<16xf32>
          %get3A_771 = arith.constant 12 : i32
          %get3A_772 = arith.index_cast %get3A_771 : i32 to index
          %get3A_773 = arith.index_cast %mul3A_699 : i32 to index
          %get3A_774 = tpu.vector_load %arg17[%get3A_772, %get3A_773] {strides = array<i32>} : memref<16x768xf32, #tpu.memory_space<vmem>>, vector<16xf32>,
          %mul3A_775 = arith.mulf %gather3A_495, %get3A_774 : vector<16xf32>
          %add3A_776 = arith.addf %add3A_770, %mul3A_775 : vector<16xf32>
          %get3A_777 = arith.constant 13 : i32
          %get3A_778 = arith.index_cast %get3A_777 : i32 to index
          %get3A_779 = arith.index_cast %mul3A_699 : i32 to index
          %get3A_780 = tpu.vector_load %arg17[%get3A_778, %get3A_779] {strides = array<i32>} : memref<16x768xf32, #tpu.memory_space<vmem>>, vector<16xf32>,
          %mul3A_781 = arith.mulf %gather3A_496, %get3A_780 : vector<16xf32>
          %add3A_782 = arith.addf %add3A_776, %mul3A_781 : vector<16xf32>
          %get3A_783 = arith.constant 14 : i32
          %get3A_784 = arith.index_cast %get3A_783 : i32 to index
          %get3A_785 = arith.index_cast %mul3A_699 : i32 to index
          %get3A_786 = tpu.vector_load %arg17[%get3A_784, %get3A_785] {strides = array<i32>} : memref<16x768xf32, #tpu.memory_space<vmem>>, vector<16xf32>,
          %mul3A_787 = arith.mulf %gather3A_497, %get3A_786 : vector<16xf32>
          %add3A_788 = arith.addf %add3A_782, %mul3A_787 : vector<16xf32>
          %get3A_789 = arith.constant 15 : i32
          %get3A_790 = arith.index_cast %get3A_789 : i32 to index
          %get3A_791 = arith.index_cast %mul3A_699 : i32 to index
          %get3A_792 = tpu.vector_load %arg17[%get3A_790, %get3A_791] {strides = array<i32>} : memref<16x768xf32, #tpu.memory_space<vmem>>, vector<16xf32>,
          %mul3A_793 = arith.mulf %gather3A_498, %get3A_792 : vector<16xf32>
          %add3A_794 = arith.addf %add3A_788, %mul3A_793 : vector<16xf32>
          %mul3A_795 = arith.constant 2 : i32
          %mul3A_796 = arith.muli %mul3A_795, %scan3A_581 : i32
          %add3A_797 = arith.constant 1 : i32
          %add3A_798 = arith.addi %mul3A_796, %add3A_797 : i32
          %mul3A_799 = arith.constant 16 : i32
          %mul3A_800 = arith.muli %add3A_798, %mul3A_799 : i32
          %add3A_801 = arith.constant 3072 : i32
          %add3A_802 = arith.addi %add3A_801, %mul3A_800 : i32
          %swap3A_803 = arith.index_cast %add3A_802 : i32 to index
          %swap3A_804 = tpu.vector_load %arg21[%swap3A_803] {strides = array<i32>} : memref<5376xf32, #tpu.memory_space<vmem>>, vector<16xf32>,
          tpu.vector_store %arg21[%swap3A_803], %add3A_794 {strides = array<i32>} : memref<5376xf32, #tpu.memory_space<vmem>>, vector<16xf32>,
          %scan3A_805 = arith.constant 0 : i32
          scf.yield %scan3A_805 : i32
        }
        %scan3A_508 = arith.constant 24 : i32
        %add3A_509 = arith.constant 12 : i32
        %add3A_510 = vector.broadcast %add3A_509 : i32 to vector<16xi32>
        %add3A_511 = arith.addi %add3A_510, %shift_right_logical3A_22 : vector<16xi32>
        %add3A_512 = arith.addi %add3A_511, %shift_left3A_28 : vector<16xi32>
        %gather3A_513 = tpu.vector_load_idx %arg9[%add3A_512] : memref<32xi32, #tpu.memory_space<vmem>>[vector<16xi32>], vector<16xi32>,
        %gather3A_514 = tpu.vector_load_idx %arg11[%add3A_512] : memref<32xf32, #tpu.memory_space<vmem>>[vector<16xi32>], vector<16xf32>,
        %add3A_515 = arith.addi %add3A_274, %gather3A_513 : vector<16xi32>
        %mul3A_516 = arith.mulf %gather3A_267, %gather3A_514 : vector<16xf32>
        %mul3A_517 = arith.constant 2.500000e-01 : f32
        %mul3A_518 = vector.broadcast %mul3A_517 : f32 to vector<16xf32>
        %mul3A_519 = arith.mulf %mul3A_516, %mul3A_518 : vector<16xf32>
        %swap3A_520 = arith.constant 0 : index
        %swap3A_521 = tpu.vector_load %arg13[%swap3A_520] {strides = array<i32>} : memref<16xi32, #tpu.memory_space<vmem>>, vector<16xi32>,
        tpu.vector_store %arg13[%swap3A_520], %add3A_515 {strides = array<i32>} : memref<16xi32, #tpu.memory_space<vmem>>, vector<16xi32>,
        %dma_start3A_522 = arith.constant 0 : i32
        %dma_start3A_523 = arith.constant 0 : i32
        %dma_start3A_524 = tpu.memref_slice %arg2[%dma_start3A_522, %dma_start3A_523] : memref<2400x768xf32, #tpu.memory_space<hbm>> -> memref<2400x768xf32, #tpu.memory_space<hbm>>
        tpu.enqueue_indirect_dma source(%dma_start3A_524 : memref<2400x768xf32, #tpu.memory_space<hbm>>) target(%arg17 : memref<16x768xf32, #tpu.memory_space<vmem>>) offsets(%arg13 : memref<16xi32, #tpu.memory_space<vmem>>) semaphore(%arg22 : memref<!tpu.dma_semaphore, #tpu.memory_space<semaphore_mem>>)
        %swap3A_525 = arith.constant 16 : index
        %swap3A_526 = tpu.vector_load %arg12[%swap3A_525] {strides = array<i32>} : memref<32xf32, #tpu.memory_space<vmem>>, vector<16xf32>,
        tpu.vector_store %arg12[%swap3A_525], %mul3A_475 {strides = array<i32>} : memref<32xf32, #tpu.memory_space<vmem>>, vector<16xf32>,
        %gather3A_527 = tpu.vector_load_idx %arg12[%broadcast_in_dim3A_61] : memref<32xf32, #tpu.memory_space<vmem>>[vector<16xi32>], vector<16xf32>,
        %gather3A_528 = tpu.vector_load_idx %arg12[%broadcast_in_dim3A_63] : memref<32xf32, #tpu.memory_space<vmem>>[vector<16xi32>], vector<16xf32>,
        %gather3A_529 = tpu.vector_load_idx %arg12[%broadcast_in_dim3A_65] : memref<32xf32, #tpu.memory_space<vmem>>[vector<16xi32>], vector<16xf32>,
        %gather3A_530 = tpu.vector_load_idx %arg12[%broadcast_in_dim3A_67] : memref<32xf32, #tpu.memory_space<vmem>>[vector<16xi32>], vector<16xf32>,
        %gather3A_531 = tpu.vector_load_idx %arg12[%broadcast_in_dim3A_69] : memref<32xf32, #tpu.memory_space<vmem>>[vector<16xi32>], vector<16xf32>,
        %gather3A_532 = tpu.vector_load_idx %arg12[%broadcast_in_dim3A_71] : memref<32xf32, #tpu.memory_space<vmem>>[vector<16xi32>], vector<16xf32>,
        %gather3A_533 = tpu.vector_load_idx %arg12[%broadcast_in_dim3A_73] : memref<32xf32, #tpu.memory_space<vmem>>[vector<16xi32>], vector<16xf32>,
        %gather3A_534 = tpu.vector_load_idx %arg12[%broadcast_in_dim3A_75] : memref<32xf32, #tpu.memory_space<vmem>>[vector<16xi32>], vector<16xf32>,
        %gather3A_535 = tpu.vector_load_idx %arg12[%broadcast_in_dim3A_77] : memref<32xf32, #tpu.memory_space<vmem>>[vector<16xi32>], vector<16xf32>,
        %gather3A_536 = tpu.vector_load_idx %arg12[%broadcast_in_dim3A_79] : memref<32xf32, #tpu.memory_space<vmem>>[vector<16xi32>], vector<16xf32>,
        %gather3A_537 = tpu.vector_load_idx %arg12[%broadcast_in_dim3A_81] : memref<32xf32, #tpu.memory_space<vmem>>[vector<16xi32>], vector<16xf32>,
        %gather3A_538 = tpu.vector_load_idx %arg12[%broadcast_in_dim3A_83] : memref<32xf32, #tpu.memory_space<vmem>>[vector<16xi32>], vector<16xf32>,
        %gather3A_539 = tpu.vector_load_idx %arg12[%broadcast_in_dim3A_85] : memref<32xf32, #tpu.memory_space<vmem>>[vector<16xi32>], vector<16xf32>,
        %gather3A_540 = tpu.vector_load_idx %arg12[%broadcast_in_dim3A_87] : memref<32xf32, #tpu.memory_space<vmem>>[vector<16xi32>], vector<16xf32>,
        %gather3A_541 = tpu.vector_load_idx %arg12[%broadcast_in_dim3A_89] : memref<32xf32, #tpu.memory_space<vmem>>[vector<16xi32>], vector<16xf32>,
        %gather3A_542 = tpu.vector_load_idx %arg12[%broadcast_in_dim3A_91] : memref<32xf32, #tpu.memory_space<vmem>>[vector<16xi32>], vector<16xf32>,
        %dma_wait3A_543 = arith.constant 0 : i32
        %dma_wait3A_544 = arith.constant 0 : i32
        %dma_wait3A_545 = tpu.memref_slice %arg2[%dma_wait3A_543, %dma_wait3A_544] : memref<2400x768xf32, #tpu.memory_space<hbm>> -> memref<2400x768xf32, #tpu.memory_space<hbm>>
        tpu.wait_indirect_dma semaphore(%arg23 : memref<!tpu.dma_semaphore, #tpu.memory_space<semaphore_mem>>) src(%dma_wait3A_545 : memref<2400x768xf32, #tpu.memory_space<hbm>>) dst(%arg18 : memref<16x768xf32, #tpu.memory_space<vmem>>)
        %scan3A_546 = arith.constant 0 : i32
        %scan3A_547 = arith.constant 0 : i32
        %scan3A_548 = arith.constant 24 : i32
        %scan3A_549 = arith.addi %scan3A_547, %scan3A_548 : i32
        %scan3A_550 = arith.constant 1 : i32
        %scan3A_551 = scf.for %scan3A_581 = %scan3A_547 to %scan3A_549 step %scan3A_550 iter_args(%scan3A_582 = %scan3A_546) -> (i32)  : i32 {
          %mul3A_583 = arith.constant 2 : i32
          %mul3A_584 = arith.muli %mul3A_583, %scan3A_581 : i32
          %add3A_585 = arith.constant 0 : i32
          %add3A_586 = arith.addi %mul3A_584, %add3A_585 : i32
          %mul3A_587 = arith.constant 16 : i32
          %mul3A_588 = arith.muli %add3A_586, %mul3A_587 : i32
          %get3A_589 = arith.constant 0 : i32
          %get3A_590 = arith.index_cast %get3A_589 : i32 to index
          %get3A_591 = arith.index_cast %mul3A_588 : i32 to index
          %get3A_592 = tpu.vector_load %arg18[%get3A_590, %get3A_591] {strides = array<i32>} : memref<16x768xf32, #tpu.memory_space<vmem>>, vector<16xf32>,
          %mul3A_593 = arith.mulf %gather3A_527, %get3A_592 : vector<16xf32>
          %get3A_594 = arith.constant 1 : i32
          %get3A_595 = arith.index_cast %get3A_594 : i32 to index
          %get3A_596 = arith.index_cast %mul3A_588 : i32 to index
          %get3A_597 = tpu.vector_load %arg18[%get3A_595, %get3A_596] {strides = array<i32>} : memref<16x768xf32, #tpu.memory_space<vmem>>, vector<16xf32>,
          %mul3A_598 = arith.mulf %gather3A_528, %get3A_597 : vector<16xf32>
          %add3A_599 = arith.addf %mul3A_593, %mul3A_598 : vector<16xf32>
          %get3A_600 = arith.constant 2 : i32
          %get3A_601 = arith.index_cast %get3A_600 : i32 to index
          %get3A_602 = arith.index_cast %mul3A_588 : i32 to index
          %get3A_603 = tpu.vector_load %arg18[%get3A_601, %get3A_602] {strides = array<i32>} : memref<16x768xf32, #tpu.memory_space<vmem>>, vector<16xf32>,
          %mul3A_604 = arith.mulf %gather3A_529, %get3A_603 : vector<16xf32>
          %add3A_605 = arith.addf %add3A_599, %mul3A_604 : vector<16xf32>
          %get3A_606 = arith.constant 3 : i32
          %get3A_607 = arith.index_cast %get3A_606 : i32 to index
          %get3A_608 = arith.index_cast %mul3A_588 : i32 to index
          %get3A_609 = tpu.vector_load %arg18[%get3A_607, %get3A_608] {strides = array<i32>} : memref<16x768xf32, #tpu.memory_space<vmem>>, vector<16xf32>,
          %mul3A_610 = arith.mulf %gather3A_530, %get3A_609 : vector<16xf32>
          %add3A_611 = arith.addf %add3A_605, %mul3A_610 : vector<16xf32>
          %get3A_612 = arith.constant 4 : i32
          %get3A_613 = arith.index_cast %get3A_612 : i32 to index
          %get3A_614 = arith.index_cast %mul3A_588 : i32 to index
          %get3A_615 = tpu.vector_load %arg18[%get3A_613, %get3A_614] {strides = array<i32>} : memref<16x768xf32, #tpu.memory_space<vmem>>, vector<16xf32>,
          %mul3A_616 = arith.mulf %gather3A_531, %get3A_615 : vector<16xf32>
          %add3A_617 = arith.addf %add3A_611, %mul3A_616 : vector<16xf32>
          %get3A_618 = arith.constant 5 : i32
          %get3A_619 = arith.index_cast %get3A_618 : i32 to index
          %get3A_620 = arith.index_cast %mul3A_588 : i32 to index
          %get3A_621 = tpu.vector_load %arg18[%get3A_619, %get3A_620] {strides = array<i32>} : memref<16x768xf32, #tpu.memory_space<vmem>>, vector<16xf32>,
          %mul3A_622 = arith.mulf %gather3A_532, %get3A_621 : vector<16xf32>
          %add3A_623 = arith.addf %add3A_617, %mul3A_622 : vector<16xf32>
          %get3A_624 = arith.constant 6 : i32
          %get3A_625 = arith.index_cast %get3A_624 : i32 to index
          %get3A_626 = arith.index_cast %mul3A_588 : i32 to index
          %get3A_627 = tpu.vector_load %arg18[%get3A_625, %get3A_626] {strides = array<i32>} : memref<16x768xf32, #tpu.memory_space<vmem>>, vector<16xf32>,
          %mul3A_628 = arith.mulf %gather3A_533, %get3A_627 : vector<16xf32>
          %add3A_629 = arith.addf %add3A_623, %mul3A_628 : vector<16xf32>
          %get3A_630 = arith.constant 7 : i32
          %get3A_631 = arith.index_cast %get3A_630 : i32 to index
          %get3A_632 = arith.index_cast %mul3A_588 : i32 to index
          %get3A_633 = tpu.vector_load %arg18[%get3A_631, %get3A_632] {strides = array<i32>} : memref<16x768xf32, #tpu.memory_space<vmem>>, vector<16xf32>,
          %mul3A_634 = arith.mulf %gather3A_534, %get3A_633 : vector<16xf32>
          %add3A_635 = arith.addf %add3A_629, %mul3A_634 : vector<16xf32>
          %get3A_636 = arith.constant 8 : i32
          %get3A_637 = arith.index_cast %get3A_636 : i32 to index
          %get3A_638 = arith.index_cast %mul3A_588 : i32 to index
          %get3A_639 = tpu.vector_load %arg18[%get3A_637, %get3A_638] {strides = array<i32>} : memref<16x768xf32, #tpu.memory_space<vmem>>, vector<16xf32>,
          %mul3A_640 = arith.mulf %gather3A_535, %get3A_639 : vector<16xf32>
          %add3A_641 = arith.addf %add3A_635, %mul3A_640 : vector<16xf32>
          %get3A_642 = arith.constant 9 : i32
          %get3A_643 = arith.index_cast %get3A_642 : i32 to index
          %get3A_644 = arith.index_cast %mul3A_588 : i32 to index
          %get3A_645 = tpu.vector_load %arg18[%get3A_643, %get3A_644] {strides = array<i32>} : memref<16x768xf32, #tpu.memory_space<vmem>>, vector<16xf32>,
          %mul3A_646 = arith.mulf %gather3A_536, %get3A_645 : vector<16xf32>
          %add3A_647 = arith.addf %add3A_641, %mul3A_646 : vector<16xf32>
          %get3A_648 = arith.constant 10 : i32
          %get3A_649 = arith.index_cast %get3A_648 : i32 to index
          %get3A_650 = arith.index_cast %mul3A_588 : i32 to index
          %get3A_651 = tpu.vector_load %arg18[%get3A_649, %get3A_650] {strides = array<i32>} : memref<16x768xf32, #tpu.memory_space<vmem>>, vector<16xf32>,
          %mul3A_652 = arith.mulf %gather3A_537, %get3A_651 : vector<16xf32>
          %add3A_653 = arith.addf %add3A_647, %mul3A_652 : vector<16xf32>
          %get3A_654 = arith.constant 11 : i32
          %get3A_655 = arith.index_cast %get3A_654 : i32 to index
          %get3A_656 = arith.index_cast %mul3A_588 : i32 to index
          %get3A_657 = tpu.vector_load %arg18[%get3A_655, %get3A_656] {strides = array<i32>} : memref<16x768xf32, #tpu.memory_space<vmem>>, vector<16xf32>,
          %mul3A_658 = arith.mulf %gather3A_538, %get3A_657 : vector<16xf32>
          %add3A_659 = arith.addf %add3A_653, %mul3A_658 : vector<16xf32>
          %get3A_660 = arith.constant 12 : i32
          %get3A_661 = arith.index_cast %get3A_660 : i32 to index
          %get3A_662 = arith.index_cast %mul3A_588 : i32 to index
          %get3A_663 = tpu.vector_load %arg18[%get3A_661, %get3A_662] {strides = array<i32>} : memref<16x768xf32, #tpu.memory_space<vmem>>, vector<16xf32>,
          %mul3A_664 = arith.mulf %gather3A_539, %get3A_663 : vector<16xf32>
          %add3A_665 = arith.addf %add3A_659, %mul3A_664 : vector<16xf32>
          %get3A_666 = arith.constant 13 : i32
          %get3A_667 = arith.index_cast %get3A_666 : i32 to index
          %get3A_668 = arith.index_cast %mul3A_588 : i32 to index
          %get3A_669 = tpu.vector_load %arg18[%get3A_667, %get3A_668] {strides = array<i32>} : memref<16x768xf32, #tpu.memory_space<vmem>>, vector<16xf32>,
          %mul3A_670 = arith.mulf %gather3A_540, %get3A_669 : vector<16xf32>
          %add3A_671 = arith.addf %add3A_665, %mul3A_670 : vector<16xf32>
          %get3A_672 = arith.constant 14 : i32
          %get3A_673 = arith.index_cast %get3A_672 : i32 to index
          %get3A_674 = arith.index_cast %mul3A_588 : i32 to index
          %get3A_675 = tpu.vector_load %arg18[%get3A_673, %get3A_674] {strides = array<i32>} : memref<16x768xf32, #tpu.memory_space<vmem>>, vector<16xf32>,
          %mul3A_676 = arith.mulf %gather3A_541, %get3A_675 : vector<16xf32>
          %add3A_677 = arith.addf %add3A_671, %mul3A_676 : vector<16xf32>
          %get3A_678 = arith.constant 15 : i32
          %get3A_679 = arith.index_cast %get3A_678 : i32 to index
          %get3A_680 = arith.index_cast %mul3A_588 : i32 to index
          %get3A_681 = tpu.vector_load %arg18[%get3A_679, %get3A_680] {strides = array<i32>} : memref<16x768xf32, #tpu.memory_space<vmem>>, vector<16xf32>,
          %mul3A_682 = arith.mulf %gather3A_542, %get3A_681 : vector<16xf32>
          %add3A_683 = arith.addf %add3A_677, %mul3A_682 : vector<16xf32>
          %mul3A_684 = arith.constant 2 : i32
          %mul3A_685 = arith.muli %mul3A_684, %scan3A_581 : i32
          %add3A_686 = arith.constant 0 : i32
          %add3A_687 = arith.addi %mul3A_685, %add3A_686 : i32
          %mul3A_688 = arith.constant 16 : i32
          %mul3A_689 = arith.muli %add3A_687, %mul3A_688 : i32
          %add3A_690 = arith.constant 3840 : i32
          %add3A_691 = arith.addi %add3A_690, %mul3A_689 : i32
          %swap3A_692 = arith.index_cast %add3A_691 : i32 to index
          %swap3A_693 = tpu.vector_load %arg21[%swap3A_692] {strides = array<i32>} : memref<5376xf32, #tpu.memory_space<vmem>>, vector<16xf32>,
          tpu.vector_store %arg21[%swap3A_692], %add3A_683 {strides = array<i32>} : memref<5376xf32, #tpu.memory_space<vmem>>, vector<16xf32>,
          %mul3A_694 = arith.constant 2 : i32
          %mul3A_695 = arith.muli %mul3A_694, %scan3A_581 : i32
          %add3A_696 = arith.constant 1 : i32
          %add3A_697 = arith.addi %mul3A_695, %add3A_696 : i32
          %mul3A_698 = arith.constant 16 : i32
          %mul3A_699 = arith.muli %add3A_697, %mul3A_698 : i32
          %get3A_700 = arith.constant 0 : i32
          %get3A_701 = arith.index_cast %get3A_700 : i32 to index
          %get3A_702 = arith.index_cast %mul3A_699 : i32 to index
          %get3A_703 = tpu.vector_load %arg18[%get3A_701, %get3A_702] {strides = array<i32>} : memref<16x768xf32, #tpu.memory_space<vmem>>, vector<16xf32>,
          %mul3A_704 = arith.mulf %gather3A_527, %get3A_703 : vector<16xf32>
          %get3A_705 = arith.constant 1 : i32
          %get3A_706 = arith.index_cast %get3A_705 : i32 to index
          %get3A_707 = arith.index_cast %mul3A_699 : i32 to index
          %get3A_708 = tpu.vector_load %arg18[%get3A_706, %get3A_707] {strides = array<i32>} : memref<16x768xf32, #tpu.memory_space<vmem>>, vector<16xf32>,
          %mul3A_709 = arith.mulf %gather3A_528, %get3A_708 : vector<16xf32>
          %add3A_710 = arith.addf %mul3A_704, %mul3A_709 : vector<16xf32>
          %get3A_711 = arith.constant 2 : i32
          %get3A_712 = arith.index_cast %get3A_711 : i32 to index
          %get3A_713 = arith.index_cast %mul3A_699 : i32 to index
          %get3A_714 = tpu.vector_load %arg18[%get3A_712, %get3A_713] {strides = array<i32>} : memref<16x768xf32, #tpu.memory_space<vmem>>, vector<16xf32>,
          %mul3A_715 = arith.mulf %gather3A_529, %get3A_714 : vector<16xf32>
          %add3A_716 = arith.addf %add3A_710, %mul3A_715 : vector<16xf32>
          %get3A_717 = arith.constant 3 : i32
          %get3A_718 = arith.index_cast %get3A_717 : i32 to index
          %get3A_719 = arith.index_cast %mul3A_699 : i32 to index
          %get3A_720 = tpu.vector_load %arg18[%get3A_718, %get3A_719] {strides = array<i32>} : memref<16x768xf32, #tpu.memory_space<vmem>>, vector<16xf32>,
          %mul3A_721 = arith.mulf %gather3A_530, %get3A_720 : vector<16xf32>
          %add3A_722 = arith.addf %add3A_716, %mul3A_721 : vector<16xf32>
          %get3A_723 = arith.constant 4 : i32
          %get3A_724 = arith.index_cast %get3A_723 : i32 to index
          %get3A_725 = arith.index_cast %mul3A_699 : i32 to index
          %get3A_726 = tpu.vector_load %arg18[%get3A_724, %get3A_725] {strides = array<i32>} : memref<16x768xf32, #tpu.memory_space<vmem>>, vector<16xf32>,
          %mul3A_727 = arith.mulf %gather3A_531, %get3A_726 : vector<16xf32>
          %add3A_728 = arith.addf %add3A_722, %mul3A_727 : vector<16xf32>
          %get3A_729 = arith.constant 5 : i32
          %get3A_730 = arith.index_cast %get3A_729 : i32 to index
          %get3A_731 = arith.index_cast %mul3A_699 : i32 to index
          %get3A_732 = tpu.vector_load %arg18[%get3A_730, %get3A_731] {strides = array<i32>} : memref<16x768xf32, #tpu.memory_space<vmem>>, vector<16xf32>,
          %mul3A_733 = arith.mulf %gather3A_532, %get3A_732 : vector<16xf32>
          %add3A_734 = arith.addf %add3A_728, %mul3A_733 : vector<16xf32>
          %get3A_735 = arith.constant 6 : i32
          %get3A_736 = arith.index_cast %get3A_735 : i32 to index
          %get3A_737 = arith.index_cast %mul3A_699 : i32 to index
          %get3A_738 = tpu.vector_load %arg18[%get3A_736, %get3A_737] {strides = array<i32>} : memref<16x768xf32, #tpu.memory_space<vmem>>, vector<16xf32>,
          %mul3A_739 = arith.mulf %gather3A_533, %get3A_738 : vector<16xf32>
          %add3A_740 = arith.addf %add3A_734, %mul3A_739 : vector<16xf32>
          %get3A_741 = arith.constant 7 : i32
          %get3A_742 = arith.index_cast %get3A_741 : i32 to index
          %get3A_743 = arith.index_cast %mul3A_699 : i32 to index
          %get3A_744 = tpu.vector_load %arg18[%get3A_742, %get3A_743] {strides = array<i32>} : memref<16x768xf32, #tpu.memory_space<vmem>>, vector<16xf32>,
          %mul3A_745 = arith.mulf %gather3A_534, %get3A_744 : vector<16xf32>
          %add3A_746 = arith.addf %add3A_740, %mul3A_745 : vector<16xf32>
          %get3A_747 = arith.constant 8 : i32
          %get3A_748 = arith.index_cast %get3A_747 : i32 to index
          %get3A_749 = arith.index_cast %mul3A_699 : i32 to index
          %get3A_750 = tpu.vector_load %arg18[%get3A_748, %get3A_749] {strides = array<i32>} : memref<16x768xf32, #tpu.memory_space<vmem>>, vector<16xf32>,
          %mul3A_751 = arith.mulf %gather3A_535, %get3A_750 : vector<16xf32>
          %add3A_752 = arith.addf %add3A_746, %mul3A_751 : vector<16xf32>
          %get3A_753 = arith.constant 9 : i32
          %get3A_754 = arith.index_cast %get3A_753 : i32 to index
          %get3A_755 = arith.index_cast %mul3A_699 : i32 to index
          %get3A_756 = tpu.vector_load %arg18[%get3A_754, %get3A_755] {strides = array<i32>} : memref<16x768xf32, #tpu.memory_space<vmem>>, vector<16xf32>,
          %mul3A_757 = arith.mulf %gather3A_536, %get3A_756 : vector<16xf32>
          %add3A_758 = arith.addf %add3A_752, %mul3A_757 : vector<16xf32>
          %get3A_759 = arith.constant 10 : i32
          %get3A_760 = arith.index_cast %get3A_759 : i32 to index
          %get3A_761 = arith.index_cast %mul3A_699 : i32 to index
          %get3A_762 = tpu.vector_load %arg18[%get3A_760, %get3A_761] {strides = array<i32>} : memref<16x768xf32, #tpu.memory_space<vmem>>, vector<16xf32>,
          %mul3A_763 = arith.mulf %gather3A_537, %get3A_762 : vector<16xf32>
          %add3A_764 = arith.addf %add3A_758, %mul3A_763 : vector<16xf32>
          %get3A_765 = arith.constant 11 : i32
          %get3A_766 = arith.index_cast %get3A_765 : i32 to index
          %get3A_767 = arith.index_cast %mul3A_699 : i32 to index
          %get3A_768 = tpu.vector_load %arg18[%get3A_766, %get3A_767] {strides = array<i32>} : memref<16x768xf32, #tpu.memory_space<vmem>>, vector<16xf32>,
          %mul3A_769 = arith.mulf %gather3A_538, %get3A_768 : vector<16xf32>
          %add3A_770 = arith.addf %add3A_764, %mul3A_769 : vector<16xf32>
          %get3A_771 = arith.constant 12 : i32
          %get3A_772 = arith.index_cast %get3A_771 : i32 to index
          %get3A_773 = arith.index_cast %mul3A_699 : i32 to index
          %get3A_774 = tpu.vector_load %arg18[%get3A_772, %get3A_773] {strides = array<i32>} : memref<16x768xf32, #tpu.memory_space<vmem>>, vector<16xf32>,
          %mul3A_775 = arith.mulf %gather3A_539, %get3A_774 : vector<16xf32>
          %add3A_776 = arith.addf %add3A_770, %mul3A_775 : vector<16xf32>
          %get3A_777 = arith.constant 13 : i32
          %get3A_778 = arith.index_cast %get3A_777 : i32 to index
          %get3A_779 = arith.index_cast %mul3A_699 : i32 to index
          %get3A_780 = tpu.vector_load %arg18[%get3A_778, %get3A_779] {strides = array<i32>} : memref<16x768xf32, #tpu.memory_space<vmem>>, vector<16xf32>,
          %mul3A_781 = arith.mulf %gather3A_540, %get3A_780 : vector<16xf32>
          %add3A_782 = arith.addf %add3A_776, %mul3A_781 : vector<16xf32>
          %get3A_783 = arith.constant 14 : i32
          %get3A_784 = arith.index_cast %get3A_783 : i32 to index
          %get3A_785 = arith.index_cast %mul3A_699 : i32 to index
          %get3A_786 = tpu.vector_load %arg18[%get3A_784, %get3A_785] {strides = array<i32>} : memref<16x768xf32, #tpu.memory_space<vmem>>, vector<16xf32>,
          %mul3A_787 = arith.mulf %gather3A_541, %get3A_786 : vector<16xf32>
          %add3A_788 = arith.addf %add3A_782, %mul3A_787 : vector<16xf32>
          %get3A_789 = arith.constant 15 : i32
          %get3A_790 = arith.index_cast %get3A_789 : i32 to index
          %get3A_791 = arith.index_cast %mul3A_699 : i32 to index
          %get3A_792 = tpu.vector_load %arg18[%get3A_790, %get3A_791] {strides = array<i32>} : memref<16x768xf32, #tpu.memory_space<vmem>>, vector<16xf32>,
          %mul3A_793 = arith.mulf %gather3A_542, %get3A_792 : vector<16xf32>
          %add3A_794 = arith.addf %add3A_788, %mul3A_793 : vector<16xf32>
          %mul3A_795 = arith.constant 2 : i32
          %mul3A_796 = arith.muli %mul3A_795, %scan3A_581 : i32
          %add3A_797 = arith.constant 1 : i32
          %add3A_798 = arith.addi %mul3A_796, %add3A_797 : i32
          %mul3A_799 = arith.constant 16 : i32
          %mul3A_800 = arith.muli %add3A_798, %mul3A_799 : i32
          %add3A_801 = arith.constant 3840 : i32
          %add3A_802 = arith.addi %add3A_801, %mul3A_800 : i32
          %swap3A_803 = arith.index_cast %add3A_802 : i32 to index
          %swap3A_804 = tpu.vector_load %arg21[%swap3A_803] {strides = array<i32>} : memref<5376xf32, #tpu.memory_space<vmem>>, vector<16xf32>,
          tpu.vector_store %arg21[%swap3A_803], %add3A_794 {strides = array<i32>} : memref<5376xf32, #tpu.memory_space<vmem>>, vector<16xf32>,
          %scan3A_805 = arith.constant 0 : i32
          scf.yield %scan3A_805 : i32
        }
        %scan3A_552 = arith.constant 24 : i32
        %swap3A_553 = arith.constant 16 : index
        %swap3A_554 = tpu.vector_load %arg12[%swap3A_553] {strides = array<i32>} : memref<32xf32, #tpu.memory_space<vmem>>, vector<16xf32>,
        tpu.vector_store %arg12[%swap3A_553], %mul3A_519 {strides = array<i32>} : memref<32xf32, #tpu.memory_space<vmem>>, vector<16xf32>,
        %gather3A_555 = tpu.vector_load_idx %arg12[%broadcast_in_dim3A_61] : memref<32xf32, #tpu.memory_space<vmem>>[vector<16xi32>], vector<16xf32>,
        %gather3A_556 = tpu.vector_load_idx %arg12[%broadcast_in_dim3A_63] : memref<32xf32, #tpu.memory_space<vmem>>[vector<16xi32>], vector<16xf32>,
        %gather3A_557 = tpu.vector_load_idx %arg12[%broadcast_in_dim3A_65] : memref<32xf32, #tpu.memory_space<vmem>>[vector<16xi32>], vector<16xf32>,
        %gather3A_558 = tpu.vector_load_idx %arg12[%broadcast_in_dim3A_67] : memref<32xf32, #tpu.memory_space<vmem>>[vector<16xi32>], vector<16xf32>,
        %gather3A_559 = tpu.vector_load_idx %arg12[%broadcast_in_dim3A_69] : memref<32xf32, #tpu.memory_space<vmem>>[vector<16xi32>], vector<16xf32>,
        %gather3A_560 = tpu.vector_load_idx %arg12[%broadcast_in_dim3A_71] : memref<32xf32, #tpu.memory_space<vmem>>[vector<16xi32>], vector<16xf32>,
        %gather3A_561 = tpu.vector_load_idx %arg12[%broadcast_in_dim3A_73] : memref<32xf32, #tpu.memory_space<vmem>>[vector<16xi32>], vector<16xf32>,
        %gather3A_562 = tpu.vector_load_idx %arg12[%broadcast_in_dim3A_75] : memref<32xf32, #tpu.memory_space<vmem>>[vector<16xi32>], vector<16xf32>,
        %gather3A_563 = tpu.vector_load_idx %arg12[%broadcast_in_dim3A_77] : memref<32xf32, #tpu.memory_space<vmem>>[vector<16xi32>], vector<16xf32>,
        %gather3A_564 = tpu.vector_load_idx %arg12[%broadcast_in_dim3A_79] : memref<32xf32, #tpu.memory_space<vmem>>[vector<16xi32>], vector<16xf32>,
        %gather3A_565 = tpu.vector_load_idx %arg12[%broadcast_in_dim3A_81] : memref<32xf32, #tpu.memory_space<vmem>>[vector<16xi32>], vector<16xf32>,
        %gather3A_566 = tpu.vector_load_idx %arg12[%broadcast_in_dim3A_83] : memref<32xf32, #tpu.memory_space<vmem>>[vector<16xi32>], vector<16xf32>,
        %gather3A_567 = tpu.vector_load_idx %arg12[%broadcast_in_dim3A_85] : memref<32xf32, #tpu.memory_space<vmem>>[vector<16xi32>], vector<16xf32>,
        %gather3A_568 = tpu.vector_load_idx %arg12[%broadcast_in_dim3A_87] : memref<32xf32, #tpu.memory_space<vmem>>[vector<16xi32>], vector<16xf32>,
        %gather3A_569 = tpu.vector_load_idx %arg12[%broadcast_in_dim3A_89] : memref<32xf32, #tpu.memory_space<vmem>>[vector<16xi32>], vector<16xf32>,
        %gather3A_570 = tpu.vector_load_idx %arg12[%broadcast_in_dim3A_91] : memref<32xf32, #tpu.memory_space<vmem>>[vector<16xi32>], vector<16xf32>,
        %dma_wait3A_571 = arith.constant 0 : i32
        %dma_wait3A_572 = arith.constant 0 : i32
        %dma_wait3A_573 = tpu.memref_slice %arg2[%dma_wait3A_571, %dma_wait3A_572] : memref<2400x768xf32, #tpu.memory_space<hbm>> -> memref<2400x768xf32, #tpu.memory_space<hbm>>
        tpu.wait_indirect_dma semaphore(%arg22 : memref<!tpu.dma_semaphore, #tpu.memory_space<semaphore_mem>>) src(%dma_wait3A_573 : memref<2400x768xf32, #tpu.memory_space<hbm>>) dst(%arg17 : memref<16x768xf32, #tpu.memory_space<vmem>>)
        %scan3A_574 = arith.constant 0 : i32
        %scan3A_575 = arith.constant 0 : i32
        %scan3A_576 = arith.constant 24 : i32
        %scan3A_577 = arith.addi %scan3A_575, %scan3A_576 : i32
        %scan3A_578 = arith.constant 1 : i32
        %scan3A_579 = scf.for %scan3A_581 = %scan3A_575 to %scan3A_577 step %scan3A_578 iter_args(%scan3A_582 = %scan3A_574) -> (i32)  : i32 {
          %mul3A_583 = arith.constant 2 : i32
          %mul3A_584 = arith.muli %mul3A_583, %scan3A_581 : i32
          %add3A_585 = arith.constant 0 : i32
          %add3A_586 = arith.addi %mul3A_584, %add3A_585 : i32
          %mul3A_587 = arith.constant 16 : i32
          %mul3A_588 = arith.muli %add3A_586, %mul3A_587 : i32
          %get3A_589 = arith.constant 0 : i32
          %get3A_590 = arith.index_cast %get3A_589 : i32 to index
          %get3A_591 = arith.index_cast %mul3A_588 : i32 to index
          %get3A_592 = tpu.vector_load %arg17[%get3A_590, %get3A_591] {strides = array<i32>} : memref<16x768xf32, #tpu.memory_space<vmem>>, vector<16xf32>,
          %mul3A_593 = arith.mulf %gather3A_555, %get3A_592 : vector<16xf32>
          %get3A_594 = arith.constant 1 : i32
          %get3A_595 = arith.index_cast %get3A_594 : i32 to index
          %get3A_596 = arith.index_cast %mul3A_588 : i32 to index
          %get3A_597 = tpu.vector_load %arg17[%get3A_595, %get3A_596] {strides = array<i32>} : memref<16x768xf32, #tpu.memory_space<vmem>>, vector<16xf32>,
          %mul3A_598 = arith.mulf %gather3A_556, %get3A_597 : vector<16xf32>
          %add3A_599 = arith.addf %mul3A_593, %mul3A_598 : vector<16xf32>
          %get3A_600 = arith.constant 2 : i32
          %get3A_601 = arith.index_cast %get3A_600 : i32 to index
          %get3A_602 = arith.index_cast %mul3A_588 : i32 to index
          %get3A_603 = tpu.vector_load %arg17[%get3A_601, %get3A_602] {strides = array<i32>} : memref<16x768xf32, #tpu.memory_space<vmem>>, vector<16xf32>,
          %mul3A_604 = arith.mulf %gather3A_557, %get3A_603 : vector<16xf32>
          %add3A_605 = arith.addf %add3A_599, %mul3A_604 : vector<16xf32>
          %get3A_606 = arith.constant 3 : i32
          %get3A_607 = arith.index_cast %get3A_606 : i32 to index
          %get3A_608 = arith.index_cast %mul3A_588 : i32 to index
          %get3A_609 = tpu.vector_load %arg17[%get3A_607, %get3A_608] {strides = array<i32>} : memref<16x768xf32, #tpu.memory_space<vmem>>, vector<16xf32>,
          %mul3A_610 = arith.mulf %gather3A_558, %get3A_609 : vector<16xf32>
          %add3A_611 = arith.addf %add3A_605, %mul3A_610 : vector<16xf32>
          %get3A_612 = arith.constant 4 : i32
          %get3A_613 = arith.index_cast %get3A_612 : i32 to index
          %get3A_614 = arith.index_cast %mul3A_588 : i32 to index
          %get3A_615 = tpu.vector_load %arg17[%get3A_613, %get3A_614] {strides = array<i32>} : memref<16x768xf32, #tpu.memory_space<vmem>>, vector<16xf32>,
          %mul3A_616 = arith.mulf %gather3A_559, %get3A_615 : vector<16xf32>
          %add3A_617 = arith.addf %add3A_611, %mul3A_616 : vector<16xf32>
          %get3A_618 = arith.constant 5 : i32
          %get3A_619 = arith.index_cast %get3A_618 : i32 to index
          %get3A_620 = arith.index_cast %mul3A_588 : i32 to index
          %get3A_621 = tpu.vector_load %arg17[%get3A_619, %get3A_620] {strides = array<i32>} : memref<16x768xf32, #tpu.memory_space<vmem>>, vector<16xf32>,
          %mul3A_622 = arith.mulf %gather3A_560, %get3A_621 : vector<16xf32>
          %add3A_623 = arith.addf %add3A_617, %mul3A_622 : vector<16xf32>
          %get3A_624 = arith.constant 6 : i32
          %get3A_625 = arith.index_cast %get3A_624 : i32 to index
          %get3A_626 = arith.index_cast %mul3A_588 : i32 to index
          %get3A_627 = tpu.vector_load %arg17[%get3A_625, %get3A_626] {strides = array<i32>} : memref<16x768xf32, #tpu.memory_space<vmem>>, vector<16xf32>,
          %mul3A_628 = arith.mulf %gather3A_561, %get3A_627 : vector<16xf32>
          %add3A_629 = arith.addf %add3A_623, %mul3A_628 : vector<16xf32>
          %get3A_630 = arith.constant 7 : i32
          %get3A_631 = arith.index_cast %get3A_630 : i32 to index
          %get3A_632 = arith.index_cast %mul3A_588 : i32 to index
          %get3A_633 = tpu.vector_load %arg17[%get3A_631, %get3A_632] {strides = array<i32>} : memref<16x768xf32, #tpu.memory_space<vmem>>, vector<16xf32>,
          %mul3A_634 = arith.mulf %gather3A_562, %get3A_633 : vector<16xf32>
          %add3A_635 = arith.addf %add3A_629, %mul3A_634 : vector<16xf32>
          %get3A_636 = arith.constant 8 : i32
          %get3A_637 = arith.index_cast %get3A_636 : i32 to index
          %get3A_638 = arith.index_cast %mul3A_588 : i32 to index
          %get3A_639 = tpu.vector_load %arg17[%get3A_637, %get3A_638] {strides = array<i32>} : memref<16x768xf32, #tpu.memory_space<vmem>>, vector<16xf32>,
          %mul3A_640 = arith.mulf %gather3A_563, %get3A_639 : vector<16xf32>
          %add3A_641 = arith.addf %add3A_635, %mul3A_640 : vector<16xf32>
          %get3A_642 = arith.constant 9 : i32
          %get3A_643 = arith.index_cast %get3A_642 : i32 to index
          %get3A_644 = arith.index_cast %mul3A_588 : i32 to index
          %get3A_645 = tpu.vector_load %arg17[%get3A_643, %get3A_644] {strides = array<i32>} : memref<16x768xf32, #tpu.memory_space<vmem>>, vector<16xf32>,
          %mul3A_646 = arith.mulf %gather3A_564, %get3A_645 : vector<16xf32>
          %add3A_647 = arith.addf %add3A_641, %mul3A_646 : vector<16xf32>
          %get3A_648 = arith.constant 10 : i32
          %get3A_649 = arith.index_cast %get3A_648 : i32 to index
          %get3A_650 = arith.index_cast %mul3A_588 : i32 to index
          %get3A_651 = tpu.vector_load %arg17[%get3A_649, %get3A_650] {strides = array<i32>} : memref<16x768xf32, #tpu.memory_space<vmem>>, vector<16xf32>,
          %mul3A_652 = arith.mulf %gather3A_565, %get3A_651 : vector<16xf32>
          %add3A_653 = arith.addf %add3A_647, %mul3A_652 : vector<16xf32>
          %get3A_654 = arith.constant 11 : i32
          %get3A_655 = arith.index_cast %get3A_654 : i32 to index
          %get3A_656 = arith.index_cast %mul3A_588 : i32 to index
          %get3A_657 = tpu.vector_load %arg17[%get3A_655, %get3A_656] {strides = array<i32>} : memref<16x768xf32, #tpu.memory_space<vmem>>, vector<16xf32>,
          %mul3A_658 = arith.mulf %gather3A_566, %get3A_657 : vector<16xf32>
          %add3A_659 = arith.addf %add3A_653, %mul3A_658 : vector<16xf32>
          %get3A_660 = arith.constant 12 : i32
          %get3A_661 = arith.index_cast %get3A_660 : i32 to index
          %get3A_662 = arith.index_cast %mul3A_588 : i32 to index
          %get3A_663 = tpu.vector_load %arg17[%get3A_661, %get3A_662] {strides = array<i32>} : memref<16x768xf32, #tpu.memory_space<vmem>>, vector<16xf32>,
          %mul3A_664 = arith.mulf %gather3A_567, %get3A_663 : vector<16xf32>
          %add3A_665 = arith.addf %add3A_659, %mul3A_664 : vector<16xf32>
          %get3A_666 = arith.constant 13 : i32
          %get3A_667 = arith.index_cast %get3A_666 : i32 to index
          %get3A_668 = arith.index_cast %mul3A_588 : i32 to index
          %get3A_669 = tpu.vector_load %arg17[%get3A_667, %get3A_668] {strides = array<i32>} : memref<16x768xf32, #tpu.memory_space<vmem>>, vector<16xf32>,
          %mul3A_670 = arith.mulf %gather3A_568, %get3A_669 : vector<16xf32>
          %add3A_671 = arith.addf %add3A_665, %mul3A_670 : vector<16xf32>
          %get3A_672 = arith.constant 14 : i32
          %get3A_673 = arith.index_cast %get3A_672 : i32 to index
          %get3A_674 = arith.index_cast %mul3A_588 : i32 to index
          %get3A_675 = tpu.vector_load %arg17[%get3A_673, %get3A_674] {strides = array<i32>} : memref<16x768xf32, #tpu.memory_space<vmem>>, vector<16xf32>,
          %mul3A_676 = arith.mulf %gather3A_569, %get3A_675 : vector<16xf32>
          %add3A_677 = arith.addf %add3A_671, %mul3A_676 : vector<16xf32>
          %get3A_678 = arith.constant 15 : i32
          %get3A_679 = arith.index_cast %get3A_678 : i32 to index
          %get3A_680 = arith.index_cast %mul3A_588 : i32 to index
          %get3A_681 = tpu.vector_load %arg17[%get3A_679, %get3A_680] {strides = array<i32>} : memref<16x768xf32, #tpu.memory_space<vmem>>, vector<16xf32>,
          %mul3A_682 = arith.mulf %gather3A_570, %get3A_681 : vector<16xf32>
          %add3A_683 = arith.addf %add3A_677, %mul3A_682 : vector<16xf32>
          %mul3A_684 = arith.constant 2 : i32
          %mul3A_685 = arith.muli %mul3A_684, %scan3A_581 : i32
          %add3A_686 = arith.constant 0 : i32
          %add3A_687 = arith.addi %mul3A_685, %add3A_686 : i32
          %mul3A_688 = arith.constant 16 : i32
          %mul3A_689 = arith.muli %add3A_687, %mul3A_688 : i32
          %add3A_690 = arith.constant 4608 : i32
          %add3A_691 = arith.addi %add3A_690, %mul3A_689 : i32
          %swap3A_692 = arith.index_cast %add3A_691 : i32 to index
          %swap3A_693 = tpu.vector_load %arg21[%swap3A_692] {strides = array<i32>} : memref<5376xf32, #tpu.memory_space<vmem>>, vector<16xf32>,
          tpu.vector_store %arg21[%swap3A_692], %add3A_683 {strides = array<i32>} : memref<5376xf32, #tpu.memory_space<vmem>>, vector<16xf32>,
          %mul3A_694 = arith.constant 2 : i32
          %mul3A_695 = arith.muli %mul3A_694, %scan3A_581 : i32
          %add3A_696 = arith.constant 1 : i32
          %add3A_697 = arith.addi %mul3A_695, %add3A_696 : i32
          %mul3A_698 = arith.constant 16 : i32
          %mul3A_699 = arith.muli %add3A_697, %mul3A_698 : i32
          %get3A_700 = arith.constant 0 : i32
          %get3A_701 = arith.index_cast %get3A_700 : i32 to index
          %get3A_702 = arith.index_cast %mul3A_699 : i32 to index
          %get3A_703 = tpu.vector_load %arg17[%get3A_701, %get3A_702] {strides = array<i32>} : memref<16x768xf32, #tpu.memory_space<vmem>>, vector<16xf32>,
          %mul3A_704 = arith.mulf %gather3A_555, %get3A_703 : vector<16xf32>
          %get3A_705 = arith.constant 1 : i32
          %get3A_706 = arith.index_cast %get3A_705 : i32 to index
          %get3A_707 = arith.index_cast %mul3A_699 : i32 to index
          %get3A_708 = tpu.vector_load %arg17[%get3A_706, %get3A_707] {strides = array<i32>} : memref<16x768xf32, #tpu.memory_space<vmem>>, vector<16xf32>,
          %mul3A_709 = arith.mulf %gather3A_556, %get3A_708 : vector<16xf32>
          %add3A_710 = arith.addf %mul3A_704, %mul3A_709 : vector<16xf32>
          %get3A_711 = arith.constant 2 : i32
          %get3A_712 = arith.index_cast %get3A_711 : i32 to index
          %get3A_713 = arith.index_cast %mul3A_699 : i32 to index
          %get3A_714 = tpu.vector_load %arg17[%get3A_712, %get3A_713] {strides = array<i32>} : memref<16x768xf32, #tpu.memory_space<vmem>>, vector<16xf32>,
          %mul3A_715 = arith.mulf %gather3A_557, %get3A_714 : vector<16xf32>
          %add3A_716 = arith.addf %add3A_710, %mul3A_715 : vector<16xf32>
          %get3A_717 = arith.constant 3 : i32
          %get3A_718 = arith.index_cast %get3A_717 : i32 to index
          %get3A_719 = arith.index_cast %mul3A_699 : i32 to index
          %get3A_720 = tpu.vector_load %arg17[%get3A_718, %get3A_719] {strides = array<i32>} : memref<16x768xf32, #tpu.memory_space<vmem>>, vector<16xf32>,
          %mul3A_721 = arith.mulf %gather3A_558, %get3A_720 : vector<16xf32>
          %add3A_722 = arith.addf %add3A_716, %mul3A_721 : vector<16xf32>
          %get3A_723 = arith.constant 4 : i32
          %get3A_724 = arith.index_cast %get3A_723 : i32 to index
          %get3A_725 = arith.index_cast %mul3A_699 : i32 to index
          %get3A_726 = tpu.vector_load %arg17[%get3A_724, %get3A_725] {strides = array<i32>} : memref<16x768xf32, #tpu.memory_space<vmem>>, vector<16xf32>,
          %mul3A_727 = arith.mulf %gather3A_559, %get3A_726 : vector<16xf32>
          %add3A_728 = arith.addf %add3A_722, %mul3A_727 : vector<16xf32>
          %get3A_729 = arith.constant 5 : i32
          %get3A_730 = arith.index_cast %get3A_729 : i32 to index
          %get3A_731 = arith.index_cast %mul3A_699 : i32 to index
          %get3A_732 = tpu.vector_load %arg17[%get3A_730, %get3A_731] {strides = array<i32>} : memref<16x768xf32, #tpu.memory_space<vmem>>, vector<16xf32>,
          %mul3A_733 = arith.mulf %gather3A_560, %get3A_732 : vector<16xf32>
          %add3A_734 = arith.addf %add3A_728, %mul3A_733 : vector<16xf32>
          %get3A_735 = arith.constant 6 : i32
          %get3A_736 = arith.index_cast %get3A_735 : i32 to index
          %get3A_737 = arith.index_cast %mul3A_699 : i32 to index
          %get3A_738 = tpu.vector_load %arg17[%get3A_736, %get3A_737] {strides = array<i32>} : memref<16x768xf32, #tpu.memory_space<vmem>>, vector<16xf32>,
          %mul3A_739 = arith.mulf %gather3A_561, %get3A_738 : vector<16xf32>
          %add3A_740 = arith.addf %add3A_734, %mul3A_739 : vector<16xf32>
          %get3A_741 = arith.constant 7 : i32
          %get3A_742 = arith.index_cast %get3A_741 : i32 to index
          %get3A_743 = arith.index_cast %mul3A_699 : i32 to index
          %get3A_744 = tpu.vector_load %arg17[%get3A_742, %get3A_743] {strides = array<i32>} : memref<16x768xf32, #tpu.memory_space<vmem>>, vector<16xf32>,
          %mul3A_745 = arith.mulf %gather3A_562, %get3A_744 : vector<16xf32>
          %add3A_746 = arith.addf %add3A_740, %mul3A_745 : vector<16xf32>
          %get3A_747 = arith.constant 8 : i32
          %get3A_748 = arith.index_cast %get3A_747 : i32 to index
          %get3A_749 = arith.index_cast %mul3A_699 : i32 to index
          %get3A_750 = tpu.vector_load %arg17[%get3A_748, %get3A_749] {strides = array<i32>} : memref<16x768xf32, #tpu.memory_space<vmem>>, vector<16xf32>,
          %mul3A_751 = arith.mulf %gather3A_563, %get3A_750 : vector<16xf32>
          %add3A_752 = arith.addf %add3A_746, %mul3A_751 : vector<16xf32>
          %get3A_753 = arith.constant 9 : i32
          %get3A_754 = arith.index_cast %get3A_753 : i32 to index
          %get3A_755 = arith.index_cast %mul3A_699 : i32 to index
          %get3A_756 = tpu.vector_load %arg17[%get3A_754, %get3A_755] {strides = array<i32>} : memref<16x768xf32, #tpu.memory_space<vmem>>, vector<16xf32>,
          %mul3A_757 = arith.mulf %gather3A_564, %get3A_756 : vector<16xf32>
          %add3A_758 = arith.addf %add3A_752, %mul3A_757 : vector<16xf32>
          %get3A_759 = arith.constant 10 : i32
          %get3A_760 = arith.index_cast %get3A_759 : i32 to index
          %get3A_761 = arith.index_cast %mul3A_699 : i32 to index
          %get3A_762 = tpu.vector_load %arg17[%get3A_760, %get3A_761] {strides = array<i32>} : memref<16x768xf32, #tpu.memory_space<vmem>>, vector<16xf32>,
          %mul3A_763 = arith.mulf %gather3A_565, %get3A_762 : vector<16xf32>
          %add3A_764 = arith.addf %add3A_758, %mul3A_763 : vector<16xf32>
          %get3A_765 = arith.constant 11 : i32
          %get3A_766 = arith.index_cast %get3A_765 : i32 to index
          %get3A_767 = arith.index_cast %mul3A_699 : i32 to index
          %get3A_768 = tpu.vector_load %arg17[%get3A_766, %get3A_767] {strides = array<i32>} : memref<16x768xf32, #tpu.memory_space<vmem>>, vector<16xf32>,
          %mul3A_769 = arith.mulf %gather3A_566, %get3A_768 : vector<16xf32>
          %add3A_770 = arith.addf %add3A_764, %mul3A_769 : vector<16xf32>
          %get3A_771 = arith.constant 12 : i32
          %get3A_772 = arith.index_cast %get3A_771 : i32 to index
          %get3A_773 = arith.index_cast %mul3A_699 : i32 to index
          %get3A_774 = tpu.vector_load %arg17[%get3A_772, %get3A_773] {strides = array<i32>} : memref<16x768xf32, #tpu.memory_space<vmem>>, vector<16xf32>,
          %mul3A_775 = arith.mulf %gather3A_567, %get3A_774 : vector<16xf32>
          %add3A_776 = arith.addf %add3A_770, %mul3A_775 : vector<16xf32>
          %get3A_777 = arith.constant 13 : i32
          %get3A_778 = arith.index_cast %get3A_777 : i32 to index
          %get3A_779 = arith.index_cast %mul3A_699 : i32 to index
          %get3A_780 = tpu.vector_load %arg17[%get3A_778, %get3A_779] {strides = array<i32>} : memref<16x768xf32, #tpu.memory_space<vmem>>, vector<16xf32>,
          %mul3A_781 = arith.mulf %gather3A_568, %get3A_780 : vector<16xf32>
          %add3A_782 = arith.addf %add3A_776, %mul3A_781 : vector<16xf32>
          %get3A_783 = arith.constant 14 : i32
          %get3A_784 = arith.index_cast %get3A_783 : i32 to index
          %get3A_785 = arith.index_cast %mul3A_699 : i32 to index
          %get3A_786 = tpu.vector_load %arg17[%get3A_784, %get3A_785] {strides = array<i32>} : memref<16x768xf32, #tpu.memory_space<vmem>>, vector<16xf32>,
          %mul3A_787 = arith.mulf %gather3A_569, %get3A_786 : vector<16xf32>
          %add3A_788 = arith.addf %add3A_782, %mul3A_787 : vector<16xf32>
          %get3A_789 = arith.constant 15 : i32
          %get3A_790 = arith.index_cast %get3A_789 : i32 to index
          %get3A_791 = arith.index_cast %mul3A_699 : i32 to index
          %get3A_792 = tpu.vector_load %arg17[%get3A_790, %get3A_791] {strides = array<i32>} : memref<16x768xf32, #tpu.memory_space<vmem>>, vector<16xf32>,
          %mul3A_793 = arith.mulf %gather3A_570, %get3A_792 : vector<16xf32>
          %add3A_794 = arith.addf %add3A_788, %mul3A_793 : vector<16xf32>
          %mul3A_795 = arith.constant 2 : i32
          %mul3A_796 = arith.muli %mul3A_795, %scan3A_581 : i32
          %add3A_797 = arith.constant 1 : i32
          %add3A_798 = arith.addi %mul3A_796, %add3A_797 : i32
          %mul3A_799 = arith.constant 16 : i32
          %mul3A_800 = arith.muli %add3A_798, %mul3A_799 : i32
          %add3A_801 = arith.constant 4608 : i32
          %add3A_802 = arith.addi %add3A_801, %mul3A_800 : i32
          %swap3A_803 = arith.index_cast %add3A_802 : i32 to index
          %swap3A_804 = tpu.vector_load %arg21[%swap3A_803] {strides = array<i32>} : memref<5376xf32, #tpu.memory_space<vmem>>, vector<16xf32>,
          tpu.vector_store %arg21[%swap3A_803], %add3A_794 {strides = array<i32>} : memref<5376xf32, #tpu.memory_space<vmem>>, vector<16xf32>,
          %scan3A_805 = arith.constant 0 : i32
          scf.yield %scan3A_805 : i32
        }
        %scan3A_580 = arith.constant 24 : i32
        "tpu.region"() ({
          %run_scoped3A = tpu.sem_alloc : memref<!tpu.dma_semaphore, #tpu.memory_space<semaphore_mem>>
          %dma_start3A_581 = arith.constant 0 : i32
          %dma_start3A_582 = tpu.memref_slice %arg5[%add3A_118, %dma_start3A_581] : memref<700x5376xf32, #tpu.memory_space<hbm>> -> memref<1x5376xf32, #tpu.memory_space<hbm>>
          %dma_start3A_583 = tpu.memref_squeeze %dma_start3A_582 : memref<1x5376xf32, #tpu.memory_space<hbm>> -> memref<5376xf32, #tpu.memory_space<hbm>>
          %dma_start3A_584 = arith.constant 0 : i32
          %dma_start3A_585 = tpu.memref_slice %arg5[%add3A_118, %dma_start3A_584] : memref<700x5376xf32, #tpu.memory_space<hbm>> -> memref<1x5376xf32, #tpu.memory_space<hbm>>
          %dma_start3A_586 = tpu.memref_squeeze %dma_start3A_585 : memref<1x5376xf32, #tpu.memory_space<hbm>> -> memref<5376xf32, #tpu.memory_space<hbm>>
          tpu.enqueue_dma source(%arg21 : memref<5376xf32, #tpu.memory_space<vmem>>) target(%dma_start3A_586 : memref<5376xf32, #tpu.memory_space<hbm>>) target_semaphore(%run_scoped3A : memref<!tpu.dma_semaphore, #tpu.memory_space<semaphore_mem>>)
          %dma_wait3A_587 = arith.constant 0 : i32
          %dma_wait3A_588 = tpu.memref_slice %arg5[%add3A_118, %dma_wait3A_587] : memref<700x5376xf32, #tpu.memory_space<hbm>> -> memref<1x5376xf32, #tpu.memory_space<hbm>>
          %dma_wait3A_589 = tpu.memref_squeeze %dma_wait3A_588 : memref<1x5376xf32, #tpu.memory_space<hbm>> -> memref<5376xf32, #tpu.memory_space<hbm>>
          %dma_wait3A_590 = arith.constant 0 : i32
          %dma_wait3A_591 = tpu.memref_slice %arg5[%add3A_118, %dma_wait3A_590] : memref<700x5376xf32, #tpu.memory_space<hbm>> -> memref<1x5376xf32, #tpu.memory_space<hbm>>
          %dma_wait3A_592 = tpu.memref_squeeze %dma_wait3A_591 : memref<1x5376xf32, #tpu.memory_space<hbm>> -> memref<5376xf32, #tpu.memory_space<hbm>>
          tpu.wait_dma2 semaphore(%run_scoped3A : memref<!tpu.dma_semaphore, #tpu.memory_space<semaphore_mem>>) src(%arg21 : memref<5376xf32, #tpu.memory_space<vmem>>) dst(%dma_wait3A_592 : memref<5376xf32, #tpu.memory_space<hbm>>)
          tpu.yield
        }) : () -> ()
      } else {
      }
      %add3A_122 = arith.constant 4 : i32
      %add3A_123 = arith.addi %scan3A_115, %add3A_122 : i32
      %ge3A_124 = arith.constant 7 : i32
      %ge3A_125 = arith.cmpi sge, %add3A_123, %ge3A_124 : i32
      %convert_element_type3A_126 = arith.extui %ge3A_125 : i1 to i32
      %add3A_127 = arith.constant 4 : i32
      %add3A_128 = arith.addi %scan3A_114, %add3A_127 : i32
      %add3A_129 = arith.addi %add3A_128, %convert_element_type3A_126 : i32
      %mul3A_130 = arith.constant 7 : i32
      %mul3A_131 = arith.muli %mul3A_130, %convert_element_type3A_126 : i32
      %sub3A_132 = arith.subi %add3A_123, %mul3A_131 : i32
      scf.yield %add3A_129, %sub3A_132 : i32, i32
    }
    %scan3A_112 = arith.constant 22 : i32
    return
  }
}

</mosaic_0001>

<sc_bundles>
// kernel: kernel.3.cloned.1.call-start
scs
__scs_entry_jumppad:
0x0: {  	(pc) =	sbr.rel $0x88, $3  }
0x1: {  	(tag) =	ssettag $0x0;
	lr =	simm.s32 $0x1  }
0x2: {  	[smem:$0x3F9F] =	sst lr;
	_ =	strace $0xD0000000  }
0x3: {  	_ = 	snop  }
0x4: {  	_ = 	snop  }
0x5: {  	_ = 	snop  }
0x6: {  	_ = 	snop  }
0x7: {  	_ = 	snop  }
__scs_overlays_trampoline_lowered:
0x8: {  	[smem:$0x3FAE] =	sst s0  }
0x9: {  	[smem:$0x3FAF] =	sst s1  }
0xa: {  	[smem:$0x3FB0] =	sst s2  }
0xb: {  	[smem:$0x3FB1] =	sst s3  }
0xc: {  	[smem:$0x3FB2] =	sst s4  }
0xd: {  	[smem:$0x3FB3] =	sst s5  }
0xe: {  	[smem:$0x3FB4] =	sst s6  }
0xf: {  	[smem:$0x3FB5] =	sst s7  }
0x10: {  	[smem:$0x3FB6] =	sst s8  }
0x11: {  	[smem:$0x3FB7] =	sst s9;
	s0 =	simm.s32 @!p0 $0x0  }
0x12: {  	s1 =	sld [smem:$0x3F9D];
	s0 =	simm.s32 @p0 $0x1  }
0x13: {  	[smem:$0x3FB8] =	sst s0;
	s0 =	simm.s32 @!p1 $0x0  }
0x14: {  	s2 =	sld [smem:$0x3F9C];
	s0 =	simm.s32 @p1 $0x1  }
0x15: {  	[smem:$0x3FB9] =	sst s0;
	s0 =	simm.s32 @!p2 $0x0  }
0x16: {  	s3 =	sld [smem:$0x3FDB];
	s0 =	simm.s32 @p2 $0x1  }
0x17: {  	s4 =	simm.s32 $0x1BF5;
	[smem:$0x3FBB] =	sst s0  }
0x18: {  	s0 =	sld [smem:$0x3F9E];
	_ =	swait.ge [sflag:s4], $0x0  }
0x19: {  	s7 =	sld [smem:$0x3F9F]  }
0x1a: {  	s8 =	sadd.s32 $0xFFFFE003, lr  }
0x1b: {  	s9 =	sadd.s32 $0xFFFFFEF7, lr;
	s5 =	simm.s32 $0xFFFFFFFF;
	p2 =	slt.u32 s8, $0xFFFFF086  }
0x1c: {  	p1 =	slt.u32 s9, $0xF7A;
	s5 =	simm.s32 @!p2 $0x0  }
0x1d: {  	s5 =	simm.s32 @p1 $0x1;
	p0 =	seq.s32 s7, s2  }
0x1e: {  	s7 =	smul.u32 @!p0 $0xF7A, s2;
	p2 =	seq.s32 @!p0 s5, $0x0  }
0x1f: {  	s9 =	smul.u32 $0xF7A, s1;
	s8 =	simm.s32 @!p0 $0x1BF5;
	p2 =	por !p2, p0  }
0x20: {  	[sflag:s8] =	ssyncset.s32 @!p0 $0xFFFFF086;
	s6 =	sadd.s32 @!p0 s3, s7;
	s7 =	simm.s32 @!p0 $0x108  }
0x21: {  	s3 =	sadd.s32 s3, s9;
	s6 =	sadd.s32 @!p0 $0x88, s6;
	s7 =	simm.s32 @p2 $0x1082  }
0x22: {  	[simem:s7], [sflag:s8] =	dma.local @!p0 [hbm:s6], $0xF7A  }
0x23: {  	s9 =	sor.u32 $0xD0000000, s2;
	s6 =	simm.s32 $0x108;
	_ =	swait.ge @!p0 [sflag:s8], $0x0  }
0x24: {  	s3 =	sadd.s32 $0x88, s3;
	s6 =	simm.s32 @!p1 $0x1082;
	[sflag:s4] =	ssyncset.s32 $0xFFFFF086  }
0x25: {  	[simem:s6], [sflag:s4] =	dma.local [hbm:s3], $0xF7A  }
0x26: {  	[smem:$0x3F9F] =	sst s1;
	(tag) =	ssettag s2;
	_ =	strace s9  }
0x27: {  	s1 =	sld [smem:$0x3FAF]  }
0x28: {  	s2 =	sld [smem:$0x3FB0]  }
0x29: {  	s4 =	sld [smem:$0x3FB2]  }
0x2a: {  	p0 =	seq.s32 s5, $0x0;
	s5 =	sld [smem:$0x3FB3]  }
0x2b: {  	s6 =	sld [smem:$0x3FB4]  }
0x2c: {  	s7 =	sld [smem:$0x3FB5]  }
0x2d: {  	s3 =	simm.s32 $0x108;
	s8 =	sld [smem:$0x3FB6]  }
0x2e: {  	s3 =	simm.s32 @!p0 $0x1082;
	s9 =	sld [smem:$0x3FB7]  }
0x2f: {  	lr =	sadd.s32 s0, s3;
	s0 =	sld [smem:$0x3FAE]  }
0x30: {  	s3 =	sld [smem:$0x3FB1]  }
0x31: {  	[smem:$0x3FBA] =	sst s10  }
0x32: {  	s10 =	sld [smem:$0x3FB8];
	_ =	sdelay $0x3  }
0x33: {  	p0 =	seq.s32 s10, $0x1;
	s10 =	sld [smem:$0x3FBA];
	_ =	sdelay $0x3  }
0x34: {  	[smem:$0x3FBA] =	sst s10  }
0x35: {  	s10 =	sld [smem:$0x3FB9];
	_ =	sdelay $0x3  }
0x36: {  	p1 =	seq.s32 s10, $0x1;
	s10 =	sld [smem:$0x3FBA];
	_ =	sdelay $0x3  }
0x37: {  	[smem:$0x3FBA] =	sst s10  }
0x38: {  	s10 =	sld [smem:$0x3FBB]  }
0x39: {  	_ = 	snop;
	(pc) =	sbr.ind lr, $3  }
0x3a: {  	_ = 	snop  }
0x3b: {  	_ = 	snop  }
0x3c: {  	p2 =	seq.s32 s10, $0x1;
	s10 =	sld [smem:$0x3FBA]  }
0x3d: {  	_ =	shalt  }
0x3e: {  	_ =	shalt  }
0x3f: {  	_ =	shalt  }
0x40: {  	_ =	shalt  }
0x41: {  	_ =	shalt  }
0x42: {  	_ =	shalt  }
0x43: {  	_ =	shalt  }
0x44: {  	_ =	shalt  }
0x45: {  	_ =	shalt  }
0x46: {  	_ =	shalt  }
0x47: {  	_ =	shalt  }
0x48: {  	_ =	shalt  }
0x49: {  	_ =	shalt  }
0x4a: {  	_ =	shalt  }
0x4b: {  	_ =	shalt  }
0x4c: {  	_ =	shalt  }
0x4d: {  	_ =	shalt  }
0x4e: {  	_ =	shalt  }
0x4f: {  	_ =	shalt  }
0x50: {  	_ =	shalt  }
0x51: {  	_ =	shalt  }
0x52: {  	_ =	shalt  }
0x53: {  	_ =	shalt  }
0x54: {  	_ =	shalt  }
0x55: {  	_ =	shalt  }
0x56: {  	_ =	shalt  }
0x57: {  	_ =	shalt  }
0x58: {  	_ =	shalt  }
0x59: {  	_ =	shalt  }
0x5a: {  	_ =	shalt  }
0x5b: {  	_ =	shalt  }
0x5c: {  	_ =	shalt  }
0x5d: {  	_ =	shalt  }
0x5e: {  	_ =	shalt  }
0x5f: {  	_ =	shalt  }
0x60: {  	_ =	shalt  }
0x61: {  	_ =	shalt  }
0x62: {  	_ =	shalt  }
0x63: {  	_ =	shalt  }
0x64: {  	_ =	shalt  }
0x65: {  	_ =	shalt  }
0x66: {  	_ =	shalt  }
0x67: {  	_ =	shalt  }
0x68: {  	_ =	shalt  }
0x69: {  	_ =	shalt  }
0x6a: {  	_ =	shalt  }
0x6b: {  	_ =	shalt  }
0x6c: {  	_ =	shalt  }
0x6d: {  	_ =	shalt  }
0x6e: {  	_ =	shalt  }
0x6f: {  	_ =	shalt  }
0x70: {  	_ =	shalt  }
0x71: {  	_ =	shalt  }
0x72: {  	_ =	shalt  }
0x73: {  	_ =	shalt  }
0x74: {  	_ =	shalt  }
0x75: {  	_ =	shalt  }
0x76: {  	_ =	shalt  }
0x77: {  	_ =	shalt  }
0x78: {  	_ =	shalt  }
0x79: {  	_ =	shalt  }
0x7a: {  	_ =	shalt  }
0x7b: {  	_ =	shalt  }
0x7c: {  	_ =	shalt  }
0x7d: {  	_ =	shalt  }
0x7e: {  	_ =	shalt  }
0x7f: {  	_ =	shalt  }
0x80: {  	_ =	shalt  }
0x81: {  	_ =	shalt  }
0x82: {  	_ =	shalt  }
0x83: {  	_ =	shalt  }
0x84: {  	_ =	shalt  }
0x85: {  	_ =	shalt  }
0x86: {  	_ =	shalt  }
0x87: {  	_ =	shalt  }
.Lfunc_end0:
.L_simem_size_0:
called_computation_lowered:
.L_overlay_start_0:
0x88: {  	s2 =	sld [smem:$0x3FD9]  }
0x89: {  	s3 =	sld [smem:$0x3FFE];
	_ =	sdelay $0x1  }
0x8a: {  	s1 =	srdreg.scid  }
0x8b: {  	s0 =	sand.u32 $0x1, s1  }
0x8c: {  	s17 =	sshll.u32 s0, $0xA;
	s2 =	sadd.s32 s3, s2  }
0x8d: {  	s2 =	sadd.s32 s2, s17  }
0x8e: {  	[smem:$0x3FC6] =	sst s2  }
0x8f: {  	_ = 	snop  }
0x90: {  	s2 =	sld [smem:$0x3FC9]  }
0x91: {  	s18 =	sld [smem:$0x3FD0];
	(tm) =	ssettm $0x1  }
0x92: {  	s4 =	sld [smem:$0x3FFB];
	_ =	sdelay $0x3  }
0x93: {  	_ =	strace s4  }
0x94: {  	s4 =	sld [smem:$0x3FFC];
	_ =	sdelay $0x3  }
0x95: {  	_ =	strace s4  }
0x96: {  	s4 =	sld [smem:$0x3FFD];
	_ =	sdelay $0x3  }
0x97: {  	_ =	strace s4  }
0x98: {  	_ =	strace $0x8FFFFFFF  }
0x99: {  	s19 =	sld [smem:$0x3FDB];
	_ =	sdelay $0x1  }
0x9a: {  	s5 =	simm.s32 $_scs_section_size  }
0x9b: {  	s6 =	simm.s32 $_size__tile_overlayer_lowered;
	s7 =	simm.s32 $_tile_overlayer_lowered  }
0x9c: {  	s22 =	simm.s32 $0x1BFF;
	s21 =	sshll.u32 s7, $0x1;
	s4 =	sadd.s32 s5, s19  }
0x9d: {  	s8 =	simm.s32 $0x0;
	s20 =	sshll.u32 s6, $0x1;
	s6 =	sadd.s32 s21, s4  }
0x9e: {  	[timem:s8], [sflag:s22] =	dma.local [hbm:s6], s20  }
0x9f: {  	_ =	swait.ge [sflag:s22], s20  }
0xa0: {  	s5 =	ssub.s32 $0x0, s20;
	[sflag:s22] =	ssyncset.done $0x0  }
0xa1: {  	[sflag:s22] =	ssyncadd.s32 s5;
	_ =	sdelay $0x1  }
0xa2: {  	s23 =	simm.s32 $0x1B8B  }
0xa3: {  	_ =	swait.ge [sflag:s23], $0x1  }
0xa4: {  	[sflag:s23] =	ssyncset.done $0x0  }
0xa5: {  	s25 =	simm.s32 $0x1B8E;
	s24 =	sld [smem:$0x3FFE];
	[sflag:s23] =	ssyncadd.s32 $0xFFFFFFFF  }
0xa6: {  	s26 =	simm.s32 $execute0_lowered;
	[smem:$0x3FD2] =	sst s25  }
0xa7: {  	s6 =	sshll.u32 s26, $0x1;
	_ =	strace $0x80000046;
	[dreg:$0x1] =	wrdreg $0xFFFFFFFF  }
0xa8: {  	s28 =	simm.s32 $_size_execute0_lowered;
	s4 =	sadd.s32 s4, s6;
	[dreg:$0x0] =	wrdreg $0x0  }
0xa9: {  	s6 =	sshll.u32 s28, $0x1;
	[dreg:$0x2] =	wrdreg s4  }
0xaa: {  	[dreg:$0x3] =	wrdreg s6  }
0xab: {  	[dreg:$0x4] =	wrdreg $0xC0  }
0xac: {  	_ =	task [dreg:s8], $0x5FFFF  }
0xad: {  	[dreg:$0x1] =	wrdreg $0xFFFFFFFF  }
0xae: {  	[dreg:$0x0] =	wrdreg $0x60  }
0xaf: {  	[dreg:$0x2] =	wrdreg s2  }
0xb0: {  	[dreg:$0x3] =	wrdreg s18  }
0xb1: {  	[dreg:$0x4] =	wrdreg s24  }
0xb2: {  	[dreg:$0x5] =	wrdreg $0x9  }
0xb3: {  	_ =	task.clear_ibuf [dreg:s8], $0x6FFFF;
	_ =	strace $0x90000046  }
0xb4: {  	s29 =	simm.s32 $0x9;
	_ =	strace $0x80000048  }
0xb5: {  	_ =	swait.ge [sflag:s29], $0x1  }
0xb6: {  	[sflag:s29] =	ssyncadd.s32 $0xFFFFFFFF  }
0xb7: {  	_ =	strace $0x90000048  }
0xb8: {  	_ =	sfence  }
0xb9: {  	s30 =	sld [smem:$0x0];
	_ =	sdelay $0x2  }
0xba: {  	s31 =	sshll.u32 s1, $0xD;
	s1 =	sshrl.u32 s1, $0x2  }
0xbb: {  	s3 =	sand.u32 $0x4000, s31;
	s1 =	sadd.s32 s1, s30  }
0xbc: {  	s0 =	sor.u32 s3, s0;
	s1 =	sshll.u32 s1, $0x11  }
0xbd: {  	s0 =	sor.u32 s1, s0  }
0xbe: {  	s0 =	sadd.s32 $0x8F2B, s0  }
0xbf: {  	[sflag:s0] =	ssyncadd.remote.s32 $0x1  }
0xc0: {  	_ =	sfence.sel $0xFFFF  }
0xc1: {  	[dreg:$0x0] =	wrdreg $0xFFFFFFFF;
	(pc) =	sbr.abs _section_cstart, $3  }
0xc2: {  	[dreg:$0x1] =	wrdreg $0xFFFFFFFF  }
0xc3: {  	_ =	task.clear_ibuf [dreg:s8], $0x2FFFF;
	_ =	strace $0x9FFFFFFF  }
0xc4: {  	(tm) =	ssettm $0x7FFFFFFF  }
0xc5: {  	_ =	shalt  }
tec
execute0_lowered:
.L_overlay_start_1:
0x0: {  	(tag) =	ssettag $0x1  }
0x1: {  	v0 =	vimm.f32 $7.750000000e+00;
	vm0 =	vcmask $0x300  }
0x2: {  	vm1 =	vcmask $0x3330;
	v4 =	vlaneseq.u32;
	v1 =	vimm.s32 $0x1D  }
0x3: {  	v5 =	vimm.s32 $0x10;
	v6 =	vimm.s32 $0x11;
	v7 =	vimm.s32 $0x12  }
0x4: {  	s0 =	srdreg.scid;
	s5 =	stileid.u32;
	v8 =	vimm.s32 $0x13;
	v0 =	vsel vm0, $0x3E800000, v0;
	vm0 =	vcmask $0x704  }
0x5: {  	s3 =	simm.s32 $0x1;
	s4 =	simm.s32 $0x1;
	s6 =	simm.s32 $0x1;
	v9 =	vimm.s32 $0x14;
	v0 =	vsel vm0, $0x3F400000, v0;
	vm0 =	vcmask $0xB08  }
0x6: {  	s28 =	rddreg [dreg:$0x2];
	v10 =	vimm.s32 $0x15;
	s0 =	sand.u32 $0x1, s0;
	s1 =	sshll.u32 s5, $0x1;
	v0 =	vsel vm0, $0x3FA00000, v0;
	vm0 =	vcmask $0xF0C  }
0x7: {  	s29 =	simm.s32 $0x0;
	s8 =	simm.s32 $0x1;
	v11 =	vimm.s32 $0x16;
	s2 =	sor.u32 s0, s1;
	v0 =	vsel vm0, $0x3FE00000, v0;
	vm0 =	vcmask $0x1310  }
0x8: {  	v12 =	vimm.s32 $0x17;
	s18 =	simm.s32 $0x780;
	[smem:$0x7FF] =	sst s29;
	p0 =	sgt.u32 s2, $0x6;
	v0 =	vsel vm0, $0x40100000, v0;
	vm0 =	vcmask $0x1714  }
0x9: {  	v13 =	vimm.s32 $0x18;
	s30 =	sadd.s32 $0x200, s28;
	s3 =	simm.s32 @!p0 $0x0;
	p0 =	sgt.u32 s5, $0x6;
	v0 =	vsel vm0, $0x40300000, v0;
	vm0 =	vcmask $0x1B18  }
0xa: {  	v14 =	vimm.s32 $0x19;
	s4 =	simm.s32 @!p0 $0x0;
	p0 =	sgt.u32 s5, $0xD;
	s5 =	simm.s32 $0x1;
	v0 =	vsel vm0, $0x40500000, v0;
	vm0 =	vcmask $0x1F1C  }
0xb: {  	v15 =	vimm.s32 $0x1A;
	s1 =	rddreg [dreg:$0x0];
	s0 =	ssub.s32 $0x2, s0;
	s5 =	simm.s32 @!p0 $0x0;
	v0 =	vsel vm0, $0x40700000, v0;
	vm0 =	vcmask $0x2320  }
0xc: {  	v16 =	vimm.s32 $0x1B;
	s31 =	sshrl.u32 s0, $0x1;
	p0 =	sgt.u32 s2, $0x14;
	s4 =	sadd.s32 s4, s5;
	v0 =	vsel vm0, $0x40880000, v0;
	vm0 =	vcmask $0x2724  }
0xd: {  	v17 =	vimm.s32 $0x1C;
	s10 =	sadd.s32 $0x100, s1;
	s6 =	simm.s32 @!p0 $0x0;
	s3 =	sadd.s32 s3, s4;
	v0 =	vsel vm0, $0x40980000, v0;
	vm0 =	vcmask $0x2B28  }
.Ltmp0:
0xe: {  	v18 =	vimm.s32 $0x1E;
	s11 =	sadd.s32 $0x200, s1;
	s3 =	sadd.s32 s6, s3;
	v0 =	vsel vm0, $0x40A80000, v0;
	vm0 =	vcmask $0x2F2C;
	(pc) =	sbr.rel .LBB2_1-.Ltmp0, $4  }
0xf: {  	v19 =	vimm.s32 $0x1F;
	v3 =	vshrl.u32 v4, $0x3;
	s0 =	ssub.s32 s0, s31;
	[dreg:$0x4] =	wrdreg s3;
	s3 =	smul.u32 $0xFFFFFFF9, s3;
	v0 =	vsel vm0, $0x40B80000, v0  }
0x10: {  	v2 =	vand.u32 $0x7, v4;
	s0 =	smax.u32 s0, $0x1;
	_ =	strace $0x80000047;
	[dreg:$0x5] =	wrdreg s30;
	v0 =	vsel vm1, $0x40C80000, v0;
	vm1 =	vcmask $0x3734  }
0x11: {  	v4 =	vor.u32 $0x8, v4;
	s4 =	simm.s32 $0x0;
	[dreg:$0x7] =	wrdreg s0;
	s2 =	sadd.s32 s2, s3;
	v0 =	vsel vm1, $0x40D80000, v0;
	vm1 =	vcmask $0x3B38  }
0x12: {  	v3 =	vmul.u32 $0x8, v3;
	s0 =	simm.s32 $0x2;
	vm0 =	vmmov $0xffff;
	s3 =	simm.s32 $0x900;
	[dreg:$0x6] =	wrdreg s2;
	v0 =	vsel vm1, $0x40E80000, v0  }
.LBB2_19:
0x13: {  	s4 =	rddreg [dreg:$0x8]  }
0x14: {  	s2 =	rddreg [dreg:$0x7];
	s4 =	sadd.s32 $0x1, s4  }
0x15: {  	p0 =	sne.s32 s4, s2  }
.Ltmp1:
0x16: {  	_ = 	snop;
	(pc) =	sbr.rel @!p0 .LBB2_20-.Ltmp1, $1  }
0x17: {  	_ =	sdelay $0x3  }
.LBB2_1:
0x18: {  	[dreg:$0x8] =	wrdreg s4  }
0x19: {  	s2 =	rddreg [dreg:$0x1];
	s30 =	simm.s32 $0x0;
	s5 =	simm.s32 $0x3  }
0x1a: {  	[tilespmem:s30], [sflag:$0x3] =	stream.linear.gather [hbm4b:s2+s30], $0x680, $0x38;
	[tilespmem:$0x7F80] =	vst v63  }
0x1b: {  	_ =	swait.ge [sflag:s5], $0x680  }
0x1c: {  	[sflag:s5] =	ssyncset.done $0x0  }
0x1d: {  	[sflag:s5] =	ssyncadd.s32 $0xFFFFF980  }
0x1e: {  	s6 =	simm.s32 $0x680;
	s31 =	rddreg [dreg:$0x2]  }
0x1f: {  	[tilespmem:s6], [sflag:$0x3] =	stream.linear.gather [hbm4b:s31+s30], $0x80, $0x38;
	[tilespmem:$0x7F80] =	vst v63  }
0x20: {  	_ =	swait.ge [sflag:s5], $0x80  }
0x21: {  	[sflag:s5] =	ssyncset.done $0x0  }
0x22: {  	[sflag:s5] =	ssyncadd.s32 $0xFFFFFF80  }
0x23: {  	v20 =	vld [tilespmem:$0x680];
	_ =	sdelay $0x4  }
0x24: {  	v21 =	vshrl.u32 v20, $0x3  }
.Ltmp2:
0x25: {  	v22 =	vshll.u32 v20, $0x2;
	v23 =	vshrl.u32 v20, $0x1;
	v20 =	vshll.u32 v20, $0x4;
	(pc) =	sbr.rel .LBB2_2-.Ltmp2, $4  }
0x26: {  	v22 =	vand.u32 $0x10, v22;
	v23 =	vand.u32 $0x1, v23;
	v24 =	vand.u32 $0x10, v20  }
0x27: {  	v20 =	vadd.s32 v21, v22;
	v21 =	vor.u32 v24, v23  }
0x28: {  	s9 =	rddreg [dreg:$0x6];
	v22 =	vor.u32 $0x2, v21;
	v23 =	vor.u32 $0x4, v21;
	v24 =	vor.u32 $0x6, v21  }
0x29: {  	s12 =	simm.s32 $0x0;
	s6 =	rddreg [dreg:$0x4];
	v25 =	vor.u32 $0x8, v21;
	v26 =	vor.u32 $0xA, v21;
	v27 =	vor.u32 $0xC, v21  }
.LBB2_18:
0x2a: {  	s2 =	sadd.s32 $0x4, s9;
	s4 =	simm.s32 $0x1  }
0x2b: {  	s5 =	simm.s32 $0xFFFFFFF9;
	s12 =	sadd.s32 $0x1, s12;
	p0 =	sgt.s32 s2, $0x6  }
0x2c: {  	s4 =	simm.s32 @!p0 $0x0;
	s5 =	simm.s32 @!p0 $0x0;
	p0 =	sne.s32 s12, $0x16  }
.Ltmp3:
0x2d: {  	_ = 	snop;
	(pc) =	sbr.rel @!p0 .LBB2_19-.Ltmp3, $3  }
0x2e: {  	_ =	sdelay $0x1  }
0x2f: {  	s4 =	sadd.s32 s4, s6  }
0x30: {  	s9 =	sadd.s32 s2, s5;
	s6 =	sadd.s32 $0x4, s4  }
.LBB2_2:
0x31: {  	s2 =	smul.u32 $0x7, s6;
	_ =	sdelay $0x1  }
0x32: {  	s5 =	sadd.s32 s9, s2  }
0x33: {  	p0 =	sgt.s32 s5, $0x2BB  }
.Ltmp4:
0x34: {  	_ = 	snop;
	(pc) =	sbr.rel @p0 .LBB2_18-.Ltmp4, $1  }
0x35: {  	_ =	sdelay $0x3  }
0x36: {  	s2 =	sshll.u32 s6, $0x4  }
0x37: {  	v28 =	vmov s2  }
0x38: {  	v29 =	vor.u32 $0x6, v28;
	_ =	sdelay $0x2  }
0x39: {  	v31 =	vor.u32 $0x7, v28  }
0x3a: {  	s16 =	simm.s32 $0x0;
	v30 =	vor.u32 $0x4, v28  }
0x3b: {  	v29 =	vld.idx.msk [tilespmem:v29+s16+$0x0], $0xffff;
	_ =	sdelay $0x1  }
0x3c: {  	v28 =	vor.u32 $0x5, v28  }
0x3d: {  	v31 =	vld.idx.msk [tilespmem:v31+s16+$0x0], $0xffff  }
0x3e: {  	v30 =	vld.idx.msk [tilespmem:v30+s16+$0x0], $0xffff  }
0x3f: {  	v29 =	vmul.f32 $1.200000050e+00, v29;
	_ =	sdelay $0x1  }
0x40: {  	v28 =	vld.idx.msk [tilespmem:v28+s16+$0x0], $0xffff;
	v29 =	vmul.f32 $5.000000000e-01, v29  }
0x41: {  	v31 =	vmul.f32 $1.200000050e+00, v31  }
0x42: {  	v32 =	vsub.f32 v30, v29;
	v29 =	vadd.f32 v29, v30  }
0x43: {  	v31 =	vmul.f32 $5.000000000e-01, v31  }
0x44: {  	v30 =	vmul.f32 $4.000000000e+01, v32;
	v29 =	vmul.f32 $4.000000000e+01, v29  }
0x45: {  	v49 =	vsub.f32 v28, v31  }
0x46: {  	v28 =	vadd.f32 v31, v28;
	v30 =	vmax.f32 v30, $0.0e+00;
	v29 =	vmin.f32 v29, $4.000000000e+01  }
0x47: {  	v29 =	vsub.f32 v29, v30  }
0x48: {  	v31 =	vmul.f32 $3.000000000e+01, v49;
	v28 =	vmul.f32 $3.000000000e+01, v28  }
0x49: {  	v29 =	vmul.f32 $1.428571490e-01, v29  }
0x4a: {  	v31 =	vmax.f32 v31, $0.0e+00;
	v28 =	vmin.f32 v28, $3.000000000e+01  }
0x4b: {  	v28 =	vsub.f32 v28, v31;
	v30 =	vadd.f32 $-5.000000000e-01, v30;
	v29 =	vmul.f32 v0, v29;
	_ =	sdelay $0x1  }
0x4c: {  	v28 =	vmul.f32 $1.428571490e-01, v28;
	v29 =	vadd.f32 v29, v30;
	_ =	sdelay $0x1  }
0x4d: {  	v28 =	vmul.f32 v0, v28;
	v30 =	vadd.f32 $-5.000000000e-01, v31;
	v29 =	vmax.f32 v29, $0.0e+00  }
0x4e: {  	v29 =	vmin.f32 v29, $3.900000000e+01  }
0x4f: {  	v28 =	vadd.f32 v28, v30;
	v30 =	vtrunc.f32 v29  }
0x50: {  	v30 =	vcvt.f32.s32 v30  }
0x51: {  	v28 =	vmax.f32 v28, $0.0e+00  }
0x52: {  	v28 =	vmin.f32 v28, $2.900000000e+01;
	v31 =	vcvt.s32.f32 v30  }
0x53: {  	v50 =	vtrunc.f32 v28  }
0x54: {  	v32 =	vcvt.f32.s32 v50;
	v29 =	vsub.f32 v29, v31;
	v31 =	vadd.s32 $0x1, v30  }
0x55: {  	[tilespmem:$0x780] =	vst v30;
	vm1 =	vlt.s32 v31, $0x27  }
0x56: {  	v33 =	vcvt.s32.f32 v32;
	[tilespmem:$0x700] =	vst v32;
	v30 =	vnsel vm1, $0x27, v31;
	v31 =	vsub.f32 $1.000000000e+00, v29  }
0x57: {  	s14 =	sshll.u32 s9, $0x1;
	[tilespmem:$0x790] =	vst v30  }
0x58: {  	v28 =	vsub.f32 v28, v33;
	v30 =	vadd.s32 $0x1, v32;
	[tilespmem:$0x880] =	vst v31;
	v31 =	vadd.s32 s14, v20  }
0x59: {  	[tilespmem:$0x890] =	vst v29;
	vm1 =	vlt.s32 v30, $0x1D  }
0x5a: {  	[tilespmem:$0x810] =	vst v28;
	v29 =	vnsel vm1, $0x1D, v30;
	v30 =	vsub.f32 $1.000000000e+00, v28  }
0x5b: {  	[tilespmem:$0x710] =	vst v29  }
0x5c: {  	s15 =	simm.s32 $0x700;
	[tilespmem:$0x800] =	vst v30  }
0x5d: {  	v28 =	vld.idx.msk [tilespmem:v31+s15+$0x0], $0xffff;
	_ =	sdelay $0x1  }
0x5e: {  	s4 =	simm.s32 $0x780  }
0x5f: {  	v30 =	vld.idx.msk [tilespmem:v21+s4+$0x0], $0xffff;
	_ =	sdelay $0x1  }
0x60: {  	p0 =	sgt.s32 s6, $0x31;
	s2 =	simm.s32 $0x4B0;
	v28 =	vmul.u32 $0x28, v28  }
0x61: {  	s2 =	simm.s32 @!p0 $0x0  }
0x62: {  	v29 =	vadd.s32 s2, v28  }
0x63: {  	v51 =	vadd.s32 v30, v29  }
0x64: {  	v28 =	vshrl.u32 v51, $0x3  }
0x65: {  	v28 =	vmul.u32 $0x30, v28  }
0x66: {  	v30 =	vand.u32 $0x7, v30  }
0x67: {  	v30 =	vor.u32 v30, v28  }
0x68: {  	v28 =	vperm.xlane v30, v2;
	_ =	sdelay $0x1  }
0x69: {  	v52 =	vadd.s32 v3, v28;
	_ =	sdelay $0x1  }
0x6a: {  	s19 =	simm.s32 $0x880  }
0x6b: {  	s17 =	simm.s32 $0x800;
	v34 =	vld.idx.msk [tilespmem:v21+s19+$0x0], $0xffff  }
0x6c: {  	s7 =	simm.s32 $0xA80;
	v30 =	vperm.xlane v30, v4;
	v28 =	vld.idx.msk [tilespmem:v31+s17+$0x0], $0xffff;
	[tilespmem:$0x980] =	vst v51  }
0x6d: {  	[tilespmem:s7], [sflag:$0x1] =	stream.indirect_vreg.gather [hbm4b:s1+s16], $0x80, v52, vm0, $0xb8;
	[tilespmem:$0x7F80] =	vst v63  }
0x6e: {  	s20 =	simm.s32 $0x1280;
	v30 =	vadd.s32 v3, v30  }
0x6f: {  	[tilespmem:s20], [sflag:$0x1] =	stream.indirect_vreg.gather [hbm4b:s10+s16], $0x80, v52, vm0, $0xb8;
	[tilespmem:$0x7F80] =	vst v63  }
0x70: {  	s21 =	simm.s32 $0x1A80  }
0x71: {  	[tilespmem:s21], [sflag:$0x1] =	stream.indirect_vreg.gather [hbm4b:s11+s16], $0x80, v52, vm0, $0xb8;
	[tilespmem:$0x7F80] =	vst v63  }
0x72: {  	s22 =	simm.s32 $0x2280  }
0x73: {  	[tilespmem:s22], [sflag:$0x1] =	stream.indirect_vreg.gather [hbm4b:s1+s16], $0x80, v30, vm0, $0xb8;
	[tilespmem:$0x7F80] =	vst v63  }
0x74: {  	s23 =	simm.s32 $0x2A80  }
0x75: {  	[tilespmem:s23], [sflag:$0x1] =	stream.indirect_vreg.gather [hbm4b:s10+s16], $0x80, v30, vm0, $0xb8;
	[tilespmem:$0x7F80] =	vst v63  }
0x76: {  	s24 =	simm.s32 $0x3280  }
0x77: {  	[tilespmem:s24], [sflag:$0x1] =	stream.indirect_vreg.gather [hbm4b:s11+s16], $0x80, v30, vm0, $0xb8;
	[tilespmem:$0x7F80] =	vst v63  }
0x78: {  	v30 =	vld.idx.msk [tilespmem:v22+s4+$0x0], $0xffff;
	_ =	sdelay $0x4  }
0x79: {  	v53 =	vadd.s32 v29, v30  }
0x7a: {  	v31 =	vshrl.u32 v53, $0x3  }
0x7b: {  	v31 =	vmul.u32 $0x30, v31  }
0x7c: {  	v30 =	vand.u32 $0x7, v30  }
0x7d: {  	v30 =	vor.u32 v30, v31  }
0x7e: {  	v31 =	vperm.xlane v30, v2;
	_ =	sdelay $0x1  }
0x7f: {  	v54 =	vadd.s32 v3, v31;
	_ =	sdelay $0x3  }
0x80: {  	s25 =	simm.s32 $0x3A80;
	v30 =	vperm.xlane v30, v4;
	v31 =	vld.idx.msk [tilespmem:v22+s19+$0x0], $0xffff;
	[tilespmem:$0xA00] =	vst v53  }
0x81: {  	[tilespmem:s25], [sflag:$0x2] =	stream.indirect_vreg.gather [hbm4b:s1+s16], $0x80, v54, vm0, $0xb8;
	[tilespmem:$0x7F80] =	vst v63  }
0x82: {  	s26 =	simm.s32 $0x4280;
	v30 =	vadd.s32 v3, v30  }
0x83: {  	[tilespmem:s26], [sflag:$0x2] =	stream.indirect_vreg.gather [hbm4b:s10+s16], $0x80, v54, vm0, $0xb8;
	[tilespmem:$0x7F80] =	vst v63  }
0x84: {  	s28 =	simm.s32 $0x4A80  }
0x85: {  	[tilespmem:s28], [sflag:$0x2] =	stream.indirect_vreg.gather [hbm4b:s11+s16], $0x80, v54, vm0, $0xb8;
	[tilespmem:$0x7F80] =	vst v63  }
0x86: {  	s29 =	simm.s32 $0x5280  }
0x87: {  	[tilespmem:s29], [sflag:$0x2] =	stream.indirect_vreg.gather [hbm4b:s1+s16], $0x80, v30, vm0, $0xb8;
	[tilespmem:$0x7F80] =	vst v63  }
0x88: {  	s30 =	simm.s32 $0x5A80;
	v55 =	vmul.f32 v34, v28  }
0x89: {  	[tilespmem:s30], [sflag:$0x2] =	stream.indirect_vreg.gather [hbm4b:s10+s16], $0x80, v30, vm0, $0xb8;
	[tilespmem:$0x7F80] =	vst v63  }
0x8a: {  	s31 =	simm.s32 $0x6280;
	v32 =	vmul.f32 $2.500000000e-01, v55  }
0x8b: {  	[tilespmem:s31], [sflag:$0x2] =	stream.indirect_vreg.gather [hbm4b:s11+s16], $0x80, v30, vm0, $0xb8;
	[tilespmem:$0x7F80] =	vst v63  }
0x8c: {  	[tilespmem:$0x910] =	vst v32  }
0x8d: {  	v45 =	vld.idx.msk [tilespmem:v5+s3+$0x0], $0xffff  }
0x8e: {  	v46 =	vld.idx.msk [tilespmem:v6+s3+$0x0], $0xffff  }
0x8f: {  	v44 =	vld.idx.msk [tilespmem:v7+s3+$0x0], $0xffff  }
0x90: {  	v43 =	vld.idx.msk [tilespmem:v8+s3+$0x0], $0xffff  }
0x91: {  	v42 =	vld.idx.msk [tilespmem:v9+s3+$0x0], $0xffff  }
0x92: {  	v41 =	vld.idx.msk [tilespmem:v10+s3+$0x0], $0xffff  }
0x93: {  	v40 =	vld.idx.msk [tilespmem:v11+s3+$0x0], $0xffff  }
0x94: {  	v39 =	vld.idx.msk [tilespmem:v12+s3+$0x0], $0xffff  }
0x95: {  	v38 =	vld.idx.msk [tilespmem:v13+s3+$0x0], $0xffff  }
0x96: {  	v37 =	vld.idx.msk [tilespmem:v14+s3+$0x0], $0xffff  }
0x97: {  	v36 =	vld.idx.msk [tilespmem:v15+s3+$0x0], $0xffff  }
0x98: {  	v35 =	vld.idx.msk [tilespmem:v16+s3+$0x0], $0xffff  }
0x99: {  	v34 =	vld.idx.msk [tilespmem:v17+s3+$0x0], $0xffff  }
0x9a: {  	v33 =	vld.idx.msk [tilespmem:v1+s3+$0x0], $0xffff  }
0x9b: {  	v32 =	vld.idx.msk [tilespmem:v18+s3+$0x0], $0xffff  }
0x9c: {  	s22 =	sand.u32 $0x1C00, s16;
	v30 =	vld.idx.msk [tilespmem:v19+s3+$0x0], $0xffff;
	_ =	swait.ge [sflag:s8], $0x3000  }
0x9d: {  	s2 =	sand.u32 $0x60, s16;
	s17 =	sadd.s32 $0xA80, s22;
	[sflag:s8] =	ssyncset.done $0x0  }
0x9e: {  	s23 =	sor.u32 s2, s17;
	[sflag:s8] =	ssyncadd.s32 $0xFFFFD000  }
0x9f: {  	v47 =	vld [tilespmem:s23+$0x0]  }
0xa0: {  	v48 =	vld [tilespmem:s23+$0x80];
	_ =	sdelay $0x1  }
0xa1: {  	v49 =	vld [tilespmem:s23+$0x100];
	_ =	sdelay $0x1  }
0xa2: {  	v50 =	vld [tilespmem:s23+$0x180]  }
0xa3: {  	v47 =	vmul.f32 v47, v45;
	v48 =	vmul.f32 v48, v46  }
0xa4: {  	v51 =	vld [tilespmem:s23+$0x200]  }
0xa5: {  	v56 =	vmul.f32 v49, v44;
	v47 =	vadd.f32 v48, v47  }
0xa6: {  	v57 =	vld [tilespmem:s23+$0x280]  }
0xa7: {  	v58 =	vmul.f32 v50, v43;
	v47 =	vadd.f32 v56, v47  }
0xa8: {  	v59 =	vld [tilespmem:s23+$0x300]  }
0xa9: {  	v60 =	vmul.f32 v51, v42;
	v47 =	vadd.f32 v58, v47  }
0xaa: {  	s13 =	sor.u32 $0x2280, s22;
	v61 =	vld [tilespmem:s23+$0x380]  }
0xab: {  	s14 =	sor.u32 s2, s13;
	v62 =	vmul.f32 v57, v41;
	v47 =	vadd.f32 v60, v47  }
0xac: {  	s7 =	sor.u32 $0x2300, s22;
	v63 =	vld [tilespmem:s14+$0x0]  }
0xad: {  	s15 =	sor.u32 s2, s7;
	v54 =	vmul.f32 v59, v40;
	v47 =	vadd.f32 v62, v47  }
0xae: {  	s24 =	sor.u32 $0x2380, s22;
	v55 =	vld [tilespmem:s15+$0x0]  }
0xaf: {  	s19 =	sor.u32 s2, s24;
	v56 =	vmul.f32 v61, v39;
	v47 =	vadd.f32 v54, v47  }
0xb0: {  	s25 =	sadd.s32 $0x2400, s22;
	v57 =	vld [tilespmem:s19+$0x0]  }
0xb1: {  	s20 =	sor.u32 s2, s25;
	v58 =	vmul.f32 v63, v38;
	v47 =	vadd.f32 v56, v47  }
0xb2: {  	s28 =	sadd.s32 $0x2480, s22;
	v59 =	vld [tilespmem:s20+$0x0]  }
0xb3: {  	s21 =	sor.u32 s2, s28;
	v60 =	vmul.f32 v55, v37;
	v47 =	vadd.f32 v58, v47  }
0xb4: {  	s20 =	sadd.s32 $0x2500, s22;
	v61 =	vld [tilespmem:s21+$0x0]  }
0xb5: {  	s23 =	sor.u32 s2, s20;
	v62 =	vmul.f32 v57, v36;
	v47 =	vadd.f32 v60, v47  }
0xb6: {  	s21 =	sadd.s32 $0x2580, s22;
	v63 =	vld [tilespmem:s23+$0x0]  }
0xb7: {  	v52 =	vmul.f32 v59, v35;
	s29 =	sor.u32 s2, s21;
	v47 =	vadd.f32 v62, v47  }
0xb8: {  	s22 =	sadd.s32 $0x2600, s22;
	v53 =	vld [tilespmem:s29+$0x0]  }
0xb9: {  	s30 =	sor.u32 s2, s22;
	v54 =	vmul.f32 v61, v34;
	v47 =	vadd.f32 v52, v47  }
0xba: {  	v55 =	vld [tilespmem:s30+$0x0]  }
0xbb: {  	v56 =	vmul.f32 v63, v33;
	v47 =	vadd.f32 v54, v47;
	_ =	sdelay $0x1  }
0xbc: {  	v57 =	vmul.f32 v53, v32;
	v47 =	vadd.f32 v56, v47;
	_ =	sdelay $0x1  }
0xbd: {  	v58 =	vmul.f32 v55, v30;
	v47 =	vadd.f32 v57, v47;
	_ =	sdelay $0x1  }
0xbe: {  	v47 =	vadd.f32 v58, v47  }
0xbf: {  	s26 =	sor.u32 $0x10, s2;
	s31 =	simm.s32 $0x6A80  }
0xc0: {  	s2 =	sor.u32 s26, s17;
	[tilespmem:s31+$0x0] =	vst v47  }
0xc1: {  	v47 =	vld [tilespmem:s2+$0x0]  }
0xc2: {  	v59 =	vld [tilespmem:s2+$0x80];
	_ =	sdelay $0x1  }
0xc3: {  	v60 =	vld [tilespmem:s2+$0x100];
	_ =	sdelay $0x1  }
0xc4: {  	v61 =	vld [tilespmem:s2+$0x180]  }
0xc5: {  	v47 =	vmul.f32 v47, v45;
	v48 =	vmul.f32 v59, v46  }
0xc6: {  	v62 =	vld [tilespmem:s2+$0x200]  }
0xc7: {  	v49 =	vmul.f32 v60, v44;
	v47 =	vadd.f32 v48, v47  }
0xc8: {  	v63 =	vld [tilespmem:s2+$0x280]  }
0xc9: {  	v50 =	vmul.f32 v61, v43;
	v47 =	vadd.f32 v49, v47  }
0xca: {  	v54 =	vld [tilespmem:s2+$0x300]  }
0xcb: {  	v51 =	vmul.f32 v62, v42;
	v47 =	vadd.f32 v50, v47  }
0xcc: {  	v55 =	vld [tilespmem:s2+$0x380]  }
0xcd: {  	s17 =	sor.u32 s26, s13;
	v48 =	vmul.f32 v63, v41;
	v47 =	vadd.f32 v51, v47  }
0xce: {  	v56 =	vld [tilespmem:s17+$0x0]  }
0xcf: {  	s23 =	sor.u32 s26, s7;
	v49 =	vmul.f32 v54, v40;
	v47 =	vadd.f32 v48, v47  }
0xd0: {  	v57 =	vld [tilespmem:s23+$0x0]  }
0xd1: {  	s24 =	sor.u32 s26, s24;
	v50 =	vmul.f32 v55, v39;
	v47 =	vadd.f32 v49, v47  }
0xd2: {  	v58 =	vld [tilespmem:s24+$0x0]  }
0xd3: {  	s25 =	sor.u32 s26, s25;
	v51 =	vmul.f32 v56, v38;
	v47 =	vadd.f32 v50, v47  }
0xd4: {  	v59 =	vld [tilespmem:s25+$0x0]  }
0xd5: {  	s28 =	sor.u32 s26, s28;
	v48 =	vmul.f32 v57, v37;
	v47 =	vadd.f32 v51, v47  }
0xd6: {  	v60 =	vld [tilespmem:s28+$0x0]  }
0xd7: {  	s29 =	sor.u32 s26, s20;
	v49 =	vmul.f32 v58, v36;
	v47 =	vadd.f32 v48, v47  }
0xd8: {  	v61 =	vld [tilespmem:s29+$0x0]  }
0xd9: {  	s30 =	sor.u32 s26, s21;
	v50 =	vmul.f32 v59, v35;
	v47 =	vadd.f32 v49, v47  }
0xda: {  	v62 =	vld [tilespmem:s30+$0x0]  }
0xdb: {  	s31 =	sor.u32 s26, s22;
	v51 =	vmul.f32 v60, v34;
	v47 =	vadd.f32 v50, v47  }
0xdc: {  	v63 =	vld [tilespmem:s31+$0x0]  }
0xdd: {  	v48 =	vmul.f32 v61, v33;
	v47 =	vadd.f32 v51, v47;
	_ =	sdelay $0x1  }
0xde: {  	v49 =	vmul.f32 v62, v32;
	v48 =	vadd.f32 v48, v47  }
0xdf: {  	s4 =	simm.s32 $0x100;
	s15 =	simm.s32 $0x20  }
0xe0: {  	s7 =	sand.u32 $0x380, s16;
	s16 =	simm.s32 $0x6AA0;
	s2 =	simm.s32 $0x40;
	v47 =	vmul.f32 v63, v30;
	v48 =	vadd.f32 v49, v48  }
.LBB2_4:
0xe1: {  	s20 =	sand.u32 $0x60, s15;
	s22 =	sand.u32 $0x1C00, s4  }
0xe2: {  	s23 =	sor.u32 s26, s7;
	s7 =	smov.u32 s15;
	s15 =	smov.u32 s2  }
0xe3: {  	s21 =	sadd.s32 $0xA80, s22;
	s19 =	sor.u32 $0x2300, s22;
	s30 =	sor.u32 $0x2380, s22;
	v47 =	vadd.f32 v47, v48  }
0xe4: {  	s13 =	sadd.s32 $0x2400, s22;
	s29 =	sadd.s32 $0x2480, s22;
	s26 =	sor.u32 s20, s21  }
0xe5: {  	s28 =	sadd.s32 $0x2500, s22;
	s25 =	sadd.s32 $0x2580, s22;
	s14 =	sadd.s32 $0x2600, s22;
	[tilespmem:s23+$0x6A80] =	vst v47  }
0xe6: {  	p0 =	sne.s32 s2, $0x2E0;
	s2 =	sadd.s32 $0x20, s2;
	v47 =	vld [tilespmem:s26+$0x0]  }
0xe7: {  	v48 =	vld [tilespmem:s26+$0x80];
	_ =	sdelay $0x1  }
0xe8: {  	v49 =	vld [tilespmem:s26+$0x100];
	_ =	sdelay $0x1  }
0xe9: {  	v50 =	vld [tilespmem:s26+$0x180]  }
0xea: {  	v47 =	vmul.f32 v47, v45;
	v48 =	vmul.f32 v48, v46  }
0xeb: {  	v51 =	vld [tilespmem:s26+$0x200]  }
0xec: {  	v47 =	vadd.f32 v48, v47;
	v48 =	vmul.f32 v49, v44  }
0xed: {  	v49 =	vld [tilespmem:s26+$0x280]  }
0xee: {  	v47 =	vadd.f32 v48, v47;
	v48 =	vmul.f32 v50, v43  }
0xef: {  	v50 =	vld [tilespmem:s26+$0x300]  }
0xf0: {  	v47 =	vadd.f32 v48, v47;
	v48 =	vmul.f32 v51, v42  }
0xf1: {  	s22 =	sor.u32 $0x2280, s22;
	v51 =	vld [tilespmem:s26+$0x380]  }
0xf2: {  	s23 =	sor.u32 s20, s22;
	v47 =	vadd.f32 v48, v47;
	v48 =	vmul.f32 v49, v41  }
0xf3: {  	v49 =	vld [tilespmem:s23+$0x0]  }
0xf4: {  	s23 =	sor.u32 s20, s19;
	v47 =	vadd.f32 v48, v47;
	v48 =	vmul.f32 v50, v40  }
0xf5: {  	v50 =	vld [tilespmem:s23+$0x0]  }
0xf6: {  	s23 =	sor.u32 s20, s30;
	v47 =	vadd.f32 v48, v47;
	v48 =	vmul.f32 v51, v39  }
0xf7: {  	v51 =	vld [tilespmem:s23+$0x0]  }
0xf8: {  	s23 =	sor.u32 s20, s13;
	v47 =	vadd.f32 v48, v47;
	v48 =	vmul.f32 v49, v38  }
0xf9: {  	v49 =	vld [tilespmem:s23+$0x0]  }
0xfa: {  	s23 =	sor.u32 s20, s29;
	v47 =	vadd.f32 v48, v47;
	v48 =	vmul.f32 v50, v37  }
0xfb: {  	v50 =	vld [tilespmem:s23+$0x0]  }
0xfc: {  	s23 =	sor.u32 s20, s28;
	v47 =	vadd.f32 v48, v47;
	v48 =	vmul.f32 v51, v36  }
0xfd: {  	v51 =	vld [tilespmem:s23+$0x0]  }
0xfe: {  	s23 =	sor.u32 s20, s25;
	v47 =	vadd.f32 v48, v47;
	v48 =	vmul.f32 v49, v35  }
0xff: {  	v49 =	vld [tilespmem:s23+$0x0]  }
0x100: {  	s23 =	sor.u32 s20, s14;
	v47 =	vadd.f32 v48, v47;
	v48 =	vmul.f32 v50, v34  }
0x101: {  	v50 =	vld [tilespmem:s23+$0x0]  }
0x102: {  	v47 =	vadd.f32 v48, v47;
	v48 =	vmul.f32 v51, v33;
	_ =	sdelay $0x1  }
0x103: {  	v47 =	vadd.f32 v48, v47;
	v48 =	vmul.f32 v49, v32;
	_ =	sdelay $0x1  }
0x104: {  	v47 =	vadd.f32 v48, v47;
	v48 =	vmul.f32 v50, v30;
	_ =	sdelay $0x1  }
0x105: {  	v47 =	vadd.f32 v48, v47  }
0x106: {  	s26 =	sor.u32 $0x10, s20  }
0x107: {  	s20 =	sor.u32 s26, s21;
	[tilespmem:s16+$0x0] =	vst v47  }
0x108: {  	v47 =	vld [tilespmem:s20+$0x0]  }
0x109: {  	v48 =	vld [tilespmem:s20+$0x80]  }
0x10a: {  	v49 =	vld [tilespmem:s20+$0x100];
	_ =	sdelay $0x1  }
0x10b: {  	v50 =	vld [tilespmem:s20+$0x180]  }
0x10c: {  	v47 =	vmul.f32 v47, v45  }
0x10d: {  	v48 =	vmul.f32 v48, v46;
	v51 =	vld [tilespmem:s20+$0x200]  }
0x10e: {  	v49 =	vmul.f32 v49, v44  }
0x10f: {  	v47 =	vadd.f32 v48, v47;
	v48 =	vld [tilespmem:s20+$0x280]  }
0x110: {  	v50 =	vmul.f32 v50, v43  }
0x111: {  	v47 =	vadd.f32 v49, v47;
	v49 =	vld [tilespmem:s20+$0x300]  }
0x112: {  	v51 =	vmul.f32 v51, v42  }
0x113: {  	v47 =	vadd.f32 v50, v47;
	v50 =	vld [tilespmem:s20+$0x380]  }
0x114: {  	s20 =	sor.u32 s26, s22;
	v48 =	vmul.f32 v48, v41  }
0x115: {  	v47 =	vadd.f32 v51, v47;
	v51 =	vld [tilespmem:s20+$0x0]  }
0x116: {  	s19 =	sor.u32 s26, s19;
	v49 =	vmul.f32 v49, v40  }
0x117: {  	v47 =	vadd.f32 v48, v47;
	v48 =	vld [tilespmem:s19+$0x0]  }
0x118: {  	s19 =	sor.u32 s26, s30;
	v50 =	vmul.f32 v50, v39  }
0x119: {  	v47 =	vadd.f32 v49, v47;
	v49 =	vld [tilespmem:s19+$0x0]  }
0x11a: {  	s13 =	sor.u32 s26, s13;
	v51 =	vmul.f32 v51, v38  }
0x11b: {  	v47 =	vadd.f32 v50, v47;
	v50 =	vld [tilespmem:s13+$0x0]  }
0x11c: {  	s13 =	sor.u32 s26, s29;
	v48 =	vmul.f32 v48, v37  }
0x11d: {  	v47 =	vadd.f32 v51, v47;
	v51 =	vld [tilespmem:s13+$0x0]  }
0x11e: {  	s13 =	sor.u32 s26, s28;
	v49 =	vmul.f32 v49, v36  }
0x11f: {  	v47 =	vadd.f32 v48, v47;
	v48 =	vld [tilespmem:s13+$0x0]  }
0x120: {  	s13 =	sor.u32 s26, s25;
	v50 =	vmul.f32 v50, v35  }
0x121: {  	v47 =	vadd.f32 v49, v47;
	v49 =	vld [tilespmem:s13+$0x0]  }
0x122: {  	s13 =	sor.u32 s26, s14;
	v51 =	vmul.f32 v51, v34  }
0x123: {  	v47 =	vadd.f32 v50, v47;
	v50 =	vld [tilespmem:s13+$0x0]  }
0x124: {  	v48 =	vmul.f32 v48, v33  }
.Ltmp5:
0x125: {  	v47 =	vadd.f32 v51, v47;
	(pc) =	sbr.rel @p0 .LBB2_4-.Ltmp5, $4  }
0x126: {  	v49 =	vmul.f32 v49, v32  }
0x127: {  	v48 =	vadd.f32 v48, v47  }
0x128: {  	v47 =	vmul.f32 v50, v30  }
0x129: {  	s4 =	sadd.s32 $0x100, s4;
	s7 =	sand.u32 $0x380, s7;
	s16 =	sadd.s32 $0x20, s16;
	v48 =	vadd.f32 v49, v48  }
0x12a: {  	_ = 	snop  }
0x12b: {  	s22 =	sand.u32 $0x1C00, s4;
	v47 =	vadd.f32 v47, v48  }
0x12c: {  	s2 =	sand.u32 $0x60, s15;
	s7 =	sor.u32 s26, s7;
	s4 =	sadd.s32 $0xA80, s22  }
0x12d: {  	s13 =	sor.u32 s2, s4;
	[tilespmem:s7+$0x6A80] =	vst v47  }
0x12e: {  	v47 =	vld [tilespmem:s13+$0x0]  }
0x12f: {  	v55 =	vld [tilespmem:s13+$0x80];
	_ =	sdelay $0x1  }
0x130: {  	v49 =	vld [tilespmem:s13+$0x100];
	_ =	sdelay $0x1  }
0x131: {  	v50 =	vld [tilespmem:s13+$0x180]  }
0x132: {  	v47 =	vmul.f32 v47, v45;
	v48 =	vmul.f32 v55, v46  }
0x133: {  	v51 =	vld [tilespmem:s13+$0x200]  }
0x134: {  	v56 =	vmul.f32 v49, v44;
	v47 =	vadd.f32 v48, v47  }
0x135: {  	v57 =	vld [tilespmem:s13+$0x280]  }
0x136: {  	v58 =	vmul.f32 v50, v43;
	v47 =	vadd.f32 v56, v47  }
0x137: {  	v59 =	vld [tilespmem:s13+$0x300]  }
0x138: {  	v60 =	vmul.f32 v51, v42;
	v47 =	vadd.f32 v58, v47  }
0x139: {  	s30 =	sor.u32 $0x2280, s22;
	v61 =	vld [tilespmem:s13+$0x380]  }
0x13a: {  	s14 =	sor.u32 s2, s30;
	v62 =	vmul.f32 v57, v41;
	v47 =	vadd.f32 v60, v47  }
0x13b: {  	s31 =	sor.u32 $0x2300, s22;
	v63 =	vld [tilespmem:s14+$0x0]  }
0x13c: {  	s19 =	sor.u32 s2, s31;
	v54 =	vmul.f32 v59, v40;
	v47 =	vadd.f32 v62, v47  }
0x13d: {  	s14 =	sor.u32 $0x2380, s22;
	v55 =	vld [tilespmem:s19+$0x0]  }
0x13e: {  	s20 =	sor.u32 s2, s14;
	v56 =	vmul.f32 v61, v39;
	v47 =	vadd.f32 v54, v47  }
0x13f: {  	s19 =	sadd.s32 $0x2400, s22;
	v57 =	vld [tilespmem:s20+$0x0]  }
0x140: {  	s21 =	sor.u32 s2, s19;
	v58 =	vmul.f32 v63, v38;
	v47 =	vadd.f32 v56, v47  }
0x141: {  	s17 =	sadd.s32 $0x2480, s22;
	v59 =	vld [tilespmem:s21+$0x0]  }
0x142: {  	s23 =	sor.u32 s2, s17;
	v60 =	vmul.f32 v55, v37;
	v47 =	vadd.f32 v58, v47  }
0x143: {  	s24 =	sadd.s32 $0x2500, s22;
	v61 =	vld [tilespmem:s23+$0x0]  }
0x144: {  	s26 =	sor.u32 s2, s24;
	v62 =	vmul.f32 v57, v36;
	v47 =	vadd.f32 v60, v47  }
0x145: {  	s25 =	sadd.s32 $0x2580, s22;
	v63 =	vld [tilespmem:s26+$0x0]  }
0x146: {  	s28 =	sor.u32 s2, s25;
	v53 =	vmul.f32 v59, v35;
	v47 =	vadd.f32 v62, v47  }
0x147: {  	s22 =	sadd.s32 $0x2600, s22;
	v54 =	vld [tilespmem:s28+$0x0]  }
0x148: {  	s29 =	sor.u32 s2, s22;
	v55 =	vmul.f32 v61, v34;
	v47 =	vadd.f32 v53, v47  }
0x149: {  	v56 =	vld [tilespmem:s29+$0x0]  }
0x14a: {  	v57 =	vmul.f32 v63, v33;
	v47 =	vadd.f32 v55, v47;
	_ =	sdelay $0x1  }
0x14b: {  	v58 =	vmul.f32 v54, v32;
	v47 =	vadd.f32 v57, v47;
	_ =	sdelay $0x1  }
0x14c: {  	v59 =	vmul.f32 v56, v30;
	v47 =	vadd.f32 v58, v47;
	_ =	sdelay $0x1  }
0x14d: {  	v47 =	vadd.f32 v59, v47  }
0x14e: {  	s2 =	sor.u32 $0x10, s2  }
0x14f: {  	s4 =	sor.u32 s2, s4;
	[tilespmem:s16+$0x0] =	vst v47  }
0x150: {  	v47 =	vld [tilespmem:s4+$0x0]  }
0x151: {  	v60 =	vld [tilespmem:s4+$0x80];
	_ =	sdelay $0x1  }
0x152: {  	v61 =	vld [tilespmem:s4+$0x100];
	_ =	sdelay $0x1  }
0x153: {  	v62 =	vld [tilespmem:s4+$0x180]  }
0x154: {  	v63 =	vmul.f32 v47, v45;
	v51 =	vmul.f32 v60, v46  }
0x155: {  	v52 =	vld [tilespmem:s4+$0x200]  }
0x156: {  	v53 =	vmul.f32 v61, v44;
	v45 =	vadd.f32 v51, v63  }
0x157: {  	v54 =	vld [tilespmem:s4+$0x280]  }
0x158: {  	v55 =	vmul.f32 v62, v43;
	v44 =	vadd.f32 v53, v45  }
0x159: {  	v56 =	vld [tilespmem:s4+$0x300]  }
0x15a: {  	v57 =	vmul.f32 v52, v42;
	v43 =	vadd.f32 v55, v44  }
0x15b: {  	v58 =	vld [tilespmem:s4+$0x380]  }
0x15c: {  	s30 =	sor.u32 s2, s30;
	v59 =	vmul.f32 v54, v41;
	v42 =	vadd.f32 v57, v43  }
0x15d: {  	v60 =	vld [tilespmem:s30+$0x0]  }
0x15e: {  	s31 =	sor.u32 s2, s31;
	v61 =	vmul.f32 v56, v40;
	v41 =	vadd.f32 v59, v42  }
0x15f: {  	v62 =	vld [tilespmem:s31+$0x0]  }
0x160: {  	s7 =	sor.u32 s2, s14;
	v63 =	vmul.f32 v58, v39;
	v40 =	vadd.f32 v61, v41  }
0x161: {  	v44 =	vld [tilespmem:s7+$0x0]  }
0x162: {  	s13 =	sor.u32 s2, s19;
	v45 =	vmul.f32 v60, v38;
	v39 =	vadd.f32 v63, v40  }
0x163: {  	v46 =	vld [tilespmem:s13+$0x0]  }
0x164: {  	s14 =	sor.u32 s2, s17;
	v47 =	vmul.f32 v62, v37;
	v38 =	vadd.f32 v45, v39  }
0x165: {  	v48 =	vld [tilespmem:s14+$0x0]  }
0x166: {  	s16 =	sor.u32 s2, s24;
	v49 =	vmul.f32 v44, v36;
	v37 =	vadd.f32 v47, v38  }
0x167: {  	v50 =	vld [tilespmem:s16+$0x0]  }
0x168: {  	s17 =	sor.u32 s2, s25;
	v51 =	vmul.f32 v46, v35;
	v36 =	vadd.f32 v49, v37  }
0x169: {  	v52 =	vld [tilespmem:s17+$0x0]  }
0x16a: {  	s19 =	sor.u32 s2, s22;
	v53 =	vmul.f32 v48, v34;
	v35 =	vadd.f32 v51, v36  }
0x16b: {  	v54 =	vld [tilespmem:s19+$0x0]  }
0x16c: {  	v55 =	vmul.f32 v50, v33;
	v34 =	vadd.f32 v53, v35;
	_ =	sdelay $0x1  }
0x16d: {  	v56 =	vmul.f32 v52, v32;
	v33 =	vadd.f32 v55, v34;
	_ =	sdelay $0x1  }
0x16e: {  	v30 =	vmul.f32 v54, v30;
	v32 =	vadd.f32 v56, v33;
	_ =	sdelay $0x1  }
0x16f: {  	s20 =	sand.u32 $0x380, s15;
	v30 =	vadd.f32 v30, v32  }
0x170: {  	s2 =	sor.u32 s2, s20  }
0x171: {  	[tilespmem:s2+$0x6A80] =	vst v30  }
0x172: {  	v30 =	vld.idx.msk [tilespmem:v23+s18+$0x0], $0xffff;
	_ =	sdelay $0x4  }
0x173: {  	v57 =	vadd.s32 v29, v30  }
0x174: {  	v58 =	vshrl.u32 v57, $0x3  }
0x175: {  	v33 =	vmul.u32 $0x30, v58  }
0x176: {  	v30 =	vand.u32 $0x7, v30  }
0x177: {  	v33 =	vor.u32 v30, v33  }
0x178: {  	v30 =	vperm.xlane v33, v2;
	_ =	sdelay $0x1  }
0x179: {  	v59 =	vadd.s32 v3, v30;
	_ =	sdelay $0x2  }
0x17a: {  	s21 =	simm.s32 $0x880  }
0x17b: {  	s22 =	simm.s32 $0xA80;
	s2 =	simm.s32 $0x0;
	v60 =	vperm.xlane v33, v4;
	v30 =	vld.idx.msk [tilespmem:v23+s21+$0x0], $0xffff;
	[tilespmem:$0x980] =	vst v57  }
0x17c: {  	[tilespmem:s22], [sflag:$0x1] =	stream.indirect_vreg.gather [hbm4b:s1+s2], $0x80, v59, vm0, $0xb8;
	[tilespmem:$0x7F80] =	vst v63  }
0x17d: {  	s23 =	simm.s32 $0x1280;
	v32 =	vadd.s32 v3, v60  }
0x17e: {  	[tilespmem:s23], [sflag:$0x1] =	stream.indirect_vreg.gather [hbm4b:s10+s2], $0x80, v59, vm0, $0xb8;
	[tilespmem:$0x7F80] =	vst v63  }
0x17f: {  	s24 =	simm.s32 $0x1A80  }
0x180: {  	[tilespmem:s24], [sflag:$0x1] =	stream.indirect_vreg.gather [hbm4b:s11+s2], $0x80, v59, vm0, $0xb8;
	[tilespmem:$0x7F80] =	vst v63  }
0x181: {  	s25 =	simm.s32 $0x2280  }
0x182: {  	[tilespmem:s25], [sflag:$0x1] =	stream.indirect_vreg.gather [hbm4b:s1+s2], $0x80, v32, vm0, $0xb8;
	[tilespmem:$0x7F80] =	vst v63  }
0x183: {  	v31 =	vmul.f32 v31, v28;
	s26 =	simm.s32 $0x2A80  }
0x184: {  	[tilespmem:s26], [sflag:$0x1] =	stream.indirect_vreg.gather [hbm4b:s10+s2], $0x80, v32, vm0, $0xb8;
	[tilespmem:$0x7F80] =	vst v63  }
0x185: {  	v31 =	vmul.f32 $2.500000000e-01, v31;
	s28 =	simm.s32 $0x3280  }
0x186: {  	[tilespmem:s28], [sflag:$0x1] =	stream.indirect_vreg.gather [hbm4b:s11+s2], $0x80, v32, vm0, $0xb8;
	[tilespmem:$0x7F80] =	vst v63  }
0x187: {  	[tilespmem:$0x910] =	vst v31  }
0x188: {  	v45 =	vld.idx.msk [tilespmem:v5+s3+$0x0], $0xffff  }
0x189: {  	v46 =	vld.idx.msk [tilespmem:v6+s3+$0x0], $0xffff  }
0x18a: {  	v44 =	vld.idx.msk [tilespmem:v7+s3+$0x0], $0xffff  }
0x18b: {  	v43 =	vld.idx.msk [tilespmem:v8+s3+$0x0], $0xffff  }
0x18c: {  	v42 =	vld.idx.msk [tilespmem:v9+s3+$0x0], $0xffff  }
0x18d: {  	v41 =	vld.idx.msk [tilespmem:v10+s3+$0x0], $0xffff  }
0x18e: {  	v40 =	vld.idx.msk [tilespmem:v11+s3+$0x0], $0xffff  }
0x18f: {  	v39 =	vld.idx.msk [tilespmem:v12+s3+$0x0], $0xffff  }
0x190: {  	v38 =	vld.idx.msk [tilespmem:v13+s3+$0x0], $0xffff  }
0x191: {  	v37 =	vld.idx.msk [tilespmem:v14+s3+$0x0], $0xffff  }
0x192: {  	v36 =	vld.idx.msk [tilespmem:v15+s3+$0x0], $0xffff  }
0x193: {  	v35 =	vld.idx.msk [tilespmem:v16+s3+$0x0], $0xffff  }
0x194: {  	v34 =	vld.idx.msk [tilespmem:v17+s3+$0x0], $0xffff  }
0x195: {  	v33 =	vld.idx.msk [tilespmem:v1+s3+$0x0], $0xffff  }
0x196: {  	v32 =	vld.idx.msk [tilespmem:v18+s3+$0x0], $0xffff  }
0x197: {  	s23 =	sand.u32 $0x1C00, s2;
	v31 =	vld.idx.msk [tilespmem:v19+s3+$0x0], $0xffff;
	_ =	swait.ge [sflag:s0], $0x3000  }
0x198: {  	s7 =	sand.u32 $0x60, s2;
	s4 =	sadd.s32 $0x3A80, s23;
	[sflag:s0] =	ssyncset.done $0x0  }
0x199: {  	s29 =	sor.u32 s7, s4;
	[sflag:s0] =	ssyncadd.s32 $0xFFFFD000  }
0x19a: {  	v61 =	vld [tilespmem:s29+$0x0]  }
0x19b: {  	v62 =	vld [tilespmem:s29+$0x80];
	_ =	sdelay $0x1  }
0x19c: {  	v63 =	vld [tilespmem:s29+$0x100];
	_ =	sdelay $0x1  }
0x19d: {  	v54 =	vld [tilespmem:s29+$0x180]  }
0x19e: {  	v47 =	vmul.f32 v61, v45;
	v48 =	vmul.f32 v62, v46  }
0x19f: {  	s30 =	sand.u32 $0x3, s2;
	v55 =	vld [tilespmem:s29+$0x200]  }
0x1a0: {  	s14 =	sshll.u32 s30, $0x5;
	v56 =	vmul.f32 v63, v44;
	v47 =	vadd.f32 v48, v47  }
0x1a1: {  	s15 =	sadd.s32 $0x0, s14;
	v57 =	vld [tilespmem:s29+$0x280]  }
0x1a2: {  	s31 =	sor.u32 $0x300, s15;
	v58 =	vmul.f32 v54, v43;
	v47 =	vadd.f32 v56, v47  }
0x1a3: {  	s14 =	sor.u32 s2, s2;
	v59 =	vld [tilespmem:s31+$0x3A80]  }
0x1a4: {  	s16 =	sor.u32 $0x380, s14;
	v60 =	vmul.f32 v55, v42;
	v47 =	vadd.f32 v58, v47  }
0x1a5: {  	s17 =	sadd.s32 $0x5280, s23;
	v61 =	vld [tilespmem:s16+$0x3A80]  }
0x1a6: {  	s20 =	sor.u32 s7, s17;
	v62 =	vmul.f32 v57, v41;
	v47 =	vadd.f32 v60, v47  }
0x1a7: {  	s14 =	sadd.s32 $0x5300, s23;
	v63 =	vld [tilespmem:s20+$0x0]  }
0x1a8: {  	s21 =	sor.u32 s7, s14;
	v54 =	vmul.f32 v59, v40;
	v47 =	vadd.f32 v62, v47  }
0x1a9: {  	s16 =	sadd.s32 $0x5380, s23;
	v55 =	vld [tilespmem:s21+$0x0]  }
0x1aa: {  	s22 =	sor.u32 s7, s16;
	v56 =	vmul.f32 v61, v39;
	v47 =	vadd.f32 v54, v47  }
0x1ab: {  	s19 =	sadd.s32 $0x5400, s23;
	v57 =	vld [tilespmem:s22+$0x0]  }
0x1ac: {  	s24 =	sor.u32 s7, s19;
	v58 =	vmul.f32 v63, v38;
	v47 =	vadd.f32 v56, v47  }
0x1ad: {  	s20 =	sadd.s32 $0x5480, s23;
	v59 =	vld [tilespmem:s24+$0x0]  }
0x1ae: {  	s25 =	sor.u32 s7, s20;
	v60 =	vmul.f32 v55, v37;
	v47 =	vadd.f32 v58, v47  }
0x1af: {  	s21 =	sadd.s32 $0x5500, s23;
	v61 =	vld [tilespmem:s25+$0x0]  }
0x1b0: {  	s26 =	sor.u32 s7, s21;
	v62 =	vmul.f32 v57, v36;
	v47 =	vadd.f32 v60, v47  }
0x1b1: {  	s22 =	sadd.s32 $0x5580, s23;
	v63 =	vld [tilespmem:s26+$0x0]  }
0x1b2: {  	s28 =	sor.u32 s7, s22;
	v52 =	vmul.f32 v59, v35;
	v47 =	vadd.f32 v62, v47  }
0x1b3: {  	s23 =	sadd.s32 $0x5600, s23;
	v53 =	vld [tilespmem:s28+$0x0]  }
0x1b4: {  	s29 =	sor.u32 s7, s23;
	v54 =	vmul.f32 v61, v34;
	v47 =	vadd.f32 v52, v47  }
0x1b5: {  	v55 =	vld [tilespmem:s29+$0x0]  }
0x1b6: {  	v56 =	vmul.f32 v63, v33;
	v47 =	vadd.f32 v54, v47;
	_ =	sdelay $0x1  }
0x1b7: {  	v57 =	vmul.f32 v53, v32;
	v47 =	vadd.f32 v56, v47;
	_ =	sdelay $0x1  }
0x1b8: {  	v58 =	vmul.f32 v55, v31;
	v47 =	vadd.f32 v57, v47;
	_ =	sdelay $0x1  }
0x1b9: {  	v47 =	vadd.f32 v58, v47  }
0x1ba: {  	s2 =	sand.u32 $0x3E0, s2;
	s7 =	sor.u32 $0x10, s7  }
0x1bb: {  	s30 =	sor.u32 s7, s4;
	[tilespmem:s2+$0x6D80] =	vst v47  }
0x1bc: {  	v47 =	vld [tilespmem:s30+$0x0]  }
0x1bd: {  	v59 =	vld [tilespmem:s30+$0x80];
	_ =	sdelay $0x1  }
0x1be: {  	v60 =	vld [tilespmem:s30+$0x100];
	_ =	sdelay $0x1  }
0x1bf: {  	v61 =	vld [tilespmem:s30+$0x180]  }
0x1c0: {  	v47 =	vmul.f32 v47, v45;
	v48 =	vmul.f32 v59, v46  }
0x1c1: {  	v62 =	vld [tilespmem:s30+$0x200]  }
0x1c2: {  	v49 =	vmul.f32 v60, v44;
	v47 =	vadd.f32 v48, v47  }
0x1c3: {  	s31 =	sadd.s32 $0x10, s15;
	v63 =	vld [tilespmem:s30+$0x280]  }
0x1c4: {  	s15 =	sor.u32 $0x300, s31;
	v50 =	vmul.f32 v61, v43;
	v47 =	vadd.f32 v49, v47  }
0x1c5: {  	v54 =	vld [tilespmem:s15+$0x3A80]  }
0x1c6: {  	s2 =	sor.u32 $0x380, s31;
	v51 =	vmul.f32 v62, v42;
	v47 =	vadd.f32 v50, v47  }
0x1c7: {  	v55 =	vld [tilespmem:s2+$0x3A80]  }
0x1c8: {  	s17 =	sor.u32 s7, s17;
	v48 =	vmul.f32 v63, v41;
	v47 =	vadd.f32 v51, v47  }
0x1c9: {  	v56 =	vld [tilespmem:s17+$0x0]  }
0x1ca: {  	s24 =	sor.u32 s7, s14;
	v49 =	vmul.f32 v54, v40;
	v47 =	vadd.f32 v48, v47  }
0x1cb: {  	v57 =	vld [tilespmem:s24+$0x0]  }
0x1cc: {  	s25 =	sor.u32 s7, s16;
	v50 =	vmul.f32 v55, v39;
	v47 =	vadd.f32 v49, v47  }
0x1cd: {  	v58 =	vld [tilespmem:s25+$0x0]  }
0x1ce: {  	s26 =	sor.u32 s7, s19;
	v51 =	vmul.f32 v56, v38;
	v47 =	vadd.f32 v50, v47  }
0x1cf: {  	v59 =	vld [tilespmem:s26+$0x0]  }
0x1d0: {  	s28 =	sor.u32 s7, s20;
	v48 =	vmul.f32 v57, v37;
	v47 =	vadd.f32 v51, v47  }
0x1d1: {  	v60 =	vld [tilespmem:s28+$0x0]  }
0x1d2: {  	s29 =	sor.u32 s7, s21;
	v49 =	vmul.f32 v58, v36;
	v47 =	vadd.f32 v48, v47  }
0x1d3: {  	v61 =	vld [tilespmem:s29+$0x0]  }
0x1d4: {  	s30 =	sor.u32 s7, s22;
	v50 =	vmul.f32 v59, v35;
	v47 =	vadd.f32 v49, v47  }
0x1d5: {  	v62 =	vld [tilespmem:s30+$0x0]  }
0x1d6: {  	s31 =	sor.u32 s7, s23;
	v51 =	vmul.f32 v60, v34;
	v47 =	vadd.f32 v50, v47  }
0x1d7: {  	v63 =	vld [tilespmem:s31+$0x0]  }
0x1d8: {  	v48 =	vmul.f32 v61, v33;
	v47 =	vadd.f32 v51, v47;
	_ =	sdelay $0x1  }
0x1d9: {  	v49 =	vmul.f32 v62, v32;
	v48 =	vadd.f32 v48, v47  }
0x1da: {  	s4 =	simm.s32 $0x6D90;
	s14 =	simm.s32 $0x1;
	s16 =	simm.s32 $0x20  }
0x1db: {  	s23 =	simm.s32 $0x40;
	s2 =	simm.s32 $0x100;
	s15 =	simm.s32 $0x6DB0;
	v47 =	vmul.f32 v63, v31;
	v48 =	vadd.f32 v49, v48  }
.LBB2_6:
0x1dc: {  	s20 =	sand.u32 $0x60, s16  }
0x1dd: {  	s25 =	sand.u32 $0x1C00, s2;
	s21 =	smov.u32 s23;
	s7 =	sadd.s32 $0x20, s23  }
0x1de: {  	s22 =	sadd.s32 $0x3A80, s25;
	s19 =	sadd.s32 $0x5280, s25;
	s13 =	sadd.s32 $0x5300, s25;
	v47 =	vadd.f32 v47, v48  }
0x1df: {  	s31 =	sadd.s32 $0x5380, s25;
	s30 =	sadd.s32 $0x5400, s25;
	s24 =	sor.u32 s20, s22  }
0x1e0: {  	s29 =	sadd.s32 $0x5480, s25;
	s28 =	sadd.s32 $0x5500, s25;
	s26 =	sadd.s32 $0x5580, s25;
	[tilespmem:s4+$0x0] =	vst v47  }
0x1e1: {  	p0 =	sne.s32 s23, $0x2E0;
	s25 =	sadd.s32 $0x5600, s25;
	s4 =	smov.u32 s15;
	v47 =	vld [tilespmem:s24+$0x0]  }
0x1e2: {  	v48 =	vld [tilespmem:s24+$0x80];
	_ =	sdelay $0x1  }
0x1e3: {  	v49 =	vld [tilespmem:s24+$0x100];
	_ =	sdelay $0x1  }
0x1e4: {  	v50 =	vld [tilespmem:s24+$0x180]  }
0x1e5: {  	v47 =	vmul.f32 v47, v45;
	v48 =	vmul.f32 v48, v46  }
0x1e6: {  	s23 =	sand.u32 $0x3, s14;
	v51 =	vld [tilespmem:s24+$0x200]  }
0x1e7: {  	s23 =	sshll.u32 s23, $0x5;
	v47 =	vadd.f32 v48, v47;
	v48 =	vmul.f32 v49, v44  }
0x1e8: {  	s23 =	sadd.s32 s23, s2;
	v49 =	vld [tilespmem:s24+$0x280]  }
0x1e9: {  	s24 =	sor.u32 $0x300, s23;
	v47 =	vadd.f32 v48, v47;
	v48 =	vmul.f32 v50, v43  }
0x1ea: {  	v50 =	vld [tilespmem:s24+$0x3A80];
	s24 =	sor.u32 s2, s16  }
0x1eb: {  	v47 =	vadd.f32 v48, v47;
	v48 =	vmul.f32 v51, v42;
	s24 =	sor.u32 $0x380, s24  }
0x1ec: {  	v51 =	vld [tilespmem:s24+$0x3A80]  }
0x1ed: {  	s24 =	sor.u32 s20, s19;
	v47 =	vadd.f32 v48, v47;
	v48 =	vmul.f32 v49, v41  }
0x1ee: {  	v49 =	vld [tilespmem:s24+$0x0]  }
0x1ef: {  	s24 =	sor.u32 s20, s13;
	v47 =	vadd.f32 v48, v47;
	v48 =	vmul.f32 v50, v40  }
0x1f0: {  	v50 =	vld [tilespmem:s24+$0x0]  }
0x1f1: {  	s24 =	sor.u32 s20, s31;
	v47 =	vadd.f32 v48, v47;
	v48 =	vmul.f32 v51, v39  }
0x1f2: {  	v51 =	vld [tilespmem:s24+$0x0]  }
0x1f3: {  	s24 =	sor.u32 s20, s30;
	v47 =	vadd.f32 v48, v47;
	v48 =	vmul.f32 v49, v38  }
0x1f4: {  	v49 =	vld [tilespmem:s24+$0x0]  }
0x1f5: {  	s24 =	sor.u32 s20, s29;
	v47 =	vadd.f32 v48, v47;
	v48 =	vmul.f32 v50, v37  }
0x1f6: {  	v50 =	vld [tilespmem:s24+$0x0]  }
0x1f7: {  	s24 =	sor.u32 s20, s28;
	v47 =	vadd.f32 v48, v47;
	v48 =	vmul.f32 v51, v36  }
0x1f8: {  	v51 =	vld [tilespmem:s24+$0x0]  }
0x1f9: {  	s24 =	sor.u32 s20, s26;
	v47 =	vadd.f32 v48, v47;
	v48 =	vmul.f32 v49, v35  }
0x1fa: {  	v49 =	vld [tilespmem:s24+$0x0]  }
0x1fb: {  	s24 =	sor.u32 s20, s25;
	v47 =	vadd.f32 v48, v47;
	v48 =	vmul.f32 v50, v34  }
0x1fc: {  	v50 =	vld [tilespmem:s24+$0x0]  }
0x1fd: {  	v47 =	vadd.f32 v48, v47;
	v48 =	vmul.f32 v51, v33;
	_ =	sdelay $0x1  }
0x1fe: {  	v47 =	vadd.f32 v48, v47;
	v48 =	vmul.f32 v49, v32;
	_ =	sdelay $0x1  }
0x1ff: {  	v47 =	vadd.f32 v48, v47;
	v48 =	vmul.f32 v50, v31;
	_ =	sdelay $0x1  }
0x200: {  	v47 =	vadd.f32 v48, v47  }
0x201: {  	s20 =	sor.u32 $0x10, s20;
	s24 =	sand.u32 $0x3E0, s16;
	s16 =	smov.u32 s21  }
0x202: {  	s21 =	sor.u32 s20, s22;
	[tilespmem:s24+$0x6D80] =	vst v47  }
0x203: {  	v47 =	vld [tilespmem:s21+$0x0]  }
0x204: {  	v48 =	vld [tilespmem:s21+$0x80]  }
0x205: {  	v49 =	vld [tilespmem:s21+$0x100];
	_ =	sdelay $0x1  }
0x206: {  	v50 =	vld [tilespmem:s21+$0x180]  }
0x207: {  	v47 =	vmul.f32 v47, v45  }
0x208: {  	v48 =	vmul.f32 v48, v46;
	v51 =	vld [tilespmem:s21+$0x200]  }
0x209: {  	v49 =	vmul.f32 v49, v44  }
0x20a: {  	v47 =	vadd.f32 v48, v47;
	v48 =	vld [tilespmem:s21+$0x280];
	s21 =	sadd.s32 $0x10, s23  }
0x20b: {  	v50 =	vmul.f32 v50, v43;
	s22 =	sor.u32 $0x300, s21  }
0x20c: {  	v47 =	vadd.f32 v49, v47;
	v49 =	vld [tilespmem:s22+$0x3A80]  }
0x20d: {  	s21 =	sor.u32 $0x380, s21;
	v51 =	vmul.f32 v51, v42  }
0x20e: {  	v47 =	vadd.f32 v50, v47;
	v50 =	vld [tilespmem:s21+$0x3A80]  }
0x20f: {  	s19 =	sor.u32 s20, s19;
	v48 =	vmul.f32 v48, v41  }
0x210: {  	v47 =	vadd.f32 v51, v47;
	v51 =	vld [tilespmem:s19+$0x0]  }
0x211: {  	s13 =	sor.u32 s20, s13;
	v49 =	vmul.f32 v49, v40  }
0x212: {  	v47 =	vadd.f32 v48, v47;
	v48 =	vld [tilespmem:s13+$0x0]  }
0x213: {  	s13 =	sor.u32 s20, s31;
	v50 =	vmul.f32 v50, v39  }
0x214: {  	v47 =	vadd.f32 v49, v47;
	v49 =	vld [tilespmem:s13+$0x0]  }
0x215: {  	s13 =	sor.u32 s20, s30;
	v51 =	vmul.f32 v51, v38  }
0x216: {  	v47 =	vadd.f32 v50, v47;
	v50 =	vld [tilespmem:s13+$0x0]  }
0x217: {  	s13 =	sor.u32 s20, s29;
	v48 =	vmul.f32 v48, v37  }
0x218: {  	v47 =	vadd.f32 v51, v47;
	v51 =	vld [tilespmem:s13+$0x0]  }
0x219: {  	s13 =	sor.u32 s20, s28;
	v49 =	vmul.f32 v49, v36  }
0x21a: {  	v47 =	vadd.f32 v48, v47;
	v48 =	vld [tilespmem:s13+$0x0]  }
0x21b: {  	s13 =	sor.u32 s20, s26;
	v50 =	vmul.f32 v50, v35  }
0x21c: {  	v47 =	vadd.f32 v49, v47;
	v49 =	vld [tilespmem:s13+$0x0]  }
0x21d: {  	s13 =	sor.u32 s20, s25;
	v51 =	vmul.f32 v51, v34  }
0x21e: {  	v47 =	vadd.f32 v50, v47;
	v50 =	vld [tilespmem:s13+$0x0]  }
0x21f: {  	v48 =	vmul.f32 v48, v33  }
.Ltmp6:
0x220: {  	v47 =	vadd.f32 v51, v47;
	(pc) =	sbr.rel @p0 .LBB2_6-.Ltmp6, $4  }
0x221: {  	v49 =	vmul.f32 v49, v32  }
0x222: {  	v48 =	vadd.f32 v48, v47  }
0x223: {  	s14 =	sadd.s32 $0x1, s14;
	v47 =	vmul.f32 v50, v31  }
0x224: {  	s15 =	sadd.s32 $0x20, s15;
	s2 =	sadd.s32 $0x100, s2;
	s23 =	smov.u32 s7;
	v48 =	vadd.f32 v49, v48  }
0x225: {  	_ = 	snop  }
0x226: {  	s24 =	sand.u32 $0x1C00, s2;
	v47 =	vadd.f32 v47, v48  }
0x227: {  	s13 =	sand.u32 $0x60, s16;
	s7 =	sadd.s32 $0x3A80, s24  }
0x228: {  	s19 =	sor.u32 s13, s7;
	[tilespmem:s4+$0x0] =	vst v47  }
0x229: {  	v47 =	vld [tilespmem:s19+$0x0]  }
0x22a: {  	v55 =	vld [tilespmem:s19+$0x80];
	_ =	sdelay $0x1  }
0x22b: {  	v49 =	vld [tilespmem:s19+$0x100];
	_ =	sdelay $0x1  }
0x22c: {  	v50 =	vld [tilespmem:s19+$0x180]  }
0x22d: {  	v47 =	vmul.f32 v47, v45;
	v48 =	vmul.f32 v55, v46  }
0x22e: {  	s28 =	sand.u32 $0x3, s14;
	v51 =	vld [tilespmem:s19+$0x200]  }
0x22f: {  	s4 =	sshll.u32 s28, $0x5;
	v56 =	vmul.f32 v49, v44;
	v47 =	vadd.f32 v48, v47  }
0x230: {  	v57 =	vld [tilespmem:s19+$0x280];
	s14 =	sadd.s32 s4, s2  }
0x231: {  	s4 =	sor.u32 $0x300, s14;
	v58 =	vmul.f32 v50, v43;
	v47 =	vadd.f32 v56, v47  }
0x232: {  	s29 =	sor.u32 s2, s16;
	v59 =	vld [tilespmem:s4+$0x3A80]  }
0x233: {  	s30 =	sor.u32 $0x380, s29;
	v60 =	vmul.f32 v51, v42;
	v47 =	vadd.f32 v58, v47  }
0x234: {  	s2 =	sadd.s32 $0x5280, s24;
	v61 =	vld [tilespmem:s30+$0x3A80]  }
0x235: {  	s31 =	sor.u32 s13, s2;
	v62 =	vmul.f32 v57, v41;
	v47 =	vadd.f32 v60, v47  }
0x236: {  	s4 =	sadd.s32 $0x5300, s24;
	v63 =	vld [tilespmem:s31+$0x0]  }
0x237: {  	s20 =	sor.u32 s13, s4;
	v54 =	vmul.f32 v59, v40;
	v47 =	vadd.f32 v62, v47  }
0x238: {  	s19 =	sadd.s32 $0x5380, s24;
	v55 =	vld [tilespmem:s20+$0x0]  }
0x239: {  	s21 =	sor.u32 s13, s19;
	v56 =	vmul.f32 v61, v39;
	v47 =	vadd.f32 v54, v47  }
0x23a: {  	s20 =	sadd.s32 $0x5400, s24;
	v57 =	vld [tilespmem:s21+$0x0]  }
0x23b: {  	s22 =	sor.u32 s13, s20;
	v58 =	vmul.f32 v63, v38;
	v47 =	vadd.f32 v56, v47  }
0x23c: {  	s21 =	sadd.s32 $0x5480, s24;
	v59 =	vld [tilespmem:s22+$0x0]  }
0x23d: {  	s23 =	sor.u32 s13, s21;
	v60 =	vmul.f32 v55, v37;
	v47 =	vadd.f32 v58, v47  }
0x23e: {  	s17 =	sadd.s32 $0x5500, s24;
	v61 =	vld [tilespmem:s23+$0x0]  }
0x23f: {  	s25 =	sor.u32 s13, s17;
	v62 =	vmul.f32 v57, v36;
	v47 =	vadd.f32 v60, v47  }
0x240: {  	s28 =	sadd.s32 $0x5580, s24;
	v63 =	vld [tilespmem:s25+$0x0]  }
0x241: {  	s26 =	sor.u32 s13, s28;
	v53 =	vmul.f32 v59, v35;
	v47 =	vadd.f32 v62, v47  }
0x242: {  	s29 =	sadd.s32 $0x5600, s24;
	v54 =	vld [tilespmem:s26+$0x0]  }
0x243: {  	s24 =	sor.u32 s13, s29;
	v55 =	vmul.f32 v61, v34;
	v47 =	vadd.f32 v53, v47  }
0x244: {  	v56 =	vld [tilespmem:s24+$0x0]  }
0x245: {  	v57 =	vmul.f32 v63, v33;
	v47 =	vadd.f32 v55, v47;
	_ =	sdelay $0x1  }
0x246: {  	v58 =	vmul.f32 v54, v32;
	v47 =	vadd.f32 v57, v47;
	_ =	sdelay $0x1  }
0x247: {  	v59 =	vmul.f32 v56, v31;
	v47 =	vadd.f32 v58, v47;
	_ =	sdelay $0x1  }
0x248: {  	v47 =	vadd.f32 v59, v47  }
0x249: {  	s30 =	sand.u32 $0x3E0, s16;
	s13 =	sor.u32 $0x10, s13  }
0x24a: {  	s7 =	sor.u32 s13, s7;
	[tilespmem:s30+$0x6D80] =	vst v47  }
0x24b: {  	v47 =	vld [tilespmem:s7+$0x0]  }
0x24c: {  	v60 =	vld [tilespmem:s7+$0x80];
	_ =	sdelay $0x1  }
0x24d: {  	v61 =	vld [tilespmem:s7+$0x100];
	_ =	sdelay $0x1  }
0x24e: {  	v62 =	vld [tilespmem:s7+$0x180]  }
0x24f: {  	v63 =	vmul.f32 v47, v45;
	v51 =	vmul.f32 v60, v46  }
0x250: {  	v52 =	vld [tilespmem:s7+$0x200]  }
0x251: {  	v53 =	vmul.f32 v61, v44;
	v45 =	vadd.f32 v51, v63  }
0x252: {  	s31 =	sadd.s32 $0x10, s14;
	v54 =	vld [tilespmem:s7+$0x280]  }
0x253: {  	s14 =	sor.u32 $0x300, s31;
	v55 =	vmul.f32 v62, v43;
	v44 =	vadd.f32 v53, v45  }
0x254: {  	v56 =	vld [tilespmem:s14+$0x3A80]  }
0x255: {  	s7 =	sor.u32 $0x380, s31;
	v57 =	vmul.f32 v52, v42;
	v43 =	vadd.f32 v55, v44  }
0x256: {  	v58 =	vld [tilespmem:s7+$0x3A80]  }
0x257: {  	s2 =	sor.u32 s13, s2;
	v59 =	vmul.f32 v54, v41;
	v42 =	vadd.f32 v57, v43  }
0x258: {  	v60 =	vld [tilespmem:s2+$0x0]  }
0x259: {  	s4 =	sor.u32 s13, s4;
	v61 =	vmul.f32 v56, v40;
	v41 =	vadd.f32 v59, v42  }
0x25a: {  	v62 =	vld [tilespmem:s4+$0x0]  }
0x25b: {  	s7 =	sor.u32 s13, s19;
	v63 =	vmul.f32 v58, v39;
	v40 =	vadd.f32 v61, v41  }
0x25c: {  	v44 =	vld [tilespmem:s7+$0x0]  }
0x25d: {  	s14 =	sor.u32 s13, s20;
	v45 =	vmul.f32 v60, v38;
	v39 =	vadd.f32 v63, v40  }
0x25e: {  	v46 =	vld [tilespmem:s14+$0x0]  }
0x25f: {  	s16 =	sor.u32 s13, s21;
	v47 =	vmul.f32 v62, v37;
	v38 =	vadd.f32 v45, v39  }
0x260: {  	v48 =	vld [tilespmem:s16+$0x0]  }
0x261: {  	s17 =	sor.u32 s13, s17;
	v49 =	vmul.f32 v44, v36;
	v37 =	vadd.f32 v47, v38  }
0x262: {  	v50 =	vld [tilespmem:s17+$0x0]  }
0x263: {  	s19 =	sor.u32 s13, s28;
	v51 =	vmul.f32 v46, v35;
	v36 =	vadd.f32 v49, v37  }
0x264: {  	v52 =	vld [tilespmem:s19+$0x0]  }
0x265: {  	s20 =	sor.u32 s13, s29;
	v53 =	vmul.f32 v48, v34;
	v35 =	vadd.f32 v51, v36  }
0x266: {  	v54 =	vld [tilespmem:s20+$0x0]  }
0x267: {  	v55 =	vmul.f32 v50, v33;
	v34 =	vadd.f32 v53, v35;
	_ =	sdelay $0x1  }
0x268: {  	v56 =	vmul.f32 v52, v32;
	v33 =	vadd.f32 v55, v34;
	_ =	sdelay $0x1  }
0x269: {  	v31 =	vmul.f32 v54, v31;
	v32 =	vadd.f32 v56, v33;
	_ =	sdelay $0x1  }
0x26a: {  	v31 =	vadd.f32 v31, v32;
	_ =	sdelay $0x1  }
0x26b: {  	[tilespmem:s15+$0x0] =	vst v31  }
0x26c: {  	v31 =	vld.idx.msk [tilespmem:v24+s18+$0x0], $0xffff;
	_ =	sdelay $0x4  }
0x26d: {  	v57 =	vadd.s32 v29, v31  }
0x26e: {  	v58 =	vshrl.u32 v57, $0x3  }
0x26f: {  	v33 =	vmul.u32 $0x30, v58  }
0x270: {  	v31 =	vand.u32 $0x7, v31  }
0x271: {  	v33 =	vor.u32 v31, v33  }
0x272: {  	v31 =	vperm.xlane v33, v2;
	_ =	sdelay $0x1  }
0x273: {  	v59 =	vadd.s32 v3, v31;
	_ =	sdelay $0x2  }
0x274: {  	s21 =	simm.s32 $0x880  }
0x275: {  	s22 =	simm.s32 $0x3A80;
	s2 =	simm.s32 $0x0;
	v60 =	vperm.xlane v33, v4;
	v31 =	vld.idx.msk [tilespmem:v24+s21+$0x0], $0xffff;
	[tilespmem:$0xA00] =	vst v57  }
0x276: {  	[tilespmem:s22], [sflag:$0x2] =	stream.indirect_vreg.gather [hbm4b:s1+s2], $0x80, v59, vm0, $0xb8;
	[tilespmem:$0x7F80] =	vst v63  }
0x277: {  	s23 =	simm.s32 $0x4280;
	v32 =	vadd.s32 v3, v60  }
0x278: {  	[tilespmem:s23], [sflag:$0x2] =	stream.indirect_vreg.gather [hbm4b:s10+s2], $0x80, v59, vm0, $0xb8;
	[tilespmem:$0x7F80] =	vst v63  }
0x279: {  	s24 =	simm.s32 $0x4A80  }
0x27a: {  	[tilespmem:s24], [sflag:$0x2] =	stream.indirect_vreg.gather [hbm4b:s11+s2], $0x80, v59, vm0, $0xb8;
	[tilespmem:$0x7F80] =	vst v63  }
0x27b: {  	s25 =	simm.s32 $0x5280  }
0x27c: {  	[tilespmem:s25], [sflag:$0x2] =	stream.indirect_vreg.gather [hbm4b:s1+s2], $0x80, v32, vm0, $0xb8;
	[tilespmem:$0x7F80] =	vst v63  }
0x27d: {  	v30 =	vmul.f32 v30, v28;
	s26 =	simm.s32 $0x5A80  }
0x27e: {  	[tilespmem:s26], [sflag:$0x2] =	stream.indirect_vreg.gather [hbm4b:s10+s2], $0x80, v32, vm0, $0xb8;
	[tilespmem:$0x7F80] =	vst v63  }
0x27f: {  	v30 =	vmul.f32 $2.500000000e-01, v30;
	s28 =	simm.s32 $0x6280  }
0x280: {  	[tilespmem:s28], [sflag:$0x2] =	stream.indirect_vreg.gather [hbm4b:s11+s2], $0x80, v32, vm0, $0xb8;
	[tilespmem:$0x7F80] =	vst v63  }
0x281: {  	[tilespmem:$0x910] =	vst v30  }
0x282: {  	v45 =	vld.idx.msk [tilespmem:v5+s3+$0x0], $0xffff  }
0x283: {  	v46 =	vld.idx.msk [tilespmem:v6+s3+$0x0], $0xffff  }
0x284: {  	v44 =	vld.idx.msk [tilespmem:v7+s3+$0x0], $0xffff  }
0x285: {  	v43 =	vld.idx.msk [tilespmem:v8+s3+$0x0], $0xffff  }
0x286: {  	v42 =	vld.idx.msk [tilespmem:v9+s3+$0x0], $0xffff  }
0x287: {  	v41 =	vld.idx.msk [tilespmem:v10+s3+$0x0], $0xffff  }
0x288: {  	v40 =	vld.idx.msk [tilespmem:v11+s3+$0x0], $0xffff  }
0x289: {  	v39 =	vld.idx.msk [tilespmem:v12+s3+$0x0], $0xffff  }
0x28a: {  	v38 =	vld.idx.msk [tilespmem:v13+s3+$0x0], $0xffff  }
0x28b: {  	v37 =	vld.idx.msk [tilespmem:v14+s3+$0x0], $0xffff  }
0x28c: {  	v36 =	vld.idx.msk [tilespmem:v15+s3+$0x0], $0xffff  }
0x28d: {  	v35 =	vld.idx.msk [tilespmem:v16+s3+$0x0], $0xffff  }
0x28e: {  	v34 =	vld.idx.msk [tilespmem:v17+s3+$0x0], $0xffff  }
0x28f: {  	v33 =	vld.idx.msk [tilespmem:v1+s3+$0x0], $0xffff  }
0x290: {  	v32 =	vld.idx.msk [tilespmem:v18+s3+$0x0], $0xffff  }
0x291: {  	s23 =	sand.u32 $0x1C00, s2;
	v30 =	vld.idx.msk [tilespmem:v19+s3+$0x0], $0xffff;
	_ =	swait.ge [sflag:s8], $0x3000  }
0x292: {  	s7 =	sand.u32 $0x60, s2;
	s4 =	sadd.s32 $0xA80, s23;
	[sflag:s8] =	ssyncset.done $0x0  }
0x293: {  	s29 =	sor.u32 s7, s4;
	[sflag:s8] =	ssyncadd.s32 $0xFFFFD000  }
0x294: {  	v61 =	vld [tilespmem:s29+$0x0]  }
0x295: {  	v62 =	vld [tilespmem:s29+$0x80];
	_ =	sdelay $0x1  }
0x296: {  	v63 =	vld [tilespmem:s29+$0x100];
	_ =	sdelay $0x1  }
0x297: {  	v54 =	vld [tilespmem:s29+$0x180]  }
0x298: {  	v47 =	vmul.f32 v61, v45;
	v48 =	vmul.f32 v62, v46  }
0x299: {  	s30 =	sand.u32 $0x3, s2;
	v55 =	vld [tilespmem:s29+$0x200]  }
0x29a: {  	s14 =	sshll.u32 s30, $0x5;
	v56 =	vmul.f32 v63, v44;
	v47 =	vadd.f32 v48, v47  }
0x29b: {  	s15 =	sadd.s32 $0x0, s14;
	v57 =	vld [tilespmem:s29+$0x280]  }
0x29c: {  	s31 =	sor.u32 $0x300, s15;
	v58 =	vmul.f32 v54, v43;
	v47 =	vadd.f32 v56, v47  }
0x29d: {  	s14 =	sor.u32 s2, s2;
	v59 =	vld [tilespmem:s31+$0xA80]  }
0x29e: {  	s16 =	sor.u32 $0x380, s14;
	v60 =	vmul.f32 v55, v42;
	v47 =	vadd.f32 v58, v47  }
0x29f: {  	s17 =	sor.u32 $0x2280, s23;
	v61 =	vld [tilespmem:s16+$0xA80]  }
0x2a0: {  	s20 =	sor.u32 s7, s17;
	v62 =	vmul.f32 v57, v41;
	v47 =	vadd.f32 v60, v47  }
0x2a1: {  	s14 =	sor.u32 $0x2300, s23;
	v63 =	vld [tilespmem:s20+$0x0]  }
0x2a2: {  	s21 =	sor.u32 s7, s14;
	v54 =	vmul.f32 v59, v40;
	v47 =	vadd.f32 v62, v47  }
0x2a3: {  	s16 =	sor.u32 $0x2380, s23;
	v55 =	vld [tilespmem:s21+$0x0]  }
0x2a4: {  	s22 =	sor.u32 s7, s16;
	v56 =	vmul.f32 v61, v39;
	v47 =	vadd.f32 v54, v47  }
0x2a5: {  	s19 =	sadd.s32 $0x2400, s23;
	v57 =	vld [tilespmem:s22+$0x0]  }
0x2a6: {  	s24 =	sor.u32 s7, s19;
	v58 =	vmul.f32 v63, v38;
	v47 =	vadd.f32 v56, v47  }
0x2a7: {  	s20 =	sadd.s32 $0x2480, s23;
	v59 =	vld [tilespmem:s24+$0x0]  }
0x2a8: {  	s25 =	sor.u32 s7, s20;
	v60 =	vmul.f32 v55, v37;
	v47 =	vadd.f32 v58, v47  }
0x2a9: {  	s21 =	sadd.s32 $0x2500, s23;
	v61 =	vld [tilespmem:s25+$0x0]  }
0x2aa: {  	s26 =	sor.u32 s7, s21;
	v62 =	vmul.f32 v57, v36;
	v47 =	vadd.f32 v60, v47  }
0x2ab: {  	s22 =	sadd.s32 $0x2580, s23;
	v63 =	vld [tilespmem:s26+$0x0]  }
0x2ac: {  	s28 =	sor.u32 s7, s22;
	v52 =	vmul.f32 v59, v35;
	v47 =	vadd.f32 v62, v47  }
0x2ad: {  	s23 =	sadd.s32 $0x2600, s23;
	v53 =	vld [tilespmem:s28+$0x0]  }
0x2ae: {  	s29 =	sor.u32 s7, s23;
	v54 =	vmul.f32 v61, v34;
	v47 =	vadd.f32 v52, v47  }
0x2af: {  	v55 =	vld [tilespmem:s29+$0x0]  }
0x2b0: {  	v56 =	vmul.f32 v63, v33;
	v47 =	vadd.f32 v54, v47;
	_ =	sdelay $0x1  }
0x2b1: {  	v57 =	vmul.f32 v53, v32;
	v47 =	vadd.f32 v56, v47;
	_ =	sdelay $0x1  }
0x2b2: {  	v58 =	vmul.f32 v55, v30;
	v47 =	vadd.f32 v57, v47;
	_ =	sdelay $0x1  }
0x2b3: {  	v47 =	vadd.f32 v58, v47  }
0x2b4: {  	s2 =	sand.u32 $0x3E0, s2;
	s7 =	sor.u32 $0x10, s7  }
0x2b5: {  	s30 =	sor.u32 s7, s4;
	[tilespmem:s2+$0x7080] =	vst v47  }
0x2b6: {  	v47 =	vld [tilespmem:s30+$0x0]  }
0x2b7: {  	v59 =	vld [tilespmem:s30+$0x80];
	_ =	sdelay $0x1  }
0x2b8: {  	v60 =	vld [tilespmem:s30+$0x100];
	_ =	sdelay $0x1  }
0x2b9: {  	v61 =	vld [tilespmem:s30+$0x180]  }
0x2ba: {  	v47 =	vmul.f32 v47, v45;
	v48 =	vmul.f32 v59, v46  }
0x2bb: {  	v62 =	vld [tilespmem:s30+$0x200]  }
0x2bc: {  	v49 =	vmul.f32 v60, v44;
	v47 =	vadd.f32 v48, v47  }
0x2bd: {  	s31 =	sadd.s32 $0x10, s15;
	v63 =	vld [tilespmem:s30+$0x280]  }
0x2be: {  	s15 =	sor.u32 $0x300, s31;
	v50 =	vmul.f32 v61, v43;
	v47 =	vadd.f32 v49, v47  }
0x2bf: {  	v54 =	vld [tilespmem:s15+$0xA80]  }
0x2c0: {  	s2 =	sor.u32 $0x380, s31;
	v51 =	vmul.f32 v62, v42;
	v47 =	vadd.f32 v50, v47  }
0x2c1: {  	v55 =	vld [tilespmem:s2+$0xA80]  }
0x2c2: {  	s17 =	sor.u32 s7, s17;
	v48 =	vmul.f32 v63, v41;
	v47 =	vadd.f32 v51, v47  }
0x2c3: {  	v56 =	vld [tilespmem:s17+$0x0]  }
0x2c4: {  	s24 =	sor.u32 s7, s14;
	v49 =	vmul.f32 v54, v40;
	v47 =	vadd.f32 v48, v47  }
0x2c5: {  	v57 =	vld [tilespmem:s24+$0x0]  }
0x2c6: {  	s25 =	sor.u32 s7, s16;
	v50 =	vmul.f32 v55, v39;
	v47 =	vadd.f32 v49, v47  }
0x2c7: {  	v58 =	vld [tilespmem:s25+$0x0]  }
0x2c8: {  	s26 =	sor.u32 s7, s19;
	v51 =	vmul.f32 v56, v38;
	v47 =	vadd.f32 v50, v47  }
0x2c9: {  	v59 =	vld [tilespmem:s26+$0x0]  }
0x2ca: {  	s28 =	sor.u32 s7, s20;
	v48 =	vmul.f32 v57, v37;
	v47 =	vadd.f32 v51, v47  }
0x2cb: {  	v60 =	vld [tilespmem:s28+$0x0]  }
0x2cc: {  	s29 =	sor.u32 s7, s21;
	v49 =	vmul.f32 v58, v36;
	v47 =	vadd.f32 v48, v47  }
0x2cd: {  	v61 =	vld [tilespmem:s29+$0x0]  }
0x2ce: {  	s30 =	sor.u32 s7, s22;
	v50 =	vmul.f32 v59, v35;
	v47 =	vadd.f32 v49, v47  }
0x2cf: {  	v62 =	vld [tilespmem:s30+$0x0]  }
0x2d0: {  	s31 =	sor.u32 s7, s23;
	v51 =	vmul.f32 v60, v34;
	v47 =	vadd.f32 v50, v47  }
0x2d1: {  	v63 =	vld [tilespmem:s31+$0x0]  }
0x2d2: {  	v48 =	vmul.f32 v61, v33;
	v47 =	vadd.f32 v51, v47;
	_ =	sdelay $0x1  }
0x2d3: {  	v49 =	vmul.f32 v62, v32;
	v48 =	vadd.f32 v48, v47  }
0x2d4: {  	s4 =	simm.s32 $0x7090;
	s14 =	simm.s32 $0x1;
	s16 =	simm.s32 $0x20  }
0x2d5: {  	s23 =	simm.s32 $0x40;
	s2 =	simm.s32 $0x100;
	s15 =	simm.s32 $0x70B0;
	v47 =	vmul.f32 v63, v30;
	v48 =	vadd.f32 v49, v48  }
.LBB2_8:
0x2d6: {  	s20 =	sand.u32 $0x60, s16  }
0x2d7: {  	s24 =	sand.u32 $0x1C00, s2;
	s21 =	smov.u32 s23;
	s7 =	sadd.s32 $0x20, s23  }
0x2d8: {  	s22 =	sadd.s32 $0xA80, s24;
	s19 =	sor.u32 $0x2280, s24;
	s13 =	sor.u32 $0x2300, s24;
	v47 =	vadd.f32 v47, v48  }
0x2d9: {  	s31 =	sor.u32 $0x2380, s24;
	s30 =	sadd.s32 $0x2400, s24;
	s17 =	sor.u32 s20, s22  }
0x2da: {  	s29 =	sadd.s32 $0x2480, s24;
	s28 =	sadd.s32 $0x2500, s24;
	s26 =	sadd.s32 $0x2580, s24;
	[tilespmem:s4+$0x0] =	vst v47  }
0x2db: {  	p0 =	sne.s32 s23, $0x2E0;
	s25 =	sadd.s32 $0x2600, s24;
	s4 =	smov.u32 s15;
	v47 =	vld [tilespmem:s17+$0x0]  }
0x2dc: {  	v48 =	vld [tilespmem:s17+$0x80];
	_ =	sdelay $0x1  }
0x2dd: {  	v49 =	vld [tilespmem:s17+$0x100];
	_ =	sdelay $0x1  }
0x2de: {  	v50 =	vld [tilespmem:s17+$0x180]  }
0x2df: {  	v47 =	vmul.f32 v47, v45;
	v48 =	vmul.f32 v48, v46  }
0x2e0: {  	s23 =	sand.u32 $0x3, s14;
	v51 =	vld [tilespmem:s17+$0x200]  }
0x2e1: {  	s23 =	sshll.u32 s23, $0x5;
	v47 =	vadd.f32 v48, v47;
	v48 =	vmul.f32 v49, v44  }
0x2e2: {  	s23 =	sadd.s32 s23, s2;
	v49 =	vld [tilespmem:s17+$0x280]  }
0x2e3: {  	s17 =	sor.u32 $0x300, s23;
	v47 =	vadd.f32 v48, v47;
	v48 =	vmul.f32 v50, v43  }
0x2e4: {  	v50 =	vld [tilespmem:s17+$0xA80];
	s17 =	sor.u32 s2, s16  }
0x2e5: {  	v47 =	vadd.f32 v48, v47;
	v48 =	vmul.f32 v51, v42;
	s17 =	sor.u32 $0x380, s17  }
0x2e6: {  	v51 =	vld [tilespmem:s17+$0xA80]  }
0x2e7: {  	s17 =	sor.u32 s20, s19;
	v47 =	vadd.f32 v48, v47;
	v48 =	vmul.f32 v49, v41  }
0x2e8: {  	v49 =	vld [tilespmem:s17+$0x0]  }
0x2e9: {  	s17 =	sor.u32 s20, s13;
	v47 =	vadd.f32 v48, v47;
	v48 =	vmul.f32 v50, v40  }
0x2ea: {  	v50 =	vld [tilespmem:s17+$0x0]  }
0x2eb: {  	s17 =	sor.u32 s20, s31;
	v47 =	vadd.f32 v48, v47;
	v48 =	vmul.f32 v51, v39  }
0x2ec: {  	v51 =	vld [tilespmem:s17+$0x0]  }
0x2ed: {  	s17 =	sor.u32 s20, s30;
	v47 =	vadd.f32 v48, v47;
	v48 =	vmul.f32 v49, v38  }
0x2ee: {  	v49 =	vld [tilespmem:s17+$0x0]  }
0x2ef: {  	s17 =	sor.u32 s20, s29;
	v47 =	vadd.f32 v48, v47;
	v48 =	vmul.f32 v50, v37  }
0x2f0: {  	v50 =	vld [tilespmem:s17+$0x0]  }
0x2f1: {  	s17 =	sor.u32 s20, s28;
	v47 =	vadd.f32 v48, v47;
	v48 =	vmul.f32 v51, v36  }
0x2f2: {  	v51 =	vld [tilespmem:s17+$0x0]  }
0x2f3: {  	s17 =	sor.u32 s20, s26;
	v47 =	vadd.f32 v48, v47;
	v48 =	vmul.f32 v49, v35  }
0x2f4: {  	v49 =	vld [tilespmem:s17+$0x0]  }
0x2f5: {  	s17 =	sor.u32 s20, s25;
	v47 =	vadd.f32 v48, v47;
	v48 =	vmul.f32 v50, v34  }
0x2f6: {  	v50 =	vld [tilespmem:s17+$0x0]  }
0x2f7: {  	v47 =	vadd.f32 v48, v47;
	v48 =	vmul.f32 v51, v33;
	_ =	sdelay $0x1  }
0x2f8: {  	v47 =	vadd.f32 v48, v47;
	v48 =	vmul.f32 v49, v32;
	_ =	sdelay $0x1  }
0x2f9: {  	v47 =	vadd.f32 v48, v47;
	v48 =	vmul.f32 v50, v30;
	_ =	sdelay $0x1  }
0x2fa: {  	v47 =	vadd.f32 v48, v47  }
0x2fb: {  	s20 =	sor.u32 $0x10, s20;
	s17 =	sand.u32 $0x3E0, s16;
	s16 =	smov.u32 s21  }
0x2fc: {  	[tilespmem:s17+$0x7080] =	vst v47;
	s17 =	sor.u32 s20, s22  }
0x2fd: {  	v47 =	vld [tilespmem:s17+$0x0]  }
0x2fe: {  	v48 =	vld [tilespmem:s17+$0x80]  }
0x2ff: {  	v49 =	vld [tilespmem:s17+$0x100];
	_ =	sdelay $0x1  }
0x300: {  	v50 =	vld [tilespmem:s17+$0x180]  }
0x301: {  	v47 =	vmul.f32 v47, v45  }
0x302: {  	v48 =	vmul.f32 v48, v46;
	v51 =	vld [tilespmem:s17+$0x200]  }
0x303: {  	v49 =	vmul.f32 v49, v44  }
0x304: {  	v47 =	vadd.f32 v48, v47;
	v48 =	vld [tilespmem:s17+$0x280];
	s17 =	sadd.s32 $0x10, s23  }
0x305: {  	v50 =	vmul.f32 v50, v43;
	s21 =	sor.u32 $0x300, s17  }
0x306: {  	v47 =	vadd.f32 v49, v47;
	v49 =	vld [tilespmem:s21+$0xA80]  }
0x307: {  	s17 =	sor.u32 $0x380, s17;
	v51 =	vmul.f32 v51, v42  }
0x308: {  	v47 =	vadd.f32 v50, v47;
	v50 =	vld [tilespmem:s17+$0xA80]  }
0x309: {  	s17 =	sor.u32 s20, s19;
	v48 =	vmul.f32 v48, v41  }
0x30a: {  	v47 =	vadd.f32 v51, v47;
	v51 =	vld [tilespmem:s17+$0x0]  }
0x30b: {  	s13 =	sor.u32 s20, s13;
	v49 =	vmul.f32 v49, v40  }
0x30c: {  	v47 =	vadd.f32 v48, v47;
	v48 =	vld [tilespmem:s13+$0x0]  }
0x30d: {  	s13 =	sor.u32 s20, s31;
	v50 =	vmul.f32 v50, v39  }
0x30e: {  	v47 =	vadd.f32 v49, v47;
	v49 =	vld [tilespmem:s13+$0x0]  }
0x30f: {  	s13 =	sor.u32 s20, s30;
	v51 =	vmul.f32 v51, v38  }
0x310: {  	v47 =	vadd.f32 v50, v47;
	v50 =	vld [tilespmem:s13+$0x0]  }
0x311: {  	s13 =	sor.u32 s20, s29;
	v48 =	vmul.f32 v48, v37  }
0x312: {  	v47 =	vadd.f32 v51, v47;
	v51 =	vld [tilespmem:s13+$0x0]  }
0x313: {  	s13 =	sor.u32 s20, s28;
	v49 =	vmul.f32 v49, v36  }
0x314: {  	v47 =	vadd.f32 v48, v47;
	v48 =	vld [tilespmem:s13+$0x0]  }
0x315: {  	s13 =	sor.u32 s20, s26;
	v50 =	vmul.f32 v50, v35  }
0x316: {  	v47 =	vadd.f32 v49, v47;
	v49 =	vld [tilespmem:s13+$0x0]  }
0x317: {  	s13 =	sor.u32 s20, s25;
	v51 =	vmul.f32 v51, v34  }
0x318: {  	v47 =	vadd.f32 v50, v47;
	v50 =	vld [tilespmem:s13+$0x0]  }
0x319: {  	v48 =	vmul.f32 v48, v33  }
.Ltmp7:
0x31a: {  	v47 =	vadd.f32 v51, v47;
	(pc) =	sbr.rel @p0 .LBB2_8-.Ltmp7, $4  }
0x31b: {  	v49 =	vmul.f32 v49, v32  }
0x31c: {  	v48 =	vadd.f32 v48, v47  }
0x31d: {  	s14 =	sadd.s32 $0x1, s14;
	v47 =	vmul.f32 v50, v30  }
0x31e: {  	s15 =	sadd.s32 $0x20, s15;
	s2 =	sadd.s32 $0x100, s2;
	s23 =	smov.u32 s7;
	v48 =	vadd.f32 v49, v48  }
0x31f: {  	_ = 	snop  }
0x320: {  	s17 =	sand.u32 $0x1C00, s2;
	v47 =	vadd.f32 v47, v48  }
0x321: {  	s13 =	sand.u32 $0x60, s16;
	s7 =	sadd.s32 $0xA80, s17  }
0x322: {  	s19 =	sor.u32 s13, s7;
	[tilespmem:s4+$0x0] =	vst v47  }
0x323: {  	v47 =	vld [tilespmem:s19+$0x0]  }
0x324: {  	v55 =	vld [tilespmem:s19+$0x80];
	_ =	sdelay $0x1  }
0x325: {  	v49 =	vld [tilespmem:s19+$0x100];
	_ =	sdelay $0x1  }
0x326: {  	v50 =	vld [tilespmem:s19+$0x180]  }
0x327: {  	v47 =	vmul.f32 v47, v45;
	v48 =	vmul.f32 v55, v46  }
0x328: {  	s30 =	sand.u32 $0x3, s14;
	v51 =	vld [tilespmem:s19+$0x200]  }
0x329: {  	s4 =	sshll.u32 s30, $0x5;
	v56 =	vmul.f32 v49, v44;
	v47 =	vadd.f32 v48, v47  }
0x32a: {  	v57 =	vld [tilespmem:s19+$0x280];
	s31 =	sadd.s32 s4, s2  }
0x32b: {  	s4 =	sor.u32 $0x300, s31;
	v58 =	vmul.f32 v50, v43;
	v47 =	vadd.f32 v56, v47  }
0x32c: {  	s23 =	sor.u32 s2, s16;
	v59 =	vld [tilespmem:s4+$0xA80]  }
0x32d: {  	s24 =	sor.u32 $0x380, s23;
	v60 =	vmul.f32 v51, v42;
	v47 =	vadd.f32 v58, v47  }
0x32e: {  	s2 =	sor.u32 $0x2280, s17;
	v61 =	vld [tilespmem:s24+$0xA80]  }
0x32f: {  	s25 =	sor.u32 s13, s2;
	v62 =	vmul.f32 v57, v41;
	v47 =	vadd.f32 v60, v47  }
0x330: {  	s4 =	sor.u32 $0x2300, s17;
	v63 =	vld [tilespmem:s25+$0x0]  }
0x331: {  	s20 =	sor.u32 s13, s4;
	v54 =	vmul.f32 v59, v40;
	v47 =	vadd.f32 v62, v47  }
0x332: {  	s19 =	sor.u32 $0x2380, s17;
	v55 =	vld [tilespmem:s20+$0x0]  }
0x333: {  	s21 =	sor.u32 s13, s19;
	v56 =	vmul.f32 v61, v39;
	v47 =	vadd.f32 v54, v47  }
0x334: {  	s20 =	sadd.s32 $0x2400, s17;
	v57 =	vld [tilespmem:s21+$0x0]  }
0x335: {  	s22 =	sor.u32 s13, s20;
	v58 =	vmul.f32 v63, v38;
	v47 =	vadd.f32 v56, v47  }
0x336: {  	s21 =	sadd.s32 $0x2480, s17;
	v59 =	vld [tilespmem:s22+$0x0]  }
0x337: {  	s23 =	sor.u32 s13, s21;
	v60 =	vmul.f32 v55, v37;
	v47 =	vadd.f32 v58, v47  }
0x338: {  	s26 =	sadd.s32 $0x2500, s17;
	v61 =	vld [tilespmem:s23+$0x0]  }
0x339: {  	s24 =	sor.u32 s13, s26;
	v62 =	vmul.f32 v57, v36;
	v47 =	vadd.f32 v60, v47  }
0x33a: {  	s28 =	sadd.s32 $0x2580, s17;
	v63 =	vld [tilespmem:s24+$0x0]  }
0x33b: {  	s29 =	sor.u32 s13, s28;
	v53 =	vmul.f32 v59, v35;
	v47 =	vadd.f32 v62, v47  }
0x33c: {  	s25 =	sadd.s32 $0x2600, s17;
	v54 =	vld [tilespmem:s29+$0x0]  }
0x33d: {  	s17 =	sor.u32 s13, s25;
	v55 =	vmul.f32 v61, v34;
	v47 =	vadd.f32 v53, v47  }
0x33e: {  	v56 =	vld [tilespmem:s17+$0x0]  }
0x33f: {  	v57 =	vmul.f32 v63, v33;
	v47 =	vadd.f32 v55, v47;
	_ =	sdelay $0x1  }
0x340: {  	v58 =	vmul.f32 v54, v32;
	v47 =	vadd.f32 v57, v47;
	_ =	sdelay $0x1  }
0x341: {  	v59 =	vmul.f32 v56, v30;
	v47 =	vadd.f32 v58, v47;
	_ =	sdelay $0x1  }
0x342: {  	v47 =	vadd.f32 v59, v47  }
0x343: {  	s30 =	sand.u32 $0x3E0, s16;
	s13 =	sor.u32 $0x10, s13  }
0x344: {  	s7 =	sor.u32 s13, s7;
	[tilespmem:s30+$0x7080] =	vst v47  }
0x345: {  	v47 =	vld [tilespmem:s7+$0x0]  }
0x346: {  	v60 =	vld [tilespmem:s7+$0x80];
	_ =	sdelay $0x1  }
0x347: {  	v61 =	vld [tilespmem:s7+$0x100];
	_ =	sdelay $0x1  }
0x348: {  	v62 =	vld [tilespmem:s7+$0x180]  }
0x349: {  	v63 =	vmul.f32 v47, v45;
	v51 =	vmul.f32 v60, v46  }
0x34a: {  	v52 =	vld [tilespmem:s7+$0x200]  }
0x34b: {  	v53 =	vmul.f32 v61, v44;
	v45 =	vadd.f32 v51, v63  }
0x34c: {  	s31 =	sadd.s32 $0x10, s31;
	v54 =	vld [tilespmem:s7+$0x280]  }
0x34d: {  	s14 =	sor.u32 $0x300, s31;
	v55 =	vmul.f32 v62, v43;
	v44 =	vadd.f32 v53, v45  }
0x34e: {  	v56 =	vld [tilespmem:s14+$0xA80]  }
0x34f: {  	s7 =	sor.u32 $0x380, s31;
	v57 =	vmul.f32 v52, v42;
	v43 =	vadd.f32 v55, v44  }
0x350: {  	v58 =	vld [tilespmem:s7+$0xA80]  }
0x351: {  	s2 =	sor.u32 s13, s2;
	v59 =	vmul.f32 v54, v41;
	v42 =	vadd.f32 v57, v43  }
0x352: {  	v60 =	vld [tilespmem:s2+$0x0]  }
0x353: {  	s16 =	sor.u32 s13, s4;
	v61 =	vmul.f32 v56, v40;
	v41 =	vadd.f32 v59, v42  }
0x354: {  	v62 =	vld [tilespmem:s16+$0x0]  }
0x355: {  	s17 =	sor.u32 s13, s19;
	v63 =	vmul.f32 v58, v39;
	v40 =	vadd.f32 v61, v41  }
0x356: {  	v44 =	vld [tilespmem:s17+$0x0]  }
0x357: {  	s19 =	sor.u32 s13, s20;
	v45 =	vmul.f32 v60, v38;
	v39 =	vadd.f32 v63, v40  }
0x358: {  	v46 =	vld [tilespmem:s19+$0x0]  }
0x359: {  	s20 =	sor.u32 s13, s21;
	v47 =	vmul.f32 v62, v37;
	v38 =	vadd.f32 v45, v39  }
0x35a: {  	v48 =	vld [tilespmem:s20+$0x0]  }
0x35b: {  	s21 =	sor.u32 s13, s26;
	v49 =	vmul.f32 v44, v36;
	v37 =	vadd.f32 v47, v38  }
0x35c: {  	v50 =	vld [tilespmem:s21+$0x0]  }
0x35d: {  	s22 =	sor.u32 s13, s28;
	v51 =	vmul.f32 v46, v35;
	v36 =	vadd.f32 v49, v37  }
0x35e: {  	v52 =	vld [tilespmem:s22+$0x0]  }
0x35f: {  	s23 =	sor.u32 s13, s25;
	v53 =	vmul.f32 v48, v34;
	v35 =	vadd.f32 v51, v36  }
0x360: {  	v54 =	vld [tilespmem:s23+$0x0]  }
0x361: {  	v55 =	vmul.f32 v50, v33;
	v34 =	vadd.f32 v53, v35;
	_ =	sdelay $0x1  }
0x362: {  	v56 =	vmul.f32 v52, v32;
	v33 =	vadd.f32 v55, v34;
	_ =	sdelay $0x1  }
0x363: {  	v30 =	vmul.f32 v54, v30;
	v32 =	vadd.f32 v56, v33;
	_ =	sdelay $0x1  }
0x364: {  	v30 =	vadd.f32 v30, v32;
	_ =	sdelay $0x1  }
0x365: {  	[tilespmem:s15+$0x0] =	vst v30  }
0x366: {  	v30 =	vld.idx.msk [tilespmem:v25+s18+$0x0], $0xffff;
	_ =	sdelay $0x4  }
0x367: {  	v57 =	vadd.s32 v29, v30  }
0x368: {  	v58 =	vshrl.u32 v57, $0x3  }
0x369: {  	v33 =	vmul.u32 $0x30, v58  }
0x36a: {  	v30 =	vand.u32 $0x7, v30  }
0x36b: {  	v33 =	vor.u32 v30, v33  }
0x36c: {  	v30 =	vperm.xlane v33, v2;
	_ =	sdelay $0x1  }
0x36d: {  	v59 =	vadd.s32 v3, v30;
	_ =	sdelay $0x2  }
0x36e: {  	s24 =	simm.s32 $0x880  }
0x36f: {  	s25 =	simm.s32 $0xA80;
	s2 =	simm.s32 $0x0;
	v60 =	vperm.xlane v33, v4;
	v30 =	vld.idx.msk [tilespmem:v25+s24+$0x0], $0xffff;
	[tilespmem:$0x980] =	vst v57  }
0x370: {  	[tilespmem:s25], [sflag:$0x1] =	stream.indirect_vreg.gather [hbm4b:s1+s2], $0x80, v59, vm0, $0xb8;
	[tilespmem:$0x7F80] =	vst v63  }
0x371: {  	s26 =	simm.s32 $0x1280;
	v32 =	vadd.s32 v3, v60  }
0x372: {  	[tilespmem:s26], [sflag:$0x1] =	stream.indirect_vreg.gather [hbm4b:s10+s2], $0x80, v59, vm0, $0xb8;
	[tilespmem:$0x7F80] =	vst v63  }
0x373: {  	s28 =	simm.s32 $0x1A80  }
0x374: {  	[tilespmem:s28], [sflag:$0x1] =	stream.indirect_vreg.gather [hbm4b:s11+s2], $0x80, v59, vm0, $0xb8;
	[tilespmem:$0x7F80] =	vst v63  }
0x375: {  	s29 =	simm.s32 $0x2280  }
0x376: {  	[tilespmem:s29], [sflag:$0x1] =	stream.indirect_vreg.gather [hbm4b:s1+s2], $0x80, v32, vm0, $0xb8;
	[tilespmem:$0x7F80] =	vst v63  }
0x377: {  	v31 =	vmul.f32 v31, v28;
	s30 =	simm.s32 $0x2A80  }
0x378: {  	[tilespmem:s30], [sflag:$0x1] =	stream.indirect_vreg.gather [hbm4b:s10+s2], $0x80, v32, vm0, $0xb8;
	[tilespmem:$0x7F80] =	vst v63  }
0x379: {  	v31 =	vmul.f32 $2.500000000e-01, v31;
	s31 =	simm.s32 $0x3280  }
0x37a: {  	[tilespmem:s31], [sflag:$0x1] =	stream.indirect_vreg.gather [hbm4b:s11+s2], $0x80, v32, vm0, $0xb8;
	[tilespmem:$0x7F80] =	vst v63  }
0x37b: {  	[tilespmem:$0x910] =	vst v31  }
0x37c: {  	v45 =	vld.idx.msk [tilespmem:v5+s3+$0x0], $0xffff  }
0x37d: {  	v46 =	vld.idx.msk [tilespmem:v6+s3+$0x0], $0xffff  }
0x37e: {  	v44 =	vld.idx.msk [tilespmem:v7+s3+$0x0], $0xffff  }
0x37f: {  	v43 =	vld.idx.msk [tilespmem:v8+s3+$0x0], $0xffff  }
0x380: {  	v42 =	vld.idx.msk [tilespmem:v9+s3+$0x0], $0xffff  }
0x381: {  	v41 =	vld.idx.msk [tilespmem:v10+s3+$0x0], $0xffff  }
0x382: {  	v40 =	vld.idx.msk [tilespmem:v11+s3+$0x0], $0xffff  }
0x383: {  	v39 =	vld.idx.msk [tilespmem:v12+s3+$0x0], $0xffff  }
0x384: {  	v38 =	vld.idx.msk [tilespmem:v13+s3+$0x0], $0xffff  }
0x385: {  	v37 =	vld.idx.msk [tilespmem:v14+s3+$0x0], $0xffff  }
0x386: {  	v36 =	vld.idx.msk [tilespmem:v15+s3+$0x0], $0xffff  }
0x387: {  	v35 =	vld.idx.msk [tilespmem:v16+s3+$0x0], $0xffff  }
0x388: {  	v34 =	vld.idx.msk [tilespmem:v17+s3+$0x0], $0xffff  }
0x389: {  	v33 =	vld.idx.msk [tilespmem:v1+s3+$0x0], $0xffff  }
0x38a: {  	v32 =	vld.idx.msk [tilespmem:v18+s3+$0x0], $0xffff  }
0x38b: {  	s7 =	sand.u32 $0x1C00, s2;
	v31 =	vld.idx.msk [tilespmem:v19+s3+$0x0], $0xffff;
	_ =	swait.ge [sflag:s0], $0x3000  }
0x38c: {  	s4 =	sand.u32 $0x60, s2;
	s15 =	sadd.s32 $0x3A80, s7;
	[sflag:s0] =	ssyncset.done $0x0  }
0x38d: {  	s29 =	sor.u32 s4, s15;
	[sflag:s0] =	ssyncadd.s32 $0xFFFFD000  }
0x38e: {  	v61 =	vld [tilespmem:s29+$0x0]  }
0x38f: {  	v62 =	vld [tilespmem:s29+$0x80];
	_ =	sdelay $0x1  }
0x390: {  	v63 =	vld [tilespmem:s29+$0x100];
	_ =	sdelay $0x1  }
0x391: {  	v54 =	vld [tilespmem:s29+$0x180]  }
0x392: {  	v47 =	vmul.f32 v61, v45;
	v48 =	vmul.f32 v62, v46  }
0x393: {  	s30 =	sand.u32 $0x3, s2;
	v55 =	vld [tilespmem:s29+$0x200]  }
0x394: {  	s14 =	sshll.u32 s30, $0x5;
	v56 =	vmul.f32 v63, v44;
	v47 =	vadd.f32 v48, v47  }
0x395: {  	s31 =	sadd.s32 $0x0, s14;
	v57 =	vld [tilespmem:s29+$0x280]  }
0x396: {  	s19 =	sor.u32 $0x300, s31;
	v58 =	vmul.f32 v54, v43;
	v47 =	vadd.f32 v56, v47  }
0x397: {  	s20 =	sor.u32 s2, s2;
	v59 =	vld [tilespmem:s19+$0x3A80]  }
0x398: {  	s21 =	sor.u32 $0x380, s20;
	v60 =	vmul.f32 v55, v42;
	v47 =	vadd.f32 v58, v47  }
0x399: {  	s13 =	sadd.s32 $0x5280, s7;
	v61 =	vld [tilespmem:s21+$0x3A80]  }
0x39a: {  	s22 =	sor.u32 s4, s13;
	v62 =	vmul.f32 v57, v41;
	v47 =	vadd.f32 v60, v47  }
0x39b: {  	s14 =	sadd.s32 $0x5300, s7;
	v63 =	vld [tilespmem:s22+$0x0]  }
0x39c: {  	s23 =	sor.u32 s4, s14;
	v54 =	vmul.f32 v59, v40;
	v47 =	vadd.f32 v62, v47  }
0x39d: {  	s16 =	sadd.s32 $0x5380, s7;
	v55 =	vld [tilespmem:s23+$0x0]  }
0x39e: {  	s24 =	sor.u32 s4, s16;
	v56 =	vmul.f32 v61, v39;
	v47 =	vadd.f32 v54, v47  }
0x39f: {  	s19 =	sadd.s32 $0x5400, s7;
	v57 =	vld [tilespmem:s24+$0x0]  }
0x3a0: {  	s25 =	sor.u32 s4, s19;
	v58 =	vmul.f32 v63, v38;
	v47 =	vadd.f32 v56, v47  }
0x3a1: {  	s20 =	sadd.s32 $0x5480, s7;
	v59 =	vld [tilespmem:s25+$0x0]  }
0x3a2: {  	s26 =	sor.u32 s4, s20;
	v60 =	vmul.f32 v55, v37;
	v47 =	vadd.f32 v58, v47  }
0x3a3: {  	s21 =	sadd.s32 $0x5500, s7;
	v61 =	vld [tilespmem:s26+$0x0]  }
0x3a4: {  	s28 =	sor.u32 s4, s21;
	v62 =	vmul.f32 v57, v36;
	v47 =	vadd.f32 v60, v47  }
0x3a5: {  	s22 =	sadd.s32 $0x5580, s7;
	v63 =	vld [tilespmem:s28+$0x0]  }
0x3a6: {  	s29 =	sor.u32 s4, s22;
	v52 =	vmul.f32 v59, v35;
	v47 =	vadd.f32 v62, v47  }
0x3a7: {  	s23 =	sadd.s32 $0x5600, s7;
	v53 =	vld [tilespmem:s29+$0x0]  }
0x3a8: {  	s17 =	sor.u32 s4, s23;
	v54 =	vmul.f32 v61, v34;
	v47 =	vadd.f32 v52, v47  }
0x3a9: {  	v55 =	vld [tilespmem:s17+$0x0]  }
0x3aa: {  	v56 =	vmul.f32 v63, v33;
	v47 =	vadd.f32 v54, v47;
	_ =	sdelay $0x1  }
0x3ab: {  	v57 =	vmul.f32 v53, v32;
	v47 =	vadd.f32 v56, v47;
	_ =	sdelay $0x1  }
0x3ac: {  	v58 =	vmul.f32 v55, v31;
	v47 =	vadd.f32 v57, v47;
	_ =	sdelay $0x1  }
0x3ad: {  	v47 =	vadd.f32 v58, v47  }
0x3ae: {  	s2 =	sand.u32 $0x3E0, s2;
	s7 =	sor.u32 $0x10, s4  }
0x3af: {  	s30 =	sor.u32 s7, s15;
	[tilespmem:s2+$0x7380] =	vst v47  }
0x3b0: {  	v47 =	vld [tilespmem:s30+$0x0]  }
0x3b1: {  	v59 =	vld [tilespmem:s30+$0x80];
	_ =	sdelay $0x1  }
0x3b2: {  	v60 =	vld [tilespmem:s30+$0x100];
	_ =	sdelay $0x1  }
0x3b3: {  	v61 =	vld [tilespmem:s30+$0x180]  }
0x3b4: {  	v47 =	vmul.f32 v47, v45;
	v48 =	vmul.f32 v59, v46  }
0x3b5: {  	v62 =	vld [tilespmem:s30+$0x200]  }
0x3b6: {  	v49 =	vmul.f32 v60, v44;
	v47 =	vadd.f32 v48, v47  }
0x3b7: {  	s31 =	sadd.s32 $0x10, s31;
	v63 =	vld [tilespmem:s30+$0x280]  }
0x3b8: {  	s15 =	sor.u32 $0x300, s31;
	v50 =	vmul.f32 v61, v43;
	v47 =	vadd.f32 v49, v47  }
0x3b9: {  	v54 =	vld [tilespmem:s15+$0x3A80]  }
0x3ba: {  	s2 =	sor.u32 $0x380, s31;
	v51 =	vmul.f32 v62, v42;
	v47 =	vadd.f32 v50, v47  }
0x3bb: {  	v55 =	vld [tilespmem:s2+$0x3A80]  }
0x3bc: {  	s17 =	sor.u32 s7, s13;
	v48 =	vmul.f32 v63, v41;
	v47 =	vadd.f32 v51, v47  }
0x3bd: {  	v56 =	vld [tilespmem:s17+$0x0]  }
0x3be: {  	s24 =	sor.u32 s7, s14;
	v49 =	vmul.f32 v54, v40;
	v47 =	vadd.f32 v48, v47  }
0x3bf: {  	v57 =	vld [tilespmem:s24+$0x0]  }
0x3c0: {  	s25 =	sor.u32 s7, s16;
	v50 =	vmul.f32 v55, v39;
	v47 =	vadd.f32 v49, v47  }
0x3c1: {  	v58 =	vld [tilespmem:s25+$0x0]  }
0x3c2: {  	s26 =	sor.u32 s7, s19;
	v51 =	vmul.f32 v56, v38;
	v47 =	vadd.f32 v50, v47  }
0x3c3: {  	v59 =	vld [tilespmem:s26+$0x0]  }
0x3c4: {  	s28 =	sor.u32 s7, s20;
	v48 =	vmul.f32 v57, v37;
	v47 =	vadd.f32 v51, v47  }
0x3c5: {  	v60 =	vld [tilespmem:s28+$0x0]  }
0x3c6: {  	s29 =	sor.u32 s7, s21;
	v49 =	vmul.f32 v58, v36;
	v47 =	vadd.f32 v48, v47  }
0x3c7: {  	v61 =	vld [tilespmem:s29+$0x0]  }
0x3c8: {  	s30 =	sor.u32 s7, s22;
	v50 =	vmul.f32 v59, v35;
	v47 =	vadd.f32 v49, v47  }
0x3c9: {  	v62 =	vld [tilespmem:s30+$0x0]  }
0x3ca: {  	s31 =	sor.u32 s7, s23;
	v51 =	vmul.f32 v60, v34;
	v47 =	vadd.f32 v50, v47  }
0x3cb: {  	v63 =	vld [tilespmem:s31+$0x0]  }
0x3cc: {  	v48 =	vmul.f32 v61, v33;
	v47 =	vadd.f32 v51, v47;
	_ =	sdelay $0x1  }
0x3cd: {  	v49 =	vmul.f32 v62, v32;
	v48 =	vadd.f32 v48, v47  }
0x3ce: {  	s4 =	simm.s32 $0x7390;
	s16 =	simm.s32 $0x20;
	s14 =	simm.s32 $0x1  }
0x3cf: {  	s23 =	simm.s32 $0x40;
	s2 =	simm.s32 $0x100;
	s15 =	simm.s32 $0x73B0;
	v47 =	vmul.f32 v63, v31;
	v48 =	vadd.f32 v49, v48  }
.LBB2_10:
0x3d0: {  	s20 =	sand.u32 $0x60, s16  }
0x3d1: {  	s17 =	sand.u32 $0x1C00, s2;
	s21 =	smov.u32 s23;
	s7 =	sadd.s32 $0x20, s23  }
0x3d2: {  	s22 =	sadd.s32 $0x3A80, s17;
	s19 =	sadd.s32 $0x5280, s17;
	s13 =	sadd.s32 $0x5300, s17;
	v47 =	vadd.f32 v47, v48  }
0x3d3: {  	s31 =	sadd.s32 $0x5380, s17;
	s30 =	sadd.s32 $0x5400, s17;
	s24 =	sor.u32 s20, s22  }
0x3d4: {  	s29 =	sadd.s32 $0x5480, s17;
	s28 =	sadd.s32 $0x5500, s17;
	s26 =	sadd.s32 $0x5580, s17;
	[tilespmem:s4+$0x0] =	vst v47  }
0x3d5: {  	p0 =	sne.s32 s23, $0x2E0;
	s25 =	sadd.s32 $0x5600, s17;
	s4 =	smov.u32 s15;
	v47 =	vld [tilespmem:s24+$0x0]  }
0x3d6: {  	v48 =	vld [tilespmem:s24+$0x80];
	_ =	sdelay $0x1  }
0x3d7: {  	v49 =	vld [tilespmem:s24+$0x100];
	_ =	sdelay $0x1  }
0x3d8: {  	v50 =	vld [tilespmem:s24+$0x180]  }
0x3d9: {  	v47 =	vmul.f32 v47, v45;
	v48 =	vmul.f32 v48, v46  }
0x3da: {  	s17 =	sand.u32 $0x3, s14;
	v51 =	vld [tilespmem:s24+$0x200]  }
0x3db: {  	s17 =	sshll.u32 s17, $0x5;
	v47 =	vadd.f32 v48, v47;
	v48 =	vmul.f32 v49, v44  }
0x3dc: {  	s23 =	sadd.s32 s17, s2;
	v49 =	vld [tilespmem:s24+$0x280]  }
0x3dd: {  	s17 =	sor.u32 $0x300, s23;
	v47 =	vadd.f32 v48, v47;
	v48 =	vmul.f32 v50, v43  }
0x3de: {  	v50 =	vld [tilespmem:s17+$0x3A80];
	s17 =	sor.u32 s2, s16  }
0x3df: {  	v47 =	vadd.f32 v48, v47;
	v48 =	vmul.f32 v51, v42;
	s17 =	sor.u32 $0x380, s17  }
0x3e0: {  	v51 =	vld [tilespmem:s17+$0x3A80]  }
0x3e1: {  	s17 =	sor.u32 s20, s19;
	v47 =	vadd.f32 v48, v47;
	v48 =	vmul.f32 v49, v41  }
0x3e2: {  	v49 =	vld [tilespmem:s17+$0x0]  }
0x3e3: {  	s17 =	sor.u32 s20, s13;
	v47 =	vadd.f32 v48, v47;
	v48 =	vmul.f32 v50, v40  }
0x3e4: {  	v50 =	vld [tilespmem:s17+$0x0]  }
0x3e5: {  	s17 =	sor.u32 s20, s31;
	v47 =	vadd.f32 v48, v47;
	v48 =	vmul.f32 v51, v39  }
0x3e6: {  	v51 =	vld [tilespmem:s17+$0x0]  }
0x3e7: {  	s17 =	sor.u32 s20, s30;
	v47 =	vadd.f32 v48, v47;
	v48 =	vmul.f32 v49, v38  }
0x3e8: {  	v49 =	vld [tilespmem:s17+$0x0]  }
0x3e9: {  	s17 =	sor.u32 s20, s29;
	v47 =	vadd.f32 v48, v47;
	v48 =	vmul.f32 v50, v37  }
0x3ea: {  	v50 =	vld [tilespmem:s17+$0x0]  }
0x3eb: {  	s17 =	sor.u32 s20, s28;
	v47 =	vadd.f32 v48, v47;
	v48 =	vmul.f32 v51, v36  }
0x3ec: {  	v51 =	vld [tilespmem:s17+$0x0]  }
0x3ed: {  	s17 =	sor.u32 s20, s26;
	v47 =	vadd.f32 v48, v47;
	v48 =	vmul.f32 v49, v35  }
0x3ee: {  	v49 =	vld [tilespmem:s17+$0x0]  }
0x3ef: {  	s17 =	sor.u32 s20, s25;
	v47 =	vadd.f32 v48, v47;
	v48 =	vmul.f32 v50, v34  }
0x3f0: {  	v50 =	vld [tilespmem:s17+$0x0]  }
0x3f1: {  	v47 =	vadd.f32 v48, v47;
	v48 =	vmul.f32 v51, v33;
	_ =	sdelay $0x1  }
0x3f2: {  	v47 =	vadd.f32 v48, v47;
	v48 =	vmul.f32 v49, v32;
	_ =	sdelay $0x1  }
0x3f3: {  	v47 =	vadd.f32 v48, v47;
	v48 =	vmul.f32 v50, v31;
	_ =	sdelay $0x1  }
0x3f4: {  	v47 =	vadd.f32 v48, v47  }
0x3f5: {  	s20 =	sor.u32 $0x10, s20;
	s17 =	sand.u32 $0x3E0, s16;
	s16 =	smov.u32 s21  }
0x3f6: {  	[tilespmem:s17+$0x7380] =	vst v47;
	s17 =	sor.u32 s20, s22  }
0x3f7: {  	v47 =	vld [tilespmem:s17+$0x0]  }
0x3f8: {  	v48 =	vld [tilespmem:s17+$0x80]  }
0x3f9: {  	v49 =	vld [tilespmem:s17+$0x100];
	_ =	sdelay $0x1  }
0x3fa: {  	v50 =	vld [tilespmem:s17+$0x180]  }
0x3fb: {  	v47 =	vmul.f32 v47, v45  }
0x3fc: {  	v48 =	vmul.f32 v48, v46;
	v51 =	vld [tilespmem:s17+$0x200]  }
0x3fd: {  	v49 =	vmul.f32 v49, v44  }
0x3fe: {  	v47 =	vadd.f32 v48, v47;
	v48 =	vld [tilespmem:s17+$0x280];
	s17 =	sadd.s32 $0x10, s23  }
0x3ff: {  	v50 =	vmul.f32 v50, v43;
	s21 =	sor.u32 $0x300, s17  }
0x400: {  	v47 =	vadd.f32 v49, v47;
	v49 =	vld [tilespmem:s21+$0x3A80]  }
0x401: {  	s17 =	sor.u32 $0x380, s17;
	v51 =	vmul.f32 v51, v42  }
0x402: {  	v47 =	vadd.f32 v50, v47;
	v50 =	vld [tilespmem:s17+$0x3A80]  }
0x403: {  	s17 =	sor.u32 s20, s19;
	v48 =	vmul.f32 v48, v41  }
0x404: {  	v47 =	vadd.f32 v51, v47;
	v51 =	vld [tilespmem:s17+$0x0]  }
0x405: {  	s13 =	sor.u32 s20, s13;
	v49 =	vmul.f32 v49, v40  }
0x406: {  	v47 =	vadd.f32 v48, v47;
	v48 =	vld [tilespmem:s13+$0x0]  }
0x407: {  	s13 =	sor.u32 s20, s31;
	v50 =	vmul.f32 v50, v39  }
0x408: {  	v47 =	vadd.f32 v49, v47;
	v49 =	vld [tilespmem:s13+$0x0]  }
0x409: {  	s13 =	sor.u32 s20, s30;
	v51 =	vmul.f32 v51, v38  }
0x40a: {  	v47 =	vadd.f32 v50, v47;
	v50 =	vld [tilespmem:s13+$0x0]  }
0x40b: {  	s13 =	sor.u32 s20, s29;
	v48 =	vmul.f32 v48, v37  }
0x40c: {  	v47 =	vadd.f32 v51, v47;
	v51 =	vld [tilespmem:s13+$0x0]  }
0x40d: {  	s13 =	sor.u32 s20, s28;
	v49 =	vmul.f32 v49, v36  }
0x40e: {  	v47 =	vadd.f32 v48, v47;
	v48 =	vld [tilespmem:s13+$0x0]  }
0x40f: {  	s13 =	sor.u32 s20, s26;
	v50 =	vmul.f32 v50, v35  }
0x410: {  	v47 =	vadd.f32 v49, v47;
	v49 =	vld [tilespmem:s13+$0x0]  }
0x411: {  	s13 =	sor.u32 s20, s25;
	v51 =	vmul.f32 v51, v34  }
0x412: {  	v47 =	vadd.f32 v50, v47;
	v50 =	vld [tilespmem:s13+$0x0]  }
0x413: {  	v48 =	vmul.f32 v48, v33  }
.Ltmp8:
0x414: {  	v47 =	vadd.f32 v51, v47;
	(pc) =	sbr.rel @p0 .LBB2_10-.Ltmp8, $4  }
0x415: {  	v49 =	vmul.f32 v49, v32  }
0x416: {  	v48 =	vadd.f32 v48, v47  }
0x417: {  	s14 =	sadd.s32 $0x1, s14;
	v47 =	vmul.f32 v50, v31  }
0x418: {  	s15 =	sadd.s32 $0x20, s15;
	s2 =	sadd.s32 $0x100, s2;
	s23 =	smov.u32 s7;
	v48 =	vadd.f32 v49, v48  }
0x419: {  	_ = 	snop  }
0x41a: {  	s17 =	sand.u32 $0x1C00, s2;
	v47 =	vadd.f32 v47, v48  }
0x41b: {  	s13 =	sand.u32 $0x60, s16;
	s7 =	sadd.s32 $0x3A80, s17  }
0x41c: {  	s19 =	sor.u32 s13, s7;
	[tilespmem:s4+$0x0] =	vst v47  }
0x41d: {  	v47 =	vld [tilespmem:s19+$0x0]  }
0x41e: {  	v55 =	vld [tilespmem:s19+$0x80];
	_ =	sdelay $0x1  }
0x41f: {  	v49 =	vld [tilespmem:s19+$0x100];
	_ =	sdelay $0x1  }
0x420: {  	v50 =	vld [tilespmem:s19+$0x180]  }
0x421: {  	v47 =	vmul.f32 v47, v45;
	v48 =	vmul.f32 v55, v46  }
0x422: {  	s30 =	sand.u32 $0x3, s14;
	v51 =	vld [tilespmem:s19+$0x200]  }
0x423: {  	s4 =	sshll.u32 s30, $0x5;
	v56 =	vmul.f32 v49, v44;
	v47 =	vadd.f32 v48, v47  }
0x424: {  	v57 =	vld [tilespmem:s19+$0x280];
	s31 =	sadd.s32 s4, s2  }
0x425: {  	s4 =	sor.u32 $0x300, s31;
	v58 =	vmul.f32 v50, v43;
	v47 =	vadd.f32 v56, v47  }
0x426: {  	s23 =	sor.u32 s2, s16;
	v59 =	vld [tilespmem:s4+$0x3A80]  }
0x427: {  	s24 =	sor.u32 $0x380, s23;
	v60 =	vmul.f32 v51, v42;
	v47 =	vadd.f32 v58, v47  }
0x428: {  	s2 =	sadd.s32 $0x5280, s17;
	v61 =	vld [tilespmem:s24+$0x3A80]  }
0x429: {  	s25 =	sor.u32 s13, s2;
	v62 =	vmul.f32 v57, v41;
	v47 =	vadd.f32 v60, v47  }
0x42a: {  	s4 =	sadd.s32 $0x5300, s17;
	v63 =	vld [tilespmem:s25+$0x0]  }
0x42b: {  	s20 =	sor.u32 s13, s4;
	v54 =	vmul.f32 v59, v40;
	v47 =	vadd.f32 v62, v47  }
0x42c: {  	s19 =	sadd.s32 $0x5380, s17;
	v55 =	vld [tilespmem:s20+$0x0]  }
0x42d: {  	s21 =	sor.u32 s13, s19;
	v56 =	vmul.f32 v61, v39;
	v47 =	vadd.f32 v54, v47  }
0x42e: {  	s20 =	sadd.s32 $0x5400, s17;
	v57 =	vld [tilespmem:s21+$0x0]  }
0x42f: {  	s22 =	sor.u32 s13, s20;
	v58 =	vmul.f32 v63, v38;
	v47 =	vadd.f32 v56, v47  }
0x430: {  	s21 =	sadd.s32 $0x5480, s17;
	v59 =	vld [tilespmem:s22+$0x0]  }
0x431: {  	s23 =	sor.u32 s13, s21;
	v60 =	vmul.f32 v55, v37;
	v47 =	vadd.f32 v58, v47  }
0x432: {  	s26 =	sadd.s32 $0x5500, s17;
	v61 =	vld [tilespmem:s23+$0x0]  }
0x433: {  	s24 =	sor.u32 s13, s26;
	v62 =	vmul.f32 v57, v36;
	v47 =	vadd.f32 v60, v47  }
0x434: {  	s28 =	sadd.s32 $0x5580, s17;
	v63 =	vld [tilespmem:s24+$0x0]  }
0x435: {  	s29 =	sor.u32 s13, s28;
	v53 =	vmul.f32 v59, v35;
	v47 =	vadd.f32 v62, v47  }
0x436: {  	s25 =	sadd.s32 $0x5600, s17;
	v54 =	vld [tilespmem:s29+$0x0]  }
0x437: {  	s17 =	sor.u32 s13, s25;
	v55 =	vmul.f32 v61, v34;
	v47 =	vadd.f32 v53, v47  }
0x438: {  	v56 =	vld [tilespmem:s17+$0x0]  }
0x439: {  	v57 =	vmul.f32 v63, v33;
	v47 =	vadd.f32 v55, v47;
	_ =	sdelay $0x1  }
0x43a: {  	v58 =	vmul.f32 v54, v32;
	v47 =	vadd.f32 v57, v47;
	_ =	sdelay $0x1  }
0x43b: {  	v59 =	vmul.f32 v56, v31;
	v47 =	vadd.f32 v58, v47;
	_ =	sdelay $0x1  }
0x43c: {  	v47 =	vadd.f32 v59, v47  }
0x43d: {  	s30 =	sand.u32 $0x3E0, s16;
	s13 =	sor.u32 $0x10, s13  }
0x43e: {  	s7 =	sor.u32 s13, s7;
	[tilespmem:s30+$0x7380] =	vst v47  }
0x43f: {  	v47 =	vld [tilespmem:s7+$0x0]  }
0x440: {  	v60 =	vld [tilespmem:s7+$0x80];
	_ =	sdelay $0x1  }
0x441: {  	v61 =	vld [tilespmem:s7+$0x100];
	_ =	sdelay $0x1  }
0x442: {  	v62 =	vld [tilespmem:s7+$0x180]  }
0x443: {  	v63 =	vmul.f32 v47, v45;
	v51 =	vmul.f32 v60, v46  }
0x444: {  	v52 =	vld [tilespmem:s7+$0x200]  }
0x445: {  	v53 =	vmul.f32 v61, v44;
	v45 =	vadd.f32 v51, v63  }
0x446: {  	s31 =	sadd.s32 $0x10, s31;
	v54 =	vld [tilespmem:s7+$0x280]  }
0x447: {  	s14 =	sor.u32 $0x300, s31;
	v55 =	vmul.f32 v62, v43;
	v44 =	vadd.f32 v53, v45  }
0x448: {  	v56 =	vld [tilespmem:s14+$0x3A80]  }
0x449: {  	s7 =	sor.u32 $0x380, s31;
	v57 =	vmul.f32 v52, v42;
	v43 =	vadd.f32 v55, v44  }
0x44a: {  	v58 =	vld [tilespmem:s7+$0x3A80]  }
0x44b: {  	s2 =	sor.u32 s13, s2;
	v59 =	vmul.f32 v54, v41;
	v42 =	vadd.f32 v57, v43  }
0x44c: {  	v60 =	vld [tilespmem:s2+$0x0]  }
0x44d: {  	s16 =	sor.u32 s13, s4;
	v61 =	vmul.f32 v56, v40;
	v41 =	vadd.f32 v59, v42  }
0x44e: {  	v62 =	vld [tilespmem:s16+$0x0]  }
0x44f: {  	s17 =	sor.u32 s13, s19;
	v63 =	vmul.f32 v58, v39;
	v40 =	vadd.f32 v61, v41  }
0x450: {  	v44 =	vld [tilespmem:s17+$0x0]  }
0x451: {  	s19 =	sor.u32 s13, s20;
	v45 =	vmul.f32 v60, v38;
	v39 =	vadd.f32 v63, v40  }
0x452: {  	v46 =	vld [tilespmem:s19+$0x0]  }
0x453: {  	s20 =	sor.u32 s13, s21;
	v47 =	vmul.f32 v62, v37;
	v38 =	vadd.f32 v45, v39  }
0x454: {  	v48 =	vld [tilespmem:s20+$0x0]  }
0x455: {  	s21 =	sor.u32 s13, s26;
	v49 =	vmul.f32 v44, v36;
	v37 =	vadd.f32 v47, v38  }
0x456: {  	v50 =	vld [tilespmem:s21+$0x0]  }
0x457: {  	s22 =	sor.u32 s13, s28;
	v51 =	vmul.f32 v46, v35;
	v36 =	vadd.f32 v49, v37  }
0x458: {  	v52 =	vld [tilespmem:s22+$0x0]  }
0x459: {  	s23 =	sor.u32 s13, s25;
	v53 =	vmul.f32 v48, v34;
	v35 =	vadd.f32 v51, v36  }
0x45a: {  	v54 =	vld [tilespmem:s23+$0x0]  }
0x45b: {  	v55 =	vmul.f32 v50, v33;
	v34 =	vadd.f32 v53, v35;
	_ =	sdelay $0x1  }
0x45c: {  	v56 =	vmul.f32 v52, v32;
	v33 =	vadd.f32 v55, v34;
	_ =	sdelay $0x1  }
0x45d: {  	v31 =	vmul.f32 v54, v31;
	v32 =	vadd.f32 v56, v33;
	_ =	sdelay $0x1  }
0x45e: {  	v31 =	vadd.f32 v31, v32;
	_ =	sdelay $0x1  }
0x45f: {  	[tilespmem:s15+$0x0] =	vst v31  }
0x460: {  	v31 =	vld.idx.msk [tilespmem:v26+s18+$0x0], $0xffff;
	_ =	sdelay $0x4  }
0x461: {  	v57 =	vadd.s32 v29, v31  }
0x462: {  	v58 =	vshrl.u32 v57, $0x3  }
0x463: {  	v33 =	vmul.u32 $0x30, v58  }
0x464: {  	v31 =	vand.u32 $0x7, v31  }
0x465: {  	v33 =	vor.u32 v31, v33  }
0x466: {  	v31 =	vperm.xlane v33, v2;
	_ =	sdelay $0x1  }
0x467: {  	v59 =	vadd.s32 v3, v31;
	_ =	sdelay $0x2  }
0x468: {  	s24 =	simm.s32 $0x880  }
0x469: {  	s25 =	simm.s32 $0x3A80;
	s2 =	simm.s32 $0x0;
	v60 =	vperm.xlane v33, v4;
	v31 =	vld.idx.msk [tilespmem:v26+s24+$0x0], $0xffff;
	[tilespmem:$0xA00] =	vst v57  }
0x46a: {  	[tilespmem:s25], [sflag:$0x2] =	stream.indirect_vreg.gather [hbm4b:s1+s2], $0x80, v59, vm0, $0xb8;
	[tilespmem:$0x7F80] =	vst v63  }
0x46b: {  	s26 =	simm.s32 $0x4280;
	v32 =	vadd.s32 v3, v60  }
0x46c: {  	[tilespmem:s26], [sflag:$0x2] =	stream.indirect_vreg.gather [hbm4b:s10+s2], $0x80, v59, vm0, $0xb8;
	[tilespmem:$0x7F80] =	vst v63  }
0x46d: {  	s28 =	simm.s32 $0x4A80  }
0x46e: {  	[tilespmem:s28], [sflag:$0x2] =	stream.indirect_vreg.gather [hbm4b:s11+s2], $0x80, v59, vm0, $0xb8;
	[tilespmem:$0x7F80] =	vst v63  }
0x46f: {  	s29 =	simm.s32 $0x5280  }
0x470: {  	[tilespmem:s29], [sflag:$0x2] =	stream.indirect_vreg.gather [hbm4b:s1+s2], $0x80, v32, vm0, $0xb8;
	[tilespmem:$0x7F80] =	vst v63  }
0x471: {  	v30 =	vmul.f32 v30, v28;
	s30 =	simm.s32 $0x5A80  }
0x472: {  	[tilespmem:s30], [sflag:$0x2] =	stream.indirect_vreg.gather [hbm4b:s10+s2], $0x80, v32, vm0, $0xb8;
	[tilespmem:$0x7F80] =	vst v63  }
0x473: {  	v30 =	vmul.f32 $2.500000000e-01, v30;
	s31 =	simm.s32 $0x6280  }
0x474: {  	[tilespmem:s31], [sflag:$0x2] =	stream.indirect_vreg.gather [hbm4b:s11+s2], $0x80, v32, vm0, $0xb8;
	[tilespmem:$0x7F80] =	vst v63  }
0x475: {  	[tilespmem:$0x910] =	vst v30  }
0x476: {  	v45 =	vld.idx.msk [tilespmem:v5+s3+$0x0], $0xffff  }
0x477: {  	v46 =	vld.idx.msk [tilespmem:v6+s3+$0x0], $0xffff  }
0x478: {  	v44 =	vld.idx.msk [tilespmem:v7+s3+$0x0], $0xffff  }
0x479: {  	v43 =	vld.idx.msk [tilespmem:v8+s3+$0x0], $0xffff  }
0x47a: {  	v42 =	vld.idx.msk [tilespmem:v9+s3+$0x0], $0xffff  }
0x47b: {  	v41 =	vld.idx.msk [tilespmem:v10+s3+$0x0], $0xffff  }
0x47c: {  	v40 =	vld.idx.msk [tilespmem:v11+s3+$0x0], $0xffff  }
0x47d: {  	v39 =	vld.idx.msk [tilespmem:v12+s3+$0x0], $0xffff  }
0x47e: {  	v38 =	vld.idx.msk [tilespmem:v13+s3+$0x0], $0xffff  }
0x47f: {  	v37 =	vld.idx.msk [tilespmem:v14+s3+$0x0], $0xffff  }
0x480: {  	v36 =	vld.idx.msk [tilespmem:v15+s3+$0x0], $0xffff  }
0x481: {  	v35 =	vld.idx.msk [tilespmem:v16+s3+$0x0], $0xffff  }
0x482: {  	v34 =	vld.idx.msk [tilespmem:v17+s3+$0x0], $0xffff  }
0x483: {  	v33 =	vld.idx.msk [tilespmem:v1+s3+$0x0], $0xffff  }
0x484: {  	v32 =	vld.idx.msk [tilespmem:v18+s3+$0x0], $0xffff  }
0x485: {  	s7 =	sand.u32 $0x1C00, s2;
	v30 =	vld.idx.msk [tilespmem:v19+s3+$0x0], $0xffff;
	_ =	swait.ge [sflag:s8], $0x3000  }
0x486: {  	s4 =	sand.u32 $0x60, s2;
	s15 =	sadd.s32 $0xA80, s7;
	[sflag:s8] =	ssyncset.done $0x0  }
0x487: {  	s29 =	sor.u32 s4, s15;
	[sflag:s8] =	ssyncadd.s32 $0xFFFFD000  }
0x488: {  	v61 =	vld [tilespmem:s29+$0x0]  }
0x489: {  	v62 =	vld [tilespmem:s29+$0x80];
	_ =	sdelay $0x1  }
0x48a: {  	v63 =	vld [tilespmem:s29+$0x100];
	_ =	sdelay $0x1  }
0x48b: {  	v54 =	vld [tilespmem:s29+$0x180]  }
0x48c: {  	v47 =	vmul.f32 v61, v45;
	v48 =	vmul.f32 v62, v46  }
0x48d: {  	s30 =	sand.u32 $0x3, s2;
	v55 =	vld [tilespmem:s29+$0x200]  }
0x48e: {  	s14 =	sshll.u32 s30, $0x5;
	v56 =	vmul.f32 v63, v44;
	v47 =	vadd.f32 v48, v47  }
0x48f: {  	s31 =	sadd.s32 $0x0, s14;
	v57 =	vld [tilespmem:s29+$0x280]  }
0x490: {  	s19 =	sor.u32 $0x300, s31;
	v58 =	vmul.f32 v54, v43;
	v47 =	vadd.f32 v56, v47  }
0x491: {  	s20 =	sor.u32 s2, s2;
	v59 =	vld [tilespmem:s19+$0xA80]  }
0x492: {  	s21 =	sor.u32 $0x380, s20;
	v60 =	vmul.f32 v55, v42;
	v47 =	vadd.f32 v58, v47  }
0x493: {  	s13 =	sor.u32 $0x2280, s7;
	v61 =	vld [tilespmem:s21+$0xA80]  }
0x494: {  	s22 =	sor.u32 s4, s13;
	v62 =	vmul.f32 v57, v41;
	v47 =	vadd.f32 v60, v47  }
0x495: {  	s14 =	sor.u32 $0x2300, s7;
	v63 =	vld [tilespmem:s22+$0x0]  }
0x496: {  	s23 =	sor.u32 s4, s14;
	v54 =	vmul.f32 v59, v40;
	v47 =	vadd.f32 v62, v47  }
0x497: {  	s16 =	sor.u32 $0x2380, s7;
	v55 =	vld [tilespmem:s23+$0x0]  }
0x498: {  	s24 =	sor.u32 s4, s16;
	v56 =	vmul.f32 v61, v39;
	v47 =	vadd.f32 v54, v47  }
0x499: {  	s19 =	sadd.s32 $0x2400, s7;
	v57 =	vld [tilespmem:s24+$0x0]  }
0x49a: {  	s25 =	sor.u32 s4, s19;
	v58 =	vmul.f32 v63, v38;
	v47 =	vadd.f32 v56, v47  }
0x49b: {  	s20 =	sadd.s32 $0x2480, s7;
	v59 =	vld [tilespmem:s25+$0x0]  }
0x49c: {  	s26 =	sor.u32 s4, s20;
	v60 =	vmul.f32 v55, v37;
	v47 =	vadd.f32 v58, v47  }
0x49d: {  	s21 =	sadd.s32 $0x2500, s7;
	v61 =	vld [tilespmem:s26+$0x0]  }
0x49e: {  	s28 =	sor.u32 s4, s21;
	v62 =	vmul.f32 v57, v36;
	v47 =	vadd.f32 v60, v47  }
0x49f: {  	s22 =	sadd.s32 $0x2580, s7;
	v63 =	vld [tilespmem:s28+$0x0]  }
0x4a0: {  	s29 =	sor.u32 s4, s22;
	v52 =	vmul.f32 v59, v35;
	v47 =	vadd.f32 v62, v47  }
0x4a1: {  	s23 =	sadd.s32 $0x2600, s7;
	v53 =	vld [tilespmem:s29+$0x0]  }
0x4a2: {  	s17 =	sor.u32 s4, s23;
	v54 =	vmul.f32 v61, v34;
	v47 =	vadd.f32 v52, v47  }
0x4a3: {  	v55 =	vld [tilespmem:s17+$0x0]  }
0x4a4: {  	v56 =	vmul.f32 v63, v33;
	v47 =	vadd.f32 v54, v47;
	_ =	sdelay $0x1  }
0x4a5: {  	v57 =	vmul.f32 v53, v32;
	v47 =	vadd.f32 v56, v47;
	_ =	sdelay $0x1  }
0x4a6: {  	v58 =	vmul.f32 v55, v30;
	v47 =	vadd.f32 v57, v47;
	_ =	sdelay $0x1  }
0x4a7: {  	v47 =	vadd.f32 v58, v47  }
0x4a8: {  	s2 =	sand.u32 $0x3E0, s2;
	s7 =	sor.u32 $0x10, s4  }
0x4a9: {  	s30 =	sor.u32 s7, s15;
	[tilespmem:s2+$0x7680] =	vst v47  }
0x4aa: {  	v47 =	vld [tilespmem:s30+$0x0]  }
0x4ab: {  	v59 =	vld [tilespmem:s30+$0x80];
	_ =	sdelay $0x1  }
0x4ac: {  	v60 =	vld [tilespmem:s30+$0x100];
	_ =	sdelay $0x1  }
0x4ad: {  	v61 =	vld [tilespmem:s30+$0x180]  }
0x4ae: {  	v47 =	vmul.f32 v47, v45;
	v48 =	vmul.f32 v59, v46  }
0x4af: {  	v62 =	vld [tilespmem:s30+$0x200]  }
0x4b0: {  	v49 =	vmul.f32 v60, v44;
	v47 =	vadd.f32 v48, v47  }
0x4b1: {  	s31 =	sadd.s32 $0x10, s31;
	v63 =	vld [tilespmem:s30+$0x280]  }
0x4b2: {  	s15 =	sor.u32 $0x300, s31;
	v50 =	vmul.f32 v61, v43;
	v47 =	vadd.f32 v49, v47  }
0x4b3: {  	v54 =	vld [tilespmem:s15+$0xA80]  }
0x4b4: {  	s2 =	sor.u32 $0x380, s31;
	v51 =	vmul.f32 v62, v42;
	v47 =	vadd.f32 v50, v47  }
0x4b5: {  	v55 =	vld [tilespmem:s2+$0xA80]  }
0x4b6: {  	s17 =	sor.u32 s7, s13;
	v48 =	vmul.f32 v63, v41;
	v47 =	vadd.f32 v51, v47  }
0x4b7: {  	v56 =	vld [tilespmem:s17+$0x0]  }
0x4b8: {  	s24 =	sor.u32 s7, s14;
	v49 =	vmul.f32 v54, v40;
	v47 =	vadd.f32 v48, v47  }
0x4b9: {  	v57 =	vld [tilespmem:s24+$0x0]  }
0x4ba: {  	s25 =	sor.u32 s7, s16;
	v50 =	vmul.f32 v55, v39;
	v47 =	vadd.f32 v49, v47  }
0x4bb: {  	v58 =	vld [tilespmem:s25+$0x0]  }
0x4bc: {  	s26 =	sor.u32 s7, s19;
	v51 =	vmul.f32 v56, v38;
	v47 =	vadd.f32 v50, v47  }
0x4bd: {  	v59 =	vld [tilespmem:s26+$0x0]  }
0x4be: {  	s28 =	sor.u32 s7, s20;
	v48 =	vmul.f32 v57, v37;
	v47 =	vadd.f32 v51, v47  }
0x4bf: {  	v60 =	vld [tilespmem:s28+$0x0]  }
0x4c0: {  	s29 =	sor.u32 s7, s21;
	v49 =	vmul.f32 v58, v36;
	v47 =	vadd.f32 v48, v47  }
0x4c1: {  	v61 =	vld [tilespmem:s29+$0x0]  }
0x4c2: {  	s30 =	sor.u32 s7, s22;
	v50 =	vmul.f32 v59, v35;
	v47 =	vadd.f32 v49, v47  }
0x4c3: {  	v62 =	vld [tilespmem:s30+$0x0]  }
0x4c4: {  	s31 =	sor.u32 s7, s23;
	v51 =	vmul.f32 v60, v34;
	v47 =	vadd.f32 v50, v47  }
0x4c5: {  	v63 =	vld [tilespmem:s31+$0x0]  }
0x4c6: {  	v48 =	vmul.f32 v61, v33;
	v47 =	vadd.f32 v51, v47;
	_ =	sdelay $0x1  }
0x4c7: {  	v49 =	vmul.f32 v62, v32;
	v48 =	vadd.f32 v48, v47  }
0x4c8: {  	s4 =	simm.s32 $0x7690;
	s16 =	simm.s32 $0x20;
	s14 =	simm.s32 $0x1  }
0x4c9: {  	s23 =	simm.s32 $0x40;
	s2 =	simm.s32 $0x100;
	s15 =	simm.s32 $0x76B0;
	v47 =	vmul.f32 v63, v30;
	v48 =	vadd.f32 v49, v48  }
.LBB2_12:
0x4ca: {  	s20 =	sand.u32 $0x60, s16  }
0x4cb: {  	s17 =	sand.u32 $0x1C00, s2;
	s21 =	smov.u32 s23;
	s7 =	sadd.s32 $0x20, s23  }
0x4cc: {  	s22 =	sadd.s32 $0xA80, s17;
	s19 =	sor.u32 $0x2280, s17;
	s13 =	sor.u32 $0x2300, s17;
	v47 =	vadd.f32 v47, v48  }
0x4cd: {  	s31 =	sor.u32 $0x2380, s17;
	s30 =	sadd.s32 $0x2400, s17;
	s24 =	sor.u32 s20, s22  }
0x4ce: {  	s29 =	sadd.s32 $0x2480, s17;
	s28 =	sadd.s32 $0x2500, s17;
	s26 =	sadd.s32 $0x2580, s17;
	[tilespmem:s4+$0x0] =	vst v47  }
0x4cf: {  	p0 =	sne.s32 s23, $0x2E0;
	s25 =	sadd.s32 $0x2600, s17;
	s4 =	smov.u32 s15;
	v47 =	vld [tilespmem:s24+$0x0]  }
0x4d0: {  	v48 =	vld [tilespmem:s24+$0x80];
	_ =	sdelay $0x1  }
0x4d1: {  	v49 =	vld [tilespmem:s24+$0x100];
	_ =	sdelay $0x1  }
0x4d2: {  	v50 =	vld [tilespmem:s24+$0x180]  }
0x4d3: {  	v47 =	vmul.f32 v47, v45;
	v48 =	vmul.f32 v48, v46  }
0x4d4: {  	s17 =	sand.u32 $0x3, s14;
	v51 =	vld [tilespmem:s24+$0x200]  }
0x4d5: {  	s17 =	sshll.u32 s17, $0x5;
	v47 =	vadd.f32 v48, v47;
	v48 =	vmul.f32 v49, v44  }
0x4d6: {  	s23 =	sadd.s32 s17, s2;
	v49 =	vld [tilespmem:s24+$0x280]  }
0x4d7: {  	s17 =	sor.u32 $0x300, s23;
	v47 =	vadd.f32 v48, v47;
	v48 =	vmul.f32 v50, v43  }
0x4d8: {  	v50 =	vld [tilespmem:s17+$0xA80];
	s17 =	sor.u32 s2, s16  }
0x4d9: {  	v47 =	vadd.f32 v48, v47;
	v48 =	vmul.f32 v51, v42;
	s17 =	sor.u32 $0x380, s17  }
0x4da: {  	v51 =	vld [tilespmem:s17+$0xA80]  }
0x4db: {  	s17 =	sor.u32 s20, s19;
	v47 =	vadd.f32 v48, v47;
	v48 =	vmul.f32 v49, v41  }
0x4dc: {  	v49 =	vld [tilespmem:s17+$0x0]  }
0x4dd: {  	s17 =	sor.u32 s20, s13;
	v47 =	vadd.f32 v48, v47;
	v48 =	vmul.f32 v50, v40  }
0x4de: {  	v50 =	vld [tilespmem:s17+$0x0]  }
0x4df: {  	s17 =	sor.u32 s20, s31;
	v47 =	vadd.f32 v48, v47;
	v48 =	vmul.f32 v51, v39  }
0x4e0: {  	v51 =	vld [tilespmem:s17+$0x0]  }
0x4e1: {  	s17 =	sor.u32 s20, s30;
	v47 =	vadd.f32 v48, v47;
	v48 =	vmul.f32 v49, v38  }
0x4e2: {  	v49 =	vld [tilespmem:s17+$0x0]  }
0x4e3: {  	s17 =	sor.u32 s20, s29;
	v47 =	vadd.f32 v48, v47;
	v48 =	vmul.f32 v50, v37  }
0x4e4: {  	v50 =	vld [tilespmem:s17+$0x0]  }
0x4e5: {  	s17 =	sor.u32 s20, s28;
	v47 =	vadd.f32 v48, v47;
	v48 =	vmul.f32 v51, v36  }
0x4e6: {  	v51 =	vld [tilespmem:s17+$0x0]  }
0x4e7: {  	s17 =	sor.u32 s20, s26;
	v47 =	vadd.f32 v48, v47;
	v48 =	vmul.f32 v49, v35  }
0x4e8: {  	v49 =	vld [tilespmem:s17+$0x0]  }
0x4e9: {  	s17 =	sor.u32 s20, s25;
	v47 =	vadd.f32 v48, v47;
	v48 =	vmul.f32 v50, v34  }
0x4ea: {  	v50 =	vld [tilespmem:s17+$0x0]  }
0x4eb: {  	v47 =	vadd.f32 v48, v47;
	v48 =	vmul.f32 v51, v33;
	_ =	sdelay $0x1  }
0x4ec: {  	v47 =	vadd.f32 v48, v47;
	v48 =	vmul.f32 v49, v32;
	_ =	sdelay $0x1  }
0x4ed: {  	v47 =	vadd.f32 v48, v47;
	v48 =	vmul.f32 v50, v30;
	_ =	sdelay $0x1  }
0x4ee: {  	v47 =	vadd.f32 v48, v47  }
0x4ef: {  	s20 =	sor.u32 $0x10, s20;
	s17 =	sand.u32 $0x3E0, s16;
	s16 =	smov.u32 s21  }
0x4f0: {  	[tilespmem:s17+$0x7680] =	vst v47;
	s17 =	sor.u32 s20, s22  }
0x4f1: {  	v47 =	vld [tilespmem:s17+$0x0]  }
0x4f2: {  	v48 =	vld [tilespmem:s17+$0x80]  }
0x4f3: {  	v49 =	vld [tilespmem:s17+$0x100];
	_ =	sdelay $0x1  }
0x4f4: {  	v50 =	vld [tilespmem:s17+$0x180]  }
0x4f5: {  	v47 =	vmul.f32 v47, v45  }
0x4f6: {  	v48 =	vmul.f32 v48, v46;
	v51 =	vld [tilespmem:s17+$0x200]  }
0x4f7: {  	v49 =	vmul.f32 v49, v44  }
0x4f8: {  	v47 =	vadd.f32 v48, v47;
	v48 =	vld [tilespmem:s17+$0x280];
	s17 =	sadd.s32 $0x10, s23  }
0x4f9: {  	v50 =	vmul.f32 v50, v43;
	s21 =	sor.u32 $0x300, s17  }
0x4fa: {  	v47 =	vadd.f32 v49, v47;
	v49 =	vld [tilespmem:s21+$0xA80]  }
0x4fb: {  	s17 =	sor.u32 $0x380, s17;
	v51 =	vmul.f32 v51, v42  }
0x4fc: {  	v47 =	vadd.f32 v50, v47;
	v50 =	vld [tilespmem:s17+$0xA80]  }
0x4fd: {  	s17 =	sor.u32 s20, s19;
	v48 =	vmul.f32 v48, v41  }
0x4fe: {  	v47 =	vadd.f32 v51, v47;
	v51 =	vld [tilespmem:s17+$0x0]  }
0x4ff: {  	s13 =	sor.u32 s20, s13;
	v49 =	vmul.f32 v49, v40  }
0x500: {  	v47 =	vadd.f32 v48, v47;
	v48 =	vld [tilespmem:s13+$0x0]  }
0x501: {  	s13 =	sor.u32 s20, s31;
	v50 =	vmul.f32 v50, v39  }
0x502: {  	v47 =	vadd.f32 v49, v47;
	v49 =	vld [tilespmem:s13+$0x0]  }
0x503: {  	s13 =	sor.u32 s20, s30;
	v51 =	vmul.f32 v51, v38  }
0x504: {  	v47 =	vadd.f32 v50, v47;
	v50 =	vld [tilespmem:s13+$0x0]  }
0x505: {  	s13 =	sor.u32 s20, s29;
	v48 =	vmul.f32 v48, v37  }
0x506: {  	v47 =	vadd.f32 v51, v47;
	v51 =	vld [tilespmem:s13+$0x0]  }
0x507: {  	s13 =	sor.u32 s20, s28;
	v49 =	vmul.f32 v49, v36  }
0x508: {  	v47 =	vadd.f32 v48, v47;
	v48 =	vld [tilespmem:s13+$0x0]  }
0x509: {  	s13 =	sor.u32 s20, s26;
	v50 =	vmul.f32 v50, v35  }
0x50a: {  	v47 =	vadd.f32 v49, v47;
	v49 =	vld [tilespmem:s13+$0x0]  }
0x50b: {  	s13 =	sor.u32 s20, s25;
	v51 =	vmul.f32 v51, v34  }
0x50c: {  	v47 =	vadd.f32 v50, v47;
	v50 =	vld [tilespmem:s13+$0x0]  }
0x50d: {  	v48 =	vmul.f32 v48, v33  }
.Ltmp9:
0x50e: {  	v47 =	vadd.f32 v51, v47;
	(pc) =	sbr.rel @p0 .LBB2_12-.Ltmp9, $4  }
0x50f: {  	v49 =	vmul.f32 v49, v32  }
0x510: {  	v48 =	vadd.f32 v48, v47  }
0x511: {  	s14 =	sadd.s32 $0x1, s14;
	v47 =	vmul.f32 v50, v30  }
0x512: {  	s15 =	sadd.s32 $0x20, s15;
	s2 =	sadd.s32 $0x100, s2;
	s23 =	smov.u32 s7;
	v48 =	vadd.f32 v49, v48  }
0x513: {  	_ = 	snop  }
0x514: {  	s17 =	sand.u32 $0x1C00, s2;
	v47 =	vadd.f32 v47, v48  }
0x515: {  	s13 =	sand.u32 $0x60, s16;
	s7 =	sadd.s32 $0xA80, s17  }
0x516: {  	s19 =	sor.u32 s13, s7;
	[tilespmem:s4+$0x0] =	vst v47  }
0x517: {  	v47 =	vld [tilespmem:s19+$0x0]  }
0x518: {  	v55 =	vld [tilespmem:s19+$0x80];
	_ =	sdelay $0x1  }
0x519: {  	v49 =	vld [tilespmem:s19+$0x100];
	_ =	sdelay $0x1  }
0x51a: {  	v50 =	vld [tilespmem:s19+$0x180]  }
0x51b: {  	v47 =	vmul.f32 v47, v45;
	v48 =	vmul.f32 v55, v46  }
0x51c: {  	s30 =	sand.u32 $0x3, s14;
	v51 =	vld [tilespmem:s19+$0x200]  }
0x51d: {  	s4 =	sshll.u32 s30, $0x5;
	v56 =	vmul.f32 v49, v44;
	v47 =	vadd.f32 v48, v47  }
0x51e: {  	v57 =	vld [tilespmem:s19+$0x280];
	s31 =	sadd.s32 s4, s2  }
0x51f: {  	s4 =	sor.u32 $0x300, s31;
	v58 =	vmul.f32 v50, v43;
	v47 =	vadd.f32 v56, v47  }
0x520: {  	s23 =	sor.u32 s2, s16;
	v59 =	vld [tilespmem:s4+$0xA80]  }
0x521: {  	s24 =	sor.u32 $0x380, s23;
	v60 =	vmul.f32 v51, v42;
	v47 =	vadd.f32 v58, v47  }
0x522: {  	s2 =	sor.u32 $0x2280, s17;
	v61 =	vld [tilespmem:s24+$0xA80]  }
0x523: {  	s25 =	sor.u32 s13, s2;
	v62 =	vmul.f32 v57, v41;
	v47 =	vadd.f32 v60, v47  }
0x524: {  	s4 =	sor.u32 $0x2300, s17;
	v63 =	vld [tilespmem:s25+$0x0]  }
0x525: {  	s20 =	sor.u32 s13, s4;
	v54 =	vmul.f32 v59, v40;
	v47 =	vadd.f32 v62, v47  }
0x526: {  	s19 =	sor.u32 $0x2380, s17;
	v55 =	vld [tilespmem:s20+$0x0]  }
0x527: {  	s21 =	sor.u32 s13, s19;
	v56 =	vmul.f32 v61, v39;
	v47 =	vadd.f32 v54, v47  }
0x528: {  	s20 =	sadd.s32 $0x2400, s17;
	v57 =	vld [tilespmem:s21+$0x0]  }
0x529: {  	s22 =	sor.u32 s13, s20;
	v58 =	vmul.f32 v63, v38;
	v47 =	vadd.f32 v56, v47  }
0x52a: {  	s21 =	sadd.s32 $0x2480, s17;
	v59 =	vld [tilespmem:s22+$0x0]  }
0x52b: {  	s23 =	sor.u32 s13, s21;
	v60 =	vmul.f32 v55, v37;
	v47 =	vadd.f32 v58, v47  }
0x52c: {  	s26 =	sadd.s32 $0x2500, s17;
	v61 =	vld [tilespmem:s23+$0x0]  }
0x52d: {  	s24 =	sor.u32 s13, s26;
	v62 =	vmul.f32 v57, v36;
	v47 =	vadd.f32 v60, v47  }
0x52e: {  	s28 =	sadd.s32 $0x2580, s17;
	v63 =	vld [tilespmem:s24+$0x0]  }
0x52f: {  	s29 =	sor.u32 s13, s28;
	v52 =	vmul.f32 v59, v35;
	v47 =	vadd.f32 v62, v47  }
0x530: {  	v53 =	vld [tilespmem:s29+$0x0];
	s25 =	sadd.s32 $0x2600, s17  }
0x531: {  	s17 =	sor.u32 s13, s25;
	v54 =	vmul.f32 v61, v34;
	v47 =	vadd.f32 v52, v47  }
0x532: {  	v55 =	vld [tilespmem:s17+$0x0]  }
0x533: {  	v56 =	vmul.f32 v63, v33;
	v47 =	vadd.f32 v54, v47;
	_ =	sdelay $0x1  }
0x534: {  	v57 =	vmul.f32 v53, v32;
	v47 =	vadd.f32 v56, v47;
	_ =	sdelay $0x1  }
0x535: {  	v58 =	vmul.f32 v55, v30;
	v47 =	vadd.f32 v57, v47;
	_ =	sdelay $0x1  }
0x536: {  	v47 =	vadd.f32 v58, v47  }
0x537: {  	s30 =	sand.u32 $0x3E0, s16;
	s13 =	sor.u32 $0x10, s13  }
0x538: {  	s7 =	sor.u32 s13, s7;
	[tilespmem:s30+$0x7680] =	vst v47  }
0x539: {  	v47 =	vld [tilespmem:s7+$0x0]  }
0x53a: {  	v59 =	vld [tilespmem:s7+$0x80];
	_ =	sdelay $0x1  }
0x53b: {  	v60 =	vld [tilespmem:s7+$0x100];
	_ =	sdelay $0x1  }
0x53c: {  	v61 =	vld [tilespmem:s7+$0x180]  }
0x53d: {  	v62 =	vmul.f32 v47, v45;
	v63 =	vmul.f32 v59, v46  }
0x53e: {  	v48 =	vld [tilespmem:s7+$0x200]  }
0x53f: {  	v49 =	vmul.f32 v60, v44;
	v45 =	vadd.f32 v63, v62  }
0x540: {  	s31 =	sadd.s32 $0x10, s31;
	v51 =	vld [tilespmem:s7+$0x280]  }
0x541: {  	s14 =	sor.u32 $0x300, s31;
	v52 =	vmul.f32 v61, v43;
	v44 =	vadd.f32 v49, v45  }
0x542: {  	v53 =	vld [tilespmem:s14+$0xA80]  }
0x543: {  	s7 =	sor.u32 $0x380, s31;
	v54 =	vmul.f32 v48, v42;
	v43 =	vadd.f32 v52, v44  }
0x544: {  	v55 =	vld [tilespmem:s7+$0xA80]  }
0x545: {  	s2 =	sor.u32 s13, s2;
	v56 =	vmul.f32 v51, v41;
	v42 =	vadd.f32 v54, v43  }
0x546: {  	v57 =	vld [tilespmem:s2+$0x0]  }
0x547: {  	s16 =	sor.u32 s13, s4;
	v58 =	vmul.f32 v53, v40;
	v41 =	vadd.f32 v56, v42  }
0x548: {  	v59 =	vld [tilespmem:s16+$0x0]  }
0x549: {  	s17 =	sor.u32 s13, s19;
	v60 =	vmul.f32 v55, v39;
	v40 =	vadd.f32 v58, v41  }
0x54a: {  	v61 =	vld [tilespmem:s17+$0x0]  }
0x54b: {  	s19 =	sor.u32 s13, s20;
	v62 =	vmul.f32 v57, v38;
	v39 =	vadd.f32 v60, v40  }
0x54c: {  	v63 =	vld [tilespmem:s19+$0x0]  }
0x54d: {  	s20 =	sor.u32 s13, s21;
	v43 =	vmul.f32 v59, v37;
	v38 =	vadd.f32 v62, v39  }
0x54e: {  	v44 =	vld [tilespmem:s20+$0x0]  }
0x54f: {  	s21 =	sor.u32 s13, s26;
	v45 =	vmul.f32 v61, v36;
	v37 =	vadd.f32 v43, v38  }
0x550: {  	v46 =	vld [tilespmem:s21+$0x0]  }
0x551: {  	s22 =	sor.u32 s13, s28;
	v47 =	vmul.f32 v63, v35;
	v36 =	vadd.f32 v45, v37  }
0x552: {  	v48 =	vld [tilespmem:s22+$0x0]  }
0x553: {  	s23 =	sor.u32 s13, s25;
	v49 =	vmul.f32 v44, v34;
	v35 =	vadd.f32 v47, v36  }
0x554: {  	v50 =	vld [tilespmem:s23+$0x0]  }
0x555: {  	v51 =	vmul.f32 v46, v33;
	v34 =	vadd.f32 v49, v35;
	_ =	sdelay $0x1  }
0x556: {  	v52 =	vmul.f32 v48, v32;
	v33 =	vadd.f32 v51, v34;
	_ =	sdelay $0x1  }
0x557: {  	v30 =	vmul.f32 v50, v30;
	v32 =	vadd.f32 v52, v33;
	_ =	sdelay $0x1  }
0x558: {  	v30 =	vadd.f32 v30, v32;
	_ =	sdelay $0x1  }
0x559: {  	[tilespmem:s15+$0x0] =	vst v30  }
0x55a: {  	v30 =	vld.idx.msk [tilespmem:v27+s18+$0x0], $0xffff;
	_ =	sdelay $0x4  }
0x55b: {  	v53 =	vadd.s32 v29, v30  }
0x55c: {  	v29 =	vshrl.u32 v53, $0x3  }
0x55d: {  	v29 =	vmul.u32 $0x30, v29  }
0x55e: {  	v30 =	vand.u32 $0x7, v30  }
0x55f: {  	v30 =	vor.u32 v30, v29  }
0x560: {  	v29 =	vperm.xlane v30, v2;
	_ =	sdelay $0x1  }
0x561: {  	v54 =	vadd.s32 v3, v29;
	_ =	sdelay $0x2  }
0x562: {  	s24 =	simm.s32 $0x880  }
0x563: {  	s25 =	simm.s32 $0xA80;
	s2 =	simm.s32 $0x0;
	v30 =	vperm.xlane v30, v4;
	v29 =	vld.idx.msk [tilespmem:v27+s24+$0x0], $0xffff;
	[tilespmem:$0x980] =	vst v53  }
0x564: {  	[tilespmem:s25], [sflag:$0x1] =	stream.indirect_vreg.gather [hbm4b:s1+s2], $0x80, v54, vm0, $0xb8;
	[tilespmem:$0x7F80] =	vst v63  }
0x565: {  	s26 =	simm.s32 $0x1280;
	v30 =	vadd.s32 v3, v30  }
0x566: {  	[tilespmem:s26], [sflag:$0x1] =	stream.indirect_vreg.gather [hbm4b:s10+s2], $0x80, v54, vm0, $0xb8;
	[tilespmem:$0x7F80] =	vst v63  }
0x567: {  	s28 =	simm.s32 $0x1A80  }
0x568: {  	[tilespmem:s28], [sflag:$0x1] =	stream.indirect_vreg.gather [hbm4b:s11+s2], $0x80, v54, vm0, $0xb8;
	[tilespmem:$0x7F80] =	vst v63  }
0x569: {  	s29 =	simm.s32 $0x2280  }
0x56a: {  	[tilespmem:s29], [sflag:$0x1] =	stream.indirect_vreg.gather [hbm4b:s1+s2], $0x80, v30, vm0, $0xb8;
	[tilespmem:$0x7F80] =	vst v63  }
0x56b: {  	v31 =	vmul.f32 v31, v28;
	s30 =	simm.s32 $0x2A80  }
0x56c: {  	[tilespmem:s30], [sflag:$0x1] =	stream.indirect_vreg.gather [hbm4b:s10+s2], $0x80, v30, vm0, $0xb8;
	[tilespmem:$0x7F80] =	vst v63  }
0x56d: {  	v31 =	vmul.f32 $2.500000000e-01, v31;
	s31 =	simm.s32 $0x3280  }
0x56e: {  	[tilespmem:s31], [sflag:$0x1] =	stream.indirect_vreg.gather [hbm4b:s11+s2], $0x80, v30, vm0, $0xb8;
	[tilespmem:$0x7F80] =	vst v63  }
0x56f: {  	[tilespmem:$0x910] =	vst v31  }
0x570: {  	v44 =	vld.idx.msk [tilespmem:v5+s3+$0x0], $0xffff  }
0x571: {  	v45 =	vld.idx.msk [tilespmem:v6+s3+$0x0], $0xffff  }
0x572: {  	v43 =	vld.idx.msk [tilespmem:v7+s3+$0x0], $0xffff  }
0x573: {  	v42 =	vld.idx.msk [tilespmem:v8+s3+$0x0], $0xffff  }
0x574: {  	v41 =	vld.idx.msk [tilespmem:v9+s3+$0x0], $0xffff  }
0x575: {  	v40 =	vld.idx.msk [tilespmem:v10+s3+$0x0], $0xffff  }
0x576: {  	v39 =	vld.idx.msk [tilespmem:v11+s3+$0x0], $0xffff  }
0x577: {  	v38 =	vld.idx.msk [tilespmem:v12+s3+$0x0], $0xffff  }
0x578: {  	v37 =	vld.idx.msk [tilespmem:v13+s3+$0x0], $0xffff  }
0x579: {  	v36 =	vld.idx.msk [tilespmem:v14+s3+$0x0], $0xffff  }
0x57a: {  	v35 =	vld.idx.msk [tilespmem:v15+s3+$0x0], $0xffff  }
0x57b: {  	v34 =	vld.idx.msk [tilespmem:v16+s3+$0x0], $0xffff  }
0x57c: {  	v33 =	vld.idx.msk [tilespmem:v17+s3+$0x0], $0xffff  }
0x57d: {  	v32 =	vld.idx.msk [tilespmem:v1+s3+$0x0], $0xffff  }
0x57e: {  	v31 =	vld.idx.msk [tilespmem:v18+s3+$0x0], $0xffff  }
0x57f: {  	s7 =	sand.u32 $0x1C00, s2;
	v30 =	vld.idx.msk [tilespmem:v19+s3+$0x0], $0xffff;
	_ =	swait.ge [sflag:s0], $0x3000  }
0x580: {  	s4 =	sand.u32 $0x60, s2;
	s15 =	sadd.s32 $0x3A80, s7;
	[sflag:s0] =	ssyncset.done $0x0  }
0x581: {  	s29 =	sor.u32 s4, s15;
	[sflag:s0] =	ssyncadd.s32 $0xFFFFD000  }
0x582: {  	v55 =	vld [tilespmem:s29+$0x0]  }
0x583: {  	v56 =	vld [tilespmem:s29+$0x80];
	_ =	sdelay $0x1  }
0x584: {  	v57 =	vld [tilespmem:s29+$0x100];
	_ =	sdelay $0x1  }
0x585: {  	v58 =	vld [tilespmem:s29+$0x180]  }
0x586: {  	v46 =	vmul.f32 v55, v44;
	v47 =	vmul.f32 v56, v45  }
0x587: {  	s30 =	sand.u32 $0x3, s2;
	v59 =	vld [tilespmem:s29+$0x200]  }
0x588: {  	s14 =	sshll.u32 s30, $0x5;
	v60 =	vmul.f32 v57, v43;
	v46 =	vadd.f32 v47, v46  }
0x589: {  	s31 =	sadd.s32 $0x0, s14;
	v61 =	vld [tilespmem:s29+$0x280]  }
0x58a: {  	s19 =	sor.u32 $0x300, s31;
	v62 =	vmul.f32 v58, v42;
	v46 =	vadd.f32 v60, v46  }
0x58b: {  	s20 =	sor.u32 s2, s2;
	v63 =	vld [tilespmem:s19+$0x3A80]  }
0x58c: {  	s21 =	sor.u32 $0x380, s20;
	v52 =	vmul.f32 v59, v41;
	v46 =	vadd.f32 v62, v46  }
0x58d: {  	s13 =	sadd.s32 $0x5280, s7;
	v53 =	vld [tilespmem:s21+$0x3A80]  }
0x58e: {  	s22 =	sor.u32 s4, s13;
	v54 =	vmul.f32 v61, v40;
	v46 =	vadd.f32 v52, v46  }
0x58f: {  	s14 =	sadd.s32 $0x5300, s7;
	v55 =	vld [tilespmem:s22+$0x0]  }
0x590: {  	s23 =	sor.u32 s4, s14;
	v56 =	vmul.f32 v63, v39;
	v46 =	vadd.f32 v54, v46  }
0x591: {  	s16 =	sadd.s32 $0x5380, s7;
	v57 =	vld [tilespmem:s23+$0x0]  }
0x592: {  	s24 =	sor.u32 s4, s16;
	v58 =	vmul.f32 v53, v38;
	v46 =	vadd.f32 v56, v46  }
0x593: {  	s19 =	sadd.s32 $0x5400, s7;
	v59 =	vld [tilespmem:s24+$0x0]  }
0x594: {  	s25 =	sor.u32 s4, s19;
	v60 =	vmul.f32 v55, v37;
	v46 =	vadd.f32 v58, v46  }
0x595: {  	s20 =	sadd.s32 $0x5480, s7;
	v61 =	vld [tilespmem:s25+$0x0]  }
0x596: {  	s26 =	sor.u32 s4, s20;
	v62 =	vmul.f32 v57, v36;
	v46 =	vadd.f32 v60, v46  }
0x597: {  	s21 =	sadd.s32 $0x5500, s7;
	v63 =	vld [tilespmem:s26+$0x0]  }
0x598: {  	s28 =	sor.u32 s4, s21;
	v52 =	vmul.f32 v59, v35;
	v46 =	vadd.f32 v62, v46  }
0x599: {  	s22 =	sadd.s32 $0x5580, s7;
	v53 =	vld [tilespmem:s28+$0x0]  }
0x59a: {  	s29 =	sor.u32 s4, s22;
	v54 =	vmul.f32 v61, v34;
	v46 =	vadd.f32 v52, v46  }
0x59b: {  	s23 =	sadd.s32 $0x5600, s7;
	v55 =	vld [tilespmem:s29+$0x0]  }
0x59c: {  	s17 =	sor.u32 s4, s23;
	v56 =	vmul.f32 v63, v33;
	v46 =	vadd.f32 v54, v46  }
0x59d: {  	v57 =	vld [tilespmem:s17+$0x0]  }
0x59e: {  	v58 =	vmul.f32 v53, v32;
	v46 =	vadd.f32 v56, v46;
	_ =	sdelay $0x1  }
0x59f: {  	v59 =	vmul.f32 v55, v31;
	v46 =	vadd.f32 v58, v46;
	_ =	sdelay $0x1  }
0x5a0: {  	v60 =	vmul.f32 v57, v30;
	v46 =	vadd.f32 v59, v46;
	_ =	sdelay $0x1  }
0x5a1: {  	v46 =	vadd.f32 v60, v46  }
0x5a2: {  	s2 =	sand.u32 $0x3E0, s2;
	s7 =	sor.u32 $0x10, s4  }
0x5a3: {  	s30 =	sor.u32 s7, s15;
	[tilespmem:s2+$0x7980] =	vst v46  }
0x5a4: {  	v46 =	vld [tilespmem:s30+$0x0]  }
0x5a5: {  	v61 =	vld [tilespmem:s30+$0x80];
	_ =	sdelay $0x1  }
0x5a6: {  	v62 =	vld [tilespmem:s30+$0x100];
	_ =	sdelay $0x1  }
0x5a7: {  	v63 =	vld [tilespmem:s30+$0x180]  }
0x5a8: {  	v46 =	vmul.f32 v46, v44;
	v47 =	vmul.f32 v61, v45  }
0x5a9: {  	v52 =	vld [tilespmem:s30+$0x200]  }
0x5aa: {  	v48 =	vmul.f32 v62, v43;
	v46 =	vadd.f32 v47, v46  }
0x5ab: {  	s31 =	sadd.s32 $0x10, s31;
	v53 =	vld [tilespmem:s30+$0x280]  }
0x5ac: {  	s15 =	sor.u32 $0x300, s31;
	v49 =	vmul.f32 v63, v42;
	v46 =	vadd.f32 v48, v46  }
0x5ad: {  	v54 =	vld [tilespmem:s15+$0x3A80]  }
0x5ae: {  	s2 =	sor.u32 $0x380, s31;
	v50 =	vmul.f32 v52, v41;
	v46 =	vadd.f32 v49, v46  }
0x5af: {  	v55 =	vld [tilespmem:s2+$0x3A80]  }
0x5b0: {  	s17 =	sor.u32 s7, s13;
	v47 =	vmul.f32 v53, v40;
	v46 =	vadd.f32 v50, v46  }
0x5b1: {  	v56 =	vld [tilespmem:s17+$0x0]  }
0x5b2: {  	s24 =	sor.u32 s7, s14;
	v48 =	vmul.f32 v54, v39;
	v46 =	vadd.f32 v47, v46  }
0x5b3: {  	v57 =	vld [tilespmem:s24+$0x0]  }
0x5b4: {  	s25 =	sor.u32 s7, s16;
	v49 =	vmul.f32 v55, v38;
	v46 =	vadd.f32 v48, v46  }
0x5b5: {  	v58 =	vld [tilespmem:s25+$0x0]  }
0x5b6: {  	s26 =	sor.u32 s7, s19;
	v50 =	vmul.f32 v56, v37;
	v46 =	vadd.f32 v49, v46  }
0x5b7: {  	v59 =	vld [tilespmem:s26+$0x0]  }
0x5b8: {  	s28 =	sor.u32 s7, s20;
	v47 =	vmul.f32 v57, v36;
	v46 =	vadd.f32 v50, v46  }
0x5b9: {  	v60 =	vld [tilespmem:s28+$0x0]  }
0x5ba: {  	s29 =	sor.u32 s7, s21;
	v48 =	vmul.f32 v58, v35;
	v46 =	vadd.f32 v47, v46  }
0x5bb: {  	v61 =	vld [tilespmem:s29+$0x0]  }
0x5bc: {  	s30 =	sor.u32 s7, s22;
	v49 =	vmul.f32 v59, v34;
	v46 =	vadd.f32 v48, v46  }
0x5bd: {  	v62 =	vld [tilespmem:s30+$0x0]  }
0x5be: {  	s31 =	sor.u32 s7, s23;
	v50 =	vmul.f32 v60, v33;
	v46 =	vadd.f32 v49, v46  }
0x5bf: {  	v63 =	vld [tilespmem:s31+$0x0]  }
0x5c0: {  	v47 =	vmul.f32 v61, v32;
	v46 =	vadd.f32 v50, v46;
	_ =	sdelay $0x1  }
0x5c1: {  	v48 =	vmul.f32 v62, v31;
	v47 =	vadd.f32 v47, v46  }
0x5c2: {  	s4 =	simm.s32 $0x7990;
	s16 =	simm.s32 $0x20;
	s14 =	simm.s32 $0x1  }
0x5c3: {  	s23 =	simm.s32 $0x40;
	s2 =	simm.s32 $0x100;
	s15 =	simm.s32 $0x79B0;
	v46 =	vmul.f32 v63, v30;
	v47 =	vadd.f32 v48, v47  }
.LBB2_14:
0x5c4: {  	s20 =	sand.u32 $0x60, s16  }
0x5c5: {  	s17 =	sand.u32 $0x1C00, s2;
	s21 =	smov.u32 s23;
	s7 =	sadd.s32 $0x20, s23  }
0x5c6: {  	s22 =	sadd.s32 $0x3A80, s17;
	s19 =	sadd.s32 $0x5280, s17;
	s13 =	sadd.s32 $0x5300, s17;
	v46 =	vadd.f32 v46, v47  }
0x5c7: {  	s31 =	sadd.s32 $0x5380, s17;
	s30 =	sadd.s32 $0x5400, s17;
	s24 =	sor.u32 s20, s22  }
0x5c8: {  	s29 =	sadd.s32 $0x5480, s17;
	s28 =	sadd.s32 $0x5500, s17;
	s26 =	sadd.s32 $0x5580, s17;
	[tilespmem:s4+$0x0] =	vst v46  }
0x5c9: {  	p0 =	sne.s32 s23, $0x2E0;
	s25 =	sadd.s32 $0x5600, s17;
	s4 =	smov.u32 s15;
	v46 =	vld [tilespmem:s24+$0x0]  }
0x5ca: {  	v47 =	vld [tilespmem:s24+$0x80];
	_ =	sdelay $0x1  }
0x5cb: {  	v48 =	vld [tilespmem:s24+$0x100];
	_ =	sdelay $0x1  }
0x5cc: {  	v49 =	vld [tilespmem:s24+$0x180]  }
0x5cd: {  	v46 =	vmul.f32 v46, v44;
	v47 =	vmul.f32 v47, v45  }
0x5ce: {  	s17 =	sand.u32 $0x3, s14;
	v50 =	vld [tilespmem:s24+$0x200]  }
0x5cf: {  	s17 =	sshll.u32 s17, $0x5;
	v46 =	vadd.f32 v47, v46;
	v47 =	vmul.f32 v48, v43  }
0x5d0: {  	s23 =	sadd.s32 s17, s2;
	v48 =	vld [tilespmem:s24+$0x280]  }
0x5d1: {  	s17 =	sor.u32 $0x300, s23;
	v46 =	vadd.f32 v47, v46;
	v47 =	vmul.f32 v49, v42  }
0x5d2: {  	v49 =	vld [tilespmem:s17+$0x3A80];
	s17 =	sor.u32 s2, s16  }
0x5d3: {  	v46 =	vadd.f32 v47, v46;
	v47 =	vmul.f32 v50, v41;
	s17 =	sor.u32 $0x380, s17  }
0x5d4: {  	v50 =	vld [tilespmem:s17+$0x3A80]  }
0x5d5: {  	s17 =	sor.u32 s20, s19;
	v46 =	vadd.f32 v47, v46;
	v47 =	vmul.f32 v48, v40  }
0x5d6: {  	v48 =	vld [tilespmem:s17+$0x0]  }
0x5d7: {  	s17 =	sor.u32 s20, s13;
	v46 =	vadd.f32 v47, v46;
	v47 =	vmul.f32 v49, v39  }
0x5d8: {  	v49 =	vld [tilespmem:s17+$0x0]  }
0x5d9: {  	s17 =	sor.u32 s20, s31;
	v46 =	vadd.f32 v47, v46;
	v47 =	vmul.f32 v50, v38  }
0x5da: {  	v50 =	vld [tilespmem:s17+$0x0]  }
0x5db: {  	s17 =	sor.u32 s20, s30;
	v46 =	vadd.f32 v47, v46;
	v47 =	vmul.f32 v48, v37  }
0x5dc: {  	v48 =	vld [tilespmem:s17+$0x0]  }
0x5dd: {  	s17 =	sor.u32 s20, s29;
	v46 =	vadd.f32 v47, v46;
	v47 =	vmul.f32 v49, v36  }
0x5de: {  	v49 =	vld [tilespmem:s17+$0x0]  }
0x5df: {  	s17 =	sor.u32 s20, s28;
	v46 =	vadd.f32 v47, v46;
	v47 =	vmul.f32 v50, v35  }
0x5e0: {  	v50 =	vld [tilespmem:s17+$0x0]  }
0x5e1: {  	s17 =	sor.u32 s20, s26;
	v46 =	vadd.f32 v47, v46;
	v47 =	vmul.f32 v48, v34  }
0x5e2: {  	v48 =	vld [tilespmem:s17+$0x0]  }
0x5e3: {  	s17 =	sor.u32 s20, s25;
	v46 =	vadd.f32 v47, v46;
	v47 =	vmul.f32 v49, v33  }
0x5e4: {  	v49 =	vld [tilespmem:s17+$0x0]  }
0x5e5: {  	v46 =	vadd.f32 v47, v46;
	v47 =	vmul.f32 v50, v32;
	_ =	sdelay $0x1  }
0x5e6: {  	v46 =	vadd.f32 v47, v46;
	v47 =	vmul.f32 v48, v31;
	_ =	sdelay $0x1  }
0x5e7: {  	v46 =	vadd.f32 v47, v46;
	v47 =	vmul.f32 v49, v30;
	_ =	sdelay $0x1  }
0x5e8: {  	v46 =	vadd.f32 v47, v46  }
0x5e9: {  	s20 =	sor.u32 $0x10, s20;
	s17 =	sand.u32 $0x3E0, s16;
	s16 =	smov.u32 s21  }
0x5ea: {  	[tilespmem:s17+$0x7980] =	vst v46;
	s17 =	sor.u32 s20, s22  }
0x5eb: {  	v46 =	vld [tilespmem:s17+$0x0]  }
0x5ec: {  	v47 =	vld [tilespmem:s17+$0x80]  }
0x5ed: {  	v48 =	vld [tilespmem:s17+$0x100];
	_ =	sdelay $0x1  }
0x5ee: {  	v49 =	vld [tilespmem:s17+$0x180]  }
0x5ef: {  	v46 =	vmul.f32 v46, v44  }
0x5f0: {  	v47 =	vmul.f32 v47, v45;
	v50 =	vld [tilespmem:s17+$0x200]  }
0x5f1: {  	v48 =	vmul.f32 v48, v43  }
0x5f2: {  	v46 =	vadd.f32 v47, v46;
	v47 =	vld [tilespmem:s17+$0x280];
	s17 =	sadd.s32 $0x10, s23  }
0x5f3: {  	v49 =	vmul.f32 v49, v42;
	s21 =	sor.u32 $0x300, s17  }
0x5f4: {  	v46 =	vadd.f32 v48, v46;
	v48 =	vld [tilespmem:s21+$0x3A80]  }
0x5f5: {  	s17 =	sor.u32 $0x380, s17;
	v50 =	vmul.f32 v50, v41  }
0x5f6: {  	v46 =	vadd.f32 v49, v46;
	v49 =	vld [tilespmem:s17+$0x3A80]  }
0x5f7: {  	s17 =	sor.u32 s20, s19;
	v47 =	vmul.f32 v47, v40  }
0x5f8: {  	v46 =	vadd.f32 v50, v46;
	v50 =	vld [tilespmem:s17+$0x0]  }
0x5f9: {  	s13 =	sor.u32 s20, s13;
	v48 =	vmul.f32 v48, v39  }
0x5fa: {  	v46 =	vadd.f32 v47, v46;
	v47 =	vld [tilespmem:s13+$0x0]  }
0x5fb: {  	s13 =	sor.u32 s20, s31;
	v49 =	vmul.f32 v49, v38  }
0x5fc: {  	v46 =	vadd.f32 v48, v46;
	v48 =	vld [tilespmem:s13+$0x0]  }
0x5fd: {  	s13 =	sor.u32 s20, s30;
	v50 =	vmul.f32 v50, v37  }
0x5fe: {  	v46 =	vadd.f32 v49, v46;
	v49 =	vld [tilespmem:s13+$0x0]  }
0x5ff: {  	s13 =	sor.u32 s20, s29;
	v47 =	vmul.f32 v47, v36  }
0x600: {  	v46 =	vadd.f32 v50, v46;
	v50 =	vld [tilespmem:s13+$0x0]  }
0x601: {  	s13 =	sor.u32 s20, s28;
	v48 =	vmul.f32 v48, v35  }
0x602: {  	v46 =	vadd.f32 v47, v46;
	v47 =	vld [tilespmem:s13+$0x0]  }
0x603: {  	s13 =	sor.u32 s20, s26;
	v49 =	vmul.f32 v49, v34  }
0x604: {  	v46 =	vadd.f32 v48, v46;
	v48 =	vld [tilespmem:s13+$0x0]  }
0x605: {  	s13 =	sor.u32 s20, s25;
	v50 =	vmul.f32 v50, v33  }
0x606: {  	v46 =	vadd.f32 v49, v46;
	v49 =	vld [tilespmem:s13+$0x0]  }
0x607: {  	v47 =	vmul.f32 v47, v32  }
.Ltmp10:
0x608: {  	v46 =	vadd.f32 v50, v46;
	(pc) =	sbr.rel @p0 .LBB2_14-.Ltmp10, $4  }
0x609: {  	v48 =	vmul.f32 v48, v31  }
0x60a: {  	v47 =	vadd.f32 v47, v46  }
0x60b: {  	s14 =	sadd.s32 $0x1, s14;
	v46 =	vmul.f32 v49, v30  }
0x60c: {  	s15 =	sadd.s32 $0x20, s15;
	s2 =	sadd.s32 $0x100, s2;
	s23 =	smov.u32 s7;
	v47 =	vadd.f32 v48, v47  }
0x60d: {  	_ = 	snop  }
0x60e: {  	s17 =	sand.u32 $0x1C00, s2;
	v46 =	vadd.f32 v46, v47  }
0x60f: {  	s13 =	sand.u32 $0x60, s16;
	s7 =	sadd.s32 $0x3A80, s17  }
0x610: {  	s19 =	sor.u32 s13, s7;
	[tilespmem:s4+$0x0] =	vst v46  }
0x611: {  	v46 =	vld [tilespmem:s19+$0x0]  }
0x612: {  	v58 =	vld [tilespmem:s19+$0x80];
	_ =	sdelay $0x1  }
0x613: {  	v48 =	vld [tilespmem:s19+$0x100];
	_ =	sdelay $0x1  }
0x614: {  	v49 =	vld [tilespmem:s19+$0x180]  }
0x615: {  	v46 =	vmul.f32 v46, v44;
	v47 =	vmul.f32 v58, v45  }
0x616: {  	s22 =	sand.u32 $0x3, s14;
	v50 =	vld [tilespmem:s19+$0x200]  }
0x617: {  	s4 =	sshll.u32 s22, $0x5;
	v59 =	vmul.f32 v48, v43;
	v46 =	vadd.f32 v47, v46  }
0x618: {  	v60 =	vld [tilespmem:s19+$0x280];
	s14 =	sadd.s32 s4, s2  }
0x619: {  	s4 =	sor.u32 $0x300, s14;
	v61 =	vmul.f32 v49, v42;
	v46 =	vadd.f32 v59, v46  }
0x61a: {  	s23 =	sor.u32 s2, s16;
	v62 =	vld [tilespmem:s4+$0x3A80]  }
0x61b: {  	s24 =	sor.u32 $0x380, s23;
	v63 =	vmul.f32 v50, v41;
	v46 =	vadd.f32 v61, v46  }
0x61c: {  	s2 =	sadd.s32 $0x5280, s17;
	v52 =	vld [tilespmem:s24+$0x3A80]  }
0x61d: {  	s25 =	sor.u32 s13, s2;
	v53 =	vmul.f32 v60, v40;
	v46 =	vadd.f32 v63, v46  }
0x61e: {  	s4 =	sadd.s32 $0x5300, s17;
	v54 =	vld [tilespmem:s25+$0x0]  }
0x61f: {  	s20 =	sor.u32 s13, s4;
	v55 =	vmul.f32 v62, v39;
	v46 =	vadd.f32 v53, v46  }
0x620: {  	s26 =	sadd.s32 $0x5380, s17;
	v56 =	vld [tilespmem:s20+$0x0]  }
0x621: {  	s21 =	sor.u32 s13, s26;
	v57 =	vmul.f32 v52, v38;
	v46 =	vadd.f32 v55, v46  }
0x622: {  	s28 =	sadd.s32 $0x5400, s17;
	v58 =	vld [tilespmem:s21+$0x0]  }
0x623: {  	s22 =	sor.u32 s13, s28;
	v59 =	vmul.f32 v54, v37;
	v46 =	vadd.f32 v57, v46  }
0x624: {  	s29 =	sadd.s32 $0x5480, s17;
	v60 =	vld [tilespmem:s22+$0x0]  }
0x625: {  	s23 =	sor.u32 s13, s29;
	v61 =	vmul.f32 v56, v36;
	v46 =	vadd.f32 v59, v46  }
0x626: {  	s22 =	sadd.s32 $0x5500, s17;
	v62 =	vld [tilespmem:s23+$0x0]  }
0x627: {  	s24 =	sor.u32 s13, s22;
	v63 =	vmul.f32 v58, v35;
	v46 =	vadd.f32 v61, v46  }
0x628: {  	s23 =	sadd.s32 $0x5580, s17;
	v52 =	vld [tilespmem:s24+$0x0]  }
0x629: {  	s30 =	sor.u32 s13, s23;
	v53 =	vmul.f32 v60, v34;
	v46 =	vadd.f32 v63, v46  }
0x62a: {  	s25 =	sadd.s32 $0x5600, s17;
	v54 =	vld [tilespmem:s30+$0x0]  }
0x62b: {  	s17 =	sor.u32 s13, s25;
	v55 =	vmul.f32 v62, v33;
	v46 =	vadd.f32 v53, v46  }
0x62c: {  	v56 =	vld [tilespmem:s17+$0x0]  }
0x62d: {  	v57 =	vmul.f32 v52, v32;
	v46 =	vadd.f32 v55, v46;
	_ =	sdelay $0x1  }
0x62e: {  	v58 =	vmul.f32 v54, v31;
	v46 =	vadd.f32 v57, v46;
	_ =	sdelay $0x1  }
0x62f: {  	v59 =	vmul.f32 v56, v30;
	v46 =	vadd.f32 v58, v46;
	_ =	sdelay $0x1  }
0x630: {  	v46 =	vadd.f32 v59, v46  }
0x631: {  	s31 =	sand.u32 $0x3E0, s16;
	s13 =	sor.u32 $0x10, s13  }
0x632: {  	s7 =	sor.u32 s13, s7;
	[tilespmem:s31+$0x7980] =	vst v46  }
0x633: {  	v46 =	vld [tilespmem:s7+$0x0]  }
0x634: {  	v60 =	vld [tilespmem:s7+$0x80];
	_ =	sdelay $0x1  }
0x635: {  	v61 =	vld [tilespmem:s7+$0x100];
	_ =	sdelay $0x1  }
0x636: {  	v62 =	vld [tilespmem:s7+$0x180]  }
0x637: {  	v63 =	vmul.f32 v46, v44;
	v50 =	vmul.f32 v60, v45  }
0x638: {  	v51 =	vld [tilespmem:s7+$0x200]  }
0x639: {  	v52 =	vmul.f32 v61, v43;
	v44 =	vadd.f32 v50, v63  }
0x63a: {  	s17 =	sadd.s32 $0x10, s14;
	v53 =	vld [tilespmem:s7+$0x280]  }
0x63b: {  	s14 =	sor.u32 $0x300, s17;
	v54 =	vmul.f32 v62, v42;
	v43 =	vadd.f32 v52, v44  }
0x63c: {  	v55 =	vld [tilespmem:s14+$0x3A80]  }
0x63d: {  	s7 =	sor.u32 $0x380, s17;
	v56 =	vmul.f32 v51, v41;
	v42 =	vadd.f32 v54, v43  }
0x63e: {  	v57 =	vld [tilespmem:s7+$0x3A80]  }
0x63f: {  	s2 =	sor.u32 s13, s2;
	v58 =	vmul.f32 v53, v40;
	v41 =	vadd.f32 v56, v42  }
0x640: {  	v59 =	vld [tilespmem:s2+$0x0]  }
0x641: {  	s24 =	sor.u32 s13, s4;
	v60 =	vmul.f32 v55, v39;
	v40 =	vadd.f32 v58, v41  }
0x642: {  	v61 =	vld [tilespmem:s24+$0x0]  }
0x643: {  	s26 =	sor.u32 s13, s26;
	v62 =	vmul.f32 v57, v38;
	v39 =	vadd.f32 v60, v40  }
0x644: {  	v63 =	vld [tilespmem:s26+$0x0]  }
0x645: {  	s28 =	sor.u32 s13, s28;
	v44 =	vmul.f32 v59, v37;
	v38 =	vadd.f32 v62, v39  }
0x646: {  	v45 =	vld [tilespmem:s28+$0x0]  }
0x647: {  	s29 =	sor.u32 s13, s29;
	v46 =	vmul.f32 v61, v36;
	v37 =	vadd.f32 v44, v38  }
0x648: {  	v47 =	vld [tilespmem:s29+$0x0]  }
0x649: {  	s30 =	sor.u32 s13, s22;
	v48 =	vmul.f32 v63, v35;
	v36 =	vadd.f32 v46, v37  }
0x64a: {  	v49 =	vld [tilespmem:s30+$0x0]  }
0x64b: {  	s31 =	sor.u32 s13, s23;
	v50 =	vmul.f32 v45, v34;
	v35 =	vadd.f32 v48, v36  }
0x64c: {  	v51 =	vld [tilespmem:s31+$0x0]  }
0x64d: {  	s4 =	sor.u32 s13, s25;
	v52 =	vmul.f32 v47, v33;
	v34 =	vadd.f32 v50, v35  }
0x64e: {  	v53 =	vld [tilespmem:s4+$0x0]  }
0x64f: {  	v54 =	vmul.f32 v49, v32;
	v33 =	vadd.f32 v52, v34;
	_ =	sdelay $0x1  }
0x650: {  	v31 =	vmul.f32 v51, v31;
	v32 =	vadd.f32 v54, v33;
	_ =	sdelay $0x1  }
0x651: {  	v30 =	vmul.f32 v53, v30;
	v31 =	vadd.f32 v31, v32  }
0x652: {  	v28 =	vmul.f32 v29, v28  }
0x653: {  	v29 =	vadd.f32 v30, v31  }
0x654: {  	v28 =	vmul.f32 $2.500000000e-01, v28  }
0x655: {  	[tilespmem:s15+$0x0] =	vst v29  }
0x656: {  	[tilespmem:$0x910] =	vst v28  }
0x657: {  	v42 =	vld.idx.msk [tilespmem:v5+s3+$0x0], $0xffff  }
0x658: {  	v43 =	vld.idx.msk [tilespmem:v6+s3+$0x0], $0xffff  }
0x659: {  	v41 =	vld.idx.msk [tilespmem:v7+s3+$0x0], $0xffff  }
0x65a: {  	v40 =	vld.idx.msk [tilespmem:v8+s3+$0x0], $0xffff  }
0x65b: {  	v39 =	vld.idx.msk [tilespmem:v9+s3+$0x0], $0xffff  }
0x65c: {  	v38 =	vld.idx.msk [tilespmem:v10+s3+$0x0], $0xffff  }
0x65d: {  	v37 =	vld.idx.msk [tilespmem:v11+s3+$0x0], $0xffff  }
0x65e: {  	v36 =	vld.idx.msk [tilespmem:v12+s3+$0x0], $0xffff  }
0x65f: {  	v35 =	vld.idx.msk [tilespmem:v13+s3+$0x0], $0xffff  }
0x660: {  	v34 =	vld.idx.msk [tilespmem:v14+s3+$0x0], $0xffff  }
0x661: {  	v33 =	vld.idx.msk [tilespmem:v15+s3+$0x0], $0xffff  }
0x662: {  	v32 =	vld.idx.msk [tilespmem:v16+s3+$0x0], $0xffff  }
0x663: {  	v31 =	vld.idx.msk [tilespmem:v17+s3+$0x0], $0xffff  }
0x664: {  	v30 =	vld.idx.msk [tilespmem:v1+s3+$0x0], $0xffff  }
0x665: {  	s2 =	simm.s32 $0x0;
	v29 =	vld.idx.msk [tilespmem:v18+s3+$0x0], $0xffff  }
0x666: {  	s7 =	sand.u32 $0x1C00, s2;
	v28 =	vld.idx.msk [tilespmem:v19+s3+$0x0], $0xffff;
	_ =	swait.ge [sflag:s8], $0x3000  }
0x667: {  	s4 =	sand.u32 $0x60, s2;
	s15 =	sadd.s32 $0xA80, s7;
	[sflag:s8] =	ssyncset.done $0x0  }
0x668: {  	s29 =	sor.u32 s4, s15;
	[sflag:s8] =	ssyncadd.s32 $0xFFFFD000  }
0x669: {  	v55 =	vld [tilespmem:s29+$0x0]  }
0x66a: {  	v56 =	vld [tilespmem:s29+$0x80];
	_ =	sdelay $0x1  }
0x66b: {  	v57 =	vld [tilespmem:s29+$0x100];
	_ =	sdelay $0x1  }
0x66c: {  	v58 =	vld [tilespmem:s29+$0x180]  }
0x66d: {  	v44 =	vmul.f32 v55, v42;
	v45 =	vmul.f32 v56, v43  }
0x66e: {  	s30 =	sand.u32 $0x3, s2;
	v59 =	vld [tilespmem:s29+$0x200]  }
0x66f: {  	s14 =	sshll.u32 s30, $0x5;
	v60 =	vmul.f32 v57, v41;
	v44 =	vadd.f32 v45, v44  }
0x670: {  	s31 =	sadd.s32 $0x0, s14;
	v61 =	vld [tilespmem:s29+$0x280]  }
0x671: {  	s19 =	sor.u32 $0x300, s31;
	v62 =	vmul.f32 v58, v40;
	v44 =	vadd.f32 v60, v44  }
0x672: {  	s20 =	sor.u32 s2, s2;
	v63 =	vld [tilespmem:s19+$0xA80]  }
0x673: {  	s21 =	sor.u32 $0x380, s20;
	v52 =	vmul.f32 v59, v39;
	v44 =	vadd.f32 v62, v44  }
0x674: {  	s13 =	sor.u32 $0x2280, s7;
	v53 =	vld [tilespmem:s21+$0xA80]  }
0x675: {  	s22 =	sor.u32 s4, s13;
	v54 =	vmul.f32 v61, v38;
	v44 =	vadd.f32 v52, v44  }
0x676: {  	s14 =	sor.u32 $0x2300, s7;
	v55 =	vld [tilespmem:s22+$0x0]  }
0x677: {  	s23 =	sor.u32 s4, s14;
	v56 =	vmul.f32 v63, v37;
	v44 =	vadd.f32 v54, v44  }
0x678: {  	s16 =	sor.u32 $0x2380, s7;
	v57 =	vld [tilespmem:s23+$0x0]  }
0x679: {  	s24 =	sor.u32 s4, s16;
	v58 =	vmul.f32 v53, v36;
	v44 =	vadd.f32 v56, v44  }
0x67a: {  	s19 =	sadd.s32 $0x2400, s7;
	v59 =	vld [tilespmem:s24+$0x0]  }
0x67b: {  	s25 =	sor.u32 s4, s19;
	v60 =	vmul.f32 v55, v35;
	v44 =	vadd.f32 v58, v44  }
0x67c: {  	s20 =	sadd.s32 $0x2480, s7;
	v61 =	vld [tilespmem:s25+$0x0]  }
0x67d: {  	s26 =	sor.u32 s4, s20;
	v62 =	vmul.f32 v57, v34;
	v44 =	vadd.f32 v60, v44  }
0x67e: {  	s21 =	sadd.s32 $0x2500, s7;
	v63 =	vld [tilespmem:s26+$0x0]  }
0x67f: {  	s28 =	sor.u32 s4, s21;
	v52 =	vmul.f32 v59, v33;
	v44 =	vadd.f32 v62, v44  }
0x680: {  	s22 =	sadd.s32 $0x2580, s7;
	v53 =	vld [tilespmem:s28+$0x0]  }
0x681: {  	s29 =	sor.u32 s4, s22;
	v54 =	vmul.f32 v61, v32;
	v44 =	vadd.f32 v52, v44  }
0x682: {  	s23 =	sadd.s32 $0x2600, s7;
	v55 =	vld [tilespmem:s29+$0x0]  }
0x683: {  	s17 =	sor.u32 s4, s23;
	v56 =	vmul.f32 v63, v31;
	v44 =	vadd.f32 v54, v44  }
0x684: {  	v57 =	vld [tilespmem:s17+$0x0]  }
0x685: {  	v58 =	vmul.f32 v53, v30;
	v44 =	vadd.f32 v56, v44;
	_ =	sdelay $0x1  }
0x686: {  	v59 =	vmul.f32 v55, v29;
	v44 =	vadd.f32 v58, v44;
	_ =	sdelay $0x1  }
0x687: {  	v60 =	vmul.f32 v57, v28;
	v44 =	vadd.f32 v59, v44;
	_ =	sdelay $0x1  }
0x688: {  	v44 =	vadd.f32 v60, v44  }
0x689: {  	s2 =	sand.u32 $0x3E0, s2;
	s7 =	sor.u32 $0x10, s4  }
0x68a: {  	s30 =	sor.u32 s7, s15;
	[tilespmem:s2+$0x7C80] =	vst v44  }
0x68b: {  	v44 =	vld [tilespmem:s30+$0x0]  }
0x68c: {  	v61 =	vld [tilespmem:s30+$0x80];
	_ =	sdelay $0x1  }
0x68d: {  	v62 =	vld [tilespmem:s30+$0x100];
	_ =	sdelay $0x1  }
0x68e: {  	v63 =	vld [tilespmem:s30+$0x180]  }
0x68f: {  	v44 =	vmul.f32 v44, v42;
	v45 =	vmul.f32 v61, v43  }
0x690: {  	v52 =	vld [tilespmem:s30+$0x200]  }
0x691: {  	v46 =	vmul.f32 v62, v41;
	v44 =	vadd.f32 v45, v44  }
0x692: {  	s31 =	sadd.s32 $0x10, s31;
	v53 =	vld [tilespmem:s30+$0x280]  }
0x693: {  	s15 =	sor.u32 $0x300, s31;
	v47 =	vmul.f32 v63, v40;
	v44 =	vadd.f32 v46, v44  }
0x694: {  	v54 =	vld [tilespmem:s15+$0xA80]  }
0x695: {  	s2 =	sor.u32 $0x380, s31;
	v48 =	vmul.f32 v52, v39;
	v44 =	vadd.f32 v47, v44  }
0x696: {  	v55 =	vld [tilespmem:s2+$0xA80]  }
0x697: {  	s17 =	sor.u32 s7, s13;
	v45 =	vmul.f32 v53, v38;
	v44 =	vadd.f32 v48, v44  }
0x698: {  	v56 =	vld [tilespmem:s17+$0x0]  }
0x699: {  	s24 =	sor.u32 s7, s14;
	v46 =	vmul.f32 v54, v37;
	v44 =	vadd.f32 v45, v44  }
0x69a: {  	v57 =	vld [tilespmem:s24+$0x0]  }
0x69b: {  	s25 =	sor.u32 s7, s16;
	v47 =	vmul.f32 v55, v36;
	v44 =	vadd.f32 v46, v44  }
0x69c: {  	v58 =	vld [tilespmem:s25+$0x0]  }
0x69d: {  	s26 =	sor.u32 s7, s19;
	v48 =	vmul.f32 v56, v35;
	v44 =	vadd.f32 v47, v44  }
0x69e: {  	v59 =	vld [tilespmem:s26+$0x0]  }
0x69f: {  	s28 =	sor.u32 s7, s20;
	v45 =	vmul.f32 v57, v34;
	v44 =	vadd.f32 v48, v44  }
0x6a0: {  	v60 =	vld [tilespmem:s28+$0x0]  }
0x6a1: {  	s29 =	sor.u32 s7, s21;
	v46 =	vmul.f32 v58, v33;
	v44 =	vadd.f32 v45, v44  }
0x6a2: {  	v61 =	vld [tilespmem:s29+$0x0]  }
0x6a3: {  	s30 =	sor.u32 s7, s22;
	v47 =	vmul.f32 v59, v32;
	v44 =	vadd.f32 v46, v44  }
0x6a4: {  	v62 =	vld [tilespmem:s30+$0x0]  }
0x6a5: {  	s31 =	sor.u32 s7, s23;
	v48 =	vmul.f32 v60, v31;
	v44 =	vadd.f32 v47, v44  }
0x6a6: {  	v63 =	vld [tilespmem:s31+$0x0]  }
0x6a7: {  	v45 =	vmul.f32 v61, v30;
	v44 =	vadd.f32 v48, v44;
	_ =	sdelay $0x1  }
0x6a8: {  	v46 =	vmul.f32 v62, v29;
	v45 =	vadd.f32 v45, v44  }
0x6a9: {  	s4 =	simm.s32 $0x7C90;
	s16 =	simm.s32 $0x20;
	s14 =	simm.s32 $0x1  }
0x6aa: {  	s23 =	simm.s32 $0x40;
	s2 =	simm.s32 $0x100;
	s15 =	simm.s32 $0x7CB0;
	v44 =	vmul.f32 v63, v28;
	v45 =	vadd.f32 v46, v45  }
.LBB2_16:
0x6ab: {  	s20 =	sand.u32 $0x60, s16  }
0x6ac: {  	s17 =	sand.u32 $0x1C00, s2;
	s21 =	smov.u32 s23;
	s7 =	sadd.s32 $0x20, s23  }
0x6ad: {  	s22 =	sadd.s32 $0xA80, s17;
	s19 =	sor.u32 $0x2280, s17;
	s13 =	sor.u32 $0x2300, s17;
	v44 =	vadd.f32 v44, v45  }
0x6ae: {  	s31 =	sor.u32 $0x2380, s17;
	s30 =	sadd.s32 $0x2400, s17;
	s24 =	sor.u32 s20, s22  }
0x6af: {  	s29 =	sadd.s32 $0x2480, s17;
	s28 =	sadd.s32 $0x2500, s17;
	s26 =	sadd.s32 $0x2580, s17;
	[tilespmem:s4+$0x0] =	vst v44  }
0x6b0: {  	p0 =	sne.s32 s23, $0x2E0;
	s25 =	sadd.s32 $0x2600, s17;
	s4 =	smov.u32 s15;
	v44 =	vld [tilespmem:s24+$0x0]  }
0x6b1: {  	v45 =	vld [tilespmem:s24+$0x80];
	_ =	sdelay $0x1  }
0x6b2: {  	v46 =	vld [tilespmem:s24+$0x100];
	_ =	sdelay $0x1  }
0x6b3: {  	v47 =	vld [tilespmem:s24+$0x180]  }
0x6b4: {  	v44 =	vmul.f32 v44, v42;
	v45 =	vmul.f32 v45, v43  }
0x6b5: {  	s17 =	sand.u32 $0x3, s14;
	v48 =	vld [tilespmem:s24+$0x200]  }
0x6b6: {  	s17 =	sshll.u32 s17, $0x5;
	v44 =	vadd.f32 v45, v44;
	v45 =	vmul.f32 v46, v41  }
0x6b7: {  	s23 =	sadd.s32 s17, s2;
	v46 =	vld [tilespmem:s24+$0x280]  }
0x6b8: {  	s17 =	sor.u32 $0x300, s23;
	v44 =	vadd.f32 v45, v44;
	v45 =	vmul.f32 v47, v40  }
0x6b9: {  	v47 =	vld [tilespmem:s17+$0xA80];
	s17 =	sor.u32 s2, s16  }
0x6ba: {  	v44 =	vadd.f32 v45, v44;
	v45 =	vmul.f32 v48, v39;
	s17 =	sor.u32 $0x380, s17  }
0x6bb: {  	v48 =	vld [tilespmem:s17+$0xA80]  }
0x6bc: {  	s17 =	sor.u32 s20, s19;
	v44 =	vadd.f32 v45, v44;
	v45 =	vmul.f32 v46, v38  }
0x6bd: {  	v46 =	vld [tilespmem:s17+$0x0]  }
0x6be: {  	s17 =	sor.u32 s20, s13;
	v44 =	vadd.f32 v45, v44;
	v45 =	vmul.f32 v47, v37  }
0x6bf: {  	v47 =	vld [tilespmem:s17+$0x0]  }
0x6c0: {  	s17 =	sor.u32 s20, s31;
	v44 =	vadd.f32 v45, v44;
	v45 =	vmul.f32 v48, v36  }
0x6c1: {  	v48 =	vld [tilespmem:s17+$0x0]  }
0x6c2: {  	s17 =	sor.u32 s20, s30;
	v44 =	vadd.f32 v45, v44;
	v45 =	vmul.f32 v46, v35  }
0x6c3: {  	v46 =	vld [tilespmem:s17+$0x0]  }
0x6c4: {  	s17 =	sor.u32 s20, s29;
	v44 =	vadd.f32 v45, v44;
	v45 =	vmul.f32 v47, v34  }
0x6c5: {  	v47 =	vld [tilespmem:s17+$0x0]  }
0x6c6: {  	s17 =	sor.u32 s20, s28;
	v44 =	vadd.f32 v45, v44;
	v45 =	vmul.f32 v48, v33  }
0x6c7: {  	v48 =	vld [tilespmem:s17+$0x0]  }
0x6c8: {  	s17 =	sor.u32 s20, s26;
	v44 =	vadd.f32 v45, v44;
	v45 =	vmul.f32 v46, v32  }
0x6c9: {  	v46 =	vld [tilespmem:s17+$0x0]  }
0x6ca: {  	s17 =	sor.u32 s20, s25;
	v44 =	vadd.f32 v45, v44;
	v45 =	vmul.f32 v47, v31  }
0x6cb: {  	v47 =	vld [tilespmem:s17+$0x0]  }
0x6cc: {  	v44 =	vadd.f32 v45, v44;
	v45 =	vmul.f32 v48, v30;
	_ =	sdelay $0x1  }
0x6cd: {  	v44 =	vadd.f32 v45, v44;
	v45 =	vmul.f32 v46, v29;
	_ =	sdelay $0x1  }
0x6ce: {  	v44 =	vadd.f32 v45, v44;
	v45 =	vmul.f32 v47, v28;
	_ =	sdelay $0x1  }
0x6cf: {  	v44 =	vadd.f32 v45, v44  }
0x6d0: {  	s20 =	sor.u32 $0x10, s20;
	s17 =	sand.u32 $0x3E0, s16;
	s16 =	smov.u32 s21  }
0x6d1: {  	[tilespmem:s17+$0x7C80] =	vst v44;
	s17 =	sor.u32 s20, s22  }
0x6d2: {  	v44 =	vld [tilespmem:s17+$0x0]  }
0x6d3: {  	v45 =	vld [tilespmem:s17+$0x80]  }
0x6d4: {  	v46 =	vld [tilespmem:s17+$0x100];
	_ =	sdelay $0x1  }
0x6d5: {  	v47 =	vld [tilespmem:s17+$0x180]  }
0x6d6: {  	v44 =	vmul.f32 v44, v42  }
0x6d7: {  	v45 =	vmul.f32 v45, v43;
	v48 =	vld [tilespmem:s17+$0x200]  }
0x6d8: {  	v46 =	vmul.f32 v46, v41  }
0x6d9: {  	v44 =	vadd.f32 v45, v44;
	v45 =	vld [tilespmem:s17+$0x280];
	s17 =	sadd.s32 $0x10, s23  }
0x6da: {  	v47 =	vmul.f32 v47, v40;
	s21 =	sor.u32 $0x300, s17  }
0x6db: {  	v44 =	vadd.f32 v46, v44;
	v46 =	vld [tilespmem:s21+$0xA80]  }
0x6dc: {  	s17 =	sor.u32 $0x380, s17;
	v48 =	vmul.f32 v48, v39  }
0x6dd: {  	v44 =	vadd.f32 v47, v44;
	v47 =	vld [tilespmem:s17+$0xA80]  }
0x6de: {  	s17 =	sor.u32 s20, s19;
	v45 =	vmul.f32 v45, v38  }
0x6df: {  	v44 =	vadd.f32 v48, v44;
	v48 =	vld [tilespmem:s17+$0x0]  }
0x6e0: {  	s13 =	sor.u32 s20, s13;
	v46 =	vmul.f32 v46, v37  }
0x6e1: {  	v44 =	vadd.f32 v45, v44;
	v45 =	vld [tilespmem:s13+$0x0]  }
0x6e2: {  	s13 =	sor.u32 s20, s31;
	v47 =	vmul.f32 v47, v36  }
0x6e3: {  	v44 =	vadd.f32 v46, v44;
	v46 =	vld [tilespmem:s13+$0x0]  }
0x6e4: {  	s13 =	sor.u32 s20, s30;
	v48 =	vmul.f32 v48, v35  }
0x6e5: {  	v44 =	vadd.f32 v47, v44;
	v47 =	vld [tilespmem:s13+$0x0]  }
0x6e6: {  	s13 =	sor.u32 s20, s29;
	v45 =	vmul.f32 v45, v34  }
0x6e7: {  	v44 =	vadd.f32 v48, v44;
	v48 =	vld [tilespmem:s13+$0x0]  }
0x6e8: {  	s13 =	sor.u32 s20, s28;
	v46 =	vmul.f32 v46, v33  }
0x6e9: {  	v44 =	vadd.f32 v45, v44;
	v45 =	vld [tilespmem:s13+$0x0]  }
0x6ea: {  	s13 =	sor.u32 s20, s26;
	v47 =	vmul.f32 v47, v32  }
0x6eb: {  	v44 =	vadd.f32 v46, v44;
	v46 =	vld [tilespmem:s13+$0x0]  }
0x6ec: {  	s13 =	sor.u32 s20, s25;
	v48 =	vmul.f32 v48, v31  }
0x6ed: {  	v44 =	vadd.f32 v47, v44;
	v47 =	vld [tilespmem:s13+$0x0]  }
0x6ee: {  	v45 =	vmul.f32 v45, v30  }
.Ltmp11:
0x6ef: {  	v44 =	vadd.f32 v48, v44;
	(pc) =	sbr.rel @p0 .LBB2_16-.Ltmp11, $4  }
0x6f0: {  	v46 =	vmul.f32 v46, v29  }
0x6f1: {  	v45 =	vadd.f32 v45, v44  }
0x6f2: {  	s14 =	sadd.s32 $0x1, s14;
	v44 =	vmul.f32 v47, v28  }
0x6f3: {  	s15 =	sadd.s32 $0x20, s15;
	s2 =	sadd.s32 $0x100, s2;
	s23 =	smov.u32 s7;
	v45 =	vadd.f32 v46, v45  }
0x6f4: {  	_ = 	snop  }
0x6f5: {  	s17 =	sand.u32 $0x1C00, s2;
	v44 =	vadd.f32 v44, v45  }
0x6f6: {  	s13 =	sand.u32 $0x60, s16;
	s7 =	sadd.s32 $0xA80, s17  }
0x6f7: {  	s19 =	sor.u32 s13, s7;
	[tilespmem:s4+$0x0] =	vst v44  }
0x6f8: {  	v44 =	vld [tilespmem:s19+$0x0]  }
0x6f9: {  	v55 =	vld [tilespmem:s19+$0x80];
	_ =	sdelay $0x1  }
0x6fa: {  	v46 =	vld [tilespmem:s19+$0x100];
	_ =	sdelay $0x1  }
0x6fb: {  	v47 =	vld [tilespmem:s19+$0x180]  }
0x6fc: {  	v44 =	vmul.f32 v44, v42;
	v45 =	vmul.f32 v55, v43  }
0x6fd: {  	s30 =	sand.u32 $0x3, s14;
	v48 =	vld [tilespmem:s19+$0x200]  }
0x6fe: {  	s4 =	sshll.u32 s30, $0x5;
	v56 =	vmul.f32 v46, v41;
	v44 =	vadd.f32 v45, v44  }
0x6ff: {  	v57 =	vld [tilespmem:s19+$0x280];
	s31 =	sadd.s32 s4, s2  }
0x700: {  	s4 =	sor.u32 $0x300, s31;
	v58 =	vmul.f32 v47, v40;
	v44 =	vadd.f32 v56, v44  }
0x701: {  	s23 =	sor.u32 s2, s16;
	v59 =	vld [tilespmem:s4+$0xA80]  }
0x702: {  	s24 =	sor.u32 $0x380, s23;
	v60 =	vmul.f32 v48, v39;
	v44 =	vadd.f32 v58, v44  }
0x703: {  	s2 =	sor.u32 $0x2280, s17;
	v61 =	vld [tilespmem:s24+$0xA80]  }
0x704: {  	s25 =	sor.u32 s13, s2;
	v62 =	vmul.f32 v57, v38;
	v44 =	vadd.f32 v60, v44  }
0x705: {  	s4 =	sor.u32 $0x2300, s17;
	v63 =	vld [tilespmem:s25+$0x0]  }
0x706: {  	s20 =	sor.u32 s13, s4;
	v52 =	vmul.f32 v59, v37;
	v44 =	vadd.f32 v62, v44  }
0x707: {  	s19 =	sor.u32 $0x2380, s17;
	v53 =	vld [tilespmem:s20+$0x0]  }
0x708: {  	s21 =	sor.u32 s13, s19;
	v54 =	vmul.f32 v61, v36;
	v44 =	vadd.f32 v52, v44  }
0x709: {  	s20 =	sadd.s32 $0x2400, s17;
	v55 =	vld [tilespmem:s21+$0x0]  }
0x70a: {  	s22 =	sor.u32 s13, s20;
	v56 =	vmul.f32 v63, v35;
	v44 =	vadd.f32 v54, v44  }
0x70b: {  	s21 =	sadd.s32 $0x2480, s17;
	v57 =	vld [tilespmem:s22+$0x0]  }
0x70c: {  	s23 =	sor.u32 s13, s21;
	v58 =	vmul.f32 v53, v34;
	v44 =	vadd.f32 v56, v44  }
0x70d: {  	s26 =	sadd.s32 $0x2500, s17;
	v59 =	vld [tilespmem:s23+$0x0]  }
0x70e: {  	s24 =	sor.u32 s13, s26;
	v60 =	vmul.f32 v55, v33;
	v44 =	vadd.f32 v58, v44  }
0x70f: {  	s28 =	sadd.s32 $0x2580, s17;
	v61 =	vld [tilespmem:s24+$0x0]  }
0x710: {  	s29 =	sor.u32 s13, s28;
	v62 =	vmul.f32 v57, v32;
	v44 =	vadd.f32 v60, v44  }
0x711: {  	s25 =	sadd.s32 $0x2600, s17;
	v63 =	vld [tilespmem:s29+$0x0]  }
0x712: {  	s17 =	sor.u32 s13, s25;
	v49 =	vmul.f32 v59, v31;
	v44 =	vadd.f32 v62, v44  }
0x713: {  	v50 =	vld [tilespmem:s17+$0x0]  }
0x714: {  	v51 =	vmul.f32 v61, v30;
	v44 =	vadd.f32 v49, v44;
	_ =	sdelay $0x1  }
0x715: {  	v52 =	vmul.f32 v63, v29;
	v44 =	vadd.f32 v51, v44;
	_ =	sdelay $0x1  }
0x716: {  	v53 =	vmul.f32 v50, v28;
	v44 =	vadd.f32 v52, v44;
	_ =	sdelay $0x1  }
0x717: {  	v44 =	vadd.f32 v53, v44  }
0x718: {  	s30 =	sand.u32 $0x3E0, s16;
	s13 =	sor.u32 $0x10, s13  }
0x719: {  	s7 =	sor.u32 s13, s7;
	[tilespmem:s30+$0x7C80] =	vst v44  }
0x71a: {  	v44 =	vld [tilespmem:s7+$0x0]  }
0x71b: {  	v54 =	vld [tilespmem:s7+$0x80];
	_ =	sdelay $0x1  }
0x71c: {  	v55 =	vld [tilespmem:s7+$0x100];
	_ =	sdelay $0x1  }
0x71d: {  	v56 =	vld [tilespmem:s7+$0x180]  }
0x71e: {  	v57 =	vmul.f32 v44, v42;
	v58 =	vmul.f32 v54, v43  }
0x71f: {  	v59 =	vld [tilespmem:s7+$0x200]  }
0x720: {  	v60 =	vmul.f32 v55, v41;
	v42 =	vadd.f32 v58, v57  }
0x721: {  	s31 =	sadd.s32 $0x10, s31;
	v61 =	vld [tilespmem:s7+$0x280]  }
0x722: {  	s14 =	sor.u32 $0x300, s31;
	v62 =	vmul.f32 v56, v40;
	v41 =	vadd.f32 v60, v42  }
0x723: {  	v63 =	vld [tilespmem:s14+$0xA80]  }
0x724: {  	s7 =	sor.u32 $0x380, s31;
	v45 =	vmul.f32 v59, v39;
	v40 =	vadd.f32 v62, v41  }
0x725: {  	v46 =	vld [tilespmem:s7+$0xA80]  }
0x726: {  	s2 =	sor.u32 s13, s2;
	v47 =	vmul.f32 v61, v38;
	v39 =	vadd.f32 v45, v40  }
0x727: {  	v48 =	vld [tilespmem:s2+$0x0]  }
0x728: {  	s16 =	sor.u32 s13, s4;
	v49 =	vmul.f32 v63, v37;
	v38 =	vadd.f32 v47, v39  }
0x729: {  	v50 =	vld [tilespmem:s16+$0x0]  }
0x72a: {  	s17 =	sor.u32 s13, s19;
	v51 =	vmul.f32 v46, v36;
	v37 =	vadd.f32 v49, v38  }
0x72b: {  	v52 =	vld [tilespmem:s17+$0x0]  }
0x72c: {  	s19 =	sor.u32 s13, s20;
	v53 =	vmul.f32 v48, v35;
	v36 =	vadd.f32 v51, v37  }
0x72d: {  	v54 =	vld [tilespmem:s19+$0x0]  }
0x72e: {  	s20 =	sor.u32 s13, s21;
	v55 =	vmul.f32 v50, v34;
	v35 =	vadd.f32 v53, v36  }
0x72f: {  	v56 =	vld [tilespmem:s20+$0x0]  }
0x730: {  	s21 =	sor.u32 s13, s26;
	v57 =	vmul.f32 v52, v33;
	v34 =	vadd.f32 v55, v35  }
0x731: {  	v58 =	vld [tilespmem:s21+$0x0]  }
0x732: {  	s22 =	sor.u32 s13, s28;
	v59 =	vmul.f32 v54, v32;
	v33 =	vadd.f32 v57, v34  }
0x733: {  	v60 =	vld [tilespmem:s22+$0x0]  }
0x734: {  	s23 =	sor.u32 s13, s25;
	v61 =	vmul.f32 v56, v31;
	v32 =	vadd.f32 v59, v33  }
0x735: {  	v62 =	vld [tilespmem:s23+$0x0]  }
0x736: {  	v63 =	vmul.f32 v58, v30;
	v31 =	vadd.f32 v61, v32;
	_ =	sdelay $0x1  }
0x737: {  	v29 =	vmul.f32 v60, v29;
	v30 =	vadd.f32 v63, v31  }
0x738: {  	s24 =	sshrl.u32 s5, $0x3  }
0x739: {  	s25 =	sshll.u32 s5, $0x7;
	s2 =	smul.u32 $0xA800, s24;
	v28 =	vmul.f32 v62, v28;
	v29 =	vadd.f32 v29, v30  }
0x73a: {  	s4 =	sand.u32 $0x380, s25  }
0x73b: {  	s26 =	rddreg [dreg:$0x5];
	s28 =	simm.s32 $0x80;
	s2 =	sor.u32 s4, s2;
	v28 =	vadd.f32 v28, v29  }
0x73c: {  	s29 =	simm.s32 $0x400;
	s30 =	simm.s32 $0x6A80;
	s2 =	sshrl.u32 s2, $0x3  }
.Ltmp12:
0x73d: {  	s31 =	simm.s32 $0x3;
	s2 =	sadd.s32 s26, s2;
	[tilespmem:s15+$0x0] =	vst v28;
	(pc) =	sbr.rel .LBB2_18-.Ltmp12, $4  }
0x73e: {  	[hbm4b:s2+s28] =	stream.strided.scatter [tilespmem:s30], [sflag:$0x3], $0x1500, s29, s28, $0x38;
	[tilespmem:$0x7F80] =	vst v63  }
0x73f: {  	_ =	swait.ge [sflag:s31], $0x1500  }
0x740: {  	[sflag:s31] =	ssyncset.done $0x0  }
0x741: {  	[sflag:s31] =	ssyncadd.s32 $0xFFFFEB00  }
.LBB2_20:
0x742: {  	_ =	sfence.sel $0x180000  }
0x743: {  	[bflag:$0x0] =	sbarrier.arrive $0xFFFF  }
0x744: {  	_ =	strace $0x90000047  }
0x745: {  	s0 =	stileid.u32;
	[bflag:$0x2] =	sbarrier.arrive $0xFFFF  }
0x746: {  	p0 =	sne.s32 s0, $0x0;
	s0 =	rddreg [dreg:$0x3]  }
0x747: {  	s0 =	sadd.s32 @!p0 $0x100000, s0  }
0x748: {  	[sflag:s0] =	ssyncadd.tile.s32 @!p0 $0x1;
	_ =	shalt  }
.Lfunc_end2:
_tile_overlayer_lowered:
.L_overlay_start_2:
0x749: {  	(tag) =	ssettag $0x2  }
0x74a: {  	s0 =	rddreg [dreg:$0x0];
	s2 =	stileid.u32  }
0x74b: {  	s1 =	rddreg [dreg:$0x1];
	p0 =	sne.s32 s2, $0x0  }
0x74c: {  	s3 =	rddreg [dreg:$0x2];
	[bflag:$0x3] =	sbarrier.arrive $0xFFFF;
	s2 =	simm.s32 @!p0 $0x1C03  }
0x74d: {  	[timem:s3], [sflag:s2] =	dma.local @!p0 [hbm:s0], s1  }
0x74e: {  	s0 =	simm.s32 @!p0 $0x3  }
0x74f: {  	_ =	swait.ge @!p0 [sflag:s0], s1  }
0x750: {  	s1 =	ssub.s32 @!p0 $0x0, s1;
	[sflag:s0] =	ssyncset.done @!p0 $0x0  }
0x751: {  	[sflag:s0] =	ssyncadd.s32 @!p0 s1  }
0x752: {  	[bflag:$0x3] =	sbarrier.arrive $0xFFFF  }
0x753: {  	_ =	shalt  }

</sc_bundles>
